<compile_context>
chip_gen: v7x
topology: tpu7x:2x2x1
jax: 0.10.2.dev20260603
libtpu: 0.0.44.dev20260713+nightly
codegen_flags: <defaults>
</compile_context>

<pallas_src>
import functools

import jax
import jax.numpy as jnp
from jax import lax
from jax.experimental import pallas as pl
from jax.experimental.pallas import tpu as pltpu
from jax.experimental.pallas import tpu_sc as plsc

N = 10000
E = 320000
H = 128
L = 6
B = 64

NC = 2
NS = 16
NW = NC * NS
CH = 128
KCH = 80
EPT = KCH * CH
E_PAD = NW * EPT
EROWS = E_PAD // 128

AGG_ROWS = 10240
ZPT = AGG_ROWS // NS


def _prologue_kernel(x_ref, nemb_ref, eemb_ref, srcp_ref, dstp_ref, attrp_ref,
                     h_ref, R_ref, idx_ref, dsto_ref):
    xk = x_ref[...]
    h0 = jnp.zeros((N, H), jnp.float32)
    for k in range(28):
        h0 = h0 + jnp.where(xk == k, 1.0, 0.0) * nemb_ref[k, :]
    h_ref[...] = h0
    for a in range(4):
        R_ref[a] = jnp.maximum(h0 + eemb_ref[a, :], 0.0)
    row = lax.broadcasted_iota(jnp.int32, (EROWS, 128), 0) * 128 \
        + lax.broadcasted_iota(jnp.int32, (EROWS, 128), 1)
    valid = row < E
    idx_ref[...] = jnp.where(valid, attrp_ref[...] * N + srcp_ref[...], 0)
    dsto_ref[...] = jnp.where(valid, dstp_ref[...], N)


def _sc_aggr_body(R_hbm, idx_hbm, dst_hbm, zeros_hbm, out_hbm,
                  idx_v, dst_v, bufA, bufB, aggr_sh, semA, semB):
    cid = lax.axis_index("c")
    sid = lax.axis_index("s")
    wid = sid * NC + cid
    pltpu.sync_copy(zeros_hbm, aggr_sh.at[pl.ds(sid * ZPT, ZPT)])
    plsc.subcore_barrier()

    def gather(k, buf, sem):
        return pltpu.async_copy(R_hbm.at[idx_v.at[k]], buf, sem)

    def wait(k, buf, sem):
        pltpu.make_async_copy(R_hbm.at[idx_v.at[k]], buf, sem).wait()

    def body(k2, carry):
        k = 2 * k2
        gather(k + 1, bufB, semB)
        wait(k, bufA, semA)
        pltpu.sync_copy(bufA, aggr_sh.at[dst_v.at[k]], add=True)
        gather(k + 2, bufA, semA)
        wait(k + 1, bufB, semB)
        pltpu.sync_copy(bufB, aggr_sh.at[dst_v.at[k + 1]], add=True)
        return carry

    HK = KCH // 2
    for half in range(2):
        base = wid * KCH + half * HK
        pltpu.sync_copy(idx_hbm.at[pl.ds(base, HK)], idx_v)
        pltpu.sync_copy(dst_hbm.at[pl.ds(base, HK)], dst_v)
        gather(0, bufA, semA)
        lax.fori_loop(0, HK // 2 - 1, body, 0)
        gather(HK - 1, bufB, semB)
        wait(HK - 2, bufA, semA)
        pltpu.sync_copy(bufA, aggr_sh.at[dst_v.at[HK - 2]], add=True)
        wait(HK - 1, bufB, semB)
        pltpu.sync_copy(bufB, aggr_sh.at[dst_v.at[HK - 1]], add=True)
    plsc.subcore_barrier()

    off = cid * AGG_ROWS + sid * ZPT
    pltpu.sync_copy(aggr_sh.at[pl.ds(sid * ZPT, ZPT)],
                    out_hbm.at[pl.ds(off, ZPT)])


@functools.cache
def _get_sc_aggregate():
    mesh = plsc.VectorSubcoreMesh(
        core_axis_name="c", subcore_axis_name="s",
        num_cores=NC, num_subcores=NS)
    return pl.kernel(
        _sc_aggr_body,
        out_type=jax.ShapeDtypeStruct((NC * AGG_ROWS, H), jnp.float32),
        mesh=mesh,
        scratch_types=[
            pltpu.VMEM((KCH // 2, CH), jnp.int32),
            pltpu.VMEM((KCH // 2, CH), jnp.int32),
            pltpu.VMEM((CH, H), jnp.float32),
            pltpu.VMEM((CH, H), jnp.float32),
            pltpu.VMEM_SHARED((AGG_ROWS, H), jnp.float32),
            pltpu.SemaphoreType.DMA,
            pltpu.SemaphoreType.DMA,
        ],
    )


def _sc_aggregate(Rflat, idxp, dstpad, zeros):
    return _get_sc_aggregate()(Rflat, idxp, dstpad, zeros)


def _mm_bf16(a, b):
    return jnp.dot(a.astype(jnp.bfloat16), b.astype(jnp.bfloat16),
                   preferred_element_type=jnp.float32)


def _dense_core(h, aggr_ref, W1_ref, b1_ref, g1_ref, be1_ref,
                W2_ref, b2_ref, g2_ref, be2_ref, eps_ref):
    a = aggr_ref[0:N, :] + aggr_ref[AGG_ROWS:AGG_ROWS + N, :]
    t = (1.0 + eps_ref[0, 0]) * h + a
    u = _mm_bf16(t, W1_ref[...]) + b1_ref[...]
    m = jnp.mean(u, axis=0, keepdims=True)
    v = jnp.mean((u - m) ** 2, axis=0, keepdims=True)
    u = jnp.maximum(g1_ref[...] * (u - m) / jnp.sqrt(v + 1e-5) + be1_ref[...],
                    0.0)
    w = _mm_bf16(u, W2_ref[...]) + b2_ref[...]
    w = h + w
    m2 = jnp.mean(w, axis=0, keepdims=True)
    v2 = jnp.mean((w - m2) ** 2, axis=0, keepdims=True)
    return jnp.maximum(
        g2_ref[...] * (w - m2) / jnp.sqrt(v2 + 1e-5) + be2_ref[...], 0.0)


def _layer_kernel(h_ref, aggr_ref, W1_ref, b1_ref, g1_ref, be1_ref,
                  W2_ref, b2_ref, g2_ref, be2_ref, eps_ref, eemb_ref,
                  ho_ref, R_ref):
    h2 = _dense_core(h_ref[...], aggr_ref, W1_ref, b1_ref, g1_ref, be1_ref,
                     W2_ref, b2_ref, g2_ref, be2_ref, eps_ref)
    ho_ref[...] = h2
    for a in range(4):
        R_ref[a] = jnp.maximum(h2 + eemb_ref[a, :], 0.0)


def _final_kernel(h_ref, aggr_ref, W1_ref, b1_ref, g1_ref, be1_ref,
                  W2_ref, b2_ref, g2_ref, be2_ref, eps_ref, batch_ref,
                  rW1_ref, rb1_ref, rW2_ref, rb2_ref,
                  ho_ref, out_ref, mx_ref):
    h2 = _dense_core(h_ref[...], aggr_ref, W1_ref, b1_ref, g1_ref, be1_ref,
                     W2_ref, b2_ref, g2_ref, be2_ref, eps_ref)
    ho_ref[...] = h2
    bvec = batch_ref[...]
    oh = (bvec == lax.broadcasted_iota(jnp.int32, (N, B), 1)
          ).astype(jnp.float32)
    s = lax.dot_general(oh, h2, dimension_numbers=(((0,), (0,)), ((), ())),
                        preferred_element_type=jnp.float32, precision=lax.Precision.HIGHEST)
    cnt = jnp.sum(oh, axis=0)
    mean = s / jnp.maximum(cnt, 1.0)[:, None]

    def body(b, carry):
        mxb = jnp.max(jnp.where(bvec == b, h2, 0.0), axis=0, keepdims=True)
        mx_ref[pl.ds(b, 1), :] = mxb
        return carry

    lax.fori_loop(0, B, body, 0)
    mx = mx_ref[...]

    r = jnp.maximum(
        _mm_bf16(mean, rW1_ref[0:H, :])
        + _mm_bf16(s, rW1_ref[H:2 * H, :])
        + _mm_bf16(mx, rW1_ref[2 * H:3 * H, :])
        + rb1_ref[...], 0.0)
    out_ref[...] = _mm_bf16(r, rW2_ref[...]) + rb2_ref[...]


def kernel(x, edge_index, edge_attr, batch, node_emb, edge_emb, lin1_W,
           lin1_b, bn1_g, bn1_b, lin2_W, lin2_b, eps, bn2_g, bn2_b,
           reg_W1, reg_b1, reg_W2, reg_b2):
    x_ = x.astype(jnp.int32).reshape(N, 1)
    srcp = jnp.pad(edge_index[0].astype(jnp.int32), (0, E_PAD - E)
                   ).reshape(EROWS, 128)
    dstp = jnp.pad(edge_index[1].astype(jnp.int32), (0, E_PAD - E)
                   ).reshape(EROWS, 128)
    attrp = jnp.pad(edge_attr[:, 0].astype(jnp.int32), (0, E_PAD - E)
                    ).reshape(EROWS, 128)
    zeros = jnp.zeros((ZPT, H), jnp.float32)
    batch2d = batch.astype(jnp.int32).reshape(N, 1)

    f32 = jnp.float32
    h, R, idxp, dstpad = pl.pallas_call(
        _prologue_kernel,
        out_shape=[
            jax.ShapeDtypeStruct((N, H), f32),
            jax.ShapeDtypeStruct((4, N, H), f32),
            jax.ShapeDtypeStruct((EROWS, 128), jnp.int32),
            jax.ShapeDtypeStruct((EROWS, 128), jnp.int32),
        ],
    )(x_, node_emb, edge_emb, srcp, dstp, attrp)

    out2d = None
    for l in range(L):
        aggr2 = _sc_aggregate(R.reshape(4 * N, H), idxp, dstpad, zeros)

        wargs = (lin1_W[l], lin1_b[l][None, :], bn1_g[l][None, :],
                 bn1_b[l][None, :], lin2_W[l], lin2_b[l][None, :],
                 bn2_g[l][None, :], bn2_b[l][None, :], eps[l].reshape(1, 1))
        if l < L - 1:
            h, R = pl.pallas_call(
                _layer_kernel,
                out_shape=[
                    jax.ShapeDtypeStruct((N, H), f32),
                    jax.ShapeDtypeStruct((4, N, H), f32),
                ],
            )(h, aggr2, *wargs, edge_emb)
        else:
            h, out2d = pl.pallas_call(
                _final_kernel,
                out_shape=[
                    jax.ShapeDtypeStruct((N, H), f32),
                    jax.ShapeDtypeStruct((B, 1), f32),
                ],
                scratch_shapes=[pltpu.VMEM((B, H), f32)],
            )(h, aggr2, *wargs, batch2d, reg_W1, reg_b1[None, :],
              reg_W2, reg_b2[None, :])
    return out2d[:, 0], h

# --- scband reference (transcript-rebuilt; emitter-appended) ---
"""Pipeline reference for scband-zinc-model-58153857188496 (READ-ONLY COPY).

The authoritative reference and input builder live on the scoring server;
editing this copy changes nothing except your own understanding.
"""

import jax, jax.numpy as jnp
import numpy as np

N = 10000
E = 320000
H = 128
L = 6
B = 64


def setup_inputs(seed: int = 0) -> dict:
    key = jax.random.key(seed)
    ks = [jax.random.fold_in(key, i) for i in range(16)]
    sc = 1.0 / np.sqrt(H)
    inp = {}
    inp["x"] = jax.random.randint(ks[0], (N, 1), 0, 28)
    inp["edge_index"] = jax.random.randint(ks[1], (2, E), 0, N)
    inp["edge_attr"] = jax.random.randint(ks[2], (E, 1), 0, 4)
    inp["batch"] = jnp.sort(jax.random.randint(ks[3], (N,), 0, B))
    inp["node_emb"] = jax.random.normal(ks[4], (28, H), dtype=jnp.float32) * 0.1
    inp["edge_emb"] = jax.random.normal(ks[5], (4, H), dtype=jnp.float32) * 0.1
    inp["lin1_W"] = jax.random.normal(ks[6], (L, H, H), dtype=jnp.float32) * sc
    inp["lin1_b"] = jnp.zeros((L, H), dtype=jnp.float32)
    inp["bn1_g"] = jnp.ones((L, H), dtype=jnp.float32)
    inp["bn1_b"] = jnp.zeros((L, H), dtype=jnp.float32)
    inp["lin2_W"] = jax.random.normal(ks[7], (L, H, H), dtype=jnp.float32) * sc
    inp["lin2_b"] = jnp.zeros((L, H), dtype=jnp.float32)
    inp["eps"] = jnp.zeros((L,), dtype=jnp.float32)
    inp["bn2_g"] = jnp.ones((L, H), dtype=jnp.float32)
    inp["bn2_b"] = jnp.zeros((L, H), dtype=jnp.float32)
    inp["reg_W1"] = jax.random.normal(ks[8], (3 * H, H), dtype=jnp.float32) * (1.0 / np.sqrt(3 * H))
    inp["reg_b1"] = jnp.zeros((H,), dtype=jnp.float32)
    inp["reg_W2"] = jax.random.normal(ks[9], (H, 1), dtype=jnp.float32) * sc
    inp["reg_b2"] = jnp.zeros((1,), dtype=jnp.float32)
    return inp


def _bn(h, g, b):
    # BatchNorm1d in training mode: batch statistics (biased variance), eps=1e-5
    m = jnp.mean(h, axis=0)
    v = jnp.var(h, axis=0)
    return g * (h - m) / jnp.sqrt(v + 1e-5) + b


def _fwd(node_emb, edge_emb, lin1_W, lin1_b, bn1_g, bn1_b, lin2_W, lin2_b, eps,
         bn2_g, bn2_b, reg_W1, reg_b1, reg_W2, reg_b2, x, edge_index, edge_attr, batch):
    h = node_emb[x[:, 0]]                 # node embedding lookup
    ea = edge_emb[edge_attr[:, 0]]        # edge embedding lookup
    src = edge_index[0]
    dst = edge_index[1]
    for l in range(L):
        # GINEConv: message = relu(x_j + edge_attr_emb), aggr = sum at dst
        msg = jax.nn.relu(h[src] + ea)
        aggr = jax.ops.segment_sum(msg, dst, num_segments=N)
        t = (1.0 + eps[l]) * h + aggr
        # nn1: Linear -> BN -> ReLU -> Dropout(identity) -> Linear
        t = jax.nn.relu(_bn(t @ lin1_W[l] + lin1_b[l], bn1_g[l], bn1_b[l]))
        t = t @ lin2_W[l] + lin2_b[l]
        # residual + BN + ReLU
        h = jax.nn.relu(_bn(h + t, bn2_g[l], bn2_b[l]))
    # global mean / add / max pooling over graphs in batch
    s = jax.ops.segment_sum(h, batch, num_segments=B)
    cnt = jax.ops.segment_sum(jnp.ones((N,), dtype=h.dtype), batch, num_segments=B)
    mean = s / jnp.maximum(cnt, 1.0)[:, None]
    mx = jax.ops.segment_max(h, batch, num_segments=B)
    mx = jnp.where(cnt[:, None] > 0, mx, 0.0)
    pooled = jnp.concatenate([mean, s, mx], axis=1)
    r = jax.nn.relu(pooled @ reg_W1 + reg_b1)
    out = (r @ reg_W2 + reg_b2)[:, 0]
    return out, h


def reference(x, edge_index, edge_attr, batch, node_emb, edge_emb,
              lin1_W, lin1_b, bn1_g, bn1_b, lin2_W, lin2_b, eps,
              bn2_g, bn2_b, reg_W1, reg_b1, reg_W2, reg_b2):
    return _fwd(node_emb, edge_emb, lin1_W, lin1_b,
                bn1_g, bn1_b, lin2_W, lin2_b, eps,
                bn2_g, bn2_b, reg_W1, reg_b1,
                reg_W2, reg_b2, x, edge_index,
                edge_attr, batch)

if __name__ == "__main__":
    import jax
    _d = setup_inputs()
    print(jax.jit(kernel)(*tuple(_d.values())))

</pallas_src>

<mosaic_0001>
#map = affine_map<(d0, d1) -> (0, 0)>
module attributes {stable_mosaic.version = 14 : i64} {
  func.func @_sc_aggr_body(%arg0: i32, %arg1: i32, %arg2: memref<40000x128xf32, #tpu.memory_space<hbm>>, %arg3: memref<2560x128xi32, #tpu.memory_space<hbm>>, %arg4: memref<2560x128xi32, #tpu.memory_space<hbm>>, %arg5: memref<640x128xf32, #tpu.memory_space<hbm>>, %arg6: memref<20480x128xf32, #tpu.memory_space<hbm>>, %arg7: memref<40x128xi32, #tpu.memory_space<vmem>>, %arg8: memref<40x128xi32, #tpu.memory_space<vmem>>, %arg9: memref<128x128xf32, #tpu.memory_space<vmem>>, %arg10: memref<128x128xf32, #tpu.memory_space<vmem>>, %arg11: memref<10240x128xf32, #tpu.memory_space<vmem_shared>>, %arg12: memref<!tpu.dma_semaphore, #tpu.memory_space<semaphore_mem>>, %arg13: memref<!tpu.dma_semaphore, #tpu.memory_space<semaphore_mem>>) attributes {dimension_semantics = [#tpu.dimension_semantics<core_parallel>, #tpu.dimension_semantics<subcore_parallel>], iteration_bounds = array<i64: 2, 16>, scalar_prefetch = 0 : i64, scratch_operands = 7 : i64, tpu.core_type = #tpu.core_type<sc_vector_subcore>, window_params = [{transform_indices = #map}, {transform_indices = #map}, {transform_indices = #map}, {transform_indices = #map}, {transform_indices = #map}]} {
    %mul3A = arith.constant 2 : i32
    %mul3A_0 = arith.muli %arg1, %mul3A : i32
    %add3A = arith.addi %mul3A_0, %arg0 : i32
    %mul3A_1 = arith.constant 640 : i32
    %mul3A_2 = arith.muli %arg1, %mul3A_1 : i32
    "tpu.region"() ({
      %run_scoped3A_87 = tpu.sem_alloc : memref<!tpu.dma_semaphore, #tpu.memory_space<semaphore_mem>>
      %dma_start3A_88 = arith.constant 0 : i32
      %dma_start3A_89 = tpu.memref_slice %arg11[%mul3A_2, %dma_start3A_88] : memref<10240x128xf32, #tpu.memory_space<vmem_shared>> -> memref<640x128xf32, #tpu.memory_space<vmem_shared>>
      tpu.enqueue_dma source(%arg5 : memref<640x128xf32, #tpu.memory_space<hbm>>) target(%dma_start3A_89 : memref<640x128xf32, #tpu.memory_space<vmem_shared>>) target_semaphore(%run_scoped3A_87 : memref<!tpu.dma_semaphore, #tpu.memory_space<semaphore_mem>>)
      %dma_wait3A_90 = arith.constant 0 : i32
      %dma_wait3A_91 = tpu.memref_slice %arg11[%mul3A_2, %dma_wait3A_90] : memref<10240x128xf32, #tpu.memory_space<vmem_shared>> -> memref<640x128xf32, #tpu.memory_space<vmem_shared>>
      tpu.wait_dma2 semaphore(%run_scoped3A_87 : memref<!tpu.dma_semaphore, #tpu.memory_space<semaphore_mem>>) src(%arg5 : memref<640x128xf32, #tpu.memory_space<hbm>>) dst(%dma_wait3A_91 : memref<640x128xf32, #tpu.memory_space<vmem_shared>>)
      tpu.yield
    }) : () -> ()
    %barrier3A = arith.constant 0 : index
    tpu.barrier barrier_id(%barrier3A)
    %mul3A_3 = arith.constant 80 : i32
    %mul3A_4 = arith.muli %add3A, %mul3A_3 : i32
    %add3A_5 = arith.constant 0 : i32
    %add3A_6 = arith.addi %mul3A_4, %add3A_5 : i32
    "tpu.region"() ({
      %run_scoped3A_87 = tpu.sem_alloc : memref<!tpu.dma_semaphore, #tpu.memory_space<semaphore_mem>>
      %dma_start3A_88 = arith.constant 0 : i32
      %dma_start3A_89 = tpu.memref_slice %arg3[%add3A_6, %dma_start3A_88] : memref<2560x128xi32, #tpu.memory_space<hbm>> -> memref<40x128xi32, #tpu.memory_space<hbm>>
      %dma_start3A_90 = arith.constant 0 : i32
      %dma_start3A_91 = tpu.memref_slice %arg3[%add3A_6, %dma_start3A_90] : memref<2560x128xi32, #tpu.memory_space<hbm>> -> memref<40x128xi32, #tpu.memory_space<hbm>>
      tpu.enqueue_dma source(%dma_start3A_91 : memref<40x128xi32, #tpu.memory_space<hbm>>) target(%arg7 : memref<40x128xi32, #tpu.memory_space<vmem>>) target_semaphore(%run_scoped3A_87 : memref<!tpu.dma_semaphore, #tpu.memory_space<semaphore_mem>>)
      %dma_wait3A_92 = arith.constant 0 : i32
      %dma_wait3A_93 = tpu.memref_slice %arg3[%add3A_6, %dma_wait3A_92] : memref<2560x128xi32, #tpu.memory_space<hbm>> -> memref<40x128xi32, #tpu.memory_space<hbm>>
      %dma_wait3A_94 = arith.constant 0 : i32
      %dma_wait3A_95 = tpu.memref_slice %arg3[%add3A_6, %dma_wait3A_94] : memref<2560x128xi32, #tpu.memory_space<hbm>> -> memref<40x128xi32, #tpu.memory_space<hbm>>
      tpu.wait_dma2 semaphore(%run_scoped3A_87 : memref<!tpu.dma_semaphore, #tpu.memory_space<semaphore_mem>>) src(%dma_wait3A_95 : memref<40x128xi32, #tpu.memory_space<hbm>>) dst(%arg7 : memref<40x128xi32, #tpu.memory_space<vmem>>)
      tpu.yield
    }) : () -> ()
    "tpu.region"() ({
      %run_scoped3A_87 = tpu.sem_alloc : memref<!tpu.dma_semaphore, #tpu.memory_space<semaphore_mem>>
      %dma_start3A_88 = arith.constant 0 : i32
      %dma_start3A_89 = tpu.memref_slice %arg4[%add3A_6, %dma_start3A_88] : memref<2560x128xi32, #tpu.memory_space<hbm>> -> memref<40x128xi32, #tpu.memory_space<hbm>>
      %dma_start3A_90 = arith.constant 0 : i32
      %dma_start3A_91 = tpu.memref_slice %arg4[%add3A_6, %dma_start3A_90] : memref<2560x128xi32, #tpu.memory_space<hbm>> -> memref<40x128xi32, #tpu.memory_space<hbm>>
      tpu.enqueue_dma source(%dma_start3A_91 : memref<40x128xi32, #tpu.memory_space<hbm>>) target(%arg8 : memref<40x128xi32, #tpu.memory_space<vmem>>) target_semaphore(%run_scoped3A_87 : memref<!tpu.dma_semaphore, #tpu.memory_space<semaphore_mem>>)
      %dma_wait3A_92 = arith.constant 0 : i32
      %dma_wait3A_93 = tpu.memref_slice %arg4[%add3A_6, %dma_wait3A_92] : memref<2560x128xi32, #tpu.memory_space<hbm>> -> memref<40x128xi32, #tpu.memory_space<hbm>>
      %dma_wait3A_94 = arith.constant 0 : i32
      %dma_wait3A_95 = tpu.memref_slice %arg4[%add3A_6, %dma_wait3A_94] : memref<2560x128xi32, #tpu.memory_space<hbm>> -> memref<40x128xi32, #tpu.memory_space<hbm>>
      tpu.wait_dma2 semaphore(%run_scoped3A_87 : memref<!tpu.dma_semaphore, #tpu.memory_space<semaphore_mem>>) src(%dma_wait3A_95 : memref<40x128xi32, #tpu.memory_space<hbm>>) dst(%arg8 : memref<40x128xi32, #tpu.memory_space<vmem>>)
      tpu.yield
    }) : () -> ()
    %dma_start3A = arith.constant 0 : i32
    %dma_start3A_7 = arith.constant 0 : i32
    %dma_start3A_8 = tpu.memref_slice %arg7[%dma_start3A, %dma_start3A_7] : memref<40x128xi32, #tpu.memory_space<vmem>> -> memref<1x128xi32, #tpu.memory_space<vmem>>
    %dma_start3A_9 = tpu.memref_squeeze %dma_start3A_8 : memref<1x128xi32, #tpu.memory_space<vmem>> -> memref<128xi32, #tpu.memory_space<vmem>>
    %dma_start3A_10 = arith.constant 0 : i32
    %dma_start3A_11 = arith.constant 0 : i32
    %dma_start3A_12 = tpu.memref_slice %arg2[%dma_start3A_10, %dma_start3A_11] : memref<40000x128xf32, #tpu.memory_space<hbm>> -> memref<40000x128xf32, #tpu.memory_space<hbm>>
    tpu.enqueue_indirect_dma source(%dma_start3A_12 : memref<40000x128xf32, #tpu.memory_space<hbm>>) target(%arg9 : memref<128x128xf32, #tpu.memory_space<vmem>>) offsets(%dma_start3A_9 : memref<128xi32, #tpu.memory_space<vmem>>) semaphore(%arg12 : memref<!tpu.dma_semaphore, #tpu.memory_space<semaphore_mem>>)
    %scan3A = arith.constant 0 : i32
    %scan3A_13 = arith.constant 0 : i32
    %scan3A_14 = arith.constant 19 : i32
    %scan3A_15 = arith.addi %scan3A_13, %scan3A_14 : i32
    %scan3A_16 = arith.constant 1 : i32
    scf.for %scan3A_87 = %scan3A_13 to %scan3A_15 step %scan3A_16  : i32 {
      %mul3A_88 = arith.constant 2 : i32
      %mul3A_89 = arith.muli %mul3A_88, %scan3A_87 : i32
      %add3A_90 = arith.constant 1 : i32
      %add3A_91 = arith.addi %mul3A_89, %add3A_90 : i32
      %dma_start3A_92 = arith.constant 0 : i32
      %dma_start3A_93 = tpu.memref_slice %arg7[%add3A_91, %dma_start3A_92] : memref<40x128xi32, #tpu.memory_space<vmem>> -> memref<1x128xi32, #tpu.memory_space<vmem>>
      %dma_start3A_94 = tpu.memref_squeeze %dma_start3A_93 : memref<1x128xi32, #tpu.memory_space<vmem>> -> memref<128xi32, #tpu.memory_space<vmem>>
      %dma_start3A_95 = arith.constant 0 : i32
      %dma_start3A_96 = arith.constant 0 : i32
      %dma_start3A_97 = tpu.memref_slice %arg2[%dma_start3A_95, %dma_start3A_96] : memref<40000x128xf32, #tpu.memory_space<hbm>> -> memref<40000x128xf32, #tpu.memory_space<hbm>>
      tpu.enqueue_indirect_dma source(%dma_start3A_97 : memref<40000x128xf32, #tpu.memory_space<hbm>>) target(%arg10 : memref<128x128xf32, #tpu.memory_space<vmem>>) offsets(%dma_start3A_94 : memref<128xi32, #tpu.memory_space<vmem>>) semaphore(%arg13 : memref<!tpu.dma_semaphore, #tpu.memory_space<semaphore_mem>>)
      %dma_wait3A_98 = arith.constant 0 : i32
      %dma_wait3A_99 = tpu.memref_slice %arg7[%mul3A_89, %dma_wait3A_98] : memref<40x128xi32, #tpu.memory_space<vmem>> -> memref<1x128xi32, #tpu.memory_space<vmem>>
      %dma_wait3A_100 = tpu.memref_squeeze %dma_wait3A_99 : memref<1x128xi32, #tpu.memory_space<vmem>> -> memref<128xi32, #tpu.memory_space<vmem>>
      %dma_wait3A_101 = arith.constant 0 : i32
      %dma_wait3A_102 = arith.constant 0 : i32
      %dma_wait3A_103 = tpu.memref_slice %arg2[%dma_wait3A_101, %dma_wait3A_102] : memref<40000x128xf32, #tpu.memory_space<hbm>> -> memref<40000x128xf32, #tpu.memory_space<hbm>>
      tpu.wait_indirect_dma semaphore(%arg12 : memref<!tpu.dma_semaphore, #tpu.memory_space<semaphore_mem>>) src(%dma_wait3A_103 : memref<40000x128xf32, #tpu.memory_space<hbm>>) dst(%arg9 : memref<128x128xf32, #tpu.memory_space<vmem>>)
      "tpu.region"() ({
        %run_scoped3A_122 = tpu.sem_alloc : memref<!tpu.dma_semaphore, #tpu.memory_space<semaphore_mem>>
        %dma_start3A_123 = arith.constant 0 : i32
        %dma_start3A_124 = tpu.memref_slice %arg8[%mul3A_89, %dma_start3A_123] : memref<40x128xi32, #tpu.memory_space<vmem>> -> memref<1x128xi32, #tpu.memory_space<vmem>>
        %dma_start3A_125 = tpu.memref_squeeze %dma_start3A_124 : memref<1x128xi32, #tpu.memory_space<vmem>> -> memref<128xi32, #tpu.memory_space<vmem>>
        %dma_start3A_126 = arith.constant 0 : i32
        %dma_start3A_127 = arith.constant 0 : i32
        %dma_start3A_128 = tpu.memref_slice %arg11[%dma_start3A_126, %dma_start3A_127] : memref<10240x128xf32, #tpu.memory_space<vmem_shared>> -> memref<10240x128xf32, #tpu.memory_space<vmem_shared>>
        tpu.enqueue_indirect_dma source(%arg9 : memref<128x128xf32, #tpu.memory_space<vmem>>) target(%dma_start3A_128 : memref<10240x128xf32, #tpu.memory_space<vmem_shared>>) offsets(%dma_start3A_125 : memref<128xi32, #tpu.memory_space<vmem>>) semaphore(%run_scoped3A_122 : memref<!tpu.dma_semaphore, #tpu.memory_space<semaphore_mem>>) {add = true}
        %dma_wait3A_129 = arith.constant 0 : i32
        %dma_wait3A_130 = tpu.memref_slice %arg8[%mul3A_89, %dma_wait3A_129] : memref<40x128xi32, #tpu.memory_space<vmem>> -> memref<1x128xi32, #tpu.memory_space<vmem>>
        %dma_wait3A_131 = tpu.memref_squeeze %dma_wait3A_130 : memref<1x128xi32, #tpu.memory_space<vmem>> -> memref<128xi32, #tpu.memory_space<vmem>>
        %dma_wait3A_132 = arith.constant 0 : i32
        %dma_wait3A_133 = arith.constant 0 : i32
        %dma_wait3A_134 = tpu.memref_slice %arg11[%dma_wait3A_132, %dma_wait3A_133] : memref<10240x128xf32, #tpu.memory_space<vmem_shared>> -> memref<10240x128xf32, #tpu.memory_space<vmem_shared>>
        tpu.wait_indirect_dma semaphore(%run_scoped3A_122 : memref<!tpu.dma_semaphore, #tpu.memory_space<semaphore_mem>>) src(%arg9 : memref<128x128xf32, #tpu.memory_space<vmem>>) dst(%dma_wait3A_134 : memref<10240x128xf32, #tpu.memory_space<vmem_shared>>)
        tpu.yield
      }) : () -> ()
      %add3A_104 = arith.constant 2 : i32
      %add3A_105 = arith.addi %mul3A_89, %add3A_104 : i32
      %dma_start3A_106 = arith.constant 0 : i32
      %dma_start3A_107 = tpu.memref_slice %arg7[%add3A_105, %dma_start3A_106] : memref<40x128xi32, #tpu.memory_space<vmem>> -> memref<1x128xi32, #tpu.memory_space<vmem>>
      %dma_start3A_108 = tpu.memref_squeeze %dma_start3A_107 : memref<1x128xi32, #tpu.memory_space<vmem>> -> memref<128xi32, #tpu.memory_space<vmem>>
      %dma_start3A_109 = arith.constant 0 : i32
      %dma_start3A_110 = arith.constant 0 : i32
      %dma_start3A_111 = tpu.memref_slice %arg2[%dma_start3A_109, %dma_start3A_110] : memref<40000x128xf32, #tpu.memory_space<hbm>> -> memref<40000x128xf32, #tpu.memory_space<hbm>>
      tpu.enqueue_indirect_dma source(%dma_start3A_111 : memref<40000x128xf32, #tpu.memory_space<hbm>>) target(%arg9 : memref<128x128xf32, #tpu.memory_space<vmem>>) offsets(%dma_start3A_108 : memref<128xi32, #tpu.memory_space<vmem>>) semaphore(%arg12 : memref<!tpu.dma_semaphore, #tpu.memory_space<semaphore_mem>>)
      %add3A_112 = arith.constant 1 : i32
      %add3A_113 = arith.addi %mul3A_89, %add3A_112 : i32
      %dma_wait3A_114 = arith.constant 0 : i32
      %dma_wait3A_115 = tpu.memref_slice %arg7[%add3A_113, %dma_wait3A_114] : memref<40x128xi32, #tpu.memory_space<vmem>> -> memref<1x128xi32, #tpu.memory_space<vmem>>
      %dma_wait3A_116 = tpu.memref_squeeze %dma_wait3A_115 : memref<1x128xi32, #tpu.memory_space<vmem>> -> memref<128xi32, #tpu.memory_space<vmem>>
      %dma_wait3A_117 = arith.constant 0 : i32
      %dma_wait3A_118 = arith.constant 0 : i32
      %dma_wait3A_119 = tpu.memref_slice %arg2[%dma_wait3A_117, %dma_wait3A_118] : memref<40000x128xf32, #tpu.memory_space<hbm>> -> memref<40000x128xf32, #tpu.memory_space<hbm>>
      tpu.wait_indirect_dma semaphore(%arg13 : memref<!tpu.dma_semaphore, #tpu.memory_space<semaphore_mem>>) src(%dma_wait3A_119 : memref<40000x128xf32, #tpu.memory_space<hbm>>) dst(%arg10 : memref<128x128xf32, #tpu.memory_space<vmem>>)
      %add3A_120 = arith.constant 1 : i32
      %add3A_121 = arith.addi %mul3A_89, %add3A_120 : i32
      "tpu.region"() ({
        %run_scoped3A_122 = tpu.sem_alloc : memref<!tpu.dma_semaphore, #tpu.memory_space<semaphore_mem>>
        %dma_start3A_123 = arith.constant 0 : i32
        %dma_start3A_124 = tpu.memref_slice %arg8[%add3A_121, %dma_start3A_123] : memref<40x128xi32, #tpu.memory_space<vmem>> -> memref<1x128xi32, #tpu.memory_space<vmem>>
        %dma_start3A_125 = tpu.memref_squeeze %dma_start3A_124 : memref<1x128xi32, #tpu.memory_space<vmem>> -> memref<128xi32, #tpu.memory_space<vmem>>
        %dma_start3A_126 = arith.constant 0 : i32
        %dma_start3A_127 = arith.constant 0 : i32
        %dma_start3A_128 = tpu.memref_slice %arg11[%dma_start3A_126, %dma_start3A_127] : memref<10240x128xf32, #tpu.memory_space<vmem_shared>> -> memref<10240x128xf32, #tpu.memory_space<vmem_shared>>
        tpu.enqueue_indirect_dma source(%arg10 : memref<128x128xf32, #tpu.memory_space<vmem>>) target(%dma_start3A_128 : memref<10240x128xf32, #tpu.memory_space<vmem_shared>>) offsets(%dma_start3A_125 : memref<128xi32, #tpu.memory_space<vmem>>) semaphore(%run_scoped3A_122 : memref<!tpu.dma_semaphore, #tpu.memory_space<semaphore_mem>>) {add = true}
        %dma_wait3A_129 = arith.constant 0 : i32
        %dma_wait3A_130 = tpu.memref_slice %arg8[%add3A_121, %dma_wait3A_129] : memref<40x128xi32, #tpu.memory_space<vmem>> -> memref<1x128xi32, #tpu.memory_space<vmem>>
        %dma_wait3A_131 = tpu.memref_squeeze %dma_wait3A_130 : memref<1x128xi32, #tpu.memory_space<vmem>> -> memref<128xi32, #tpu.memory_space<vmem>>
        %dma_wait3A_132 = arith.constant 0 : i32
        %dma_wait3A_133 = arith.constant 0 : i32
        %dma_wait3A_134 = tpu.memref_slice %arg11[%dma_wait3A_132, %dma_wait3A_133] : memref<10240x128xf32, #tpu.memory_space<vmem_shared>> -> memref<10240x128xf32, #tpu.memory_space<vmem_shared>>
        tpu.wait_indirect_dma semaphore(%run_scoped3A_122 : memref<!tpu.dma_semaphore, #tpu.memory_space<semaphore_mem>>) src(%arg10 : memref<128x128xf32, #tpu.memory_space<vmem>>) dst(%dma_wait3A_134 : memref<10240x128xf32, #tpu.memory_space<vmem_shared>>)
        tpu.yield
      }) : () -> ()
    }
    %scan3A_17 = arith.constant 19 : i32
    %dma_start3A_18 = arith.constant 39 : i32
    %dma_start3A_19 = arith.constant 0 : i32
    %dma_start3A_20 = tpu.memref_slice %arg7[%dma_start3A_18, %dma_start3A_19] : memref<40x128xi32, #tpu.memory_space<vmem>> -> memref<1x128xi32, #tpu.memory_space<vmem>>
    %dma_start3A_21 = tpu.memref_squeeze %dma_start3A_20 : memref<1x128xi32, #tpu.memory_space<vmem>> -> memref<128xi32, #tpu.memory_space<vmem>>
    %dma_start3A_22 = arith.constant 0 : i32
    %dma_start3A_23 = arith.constant 0 : i32
    %dma_start3A_24 = tpu.memref_slice %arg2[%dma_start3A_22, %dma_start3A_23] : memref<40000x128xf32, #tpu.memory_space<hbm>> -> memref<40000x128xf32, #tpu.memory_space<hbm>>
    tpu.enqueue_indirect_dma source(%dma_start3A_24 : memref<40000x128xf32, #tpu.memory_space<hbm>>) target(%arg10 : memref<128x128xf32, #tpu.memory_space<vmem>>) offsets(%dma_start3A_21 : memref<128xi32, #tpu.memory_space<vmem>>) semaphore(%arg13 : memref<!tpu.dma_semaphore, #tpu.memory_space<semaphore_mem>>)
    %dma_wait3A = arith.constant 38 : i32
    %dma_wait3A_25 = arith.constant 0 : i32
    %dma_wait3A_26 = tpu.memref_slice %arg7[%dma_wait3A, %dma_wait3A_25] : memref<40x128xi32, #tpu.memory_space<vmem>> -> memref<1x128xi32, #tpu.memory_space<vmem>>
    %dma_wait3A_27 = tpu.memref_squeeze %dma_wait3A_26 : memref<1x128xi32, #tpu.memory_space<vmem>> -> memref<128xi32, #tpu.memory_space<vmem>>
    %dma_wait3A_28 = arith.constant 0 : i32
    %dma_wait3A_29 = arith.constant 0 : i32
    %dma_wait3A_30 = tpu.memref_slice %arg2[%dma_wait3A_28, %dma_wait3A_29] : memref<40000x128xf32, #tpu.memory_space<hbm>> -> memref<40000x128xf32, #tpu.memory_space<hbm>>
    tpu.wait_indirect_dma semaphore(%arg12 : memref<!tpu.dma_semaphore, #tpu.memory_space<semaphore_mem>>) src(%dma_wait3A_30 : memref<40000x128xf32, #tpu.memory_space<hbm>>) dst(%arg9 : memref<128x128xf32, #tpu.memory_space<vmem>>)
    %run_scoped3A = arith.constant 38 : i32
    "tpu.region"() ({
      %run_scoped3A_87 = tpu.sem_alloc : memref<!tpu.dma_semaphore, #tpu.memory_space<semaphore_mem>>
      %dma_start3A_88 = arith.constant 0 : i32
      %dma_start3A_89 = tpu.memref_slice %arg8[%run_scoped3A, %dma_start3A_88] : memref<40x128xi32, #tpu.memory_space<vmem>> -> memref<1x128xi32, #tpu.memory_space<vmem>>
      %dma_start3A_90 = tpu.memref_squeeze %dma_start3A_89 : memref<1x128xi32, #tpu.memory_space<vmem>> -> memref<128xi32, #tpu.memory_space<vmem>>
      %dma_start3A_91 = arith.constant 0 : i32
      %dma_start3A_92 = arith.constant 0 : i32
      %dma_start3A_93 = tpu.memref_slice %arg11[%dma_start3A_91, %dma_start3A_92] : memref<10240x128xf32, #tpu.memory_space<vmem_shared>> -> memref<10240x128xf32, #tpu.memory_space<vmem_shared>>
      tpu.enqueue_indirect_dma source(%arg9 : memref<128x128xf32, #tpu.memory_space<vmem>>) target(%dma_start3A_93 : memref<10240x128xf32, #tpu.memory_space<vmem_shared>>) offsets(%dma_start3A_90 : memref<128xi32, #tpu.memory_space<vmem>>) semaphore(%run_scoped3A_87 : memref<!tpu.dma_semaphore, #tpu.memory_space<semaphore_mem>>) {add = true}
      %dma_wait3A_94 = arith.constant 0 : i32
      %dma_wait3A_95 = tpu.memref_slice %arg8[%run_scoped3A, %dma_wait3A_94] : memref<40x128xi32, #tpu.memory_space<vmem>> -> memref<1x128xi32, #tpu.memory_space<vmem>>
      %dma_wait3A_96 = tpu.memref_squeeze %dma_wait3A_95 : memref<1x128xi32, #tpu.memory_space<vmem>> -> memref<128xi32, #tpu.memory_space<vmem>>
      %dma_wait3A_97 = arith.constant 0 : i32
      %dma_wait3A_98 = arith.constant 0 : i32
      %dma_wait3A_99 = tpu.memref_slice %arg11[%dma_wait3A_97, %dma_wait3A_98] : memref<10240x128xf32, #tpu.memory_space<vmem_shared>> -> memref<10240x128xf32, #tpu.memory_space<vmem_shared>>
      tpu.wait_indirect_dma semaphore(%run_scoped3A_87 : memref<!tpu.dma_semaphore, #tpu.memory_space<semaphore_mem>>) src(%arg9 : memref<128x128xf32, #tpu.memory_space<vmem>>) dst(%dma_wait3A_99 : memref<10240x128xf32, #tpu.memory_space<vmem_shared>>)
      tpu.yield
    }) : () -> ()
    %dma_wait3A_31 = arith.constant 39 : i32
    %dma_wait3A_32 = arith.constant 0 : i32
    %dma_wait3A_33 = tpu.memref_slice %arg7[%dma_wait3A_31, %dma_wait3A_32] : memref<40x128xi32, #tpu.memory_space<vmem>> -> memref<1x128xi32, #tpu.memory_space<vmem>>
    %dma_wait3A_34 = tpu.memref_squeeze %dma_wait3A_33 : memref<1x128xi32, #tpu.memory_space<vmem>> -> memref<128xi32, #tpu.memory_space<vmem>>
    %dma_wait3A_35 = arith.constant 0 : i32
    %dma_wait3A_36 = arith.constant 0 : i32
    %dma_wait3A_37 = tpu.memref_slice %arg2[%dma_wait3A_35, %dma_wait3A_36] : memref<40000x128xf32, #tpu.memory_space<hbm>> -> memref<40000x128xf32, #tpu.memory_space<hbm>>
    tpu.wait_indirect_dma semaphore(%arg13 : memref<!tpu.dma_semaphore, #tpu.memory_space<semaphore_mem>>) src(%dma_wait3A_37 : memref<40000x128xf32, #tpu.memory_space<hbm>>) dst(%arg10 : memref<128x128xf32, #tpu.memory_space<vmem>>)
    %run_scoped3A_38 = arith.constant 39 : i32
    "tpu.region"() ({
      %run_scoped3A_87 = tpu.sem_alloc : memref<!tpu.dma_semaphore, #tpu.memory_space<semaphore_mem>>
      %dma_start3A_88 = arith.constant 0 : i32
      %dma_start3A_89 = tpu.memref_slice %arg8[%run_scoped3A_38, %dma_start3A_88] : memref<40x128xi32, #tpu.memory_space<vmem>> -> memref<1x128xi32, #tpu.memory_space<vmem>>
      %dma_start3A_90 = tpu.memref_squeeze %dma_start3A_89 : memref<1x128xi32, #tpu.memory_space<vmem>> -> memref<128xi32, #tpu.memory_space<vmem>>
      %dma_start3A_91 = arith.constant 0 : i32
      %dma_start3A_92 = arith.constant 0 : i32
      %dma_start3A_93 = tpu.memref_slice %arg11[%dma_start3A_91, %dma_start3A_92] : memref<10240x128xf32, #tpu.memory_space<vmem_shared>> -> memref<10240x128xf32, #tpu.memory_space<vmem_shared>>
      tpu.enqueue_indirect_dma source(%arg10 : memref<128x128xf32, #tpu.memory_space<vmem>>) target(%dma_start3A_93 : memref<10240x128xf32, #tpu.memory_space<vmem_shared>>) offsets(%dma_start3A_90 : memref<128xi32, #tpu.memory_space<vmem>>) semaphore(%run_scoped3A_87 : memref<!tpu.dma_semaphore, #tpu.memory_space<semaphore_mem>>) {add = true}
      %dma_wait3A_94 = arith.constant 0 : i32
      %dma_wait3A_95 = tpu.memref_slice %arg8[%run_scoped3A_38, %dma_wait3A_94] : memref<40x128xi32, #tpu.memory_space<vmem>> -> memref<1x128xi32, #tpu.memory_space<vmem>>
      %dma_wait3A_96 = tpu.memref_squeeze %dma_wait3A_95 : memref<1x128xi32, #tpu.memory_space<vmem>> -> memref<128xi32, #tpu.memory_space<vmem>>
      %dma_wait3A_97 = arith.constant 0 : i32
      %dma_wait3A_98 = arith.constant 0 : i32
      %dma_wait3A_99 = tpu.memref_slice %arg11[%dma_wait3A_97, %dma_wait3A_98] : memref<10240x128xf32, #tpu.memory_space<vmem_shared>> -> memref<10240x128xf32, #tpu.memory_space<vmem_shared>>
      tpu.wait_indirect_dma semaphore(%run_scoped3A_87 : memref<!tpu.dma_semaphore, #tpu.memory_space<semaphore_mem>>) src(%arg10 : memref<128x128xf32, #tpu.memory_space<vmem>>) dst(%dma_wait3A_99 : memref<10240x128xf32, #tpu.memory_space<vmem_shared>>)
      tpu.yield
    }) : () -> ()
    %mul3A_39 = arith.constant 80 : i32
    %mul3A_40 = arith.muli %add3A, %mul3A_39 : i32
    %add3A_41 = arith.constant 40 : i32
    %add3A_42 = arith.addi %mul3A_40, %add3A_41 : i32
    "tpu.region"() ({
      %run_scoped3A_87 = tpu.sem_alloc : memref<!tpu.dma_semaphore, #tpu.memory_space<semaphore_mem>>
      %dma_start3A_88 = arith.constant 0 : i32
      %dma_start3A_89 = tpu.memref_slice %arg3[%add3A_42, %dma_start3A_88] : memref<2560x128xi32, #tpu.memory_space<hbm>> -> memref<40x128xi32, #tpu.memory_space<hbm>>
      %dma_start3A_90 = arith.constant 0 : i32
      %dma_start3A_91 = tpu.memref_slice %arg3[%add3A_42, %dma_start3A_90] : memref<2560x128xi32, #tpu.memory_space<hbm>> -> memref<40x128xi32, #tpu.memory_space<hbm>>
      tpu.enqueue_dma source(%dma_start3A_91 : memref<40x128xi32, #tpu.memory_space<hbm>>) target(%arg7 : memref<40x128xi32, #tpu.memory_space<vmem>>) target_semaphore(%run_scoped3A_87 : memref<!tpu.dma_semaphore, #tpu.memory_space<semaphore_mem>>)
      %dma_wait3A_92 = arith.constant 0 : i32
      %dma_wait3A_93 = tpu.memref_slice %arg3[%add3A_42, %dma_wait3A_92] : memref<2560x128xi32, #tpu.memory_space<hbm>> -> memref<40x128xi32, #tpu.memory_space<hbm>>
      %dma_wait3A_94 = arith.constant 0 : i32
      %dma_wait3A_95 = tpu.memref_slice %arg3[%add3A_42, %dma_wait3A_94] : memref<2560x128xi32, #tpu.memory_space<hbm>> -> memref<40x128xi32, #tpu.memory_space<hbm>>
      tpu.wait_dma2 semaphore(%run_scoped3A_87 : memref<!tpu.dma_semaphore, #tpu.memory_space<semaphore_mem>>) src(%dma_wait3A_95 : memref<40x128xi32, #tpu.memory_space<hbm>>) dst(%arg7 : memref<40x128xi32, #tpu.memory_space<vmem>>)
      tpu.yield
    }) : () -> ()
    "tpu.region"() ({
      %run_scoped3A_87 = tpu.sem_alloc : memref<!tpu.dma_semaphore, #tpu.memory_space<semaphore_mem>>
      %dma_start3A_88 = arith.constant 0 : i32
      %dma_start3A_89 = tpu.memref_slice %arg4[%add3A_42, %dma_start3A_88] : memref<2560x128xi32, #tpu.memory_space<hbm>> -> memref<40x128xi32, #tpu.memory_space<hbm>>
      %dma_start3A_90 = arith.constant 0 : i32
      %dma_start3A_91 = tpu.memref_slice %arg4[%add3A_42, %dma_start3A_90] : memref<2560x128xi32, #tpu.memory_space<hbm>> -> memref<40x128xi32, #tpu.memory_space<hbm>>
      tpu.enqueue_dma source(%dma_start3A_91 : memref<40x128xi32, #tpu.memory_space<hbm>>) target(%arg8 : memref<40x128xi32, #tpu.memory_space<vmem>>) target_semaphore(%run_scoped3A_87 : memref<!tpu.dma_semaphore, #tpu.memory_space<semaphore_mem>>)
      %dma_wait3A_92 = arith.constant 0 : i32
      %dma_wait3A_93 = tpu.memref_slice %arg4[%add3A_42, %dma_wait3A_92] : memref<2560x128xi32, #tpu.memory_space<hbm>> -> memref<40x128xi32, #tpu.memory_space<hbm>>
      %dma_wait3A_94 = arith.constant 0 : i32
      %dma_wait3A_95 = tpu.memref_slice %arg4[%add3A_42, %dma_wait3A_94] : memref<2560x128xi32, #tpu.memory_space<hbm>> -> memref<40x128xi32, #tpu.memory_space<hbm>>
      tpu.wait_dma2 semaphore(%run_scoped3A_87 : memref<!tpu.dma_semaphore, #tpu.memory_space<semaphore_mem>>) src(%dma_wait3A_95 : memref<40x128xi32, #tpu.memory_space<hbm>>) dst(%arg8 : memref<40x128xi32, #tpu.memory_space<vmem>>)
      tpu.yield
    }) : () -> ()
    %dma_start3A_43 = arith.constant 0 : i32
    %dma_start3A_44 = arith.constant 0 : i32
    %dma_start3A_45 = tpu.memref_slice %arg7[%dma_start3A_43, %dma_start3A_44] : memref<40x128xi32, #tpu.memory_space<vmem>> -> memref<1x128xi32, #tpu.memory_space<vmem>>
    %dma_start3A_46 = tpu.memref_squeeze %dma_start3A_45 : memref<1x128xi32, #tpu.memory_space<vmem>> -> memref<128xi32, #tpu.memory_space<vmem>>
    %dma_start3A_47 = arith.constant 0 : i32
    %dma_start3A_48 = arith.constant 0 : i32
    %dma_start3A_49 = tpu.memref_slice %arg2[%dma_start3A_47, %dma_start3A_48] : memref<40000x128xf32, #tpu.memory_space<hbm>> -> memref<40000x128xf32, #tpu.memory_space<hbm>>
    tpu.enqueue_indirect_dma source(%dma_start3A_49 : memref<40000x128xf32, #tpu.memory_space<hbm>>) target(%arg9 : memref<128x128xf32, #tpu.memory_space<vmem>>) offsets(%dma_start3A_46 : memref<128xi32, #tpu.memory_space<vmem>>) semaphore(%arg12 : memref<!tpu.dma_semaphore, #tpu.memory_space<semaphore_mem>>)
    %scan3A_50 = arith.constant 0 : i32
    %scan3A_51 = arith.constant 0 : i32
    %scan3A_52 = arith.constant 19 : i32
    %scan3A_53 = arith.addi %scan3A_51, %scan3A_52 : i32
    %scan3A_54 = arith.constant 1 : i32
    scf.for %scan3A_87 = %scan3A_51 to %scan3A_53 step %scan3A_54  : i32 {
      %mul3A_88 = arith.constant 2 : i32
      %mul3A_89 = arith.muli %mul3A_88, %scan3A_87 : i32
      %add3A_90 = arith.constant 1 : i32
      %add3A_91 = arith.addi %mul3A_89, %add3A_90 : i32
      %dma_start3A_92 = arith.constant 0 : i32
      %dma_start3A_93 = tpu.memref_slice %arg7[%add3A_91, %dma_start3A_92] : memref<40x128xi32, #tpu.memory_space<vmem>> -> memref<1x128xi32, #tpu.memory_space<vmem>>
      %dma_start3A_94 = tpu.memref_squeeze %dma_start3A_93 : memref<1x128xi32, #tpu.memory_space<vmem>> -> memref<128xi32, #tpu.memory_space<vmem>>
      %dma_start3A_95 = arith.constant 0 : i32
      %dma_start3A_96 = arith.constant 0 : i32
      %dma_start3A_97 = tpu.memref_slice %arg2[%dma_start3A_95, %dma_start3A_96] : memref<40000x128xf32, #tpu.memory_space<hbm>> -> memref<40000x128xf32, #tpu.memory_space<hbm>>
      tpu.enqueue_indirect_dma source(%dma_start3A_97 : memref<40000x128xf32, #tpu.memory_space<hbm>>) target(%arg10 : memref<128x128xf32, #tpu.memory_space<vmem>>) offsets(%dma_start3A_94 : memref<128xi32, #tpu.memory_space<vmem>>) semaphore(%arg13 : memref<!tpu.dma_semaphore, #tpu.memory_space<semaphore_mem>>)
      %dma_wait3A_98 = arith.constant 0 : i32
      %dma_wait3A_99 = tpu.memref_slice %arg7[%mul3A_89, %dma_wait3A_98] : memref<40x128xi32, #tpu.memory_space<vmem>> -> memref<1x128xi32, #tpu.memory_space<vmem>>
      %dma_wait3A_100 = tpu.memref_squeeze %dma_wait3A_99 : memref<1x128xi32, #tpu.memory_space<vmem>> -> memref<128xi32, #tpu.memory_space<vmem>>
      %dma_wait3A_101 = arith.constant 0 : i32
      %dma_wait3A_102 = arith.constant 0 : i32
      %dma_wait3A_103 = tpu.memref_slice %arg2[%dma_wait3A_101, %dma_wait3A_102] : memref<40000x128xf32, #tpu.memory_space<hbm>> -> memref<40000x128xf32, #tpu.memory_space<hbm>>
      tpu.wait_indirect_dma semaphore(%arg12 : memref<!tpu.dma_semaphore, #tpu.memory_space<semaphore_mem>>) src(%dma_wait3A_103 : memref<40000x128xf32, #tpu.memory_space<hbm>>) dst(%arg9 : memref<128x128xf32, #tpu.memory_space<vmem>>)
      "tpu.region"() ({
        %run_scoped3A_122 = tpu.sem_alloc : memref<!tpu.dma_semaphore, #tpu.memory_space<semaphore_mem>>
        %dma_start3A_123 = arith.constant 0 : i32
        %dma_start3A_124 = tpu.memref_slice %arg8[%mul3A_89, %dma_start3A_123] : memref<40x128xi32, #tpu.memory_space<vmem>> -> memref<1x128xi32, #tpu.memory_space<vmem>>
        %dma_start3A_125 = tpu.memref_squeeze %dma_start3A_124 : memref<1x128xi32, #tpu.memory_space<vmem>> -> memref<128xi32, #tpu.memory_space<vmem>>
        %dma_start3A_126 = arith.constant 0 : i32
        %dma_start3A_127 = arith.constant 0 : i32
        %dma_start3A_128 = tpu.memref_slice %arg11[%dma_start3A_126, %dma_start3A_127] : memref<10240x128xf32, #tpu.memory_space<vmem_shared>> -> memref<10240x128xf32, #tpu.memory_space<vmem_shared>>
        tpu.enqueue_indirect_dma source(%arg9 : memref<128x128xf32, #tpu.memory_space<vmem>>) target(%dma_start3A_128 : memref<10240x128xf32, #tpu.memory_space<vmem_shared>>) offsets(%dma_start3A_125 : memref<128xi32, #tpu.memory_space<vmem>>) semaphore(%run_scoped3A_122 : memref<!tpu.dma_semaphore, #tpu.memory_space<semaphore_mem>>) {add = true}
        %dma_wait3A_129 = arith.constant 0 : i32
        %dma_wait3A_130 = tpu.memref_slice %arg8[%mul3A_89, %dma_wait3A_129] : memref<40x128xi32, #tpu.memory_space<vmem>> -> memref<1x128xi32, #tpu.memory_space<vmem>>
        %dma_wait3A_131 = tpu.memref_squeeze %dma_wait3A_130 : memref<1x128xi32, #tpu.memory_space<vmem>> -> memref<128xi32, #tpu.memory_space<vmem>>
        %dma_wait3A_132 = arith.constant 0 : i32
        %dma_wait3A_133 = arith.constant 0 : i32
        %dma_wait3A_134 = tpu.memref_slice %arg11[%dma_wait3A_132, %dma_wait3A_133] : memref<10240x128xf32, #tpu.memory_space<vmem_shared>> -> memref<10240x128xf32, #tpu.memory_space<vmem_shared>>
        tpu.wait_indirect_dma semaphore(%run_scoped3A_122 : memref<!tpu.dma_semaphore, #tpu.memory_space<semaphore_mem>>) src(%arg9 : memref<128x128xf32, #tpu.memory_space<vmem>>) dst(%dma_wait3A_134 : memref<10240x128xf32, #tpu.memory_space<vmem_shared>>)
        tpu.yield
      }) : () -> ()
      %add3A_104 = arith.constant 2 : i32
      %add3A_105 = arith.addi %mul3A_89, %add3A_104 : i32
      %dma_start3A_106 = arith.constant 0 : i32
      %dma_start3A_107 = tpu.memref_slice %arg7[%add3A_105, %dma_start3A_106] : memref<40x128xi32, #tpu.memory_space<vmem>> -> memref<1x128xi32, #tpu.memory_space<vmem>>
      %dma_start3A_108 = tpu.memref_squeeze %dma_start3A_107 : memref<1x128xi32, #tpu.memory_space<vmem>> -> memref<128xi32, #tpu.memory_space<vmem>>
      %dma_start3A_109 = arith.constant 0 : i32
      %dma_start3A_110 = arith.constant 0 : i32
      %dma_start3A_111 = tpu.memref_slice %arg2[%dma_start3A_109, %dma_start3A_110] : memref<40000x128xf32, #tpu.memory_space<hbm>> -> memref<40000x128xf32, #tpu.memory_space<hbm>>
      tpu.enqueue_indirect_dma source(%dma_start3A_111 : memref<40000x128xf32, #tpu.memory_space<hbm>>) target(%arg9 : memref<128x128xf32, #tpu.memory_space<vmem>>) offsets(%dma_start3A_108 : memref<128xi32, #tpu.memory_space<vmem>>) semaphore(%arg12 : memref<!tpu.dma_semaphore, #tpu.memory_space<semaphore_mem>>)
      %add3A_112 = arith.constant 1 : i32
      %add3A_113 = arith.addi %mul3A_89, %add3A_112 : i32
      %dma_wait3A_114 = arith.constant 0 : i32
      %dma_wait3A_115 = tpu.memref_slice %arg7[%add3A_113, %dma_wait3A_114] : memref<40x128xi32, #tpu.memory_space<vmem>> -> memref<1x128xi32, #tpu.memory_space<vmem>>
      %dma_wait3A_116 = tpu.memref_squeeze %dma_wait3A_115 : memref<1x128xi32, #tpu.memory_space<vmem>> -> memref<128xi32, #tpu.memory_space<vmem>>
      %dma_wait3A_117 = arith.constant 0 : i32
      %dma_wait3A_118 = arith.constant 0 : i32
      %dma_wait3A_119 = tpu.memref_slice %arg2[%dma_wait3A_117, %dma_wait3A_118] : memref<40000x128xf32, #tpu.memory_space<hbm>> -> memref<40000x128xf32, #tpu.memory_space<hbm>>
      tpu.wait_indirect_dma semaphore(%arg13 : memref<!tpu.dma_semaphore, #tpu.memory_space<semaphore_mem>>) src(%dma_wait3A_119 : memref<40000x128xf32, #tpu.memory_space<hbm>>) dst(%arg10 : memref<128x128xf32, #tpu.memory_space<vmem>>)
      %add3A_120 = arith.constant 1 : i32
      %add3A_121 = arith.addi %mul3A_89, %add3A_120 : i32
      "tpu.region"() ({
        %run_scoped3A_122 = tpu.sem_alloc : memref<!tpu.dma_semaphore, #tpu.memory_space<semaphore_mem>>
        %dma_start3A_123 = arith.constant 0 : i32
        %dma_start3A_124 = tpu.memref_slice %arg8[%add3A_121, %dma_start3A_123] : memref<40x128xi32, #tpu.memory_space<vmem>> -> memref<1x128xi32, #tpu.memory_space<vmem>>
        %dma_start3A_125 = tpu.memref_squeeze %dma_start3A_124 : memref<1x128xi32, #tpu.memory_space<vmem>> -> memref<128xi32, #tpu.memory_space<vmem>>
        %dma_start3A_126 = arith.constant 0 : i32
        %dma_start3A_127 = arith.constant 0 : i32
        %dma_start3A_128 = tpu.memref_slice %arg11[%dma_start3A_126, %dma_start3A_127] : memref<10240x128xf32, #tpu.memory_space<vmem_shared>> -> memref<10240x128xf32, #tpu.memory_space<vmem_shared>>
        tpu.enqueue_indirect_dma source(%arg10 : memref<128x128xf32, #tpu.memory_space<vmem>>) target(%dma_start3A_128 : memref<10240x128xf32, #tpu.memory_space<vmem_shared>>) offsets(%dma_start3A_125 : memref<128xi32, #tpu.memory_space<vmem>>) semaphore(%run_scoped3A_122 : memref<!tpu.dma_semaphore, #tpu.memory_space<semaphore_mem>>) {add = true}
        %dma_wait3A_129 = arith.constant 0 : i32
        %dma_wait3A_130 = tpu.memref_slice %arg8[%add3A_121, %dma_wait3A_129] : memref<40x128xi32, #tpu.memory_space<vmem>> -> memref<1x128xi32, #tpu.memory_space<vmem>>
        %dma_wait3A_131 = tpu.memref_squeeze %dma_wait3A_130 : memref<1x128xi32, #tpu.memory_space<vmem>> -> memref<128xi32, #tpu.memory_space<vmem>>
        %dma_wait3A_132 = arith.constant 0 : i32
        %dma_wait3A_133 = arith.constant 0 : i32
        %dma_wait3A_134 = tpu.memref_slice %arg11[%dma_wait3A_132, %dma_wait3A_133] : memref<10240x128xf32, #tpu.memory_space<vmem_shared>> -> memref<10240x128xf32, #tpu.memory_space<vmem_shared>>
        tpu.wait_indirect_dma semaphore(%run_scoped3A_122 : memref<!tpu.dma_semaphore, #tpu.memory_space<semaphore_mem>>) src(%arg10 : memref<128x128xf32, #tpu.memory_space<vmem>>) dst(%dma_wait3A_134 : memref<10240x128xf32, #tpu.memory_space<vmem_shared>>)
        tpu.yield
      }) : () -> ()
    }
    %scan3A_55 = arith.constant 19 : i32
    %dma_start3A_56 = arith.constant 39 : i32
    %dma_start3A_57 = arith.constant 0 : i32
    %dma_start3A_58 = tpu.memref_slice %arg7[%dma_start3A_56, %dma_start3A_57] : memref<40x128xi32, #tpu.memory_space<vmem>> -> memref<1x128xi32, #tpu.memory_space<vmem>>
    %dma_start3A_59 = tpu.memref_squeeze %dma_start3A_58 : memref<1x128xi32, #tpu.memory_space<vmem>> -> memref<128xi32, #tpu.memory_space<vmem>>
    %dma_start3A_60 = arith.constant 0 : i32
    %dma_start3A_61 = arith.constant 0 : i32
    %dma_start3A_62 = tpu.memref_slice %arg2[%dma_start3A_60, %dma_start3A_61] : memref<40000x128xf32, #tpu.memory_space<hbm>> -> memref<40000x128xf32, #tpu.memory_space<hbm>>
    tpu.enqueue_indirect_dma source(%dma_start3A_62 : memref<40000x128xf32, #tpu.memory_space<hbm>>) target(%arg10 : memref<128x128xf32, #tpu.memory_space<vmem>>) offsets(%dma_start3A_59 : memref<128xi32, #tpu.memory_space<vmem>>) semaphore(%arg13 : memref<!tpu.dma_semaphore, #tpu.memory_space<semaphore_mem>>)
    %dma_wait3A_63 = arith.constant 38 : i32
    %dma_wait3A_64 = arith.constant 0 : i32
    %dma_wait3A_65 = tpu.memref_slice %arg7[%dma_wait3A_63, %dma_wait3A_64] : memref<40x128xi32, #tpu.memory_space<vmem>> -> memref<1x128xi32, #tpu.memory_space<vmem>>
    %dma_wait3A_66 = tpu.memref_squeeze %dma_wait3A_65 : memref<1x128xi32, #tpu.memory_space<vmem>> -> memref<128xi32, #tpu.memory_space<vmem>>
    %dma_wait3A_67 = arith.constant 0 : i32
    %dma_wait3A_68 = arith.constant 0 : i32
    %dma_wait3A_69 = tpu.memref_slice %arg2[%dma_wait3A_67, %dma_wait3A_68] : memref<40000x128xf32, #tpu.memory_space<hbm>> -> memref<40000x128xf32, #tpu.memory_space<hbm>>
    tpu.wait_indirect_dma semaphore(%arg12 : memref<!tpu.dma_semaphore, #tpu.memory_space<semaphore_mem>>) src(%dma_wait3A_69 : memref<40000x128xf32, #tpu.memory_space<hbm>>) dst(%arg9 : memref<128x128xf32, #tpu.memory_space<vmem>>)
    %run_scoped3A_70 = arith.constant 38 : i32
    "tpu.region"() ({
      %run_scoped3A_87 = tpu.sem_alloc : memref<!tpu.dma_semaphore, #tpu.memory_space<semaphore_mem>>
      %dma_start3A_88 = arith.constant 0 : i32
      %dma_start3A_89 = tpu.memref_slice %arg8[%run_scoped3A_70, %dma_start3A_88] : memref<40x128xi32, #tpu.memory_space<vmem>> -> memref<1x128xi32, #tpu.memory_space<vmem>>
      %dma_start3A_90 = tpu.memref_squeeze %dma_start3A_89 : memref<1x128xi32, #tpu.memory_space<vmem>> -> memref<128xi32, #tpu.memory_space<vmem>>
      %dma_start3A_91 = arith.constant 0 : i32
      %dma_start3A_92 = arith.constant 0 : i32
      %dma_start3A_93 = tpu.memref_slice %arg11[%dma_start3A_91, %dma_start3A_92] : memref<10240x128xf32, #tpu.memory_space<vmem_shared>> -> memref<10240x128xf32, #tpu.memory_space<vmem_shared>>
      tpu.enqueue_indirect_dma source(%arg9 : memref<128x128xf32, #tpu.memory_space<vmem>>) target(%dma_start3A_93 : memref<10240x128xf32, #tpu.memory_space<vmem_shared>>) offsets(%dma_start3A_90 : memref<128xi32, #tpu.memory_space<vmem>>) semaphore(%run_scoped3A_87 : memref<!tpu.dma_semaphore, #tpu.memory_space<semaphore_mem>>) {add = true}
      %dma_wait3A_94 = arith.constant 0 : i32
      %dma_wait3A_95 = tpu.memref_slice %arg8[%run_scoped3A_70, %dma_wait3A_94] : memref<40x128xi32, #tpu.memory_space<vmem>> -> memref<1x128xi32, #tpu.memory_space<vmem>>
      %dma_wait3A_96 = tpu.memref_squeeze %dma_wait3A_95 : memref<1x128xi32, #tpu.memory_space<vmem>> -> memref<128xi32, #tpu.memory_space<vmem>>
      %dma_wait3A_97 = arith.constant 0 : i32
      %dma_wait3A_98 = arith.constant 0 : i32
      %dma_wait3A_99 = tpu.memref_slice %arg11[%dma_wait3A_97, %dma_wait3A_98] : memref<10240x128xf32, #tpu.memory_space<vmem_shared>> -> memref<10240x128xf32, #tpu.memory_space<vmem_shared>>
      tpu.wait_indirect_dma semaphore(%run_scoped3A_87 : memref<!tpu.dma_semaphore, #tpu.memory_space<semaphore_mem>>) src(%arg9 : memref<128x128xf32, #tpu.memory_space<vmem>>) dst(%dma_wait3A_99 : memref<10240x128xf32, #tpu.memory_space<vmem_shared>>)
      tpu.yield
    }) : () -> ()
    %dma_wait3A_71 = arith.constant 39 : i32
    %dma_wait3A_72 = arith.constant 0 : i32
    %dma_wait3A_73 = tpu.memref_slice %arg7[%dma_wait3A_71, %dma_wait3A_72] : memref<40x128xi32, #tpu.memory_space<vmem>> -> memref<1x128xi32, #tpu.memory_space<vmem>>
    %dma_wait3A_74 = tpu.memref_squeeze %dma_wait3A_73 : memref<1x128xi32, #tpu.memory_space<vmem>> -> memref<128xi32, #tpu.memory_space<vmem>>
    %dma_wait3A_75 = arith.constant 0 : i32
    %dma_wait3A_76 = arith.constant 0 : i32
    %dma_wait3A_77 = tpu.memref_slice %arg2[%dma_wait3A_75, %dma_wait3A_76] : memref<40000x128xf32, #tpu.memory_space<hbm>> -> memref<40000x128xf32, #tpu.memory_space<hbm>>
    tpu.wait_indirect_dma semaphore(%arg13 : memref<!tpu.dma_semaphore, #tpu.memory_space<semaphore_mem>>) src(%dma_wait3A_77 : memref<40000x128xf32, #tpu.memory_space<hbm>>) dst(%arg10 : memref<128x128xf32, #tpu.memory_space<vmem>>)
    %run_scoped3A_78 = arith.constant 39 : i32
    "tpu.region"() ({
      %run_scoped3A_87 = tpu.sem_alloc : memref<!tpu.dma_semaphore, #tpu.memory_space<semaphore_mem>>
      %dma_start3A_88 = arith.constant 0 : i32
      %dma_start3A_89 = tpu.memref_slice %arg8[%run_scoped3A_78, %dma_start3A_88] : memref<40x128xi32, #tpu.memory_space<vmem>> -> memref<1x128xi32, #tpu.memory_space<vmem>>
      %dma_start3A_90 = tpu.memref_squeeze %dma_start3A_89 : memref<1x128xi32, #tpu.memory_space<vmem>> -> memref<128xi32, #tpu.memory_space<vmem>>
      %dma_start3A_91 = arith.constant 0 : i32
      %dma_start3A_92 = arith.constant 0 : i32
      %dma_start3A_93 = tpu.memref_slice %arg11[%dma_start3A_91, %dma_start3A_92] : memref<10240x128xf32, #tpu.memory_space<vmem_shared>> -> memref<10240x128xf32, #tpu.memory_space<vmem_shared>>
      tpu.enqueue_indirect_dma source(%arg10 : memref<128x128xf32, #tpu.memory_space<vmem>>) target(%dma_start3A_93 : memref<10240x128xf32, #tpu.memory_space<vmem_shared>>) offsets(%dma_start3A_90 : memref<128xi32, #tpu.memory_space<vmem>>) semaphore(%run_scoped3A_87 : memref<!tpu.dma_semaphore, #tpu.memory_space<semaphore_mem>>) {add = true}
      %dma_wait3A_94 = arith.constant 0 : i32
      %dma_wait3A_95 = tpu.memref_slice %arg8[%run_scoped3A_78, %dma_wait3A_94] : memref<40x128xi32, #tpu.memory_space<vmem>> -> memref<1x128xi32, #tpu.memory_space<vmem>>
      %dma_wait3A_96 = tpu.memref_squeeze %dma_wait3A_95 : memref<1x128xi32, #tpu.memory_space<vmem>> -> memref<128xi32, #tpu.memory_space<vmem>>
      %dma_wait3A_97 = arith.constant 0 : i32
      %dma_wait3A_98 = arith.constant 0 : i32
      %dma_wait3A_99 = tpu.memref_slice %arg11[%dma_wait3A_97, %dma_wait3A_98] : memref<10240x128xf32, #tpu.memory_space<vmem_shared>> -> memref<10240x128xf32, #tpu.memory_space<vmem_shared>>
      tpu.wait_indirect_dma semaphore(%run_scoped3A_87 : memref<!tpu.dma_semaphore, #tpu.memory_space<semaphore_mem>>) src(%arg10 : memref<128x128xf32, #tpu.memory_space<vmem>>) dst(%dma_wait3A_99 : memref<10240x128xf32, #tpu.memory_space<vmem_shared>>)
      tpu.yield
    }) : () -> ()
    %barrier3A_79 = arith.constant 0 : index
    tpu.barrier barrier_id(%barrier3A_79)
    %mul3A_80 = arith.constant 10240 : i32
    %mul3A_81 = arith.muli %arg0, %mul3A_80 : i32
    %mul3A_82 = arith.constant 640 : i32
    %mul3A_83 = arith.muli %arg1, %mul3A_82 : i32
    %add3A_84 = arith.addi %mul3A_81, %mul3A_83 : i32
    %mul3A_85 = arith.constant 640 : i32
    %mul3A_86 = arith.muli %arg1, %mul3A_85 : i32
    "tpu.region"() ({
      %run_scoped3A_87 = tpu.sem_alloc : memref<!tpu.dma_semaphore, #tpu.memory_space<semaphore_mem>>
      %dma_start3A_88 = arith.constant 0 : i32
      %dma_start3A_89 = tpu.memref_slice %arg6[%add3A_84, %dma_start3A_88] : memref<20480x128xf32, #tpu.memory_space<hbm>> -> memref<640x128xf32, #tpu.memory_space<hbm>>
      %dma_start3A_90 = arith.constant 0 : i32
      %dma_start3A_91 = tpu.memref_slice %arg11[%mul3A_86, %dma_start3A_90] : memref<10240x128xf32, #tpu.memory_space<vmem_shared>> -> memref<640x128xf32, #tpu.memory_space<vmem_shared>>
      tpu.enqueue_dma source(%dma_start3A_91 : memref<640x128xf32, #tpu.memory_space<vmem_shared>>) target(%dma_start3A_89 : memref<640x128xf32, #tpu.memory_space<hbm>>) target_semaphore(%run_scoped3A_87 : memref<!tpu.dma_semaphore, #tpu.memory_space<semaphore_mem>>)
      %dma_wait3A_92 = arith.constant 0 : i32
      %dma_wait3A_93 = tpu.memref_slice %arg6[%add3A_84, %dma_wait3A_92] : memref<20480x128xf32, #tpu.memory_space<hbm>> -> memref<640x128xf32, #tpu.memory_space<hbm>>
      %dma_wait3A_94 = arith.constant 0 : i32
      %dma_wait3A_95 = tpu.memref_slice %arg11[%mul3A_86, %dma_wait3A_94] : memref<10240x128xf32, #tpu.memory_space<vmem_shared>> -> memref<640x128xf32, #tpu.memory_space<vmem_shared>>
      tpu.wait_dma2 semaphore(%run_scoped3A_87 : memref<!tpu.dma_semaphore, #tpu.memory_space<semaphore_mem>>) src(%dma_wait3A_95 : memref<640x128xf32, #tpu.memory_space<vmem_shared>>) dst(%dma_wait3A_93 : memref<640x128xf32, #tpu.memory_space<hbm>>)
      tpu.yield
    }) : () -> ()
    return
  }
}

#map = affine_map<(d0, d1) -> (0, 0)>
module attributes {stable_mosaic.version = 14 : i64} {
  func.func @_sc_aggr_body(%arg0: i32, %arg1: i32, %arg2: memref<40000x128xf32, #tpu.memory_space<hbm>>, %arg3: memref<2560x128xi32, #tpu.memory_space<hbm>>, %arg4: memref<2560x128xi32, #tpu.memory_space<hbm>>, %arg5: memref<640x128xf32, #tpu.memory_space<hbm>>, %arg6: memref<20480x128xf32, #tpu.memory_space<hbm>>, %arg7: memref<40x128xi32, #tpu.memory_space<vmem>>, %arg8: memref<40x128xi32, #tpu.memory_space<vmem>>, %arg9: memref<128x128xf32, #tpu.memory_space<vmem>>, %arg10: memref<128x128xf32, #tpu.memory_space<vmem>>, %arg11: memref<10240x128xf32, #tpu.memory_space<vmem_shared>>, %arg12: memref<!tpu.dma_semaphore, #tpu.memory_space<semaphore_mem>>, %arg13: memref<!tpu.dma_semaphore, #tpu.memory_space<semaphore_mem>>) attributes {dimension_semantics = [#tpu.dimension_semantics<core_parallel>, #tpu.dimension_semantics<subcore_parallel>], iteration_bounds = array<i64: 2, 16>, scalar_prefetch = 0 : i64, scratch_operands = 7 : i64, tpu.core_type = #tpu.core_type<sc_vector_subcore>, window_params = [{transform_indices = #map}, {transform_indices = #map}, {transform_indices = #map}, {transform_indices = #map}, {transform_indices = #map}]} {
    %mul3A = arith.constant 2 : i32
    %mul3A_0 = arith.muli %arg1, %mul3A : i32
    %add3A = arith.addi %mul3A_0, %arg0 : i32
    %mul3A_1 = arith.constant 640 : i32
    %mul3A_2 = arith.muli %arg1, %mul3A_1 : i32
    "tpu.region"() ({
      %run_scoped3A_87 = tpu.sem_alloc : memref<!tpu.dma_semaphore, #tpu.memory_space<semaphore_mem>>
      %dma_start3A_88 = arith.constant 0 : i32
      %dma_start3A_89 = tpu.memref_slice %arg11[%mul3A_2, %dma_start3A_88] : memref<10240x128xf32, #tpu.memory_space<vmem_shared>> -> memref<640x128xf32, #tpu.memory_space<vmem_shared>>
      tpu.enqueue_dma source(%arg5 : memref<640x128xf32, #tpu.memory_space<hbm>>) target(%dma_start3A_89 : memref<640x128xf32, #tpu.memory_space<vmem_shared>>) target_semaphore(%run_scoped3A_87 : memref<!tpu.dma_semaphore, #tpu.memory_space<semaphore_mem>>)
      %dma_wait3A_90 = arith.constant 0 : i32
      %dma_wait3A_91 = tpu.memref_slice %arg11[%mul3A_2, %dma_wait3A_90] : memref<10240x128xf32, #tpu.memory_space<vmem_shared>> -> memref<640x128xf32, #tpu.memory_space<vmem_shared>>
      tpu.wait_dma2 semaphore(%run_scoped3A_87 : memref<!tpu.dma_semaphore, #tpu.memory_space<semaphore_mem>>) src(%arg5 : memref<640x128xf32, #tpu.memory_space<hbm>>) dst(%dma_wait3A_91 : memref<640x128xf32, #tpu.memory_space<vmem_shared>>)
      tpu.yield
    }) : () -> ()
    %barrier3A = arith.constant 0 : index
    tpu.barrier barrier_id(%barrier3A)
    %mul3A_3 = arith.constant 80 : i32
    %mul3A_4 = arith.muli %add3A, %mul3A_3 : i32
    %add3A_5 = arith.constant 0 : i32
    %add3A_6 = arith.addi %mul3A_4, %add3A_5 : i32
    "tpu.region"() ({
      %run_scoped3A_87 = tpu.sem_alloc : memref<!tpu.dma_semaphore, #tpu.memory_space<semaphore_mem>>
      %dma_start3A_88 = arith.constant 0 : i32
      %dma_start3A_89 = tpu.memref_slice %arg3[%add3A_6, %dma_start3A_88] : memref<2560x128xi32, #tpu.memory_space<hbm>> -> memref<40x128xi32, #tpu.memory_space<hbm>>
      %dma_start3A_90 = arith.constant 0 : i32
      %dma_start3A_91 = tpu.memref_slice %arg3[%add3A_6, %dma_start3A_90] : memref<2560x128xi32, #tpu.memory_space<hbm>> -> memref<40x128xi32, #tpu.memory_space<hbm>>
      tpu.enqueue_dma source(%dma_start3A_91 : memref<40x128xi32, #tpu.memory_space<hbm>>) target(%arg7 : memref<40x128xi32, #tpu.memory_space<vmem>>) target_semaphore(%run_scoped3A_87 : memref<!tpu.dma_semaphore, #tpu.memory_space<semaphore_mem>>)
      %dma_wait3A_92 = arith.constant 0 : i32
      %dma_wait3A_93 = tpu.memref_slice %arg3[%add3A_6, %dma_wait3A_92] : memref<2560x128xi32, #tpu.memory_space<hbm>> -> memref<40x128xi32, #tpu.memory_space<hbm>>
      %dma_wait3A_94 = arith.constant 0 : i32
      %dma_wait3A_95 = tpu.memref_slice %arg3[%add3A_6, %dma_wait3A_94] : memref<2560x128xi32, #tpu.memory_space<hbm>> -> memref<40x128xi32, #tpu.memory_space<hbm>>
      tpu.wait_dma2 semaphore(%run_scoped3A_87 : memref<!tpu.dma_semaphore, #tpu.memory_space<semaphore_mem>>) src(%dma_wait3A_95 : memref<40x128xi32, #tpu.memory_space<hbm>>) dst(%arg7 : memref<40x128xi32, #tpu.memory_space<vmem>>)
      tpu.yield
    }) : () -> ()
    "tpu.region"() ({
      %run_scoped3A_87 = tpu.sem_alloc : memref<!tpu.dma_semaphore, #tpu.memory_space<semaphore_mem>>
      %dma_start3A_88 = arith.constant 0 : i32
      %dma_start3A_89 = tpu.memref_slice %arg4[%add3A_6, %dma_start3A_88] : memref<2560x128xi32, #tpu.memory_space<hbm>> -> memref<40x128xi32, #tpu.memory_space<hbm>>
      %dma_start3A_90 = arith.constant 0 : i32
      %dma_start3A_91 = tpu.memref_slice %arg4[%add3A_6, %dma_start3A_90] : memref<2560x128xi32, #tpu.memory_space<hbm>> -> memref<40x128xi32, #tpu.memory_space<hbm>>
      tpu.enqueue_dma source(%dma_start3A_91 : memref<40x128xi32, #tpu.memory_space<hbm>>) target(%arg8 : memref<40x128xi32, #tpu.memory_space<vmem>>) target_semaphore(%run_scoped3A_87 : memref<!tpu.dma_semaphore, #tpu.memory_space<semaphore_mem>>)
      %dma_wait3A_92 = arith.constant 0 : i32
      %dma_wait3A_93 = tpu.memref_slice %arg4[%add3A_6, %dma_wait3A_92] : memref<2560x128xi32, #tpu.memory_space<hbm>> -> memref<40x128xi32, #tpu.memory_space<hbm>>
      %dma_wait3A_94 = arith.constant 0 : i32
      %dma_wait3A_95 = tpu.memref_slice %arg4[%add3A_6, %dma_wait3A_94] : memref<2560x128xi32, #tpu.memory_space<hbm>> -> memref<40x128xi32, #tpu.memory_space<hbm>>
      tpu.wait_dma2 semaphore(%run_scoped3A_87 : memref<!tpu.dma_semaphore, #tpu.memory_space<semaphore_mem>>) src(%dma_wait3A_95 : memref<40x128xi32, #tpu.memory_space<hbm>>) dst(%arg8 : memref<40x128xi32, #tpu.memory_space<vmem>>)
      tpu.yield
    }) : () -> ()
    %dma_start3A = arith.constant 0 : i32
    %dma_start3A_7 = arith.constant 0 : i32
    %dma_start3A_8 = tpu.memref_slice %arg7[%dma_start3A, %dma_start3A_7] : memref<40x128xi32, #tpu.memory_space<vmem>> -> memref<1x128xi32, #tpu.memory_space<vmem>>
    %dma_start3A_9 = tpu.memref_squeeze %dma_start3A_8 : memref<1x128xi32, #tpu.memory_space<vmem>> -> memref<128xi32, #tpu.memory_space<vmem>>
    %dma_start3A_10 = arith.constant 0 : i32
    %dma_start3A_11 = arith.constant 0 : i32
    %dma_start3A_12 = tpu.memref_slice %arg2[%dma_start3A_10, %dma_start3A_11] : memref<40000x128xf32, #tpu.memory_space<hbm>> -> memref<40000x128xf32, #tpu.memory_space<hbm>>
    tpu.enqueue_indirect_dma source(%dma_start3A_12 : memref<40000x128xf32, #tpu.memory_space<hbm>>) target(%arg9 : memref<128x128xf32, #tpu.memory_space<vmem>>) offsets(%dma_start3A_9 : memref<128xi32, #tpu.memory_space<vmem>>) semaphore(%arg12 : memref<!tpu.dma_semaphore, #tpu.memory_space<semaphore_mem>>)
    %scan3A = arith.constant 0 : i32
    %scan3A_13 = arith.constant 0 : i32
    %scan3A_14 = arith.constant 19 : i32
    %scan3A_15 = arith.addi %scan3A_13, %scan3A_14 : i32
    %scan3A_16 = arith.constant 1 : i32
    scf.for %scan3A_87 = %scan3A_13 to %scan3A_15 step %scan3A_16  : i32 {
      %mul3A_88 = arith.constant 2 : i32
      %mul3A_89 = arith.muli %mul3A_88, %scan3A_87 : i32
      %add3A_90 = arith.constant 1 : i32
      %add3A_91 = arith.addi %mul3A_89, %add3A_90 : i32
      %dma_start3A_92 = arith.constant 0 : i32
      %dma_start3A_93 = tpu.memref_slice %arg7[%add3A_91, %dma_start3A_92] : memref<40x128xi32, #tpu.memory_space<vmem>> -> memref<1x128xi32, #tpu.memory_space<vmem>>
      %dma_start3A_94 = tpu.memref_squeeze %dma_start3A_93 : memref<1x128xi32, #tpu.memory_space<vmem>> -> memref<128xi32, #tpu.memory_space<vmem>>
      %dma_start3A_95 = arith.constant 0 : i32
      %dma_start3A_96 = arith.constant 0 : i32
      %dma_start3A_97 = tpu.memref_slice %arg2[%dma_start3A_95, %dma_start3A_96] : memref<40000x128xf32, #tpu.memory_space<hbm>> -> memref<40000x128xf32, #tpu.memory_space<hbm>>
      tpu.enqueue_indirect_dma source(%dma_start3A_97 : memref<40000x128xf32, #tpu.memory_space<hbm>>) target(%arg10 : memref<128x128xf32, #tpu.memory_space<vmem>>) offsets(%dma_start3A_94 : memref<128xi32, #tpu.memory_space<vmem>>) semaphore(%arg13 : memref<!tpu.dma_semaphore, #tpu.memory_space<semaphore_mem>>)
      %dma_wait3A_98 = arith.constant 0 : i32
      %dma_wait3A_99 = tpu.memref_slice %arg7[%mul3A_89, %dma_wait3A_98] : memref<40x128xi32, #tpu.memory_space<vmem>> -> memref<1x128xi32, #tpu.memory_space<vmem>>
      %dma_wait3A_100 = tpu.memref_squeeze %dma_wait3A_99 : memref<1x128xi32, #tpu.memory_space<vmem>> -> memref<128xi32, #tpu.memory_space<vmem>>
      %dma_wait3A_101 = arith.constant 0 : i32
      %dma_wait3A_102 = arith.constant 0 : i32
      %dma_wait3A_103 = tpu.memref_slice %arg2[%dma_wait3A_101, %dma_wait3A_102] : memref<40000x128xf32, #tpu.memory_space<hbm>> -> memref<40000x128xf32, #tpu.memory_space<hbm>>
      tpu.wait_indirect_dma semaphore(%arg12 : memref<!tpu.dma_semaphore, #tpu.memory_space<semaphore_mem>>) src(%dma_wait3A_103 : memref<40000x128xf32, #tpu.memory_space<hbm>>) dst(%arg9 : memref<128x128xf32, #tpu.memory_space<vmem>>)
      "tpu.region"() ({
        %run_scoped3A_122 = tpu.sem_alloc : memref<!tpu.dma_semaphore, #tpu.memory_space<semaphore_mem>>
        %dma_start3A_123 = arith.constant 0 : i32
        %dma_start3A_124 = tpu.memref_slice %arg8[%mul3A_89, %dma_start3A_123] : memref<40x128xi32, #tpu.memory_space<vmem>> -> memref<1x128xi32, #tpu.memory_space<vmem>>
        %dma_start3A_125 = tpu.memref_squeeze %dma_start3A_124 : memref<1x128xi32, #tpu.memory_space<vmem>> -> memref<128xi32, #tpu.memory_space<vmem>>
        %dma_start3A_126 = arith.constant 0 : i32
        %dma_start3A_127 = arith.constant 0 : i32
        %dma_start3A_128 = tpu.memref_slice %arg11[%dma_start3A_126, %dma_start3A_127] : memref<10240x128xf32, #tpu.memory_space<vmem_shared>> -> memref<10240x128xf32, #tpu.memory_space<vmem_shared>>
        tpu.enqueue_indirect_dma source(%arg9 : memref<128x128xf32, #tpu.memory_space<vmem>>) target(%dma_start3A_128 : memref<10240x128xf32, #tpu.memory_space<vmem_shared>>) offsets(%dma_start3A_125 : memref<128xi32, #tpu.memory_space<vmem>>) semaphore(%run_scoped3A_122 : memref<!tpu.dma_semaphore, #tpu.memory_space<semaphore_mem>>) {add = true}
        %dma_wait3A_129 = arith.constant 0 : i32
        %dma_wait3A_130 = tpu.memref_slice %arg8[%mul3A_89, %dma_wait3A_129] : memref<40x128xi32, #tpu.memory_space<vmem>> -> memref<1x128xi32, #tpu.memory_space<vmem>>
        %dma_wait3A_131 = tpu.memref_squeeze %dma_wait3A_130 : memref<1x128xi32, #tpu.memory_space<vmem>> -> memref<128xi32, #tpu.memory_space<vmem>>
        %dma_wait3A_132 = arith.constant 0 : i32
        %dma_wait3A_133 = arith.constant 0 : i32
        %dma_wait3A_134 = tpu.memref_slice %arg11[%dma_wait3A_132, %dma_wait3A_133] : memref<10240x128xf32, #tpu.memory_space<vmem_shared>> -> memref<10240x128xf32, #tpu.memory_space<vmem_shared>>
        tpu.wait_indirect_dma semaphore(%run_scoped3A_122 : memref<!tpu.dma_semaphore, #tpu.memory_space<semaphore_mem>>) src(%arg9 : memref<128x128xf32, #tpu.memory_space<vmem>>) dst(%dma_wait3A_134 : memref<10240x128xf32, #tpu.memory_space<vmem_shared>>)
        tpu.yield
      }) : () -> ()
      %add3A_104 = arith.constant 2 : i32
      %add3A_105 = arith.addi %mul3A_89, %add3A_104 : i32
      %dma_start3A_106 = arith.constant 0 : i32
      %dma_start3A_107 = tpu.memref_slice %arg7[%add3A_105, %dma_start3A_106] : memref<40x128xi32, #tpu.memory_space<vmem>> -> memref<1x128xi32, #tpu.memory_space<vmem>>
      %dma_start3A_108 = tpu.memref_squeeze %dma_start3A_107 : memref<1x128xi32, #tpu.memory_space<vmem>> -> memref<128xi32, #tpu.memory_space<vmem>>
      %dma_start3A_109 = arith.constant 0 : i32
      %dma_start3A_110 = arith.constant 0 : i32
      %dma_start3A_111 = tpu.memref_slice %arg2[%dma_start3A_109, %dma_start3A_110] : memref<40000x128xf32, #tpu.memory_space<hbm>> -> memref<40000x128xf32, #tpu.memory_space<hbm>>
      tpu.enqueue_indirect_dma source(%dma_start3A_111 : memref<40000x128xf32, #tpu.memory_space<hbm>>) target(%arg9 : memref<128x128xf32, #tpu.memory_space<vmem>>) offsets(%dma_start3A_108 : memref<128xi32, #tpu.memory_space<vmem>>) semaphore(%arg12 : memref<!tpu.dma_semaphore, #tpu.memory_space<semaphore_mem>>)
      %add3A_112 = arith.constant 1 : i32
      %add3A_113 = arith.addi %mul3A_89, %add3A_112 : i32
      %dma_wait3A_114 = arith.constant 0 : i32
      %dma_wait3A_115 = tpu.memref_slice %arg7[%add3A_113, %dma_wait3A_114] : memref<40x128xi32, #tpu.memory_space<vmem>> -> memref<1x128xi32, #tpu.memory_space<vmem>>
      %dma_wait3A_116 = tpu.memref_squeeze %dma_wait3A_115 : memref<1x128xi32, #tpu.memory_space<vmem>> -> memref<128xi32, #tpu.memory_space<vmem>>
      %dma_wait3A_117 = arith.constant 0 : i32
      %dma_wait3A_118 = arith.constant 0 : i32
      %dma_wait3A_119 = tpu.memref_slice %arg2[%dma_wait3A_117, %dma_wait3A_118] : memref<40000x128xf32, #tpu.memory_space<hbm>> -> memref<40000x128xf32, #tpu.memory_space<hbm>>
      tpu.wait_indirect_dma semaphore(%arg13 : memref<!tpu.dma_semaphore, #tpu.memory_space<semaphore_mem>>) src(%dma_wait3A_119 : memref<40000x128xf32, #tpu.memory_space<hbm>>) dst(%arg10 : memref<128x128xf32, #tpu.memory_space<vmem>>)
      %add3A_120 = arith.constant 1 : i32
      %add3A_121 = arith.addi %mul3A_89, %add3A_120 : i32
      "tpu.region"() ({
        %run_scoped3A_122 = tpu.sem_alloc : memref<!tpu.dma_semaphore, #tpu.memory_space<semaphore_mem>>
        %dma_start3A_123 = arith.constant 0 : i32
        %dma_start3A_124 = tpu.memref_slice %arg8[%add3A_121, %dma_start3A_123] : memref<40x128xi32, #tpu.memory_space<vmem>> -> memref<1x128xi32, #tpu.memory_space<vmem>>
        %dma_start3A_125 = tpu.memref_squeeze %dma_start3A_124 : memref<1x128xi32, #tpu.memory_space<vmem>> -> memref<128xi32, #tpu.memory_space<vmem>>
        %dma_start3A_126 = arith.constant 0 : i32
        %dma_start3A_127 = arith.constant 0 : i32
        %dma_start3A_128 = tpu.memref_slice %arg11[%dma_start3A_126, %dma_start3A_127] : memref<10240x128xf32, #tpu.memory_space<vmem_shared>> -> memref<10240x128xf32, #tpu.memory_space<vmem_shared>>
        tpu.enqueue_indirect_dma source(%arg10 : memref<128x128xf32, #tpu.memory_space<vmem>>) target(%dma_start3A_128 : memref<10240x128xf32, #tpu.memory_space<vmem_shared>>) offsets(%dma_start3A_125 : memref<128xi32, #tpu.memory_space<vmem>>) semaphore(%run_scoped3A_122 : memref<!tpu.dma_semaphore, #tpu.memory_space<semaphore_mem>>) {add = true}
        %dma_wait3A_129 = arith.constant 0 : i32
        %dma_wait3A_130 = tpu.memref_slice %arg8[%add3A_121, %dma_wait3A_129] : memref<40x128xi32, #tpu.memory_space<vmem>> -> memref<1x128xi32, #tpu.memory_space<vmem>>
        %dma_wait3A_131 = tpu.memref_squeeze %dma_wait3A_130 : memref<1x128xi32, #tpu.memory_space<vmem>> -> memref<128xi32, #tpu.memory_space<vmem>>
        %dma_wait3A_132 = arith.constant 0 : i32
        %dma_wait3A_133 = arith.constant 0 : i32
        %dma_wait3A_134 = tpu.memref_slice %arg11[%dma_wait3A_132, %dma_wait3A_133] : memref<10240x128xf32, #tpu.memory_space<vmem_shared>> -> memref<10240x128xf32, #tpu.memory_space<vmem_shared>>
        tpu.wait_indirect_dma semaphore(%run_scoped3A_122 : memref<!tpu.dma_semaphore, #tpu.memory_space<semaphore_mem>>) src(%arg10 : memref<128x128xf32, #tpu.memory_space<vmem>>) dst(%dma_wait3A_134 : memref<10240x128xf32, #tpu.memory_space<vmem_shared>>)
        tpu.yield
      }) : () -> ()
    }
    %scan3A_17 = arith.constant 19 : i32
    %dma_start3A_18 = arith.constant 39 : i32
    %dma_start3A_19 = arith.constant 0 : i32
    %dma_start3A_20 = tpu.memref_slice %arg7[%dma_start3A_18, %dma_start3A_19] : memref<40x128xi32, #tpu.memory_space<vmem>> -> memref<1x128xi32, #tpu.memory_space<vmem>>
    %dma_start3A_21 = tpu.memref_squeeze %dma_start3A_20 : memref<1x128xi32, #tpu.memory_space<vmem>> -> memref<128xi32, #tpu.memory_space<vmem>>
    %dma_start3A_22 = arith.constant 0 : i32
    %dma_start3A_23 = arith.constant 0 : i32
    %dma_start3A_24 = tpu.memref_slice %arg2[%dma_start3A_22, %dma_start3A_23] : memref<40000x128xf32, #tpu.memory_space<hbm>> -> memref<40000x128xf32, #tpu.memory_space<hbm>>
    tpu.enqueue_indirect_dma source(%dma_start3A_24 : memref<40000x128xf32, #tpu.memory_space<hbm>>) target(%arg10 : memref<128x128xf32, #tpu.memory_space<vmem>>) offsets(%dma_start3A_21 : memref<128xi32, #tpu.memory_space<vmem>>) semaphore(%arg13 : memref<!tpu.dma_semaphore, #tpu.memory_space<semaphore_mem>>)
    %dma_wait3A = arith.constant 38 : i32
    %dma_wait3A_25 = arith.constant 0 : i32
    %dma_wait3A_26 = tpu.memref_slice %arg7[%dma_wait3A, %dma_wait3A_25] : memref<40x128xi32, #tpu.memory_space<vmem>> -> memref<1x128xi32, #tpu.memory_space<vmem>>
    %dma_wait3A_27 = tpu.memref_squeeze %dma_wait3A_26 : memref<1x128xi32, #tpu.memory_space<vmem>> -> memref<128xi32, #tpu.memory_space<vmem>>
    %dma_wait3A_28 = arith.constant 0 : i32
    %dma_wait3A_29 = arith.constant 0 : i32
    %dma_wait3A_30 = tpu.memref_slice %arg2[%dma_wait3A_28, %dma_wait3A_29] : memref<40000x128xf32, #tpu.memory_space<hbm>> -> memref<40000x128xf32, #tpu.memory_space<hbm>>
    tpu.wait_indirect_dma semaphore(%arg12 : memref<!tpu.dma_semaphore, #tpu.memory_space<semaphore_mem>>) src(%dma_wait3A_30 : memref<40000x128xf32, #tpu.memory_space<hbm>>) dst(%arg9 : memref<128x128xf32, #tpu.memory_space<vmem>>)
    %run_scoped3A = arith.constant 38 : i32
    "tpu.region"() ({
      %run_scoped3A_87 = tpu.sem_alloc : memref<!tpu.dma_semaphore, #tpu.memory_space<semaphore_mem>>
      %dma_start3A_88 = arith.constant 0 : i32
      %dma_start3A_89 = tpu.memref_slice %arg8[%run_scoped3A, %dma_start3A_88] : memref<40x128xi32, #tpu.memory_space<vmem>> -> memref<1x128xi32, #tpu.memory_space<vmem>>
      %dma_start3A_90 = tpu.memref_squeeze %dma_start3A_89 : memref<1x128xi32, #tpu.memory_space<vmem>> -> memref<128xi32, #tpu.memory_space<vmem>>
      %dma_start3A_91 = arith.constant 0 : i32
      %dma_start3A_92 = arith.constant 0 : i32
      %dma_start3A_93 = tpu.memref_slice %arg11[%dma_start3A_91, %dma_start3A_92] : memref<10240x128xf32, #tpu.memory_space<vmem_shared>> -> memref<10240x128xf32, #tpu.memory_space<vmem_shared>>
      tpu.enqueue_indirect_dma source(%arg9 : memref<128x128xf32, #tpu.memory_space<vmem>>) target(%dma_start3A_93 : memref<10240x128xf32, #tpu.memory_space<vmem_shared>>) offsets(%dma_start3A_90 : memref<128xi32, #tpu.memory_space<vmem>>) semaphore(%run_scoped3A_87 : memref<!tpu.dma_semaphore, #tpu.memory_space<semaphore_mem>>) {add = true}
      %dma_wait3A_94 = arith.constant 0 : i32
      %dma_wait3A_95 = tpu.memref_slice %arg8[%run_scoped3A, %dma_wait3A_94] : memref<40x128xi32, #tpu.memory_space<vmem>> -> memref<1x128xi32, #tpu.memory_space<vmem>>
      %dma_wait3A_96 = tpu.memref_squeeze %dma_wait3A_95 : memref<1x128xi32, #tpu.memory_space<vmem>> -> memref<128xi32, #tpu.memory_space<vmem>>
      %dma_wait3A_97 = arith.constant 0 : i32
      %dma_wait3A_98 = arith.constant 0 : i32
      %dma_wait3A_99 = tpu.memref_slice %arg11[%dma_wait3A_97, %dma_wait3A_98] : memref<10240x128xf32, #tpu.memory_space<vmem_shared>> -> memref<10240x128xf32, #tpu.memory_space<vmem_shared>>
      tpu.wait_indirect_dma semaphore(%run_scoped3A_87 : memref<!tpu.dma_semaphore, #tpu.memory_space<semaphore_mem>>) src(%arg9 : memref<128x128xf32, #tpu.memory_space<vmem>>) dst(%dma_wait3A_99 : memref<10240x128xf32, #tpu.memory_space<vmem_shared>>)
      tpu.yield
    }) : () -> ()
    %dma_wait3A_31 = arith.constant 39 : i32
    %dma_wait3A_32 = arith.constant 0 : i32
    %dma_wait3A_33 = tpu.memref_slice %arg7[%dma_wait3A_31, %dma_wait3A_32] : memref<40x128xi32, #tpu.memory_space<vmem>> -> memref<1x128xi32, #tpu.memory_space<vmem>>
    %dma_wait3A_34 = tpu.memref_squeeze %dma_wait3A_33 : memref<1x128xi32, #tpu.memory_space<vmem>> -> memref<128xi32, #tpu.memory_space<vmem>>
    %dma_wait3A_35 = arith.constant 0 : i32
    %dma_wait3A_36 = arith.constant 0 : i32
    %dma_wait3A_37 = tpu.memref_slice %arg2[%dma_wait3A_35, %dma_wait3A_36] : memref<40000x128xf32, #tpu.memory_space<hbm>> -> memref<40000x128xf32, #tpu.memory_space<hbm>>
    tpu.wait_indirect_dma semaphore(%arg13 : memref<!tpu.dma_semaphore, #tpu.memory_space<semaphore_mem>>) src(%dma_wait3A_37 : memref<40000x128xf32, #tpu.memory_space<hbm>>) dst(%arg10 : memref<128x128xf32, #tpu.memory_space<vmem>>)
    %run_scoped3A_38 = arith.constant 39 : i32
    "tpu.region"() ({
      %run_scoped3A_87 = tpu.sem_alloc : memref<!tpu.dma_semaphore, #tpu.memory_space<semaphore_mem>>
      %dma_start3A_88 = arith.constant 0 : i32
      %dma_start3A_89 = tpu.memref_slice %arg8[%run_scoped3A_38, %dma_start3A_88] : memref<40x128xi32, #tpu.memory_space<vmem>> -> memref<1x128xi32, #tpu.memory_space<vmem>>
      %dma_start3A_90 = tpu.memref_squeeze %dma_start3A_89 : memref<1x128xi32, #tpu.memory_space<vmem>> -> memref<128xi32, #tpu.memory_space<vmem>>
      %dma_start3A_91 = arith.constant 0 : i32
      %dma_start3A_92 = arith.constant 0 : i32
      %dma_start3A_93 = tpu.memref_slice %arg11[%dma_start3A_91, %dma_start3A_92] : memref<10240x128xf32, #tpu.memory_space<vmem_shared>> -> memref<10240x128xf32, #tpu.memory_space<vmem_shared>>
      tpu.enqueue_indirect_dma source(%arg10 : memref<128x128xf32, #tpu.memory_space<vmem>>) target(%dma_start3A_93 : memref<10240x128xf32, #tpu.memory_space<vmem_shared>>) offsets(%dma_start3A_90 : memref<128xi32, #tpu.memory_space<vmem>>) semaphore(%run_scoped3A_87 : memref<!tpu.dma_semaphore, #tpu.memory_space<semaphore_mem>>) {add = true}
      %dma_wait3A_94 = arith.constant 0 : i32
      %dma_wait3A_95 = tpu.memref_slice %arg8[%run_scoped3A_38, %dma_wait3A_94] : memref<40x128xi32, #tpu.memory_space<vmem>> -> memref<1x128xi32, #tpu.memory_space<vmem>>
      %dma_wait3A_96 = tpu.memref_squeeze %dma_wait3A_95 : memref<1x128xi32, #tpu.memory_space<vmem>> -> memref<128xi32, #tpu.memory_space<vmem>>
      %dma_wait3A_97 = arith.constant 0 : i32
      %dma_wait3A_98 = arith.constant 0 : i32
      %dma_wait3A_99 = tpu.memref_slice %arg11[%dma_wait3A_97, %dma_wait3A_98] : memref<10240x128xf32, #tpu.memory_space<vmem_shared>> -> memref<10240x128xf32, #tpu.memory_space<vmem_shared>>
      tpu.wait_indirect_dma semaphore(%run_scoped3A_87 : memref<!tpu.dma_semaphore, #tpu.memory_space<semaphore_mem>>) src(%arg10 : memref<128x128xf32, #tpu.memory_space<vmem>>) dst(%dma_wait3A_99 : memref<10240x128xf32, #tpu.memory_space<vmem_shared>>)
      tpu.yield
    }) : () -> ()
    %mul3A_39 = arith.constant 80 : i32
    %mul3A_40 = arith.muli %add3A, %mul3A_39 : i32
    %add3A_41 = arith.constant 40 : i32
    %add3A_42 = arith.addi %mul3A_40, %add3A_41 : i32
    "tpu.region"() ({
      %run_scoped3A_87 = tpu.sem_alloc : memref<!tpu.dma_semaphore, #tpu.memory_space<semaphore_mem>>
      %dma_start3A_88 = arith.constant 0 : i32
      %dma_start3A_89 = tpu.memref_slice %arg3[%add3A_42, %dma_start3A_88] : memref<2560x128xi32, #tpu.memory_space<hbm>> -> memref<40x128xi32, #tpu.memory_space<hbm>>
      %dma_start3A_90 = arith.constant 0 : i32
      %dma_start3A_91 = tpu.memref_slice %arg3[%add3A_42, %dma_start3A_90] : memref<2560x128xi32, #tpu.memory_space<hbm>> -> memref<40x128xi32, #tpu.memory_space<hbm>>
      tpu.enqueue_dma source(%dma_start3A_91 : memref<40x128xi32, #tpu.memory_space<hbm>>) target(%arg7 : memref<40x128xi32, #tpu.memory_space<vmem>>) target_semaphore(%run_scoped3A_87 : memref<!tpu.dma_semaphore, #tpu.memory_space<semaphore_mem>>)
      %dma_wait3A_92 = arith.constant 0 : i32
      %dma_wait3A_93 = tpu.memref_slice %arg3[%add3A_42, %dma_wait3A_92] : memref<2560x128xi32, #tpu.memory_space<hbm>> -> memref<40x128xi32, #tpu.memory_space<hbm>>
      %dma_wait3A_94 = arith.constant 0 : i32
      %dma_wait3A_95 = tpu.memref_slice %arg3[%add3A_42, %dma_wait3A_94] : memref<2560x128xi32, #tpu.memory_space<hbm>> -> memref<40x128xi32, #tpu.memory_space<hbm>>
      tpu.wait_dma2 semaphore(%run_scoped3A_87 : memref<!tpu.dma_semaphore, #tpu.memory_space<semaphore_mem>>) src(%dma_wait3A_95 : memref<40x128xi32, #tpu.memory_space<hbm>>) dst(%arg7 : memref<40x128xi32, #tpu.memory_space<vmem>>)
      tpu.yield
    }) : () -> ()
    "tpu.region"() ({
      %run_scoped3A_87 = tpu.sem_alloc : memref<!tpu.dma_semaphore, #tpu.memory_space<semaphore_mem>>
      %dma_start3A_88 = arith.constant 0 : i32
      %dma_start3A_89 = tpu.memref_slice %arg4[%add3A_42, %dma_start3A_88] : memref<2560x128xi32, #tpu.memory_space<hbm>> -> memref<40x128xi32, #tpu.memory_space<hbm>>
      %dma_start3A_90 = arith.constant 0 : i32
      %dma_start3A_91 = tpu.memref_slice %arg4[%add3A_42, %dma_start3A_90] : memref<2560x128xi32, #tpu.memory_space<hbm>> -> memref<40x128xi32, #tpu.memory_space<hbm>>
      tpu.enqueue_dma source(%dma_start3A_91 : memref<40x128xi32, #tpu.memory_space<hbm>>) target(%arg8 : memref<40x128xi32, #tpu.memory_space<vmem>>) target_semaphore(%run_scoped3A_87 : memref<!tpu.dma_semaphore, #tpu.memory_space<semaphore_mem>>)
      %dma_wait3A_92 = arith.constant 0 : i32
      %dma_wait3A_93 = tpu.memref_slice %arg4[%add3A_42, %dma_wait3A_92] : memref<2560x128xi32, #tpu.memory_space<hbm>> -> memref<40x128xi32, #tpu.memory_space<hbm>>
      %dma_wait3A_94 = arith.constant 0 : i32
      %dma_wait3A_95 = tpu.memref_slice %arg4[%add3A_42, %dma_wait3A_94] : memref<2560x128xi32, #tpu.memory_space<hbm>> -> memref<40x128xi32, #tpu.memory_space<hbm>>
      tpu.wait_dma2 semaphore(%run_scoped3A_87 : memref<!tpu.dma_semaphore, #tpu.memory_space<semaphore_mem>>) src(%dma_wait3A_95 : memref<40x128xi32, #tpu.memory_space<hbm>>) dst(%arg8 : memref<40x128xi32, #tpu.memory_space<vmem>>)
      tpu.yield
    }) : () -> ()
    %dma_start3A_43 = arith.constant 0 : i32
    %dma_start3A_44 = arith.constant 0 : i32
    %dma_start3A_45 = tpu.memref_slice %arg7[%dma_start3A_43, %dma_start3A_44] : memref<40x128xi32, #tpu.memory_space<vmem>> -> memref<1x128xi32, #tpu.memory_space<vmem>>
    %dma_start3A_46 = tpu.memref_squeeze %dma_start3A_45 : memref<1x128xi32, #tpu.memory_space<vmem>> -> memref<128xi32, #tpu.memory_space<vmem>>
    %dma_start3A_47 = arith.constant 0 : i32
    %dma_start3A_48 = arith.constant 0 : i32
    %dma_start3A_49 = tpu.memref_slice %arg2[%dma_start3A_47, %dma_start3A_48] : memref<40000x128xf32, #tpu.memory_space<hbm>> -> memref<40000x128xf32, #tpu.memory_space<hbm>>
    tpu.enqueue_indirect_dma source(%dma_start3A_49 : memref<40000x128xf32, #tpu.memory_space<hbm>>) target(%arg9 : memref<128x128xf32, #tpu.memory_space<vmem>>) offsets(%dma_start3A_46 : memref<128xi32, #tpu.memory_space<vmem>>) semaphore(%arg12 : memref<!tpu.dma_semaphore, #tpu.memory_space<semaphore_mem>>)
    %scan3A_50 = arith.constant 0 : i32
    %scan3A_51 = arith.constant 0 : i32
    %scan3A_52 = arith.constant 19 : i32
    %scan3A_53 = arith.addi %scan3A_51, %scan3A_52 : i32
    %scan3A_54 = arith.constant 1 : i32
    scf.for %scan3A_87 = %scan3A_51 to %scan3A_53 step %scan3A_54  : i32 {
      %mul3A_88 = arith.constant 2 : i32
      %mul3A_89 = arith.muli %mul3A_88, %scan3A_87 : i32
      %add3A_90 = arith.constant 1 : i32
      %add3A_91 = arith.addi %mul3A_89, %add3A_90 : i32
      %dma_start3A_92 = arith.constant 0 : i32
      %dma_start3A_93 = tpu.memref_slice %arg7[%add3A_91, %dma_start3A_92] : memref<40x128xi32, #tpu.memory_space<vmem>> -> memref<1x128xi32, #tpu.memory_space<vmem>>
      %dma_start3A_94 = tpu.memref_squeeze %dma_start3A_93 : memref<1x128xi32, #tpu.memory_space<vmem>> -> memref<128xi32, #tpu.memory_space<vmem>>
      %dma_start3A_95 = arith.constant 0 : i32
      %dma_start3A_96 = arith.constant 0 : i32
      %dma_start3A_97 = tpu.memref_slice %arg2[%dma_start3A_95, %dma_start3A_96] : memref<40000x128xf32, #tpu.memory_space<hbm>> -> memref<40000x128xf32, #tpu.memory_space<hbm>>
      tpu.enqueue_indirect_dma source(%dma_start3A_97 : memref<40000x128xf32, #tpu.memory_space<hbm>>) target(%arg10 : memref<128x128xf32, #tpu.memory_space<vmem>>) offsets(%dma_start3A_94 : memref<128xi32, #tpu.memory_space<vmem>>) semaphore(%arg13 : memref<!tpu.dma_semaphore, #tpu.memory_space<semaphore_mem>>)
      %dma_wait3A_98 = arith.constant 0 : i32
      %dma_wait3A_99 = tpu.memref_slice %arg7[%mul3A_89, %dma_wait3A_98] : memref<40x128xi32, #tpu.memory_space<vmem>> -> memref<1x128xi32, #tpu.memory_space<vmem>>
      %dma_wait3A_100 = tpu.memref_squeeze %dma_wait3A_99 : memref<1x128xi32, #tpu.memory_space<vmem>> -> memref<128xi32, #tpu.memory_space<vmem>>
      %dma_wait3A_101 = arith.constant 0 : i32
      %dma_wait3A_102 = arith.constant 0 : i32
      %dma_wait3A_103 = tpu.memref_slice %arg2[%dma_wait3A_101, %dma_wait3A_102] : memref<40000x128xf32, #tpu.memory_space<hbm>> -> memref<40000x128xf32, #tpu.memory_space<hbm>>
      tpu.wait_indirect_dma semaphore(%arg12 : memref<!tpu.dma_semaphore, #tpu.memory_space<semaphore_mem>>) src(%dma_wait3A_103 : memref<40000x128xf32, #tpu.memory_space<hbm>>) dst(%arg9 : memref<128x128xf32, #tpu.memory_space<vmem>>)
      "tpu.region"() ({
        %run_scoped3A_122 = tpu.sem_alloc : memref<!tpu.dma_semaphore, #tpu.memory_space<semaphore_mem>>
        %dma_start3A_123 = arith.constant 0 : i32
        %dma_start3A_124 = tpu.memref_slice %arg8[%mul3A_89, %dma_start3A_123] : memref<40x128xi32, #tpu.memory_space<vmem>> -> memref<1x128xi32, #tpu.memory_space<vmem>>
        %dma_start3A_125 = tpu.memref_squeeze %dma_start3A_124 : memref<1x128xi32, #tpu.memory_space<vmem>> -> memref<128xi32, #tpu.memory_space<vmem>>
        %dma_start3A_126 = arith.constant 0 : i32
        %dma_start3A_127 = arith.constant 0 : i32
        %dma_start3A_128 = tpu.memref_slice %arg11[%dma_start3A_126, %dma_start3A_127] : memref<10240x128xf32, #tpu.memory_space<vmem_shared>> -> memref<10240x128xf32, #tpu.memory_space<vmem_shared>>
        tpu.enqueue_indirect_dma source(%arg9 : memref<128x128xf32, #tpu.memory_space<vmem>>) target(%dma_start3A_128 : memref<10240x128xf32, #tpu.memory_space<vmem_shared>>) offsets(%dma_start3A_125 : memref<128xi32, #tpu.memory_space<vmem>>) semaphore(%run_scoped3A_122 : memref<!tpu.dma_semaphore, #tpu.memory_space<semaphore_mem>>) {add = true}
        %dma_wait3A_129 = arith.constant 0 : i32
        %dma_wait3A_130 = tpu.memref_slice %arg8[%mul3A_89, %dma_wait3A_129] : memref<40x128xi32, #tpu.memory_space<vmem>> -> memref<1x128xi32, #tpu.memory_space<vmem>>
        %dma_wait3A_131 = tpu.memref_squeeze %dma_wait3A_130 : memref<1x128xi32, #tpu.memory_space<vmem>> -> memref<128xi32, #tpu.memory_space<vmem>>
        %dma_wait3A_132 = arith.constant 0 : i32
        %dma_wait3A_133 = arith.constant 0 : i32
        %dma_wait3A_134 = tpu.memref_slice %arg11[%dma_wait3A_132, %dma_wait3A_133] : memref<10240x128xf32, #tpu.memory_space<vmem_shared>> -> memref<10240x128xf32, #tpu.memory_space<vmem_shared>>
        tpu.wait_indirect_dma semaphore(%run_scoped3A_122 : memref<!tpu.dma_semaphore, #tpu.memory_space<semaphore_mem>>) src(%arg9 : memref<128x128xf32, #tpu.memory_space<vmem>>) dst(%dma_wait3A_134 : memref<10240x128xf32, #tpu.memory_space<vmem_shared>>)
        tpu.yield
      }) : () -> ()
      %add3A_104 = arith.constant 2 : i32
      %add3A_105 = arith.addi %mul3A_89, %add3A_104 : i32
      %dma_start3A_106 = arith.constant 0 : i32
      %dma_start3A_107 = tpu.memref_slice %arg7[%add3A_105, %dma_start3A_106] : memref<40x128xi32, #tpu.memory_space<vmem>> -> memref<1x128xi32, #tpu.memory_space<vmem>>
      %dma_start3A_108 = tpu.memref_squeeze %dma_start3A_107 : memref<1x128xi32, #tpu.memory_space<vmem>> -> memref<128xi32, #tpu.memory_space<vmem>>
      %dma_start3A_109 = arith.constant 0 : i32
      %dma_start3A_110 = arith.constant 0 : i32
      %dma_start3A_111 = tpu.memref_slice %arg2[%dma_start3A_109, %dma_start3A_110] : memref<40000x128xf32, #tpu.memory_space<hbm>> -> memref<40000x128xf32, #tpu.memory_space<hbm>>
      tpu.enqueue_indirect_dma source(%dma_start3A_111 : memref<40000x128xf32, #tpu.memory_space<hbm>>) target(%arg9 : memref<128x128xf32, #tpu.memory_space<vmem>>) offsets(%dma_start3A_108 : memref<128xi32, #tpu.memory_space<vmem>>) semaphore(%arg12 : memref<!tpu.dma_semaphore, #tpu.memory_space<semaphore_mem>>)
      %add3A_112 = arith.constant 1 : i32
      %add3A_113 = arith.addi %mul3A_89, %add3A_112 : i32
      %dma_wait3A_114 = arith.constant 0 : i32
      %dma_wait3A_115 = tpu.memref_slice %arg7[%add3A_113, %dma_wait3A_114] : memref<40x128xi32, #tpu.memory_space<vmem>> -> memref<1x128xi32, #tpu.memory_space<vmem>>
      %dma_wait3A_116 = tpu.memref_squeeze %dma_wait3A_115 : memref<1x128xi32, #tpu.memory_space<vmem>> -> memref<128xi32, #tpu.memory_space<vmem>>
      %dma_wait3A_117 = arith.constant 0 : i32
      %dma_wait3A_118 = arith.constant 0 : i32
      %dma_wait3A_119 = tpu.memref_slice %arg2[%dma_wait3A_117, %dma_wait3A_118] : memref<40000x128xf32, #tpu.memory_space<hbm>> -> memref<40000x128xf32, #tpu.memory_space<hbm>>
      tpu.wait_indirect_dma semaphore(%arg13 : memref<!tpu.dma_semaphore, #tpu.memory_space<semaphore_mem>>) src(%dma_wait3A_119 : memref<40000x128xf32, #tpu.memory_space<hbm>>) dst(%arg10 : memref<128x128xf32, #tpu.memory_space<vmem>>)
      %add3A_120 = arith.constant 1 : i32
      %add3A_121 = arith.addi %mul3A_89, %add3A_120 : i32
      "tpu.region"() ({
        %run_scoped3A_122 = tpu.sem_alloc : memref<!tpu.dma_semaphore, #tpu.memory_space<semaphore_mem>>
        %dma_start3A_123 = arith.constant 0 : i32
        %dma_start3A_124 = tpu.memref_slice %arg8[%add3A_121, %dma_start3A_123] : memref<40x128xi32, #tpu.memory_space<vmem>> -> memref<1x128xi32, #tpu.memory_space<vmem>>
        %dma_start3A_125 = tpu.memref_squeeze %dma_start3A_124 : memref<1x128xi32, #tpu.memory_space<vmem>> -> memref<128xi32, #tpu.memory_space<vmem>>
        %dma_start3A_126 = arith.constant 0 : i32
        %dma_start3A_127 = arith.constant 0 : i32
        %dma_start3A_128 = tpu.memref_slice %arg11[%dma_start3A_126, %dma_start3A_127] : memref<10240x128xf32, #tpu.memory_space<vmem_shared>> -> memref<10240x128xf32, #tpu.memory_space<vmem_shared>>
        tpu.enqueue_indirect_dma source(%arg10 : memref<128x128xf32, #tpu.memory_space<vmem>>) target(%dma_start3A_128 : memref<10240x128xf32, #tpu.memory_space<vmem_shared>>) offsets(%dma_start3A_125 : memref<128xi32, #tpu.memory_space<vmem>>) semaphore(%run_scoped3A_122 : memref<!tpu.dma_semaphore, #tpu.memory_space<semaphore_mem>>) {add = true}
        %dma_wait3A_129 = arith.constant 0 : i32
        %dma_wait3A_130 = tpu.memref_slice %arg8[%add3A_121, %dma_wait3A_129] : memref<40x128xi32, #tpu.memory_space<vmem>> -> memref<1x128xi32, #tpu.memory_space<vmem>>
        %dma_wait3A_131 = tpu.memref_squeeze %dma_wait3A_130 : memref<1x128xi32, #tpu.memory_space<vmem>> -> memref<128xi32, #tpu.memory_space<vmem>>
        %dma_wait3A_132 = arith.constant 0 : i32
        %dma_wait3A_133 = arith.constant 0 : i32
        %dma_wait3A_134 = tpu.memref_slice %arg11[%dma_wait3A_132, %dma_wait3A_133] : memref<10240x128xf32, #tpu.memory_space<vmem_shared>> -> memref<10240x128xf32, #tpu.memory_space<vmem_shared>>
        tpu.wait_indirect_dma semaphore(%run_scoped3A_122 : memref<!tpu.dma_semaphore, #tpu.memory_space<semaphore_mem>>) src(%arg10 : memref<128x128xf32, #tpu.memory_space<vmem>>) dst(%dma_wait3A_134 : memref<10240x128xf32, #tpu.memory_space<vmem_shared>>)
        tpu.yield
      }) : () -> ()
    }
    %scan3A_55 = arith.constant 19 : i32
    %dma_start3A_56 = arith.constant 39 : i32
    %dma_start3A_57 = arith.constant 0 : i32
    %dma_start3A_58 = tpu.memref_slice %arg7[%dma_start3A_56, %dma_start3A_57] : memref<40x128xi32, #tpu.memory_space<vmem>> -> memref<1x128xi32, #tpu.memory_space<vmem>>
    %dma_start3A_59 = tpu.memref_squeeze %dma_start3A_58 : memref<1x128xi32, #tpu.memory_space<vmem>> -> memref<128xi32, #tpu.memory_space<vmem>>
    %dma_start3A_60 = arith.constant 0 : i32
    %dma_start3A_61 = arith.constant 0 : i32
    %dma_start3A_62 = tpu.memref_slice %arg2[%dma_start3A_60, %dma_start3A_61] : memref<40000x128xf32, #tpu.memory_space<hbm>> -> memref<40000x128xf32, #tpu.memory_space<hbm>>
    tpu.enqueue_indirect_dma source(%dma_start3A_62 : memref<40000x128xf32, #tpu.memory_space<hbm>>) target(%arg10 : memref<128x128xf32, #tpu.memory_space<vmem>>) offsets(%dma_start3A_59 : memref<128xi32, #tpu.memory_space<vmem>>) semaphore(%arg13 : memref<!tpu.dma_semaphore, #tpu.memory_space<semaphore_mem>>)
    %dma_wait3A_63 = arith.constant 38 : i32
    %dma_wait3A_64 = arith.constant 0 : i32
    %dma_wait3A_65 = tpu.memref_slice %arg7[%dma_wait3A_63, %dma_wait3A_64] : memref<40x128xi32, #tpu.memory_space<vmem>> -> memref<1x128xi32, #tpu.memory_space<vmem>>
    %dma_wait3A_66 = tpu.memref_squeeze %dma_wait3A_65 : memref<1x128xi32, #tpu.memory_space<vmem>> -> memref<128xi32, #tpu.memory_space<vmem>>
    %dma_wait3A_67 = arith.constant 0 : i32
    %dma_wait3A_68 = arith.constant 0 : i32
    %dma_wait3A_69 = tpu.memref_slice %arg2[%dma_wait3A_67, %dma_wait3A_68] : memref<40000x128xf32, #tpu.memory_space<hbm>> -> memref<40000x128xf32, #tpu.memory_space<hbm>>
    tpu.wait_indirect_dma semaphore(%arg12 : memref<!tpu.dma_semaphore, #tpu.memory_space<semaphore_mem>>) src(%dma_wait3A_69 : memref<40000x128xf32, #tpu.memory_space<hbm>>) dst(%arg9 : memref<128x128xf32, #tpu.memory_space<vmem>>)
    %run_scoped3A_70 = arith.constant 38 : i32
    "tpu.region"() ({
      %run_scoped3A_87 = tpu.sem_alloc : memref<!tpu.dma_semaphore, #tpu.memory_space<semaphore_mem>>
      %dma_start3A_88 = arith.constant 0 : i32
      %dma_start3A_89 = tpu.memref_slice %arg8[%run_scoped3A_70, %dma_start3A_88] : memref<40x128xi32, #tpu.memory_space<vmem>> -> memref<1x128xi32, #tpu.memory_space<vmem>>
      %dma_start3A_90 = tpu.memref_squeeze %dma_start3A_89 : memref<1x128xi32, #tpu.memory_space<vmem>> -> memref<128xi32, #tpu.memory_space<vmem>>
      %dma_start3A_91 = arith.constant 0 : i32
      %dma_start3A_92 = arith.constant 0 : i32
      %dma_start3A_93 = tpu.memref_slice %arg11[%dma_start3A_91, %dma_start3A_92] : memref<10240x128xf32, #tpu.memory_space<vmem_shared>> -> memref<10240x128xf32, #tpu.memory_space<vmem_shared>>
      tpu.enqueue_indirect_dma source(%arg9 : memref<128x128xf32, #tpu.memory_space<vmem>>) target(%dma_start3A_93 : memref<10240x128xf32, #tpu.memory_space<vmem_shared>>) offsets(%dma_start3A_90 : memref<128xi32, #tpu.memory_space<vmem>>) semaphore(%run_scoped3A_87 : memref<!tpu.dma_semaphore, #tpu.memory_space<semaphore_mem>>) {add = true}
      %dma_wait3A_94 = arith.constant 0 : i32
      %dma_wait3A_95 = tpu.memref_slice %arg8[%run_scoped3A_70, %dma_wait3A_94] : memref<40x128xi32, #tpu.memory_space<vmem>> -> memref<1x128xi32, #tpu.memory_space<vmem>>
      %dma_wait3A_96 = tpu.memref_squeeze %dma_wait3A_95 : memref<1x128xi32, #tpu.memory_space<vmem>> -> memref<128xi32, #tpu.memory_space<vmem>>
      %dma_wait3A_97 = arith.constant 0 : i32
      %dma_wait3A_98 = arith.constant 0 : i32
      %dma_wait3A_99 = tpu.memref_slice %arg11[%dma_wait3A_97, %dma_wait3A_98] : memref<10240x128xf32, #tpu.memory_space<vmem_shared>> -> memref<10240x128xf32, #tpu.memory_space<vmem_shared>>
      tpu.wait_indirect_dma semaphore(%run_scoped3A_87 : memref<!tpu.dma_semaphore, #tpu.memory_space<semaphore_mem>>) src(%arg9 : memref<128x128xf32, #tpu.memory_space<vmem>>) dst(%dma_wait3A_99 : memref<10240x128xf32, #tpu.memory_space<vmem_shared>>)
      tpu.yield
    }) : () -> ()
    %dma_wait3A_71 = arith.constant 39 : i32
    %dma_wait3A_72 = arith.constant 0 : i32
    %dma_wait3A_73 = tpu.memref_slice %arg7[%dma_wait3A_71, %dma_wait3A_72] : memref<40x128xi32, #tpu.memory_space<vmem>> -> memref<1x128xi32, #tpu.memory_space<vmem>>
    %dma_wait3A_74 = tpu.memref_squeeze %dma_wait3A_73 : memref<1x128xi32, #tpu.memory_space<vmem>> -> memref<128xi32, #tpu.memory_space<vmem>>
    %dma_wait3A_75 = arith.constant 0 : i32
    %dma_wait3A_76 = arith.constant 0 : i32
    %dma_wait3A_77 = tpu.memref_slice %arg2[%dma_wait3A_75, %dma_wait3A_76] : memref<40000x128xf32, #tpu.memory_space<hbm>> -> memref<40000x128xf32, #tpu.memory_space<hbm>>
    tpu.wait_indirect_dma semaphore(%arg13 : memref<!tpu.dma_semaphore, #tpu.memory_space<semaphore_mem>>) src(%dma_wait3A_77 : memref<40000x128xf32, #tpu.memory_space<hbm>>) dst(%arg10 : memref<128x128xf32, #tpu.memory_space<vmem>>)
    %run_scoped3A_78 = arith.constant 39 : i32
    "tpu.region"() ({
      %run_scoped3A_87 = tpu.sem_alloc : memref<!tpu.dma_semaphore, #tpu.memory_space<semaphore_mem>>
      %dma_start3A_88 = arith.constant 0 : i32
      %dma_start3A_89 = tpu.memref_slice %arg8[%run_scoped3A_78, %dma_start3A_88] : memref<40x128xi32, #tpu.memory_space<vmem>> -> memref<1x128xi32, #tpu.memory_space<vmem>>
      %dma_start3A_90 = tpu.memref_squeeze %dma_start3A_89 : memref<1x128xi32, #tpu.memory_space<vmem>> -> memref<128xi32, #tpu.memory_space<vmem>>
      %dma_start3A_91 = arith.constant 0 : i32
      %dma_start3A_92 = arith.constant 0 : i32
      %dma_start3A_93 = tpu.memref_slice %arg11[%dma_start3A_91, %dma_start3A_92] : memref<10240x128xf32, #tpu.memory_space<vmem_shared>> -> memref<10240x128xf32, #tpu.memory_space<vmem_shared>>
      tpu.enqueue_indirect_dma source(%arg10 : memref<128x128xf32, #tpu.memory_space<vmem>>) target(%dma_start3A_93 : memref<10240x128xf32, #tpu.memory_space<vmem_shared>>) offsets(%dma_start3A_90 : memref<128xi32, #tpu.memory_space<vmem>>) semaphore(%run_scoped3A_87 : memref<!tpu.dma_semaphore, #tpu.memory_space<semaphore_mem>>) {add = true}
      %dma_wait3A_94 = arith.constant 0 : i32
      %dma_wait3A_95 = tpu.memref_slice %arg8[%run_scoped3A_78, %dma_wait3A_94] : memref<40x128xi32, #tpu.memory_space<vmem>> -> memref<1x128xi32, #tpu.memory_space<vmem>>
      %dma_wait3A_96 = tpu.memref_squeeze %dma_wait3A_95 : memref<1x128xi32, #tpu.memory_space<vmem>> -> memref<128xi32, #tpu.memory_space<vmem>>
      %dma_wait3A_97 = arith.constant 0 : i32
      %dma_wait3A_98 = arith.constant 0 : i32
      %dma_wait3A_99 = tpu.memref_slice %arg11[%dma_wait3A_97, %dma_wait3A_98] : memref<10240x128xf32, #tpu.memory_space<vmem_shared>> -> memref<10240x128xf32, #tpu.memory_space<vmem_shared>>
      tpu.wait_indirect_dma semaphore(%run_scoped3A_87 : memref<!tpu.dma_semaphore, #tpu.memory_space<semaphore_mem>>) src(%arg10 : memref<128x128xf32, #tpu.memory_space<vmem>>) dst(%dma_wait3A_99 : memref<10240x128xf32, #tpu.memory_space<vmem_shared>>)
      tpu.yield
    }) : () -> ()
    %barrier3A_79 = arith.constant 0 : index
    tpu.barrier barrier_id(%barrier3A_79)
    %mul3A_80 = arith.constant 10240 : i32
    %mul3A_81 = arith.muli %arg0, %mul3A_80 : i32
    %mul3A_82 = arith.constant 640 : i32
    %mul3A_83 = arith.muli %arg1, %mul3A_82 : i32
    %add3A_84 = arith.addi %mul3A_81, %mul3A_83 : i32
    %mul3A_85 = arith.constant 640 : i32
    %mul3A_86 = arith.muli %arg1, %mul3A_85 : i32
    "tpu.region"() ({
      %run_scoped3A_87 = tpu.sem_alloc : memref<!tpu.dma_semaphore, #tpu.memory_space<semaphore_mem>>
      %dma_start3A_88 = arith.constant 0 : i32
      %dma_start3A_89 = tpu.memref_slice %arg6[%add3A_84, %dma_start3A_88] : memref<20480x128xf32, #tpu.memory_space<hbm>> -> memref<640x128xf32, #tpu.memory_space<hbm>>
      %dma_start3A_90 = arith.constant 0 : i32
      %dma_start3A_91 = tpu.memref_slice %arg11[%mul3A_86, %dma_start3A_90] : memref<10240x128xf32, #tpu.memory_space<vmem_shared>> -> memref<640x128xf32, #tpu.memory_space<vmem_shared>>
      tpu.enqueue_dma source(%dma_start3A_91 : memref<640x128xf32, #tpu.memory_space<vmem_shared>>) target(%dma_start3A_89 : memref<640x128xf32, #tpu.memory_space<hbm>>) target_semaphore(%run_scoped3A_87 : memref<!tpu.dma_semaphore, #tpu.memory_space<semaphore_mem>>)
      %dma_wait3A_92 = arith.constant 0 : i32
      %dma_wait3A_93 = tpu.memref_slice %arg6[%add3A_84, %dma_wait3A_92] : memref<20480x128xf32, #tpu.memory_space<hbm>> -> memref<640x128xf32, #tpu.memory_space<hbm>>
      %dma_wait3A_94 = arith.constant 0 : i32
      %dma_wait3A_95 = tpu.memref_slice %arg11[%mul3A_86, %dma_wait3A_94] : memref<10240x128xf32, #tpu.memory_space<vmem_shared>> -> memref<640x128xf32, #tpu.memory_space<vmem_shared>>
      tpu.wait_dma2 semaphore(%run_scoped3A_87 : memref<!tpu.dma_semaphore, #tpu.memory_space<semaphore_mem>>) src(%dma_wait3A_95 : memref<640x128xf32, #tpu.memory_space<vmem_shared>>) dst(%dma_wait3A_93 : memref<640x128xf32, #tpu.memory_space<hbm>>)
      tpu.yield
    }) : () -> ()
    return
  }
}

#map = affine_map<(d0, d1) -> (0, 0)>
module attributes {stable_mosaic.version = 14 : i64} {
  func.func @_sc_aggr_body(%arg0: i32, %arg1: i32, %arg2: memref<40000x128xf32, #tpu.memory_space<hbm>>, %arg3: memref<2560x128xi32, #tpu.memory_space<hbm>>, %arg4: memref<2560x128xi32, #tpu.memory_space<hbm>>, %arg5: memref<640x128xf32, #tpu.memory_space<hbm>>, %arg6: memref<20480x128xf32, #tpu.memory_space<hbm>>, %arg7: memref<40x128xi32, #tpu.memory_space<vmem>>, %arg8: memref<40x128xi32, #tpu.memory_space<vmem>>, %arg9: memref<128x128xf32, #tpu.memory_space<vmem>>, %arg10: memref<128x128xf32, #tpu.memory_space<vmem>>, %arg11: memref<10240x128xf32, #tpu.memory_space<vmem_shared>>, %arg12: memref<!tpu.dma_semaphore, #tpu.memory_space<semaphore_mem>>, %arg13: memref<!tpu.dma_semaphore, #tpu.memory_space<semaphore_mem>>) attributes {dimension_semantics = [#tpu.dimension_semantics<core_parallel>, #tpu.dimension_semantics<subcore_parallel>], iteration_bounds = array<i64: 2, 16>, scalar_prefetch = 0 : i64, scratch_operands = 7 : i64, tpu.core_type = #tpu.core_type<sc_vector_subcore>, window_params = [{transform_indices = #map}, {transform_indices = #map}, {transform_indices = #map}, {transform_indices = #map}, {transform_indices = #map}]} {
    %mul3A = arith.constant 2 : i32
    %mul3A_0 = arith.muli %arg1, %mul3A : i32
    %add3A = arith.addi %mul3A_0, %arg0 : i32
    %mul3A_1 = arith.constant 640 : i32
    %mul3A_2 = arith.muli %arg1, %mul3A_1 : i32
    "tpu.region"() ({
      %run_scoped3A_87 = tpu.sem_alloc : memref<!tpu.dma_semaphore, #tpu.memory_space<semaphore_mem>>
      %dma_start3A_88 = arith.constant 0 : i32
      %dma_start3A_89 = tpu.memref_slice %arg11[%mul3A_2, %dma_start3A_88] : memref<10240x128xf32, #tpu.memory_space<vmem_shared>> -> memref<640x128xf32, #tpu.memory_space<vmem_shared>>
      tpu.enqueue_dma source(%arg5 : memref<640x128xf32, #tpu.memory_space<hbm>>) target(%dma_start3A_89 : memref<640x128xf32, #tpu.memory_space<vmem_shared>>) target_semaphore(%run_scoped3A_87 : memref<!tpu.dma_semaphore, #tpu.memory_space<semaphore_mem>>)
      %dma_wait3A_90 = arith.constant 0 : i32
      %dma_wait3A_91 = tpu.memref_slice %arg11[%mul3A_2, %dma_wait3A_90] : memref<10240x128xf32, #tpu.memory_space<vmem_shared>> -> memref<640x128xf32, #tpu.memory_space<vmem_shared>>
      tpu.wait_dma2 semaphore(%run_scoped3A_87 : memref<!tpu.dma_semaphore, #tpu.memory_space<semaphore_mem>>) src(%arg5 : memref<640x128xf32, #tpu.memory_space<hbm>>) dst(%dma_wait3A_91 : memref<640x128xf32, #tpu.memory_space<vmem_shared>>)
      tpu.yield
    }) : () -> ()
    %barrier3A = arith.constant 0 : index
    tpu.barrier barrier_id(%barrier3A)
    %mul3A_3 = arith.constant 80 : i32
    %mul3A_4 = arith.muli %add3A, %mul3A_3 : i32
    %add3A_5 = arith.constant 0 : i32
    %add3A_6 = arith.addi %mul3A_4, %add3A_5 : i32
    "tpu.region"() ({
      %run_scoped3A_87 = tpu.sem_alloc : memref<!tpu.dma_semaphore, #tpu.memory_space<semaphore_mem>>
      %dma_start3A_88 = arith.constant 0 : i32
      %dma_start3A_89 = tpu.memref_slice %arg3[%add3A_6, %dma_start3A_88] : memref<2560x128xi32, #tpu.memory_space<hbm>> -> memref<40x128xi32, #tpu.memory_space<hbm>>
      %dma_start3A_90 = arith.constant 0 : i32
      %dma_start3A_91 = tpu.memref_slice %arg3[%add3A_6, %dma_start3A_90] : memref<2560x128xi32, #tpu.memory_space<hbm>> -> memref<40x128xi32, #tpu.memory_space<hbm>>
      tpu.enqueue_dma source(%dma_start3A_91 : memref<40x128xi32, #tpu.memory_space<hbm>>) target(%arg7 : memref<40x128xi32, #tpu.memory_space<vmem>>) target_semaphore(%run_scoped3A_87 : memref<!tpu.dma_semaphore, #tpu.memory_space<semaphore_mem>>)
      %dma_wait3A_92 = arith.constant 0 : i32
      %dma_wait3A_93 = tpu.memref_slice %arg3[%add3A_6, %dma_wait3A_92] : memref<2560x128xi32, #tpu.memory_space<hbm>> -> memref<40x128xi32, #tpu.memory_space<hbm>>
      %dma_wait3A_94 = arith.constant 0 : i32
      %dma_wait3A_95 = tpu.memref_slice %arg3[%add3A_6, %dma_wait3A_94] : memref<2560x128xi32, #tpu.memory_space<hbm>> -> memref<40x128xi32, #tpu.memory_space<hbm>>
      tpu.wait_dma2 semaphore(%run_scoped3A_87 : memref<!tpu.dma_semaphore, #tpu.memory_space<semaphore_mem>>) src(%dma_wait3A_95 : memref<40x128xi32, #tpu.memory_space<hbm>>) dst(%arg7 : memref<40x128xi32, #tpu.memory_space<vmem>>)
      tpu.yield
    }) : () -> ()
    "tpu.region"() ({
      %run_scoped3A_87 = tpu.sem_alloc : memref<!tpu.dma_semaphore, #tpu.memory_space<semaphore_mem>>
      %dma_start3A_88 = arith.constant 0 : i32
      %dma_start3A_89 = tpu.memref_slice %arg4[%add3A_6, %dma_start3A_88] : memref<2560x128xi32, #tpu.memory_space<hbm>> -> memref<40x128xi32, #tpu.memory_space<hbm>>
      %dma_start3A_90 = arith.constant 0 : i32
      %dma_start3A_91 = tpu.memref_slice %arg4[%add3A_6, %dma_start3A_90] : memref<2560x128xi32, #tpu.memory_space<hbm>> -> memref<40x128xi32, #tpu.memory_space<hbm>>
      tpu.enqueue_dma source(%dma_start3A_91 : memref<40x128xi32, #tpu.memory_space<hbm>>) target(%arg8 : memref<40x128xi32, #tpu.memory_space<vmem>>) target_semaphore(%run_scoped3A_87 : memref<!tpu.dma_semaphore, #tpu.memory_space<semaphore_mem>>)
      %dma_wait3A_92 = arith.constant 0 : i32
      %dma_wait3A_93 = tpu.memref_slice %arg4[%add3A_6, %dma_wait3A_92] : memref<2560x128xi32, #tpu.memory_space<hbm>> -> memref<40x128xi32, #tpu.memory_space<hbm>>
      %dma_wait3A_94 = arith.constant 0 : i32
      %dma_wait3A_95 = tpu.memref_slice %arg4[%add3A_6, %dma_wait3A_94] : memref<2560x128xi32, #tpu.memory_space<hbm>> -> memref<40x128xi32, #tpu.memory_space<hbm>>
      tpu.wait_dma2 semaphore(%run_scoped3A_87 : memref<!tpu.dma_semaphore, #tpu.memory_space<semaphore_mem>>) src(%dma_wait3A_95 : memref<40x128xi32, #tpu.memory_space<hbm>>) dst(%arg8 : memref<40x128xi32, #tpu.memory_space<vmem>>)
      tpu.yield
    }) : () -> ()
    %dma_start3A = arith.constant 0 : i32
    %dma_start3A_7 = arith.constant 0 : i32
    %dma_start3A_8 = tpu.memref_slice %arg7[%dma_start3A, %dma_start3A_7] : memref<40x128xi32, #tpu.memory_space<vmem>> -> memref<1x128xi32, #tpu.memory_space<vmem>>
    %dma_start3A_9 = tpu.memref_squeeze %dma_start3A_8 : memref<1x128xi32, #tpu.memory_space<vmem>> -> memref<128xi32, #tpu.memory_space<vmem>>
    %dma_start3A_10 = arith.constant 0 : i32
    %dma_start3A_11 = arith.constant 0 : i32
    %dma_start3A_12 = tpu.memref_slice %arg2[%dma_start3A_10, %dma_start3A_11] : memref<40000x128xf32, #tpu.memory_space<hbm>> -> memref<40000x128xf32, #tpu.memory_space<hbm>>
    tpu.enqueue_indirect_dma source(%dma_start3A_12 : memref<40000x128xf32, #tpu.memory_space<hbm>>) target(%arg9 : memref<128x128xf32, #tpu.memory_space<vmem>>) offsets(%dma_start3A_9 : memref<128xi32, #tpu.memory_space<vmem>>) semaphore(%arg12 : memref<!tpu.dma_semaphore, #tpu.memory_space<semaphore_mem>>)
    %scan3A = arith.constant 0 : i32
    %scan3A_13 = arith.constant 0 : i32
    %scan3A_14 = arith.constant 19 : i32
    %scan3A_15 = arith.addi %scan3A_13, %scan3A_14 : i32
    %scan3A_16 = arith.constant 1 : i32
    scf.for %scan3A_87 = %scan3A_13 to %scan3A_15 step %scan3A_16  : i32 {
      %mul3A_88 = arith.constant 2 : i32
      %mul3A_89 = arith.muli %mul3A_88, %scan3A_87 : i32
      %add3A_90 = arith.constant 1 : i32
      %add3A_91 = arith.addi %mul3A_89, %add3A_90 : i32
      %dma_start3A_92 = arith.constant 0 : i32
      %dma_start3A_93 = tpu.memref_slice %arg7[%add3A_91, %dma_start3A_92] : memref<40x128xi32, #tpu.memory_space<vmem>> -> memref<1x128xi32, #tpu.memory_space<vmem>>
      %dma_start3A_94 = tpu.memref_squeeze %dma_start3A_93 : memref<1x128xi32, #tpu.memory_space<vmem>> -> memref<128xi32, #tpu.memory_space<vmem>>
      %dma_start3A_95 = arith.constant 0 : i32
      %dma_start3A_96 = arith.constant 0 : i32
      %dma_start3A_97 = tpu.memref_slice %arg2[%dma_start3A_95, %dma_start3A_96] : memref<40000x128xf32, #tpu.memory_space<hbm>> -> memref<40000x128xf32, #tpu.memory_space<hbm>>
      tpu.enqueue_indirect_dma source(%dma_start3A_97 : memref<40000x128xf32, #tpu.memory_space<hbm>>) target(%arg10 : memref<128x128xf32, #tpu.memory_space<vmem>>) offsets(%dma_start3A_94 : memref<128xi32, #tpu.memory_space<vmem>>) semaphore(%arg13 : memref<!tpu.dma_semaphore, #tpu.memory_space<semaphore_mem>>)
      %dma_wait3A_98 = arith.constant 0 : i32
      %dma_wait3A_99 = tpu.memref_slice %arg7[%mul3A_89, %dma_wait3A_98] : memref<40x128xi32, #tpu.memory_space<vmem>> -> memref<1x128xi32, #tpu.memory_space<vmem>>
      %dma_wait3A_100 = tpu.memref_squeeze %dma_wait3A_99 : memref<1x128xi32, #tpu.memory_space<vmem>> -> memref<128xi32, #tpu.memory_space<vmem>>
      %dma_wait3A_101 = arith.constant 0 : i32
      %dma_wait3A_102 = arith.constant 0 : i32
      %dma_wait3A_103 = tpu.memref_slice %arg2[%dma_wait3A_101, %dma_wait3A_102] : memref<40000x128xf32, #tpu.memory_space<hbm>> -> memref<40000x128xf32, #tpu.memory_space<hbm>>
      tpu.wait_indirect_dma semaphore(%arg12 : memref<!tpu.dma_semaphore, #tpu.memory_space<semaphore_mem>>) src(%dma_wait3A_103 : memref<40000x128xf32, #tpu.memory_space<hbm>>) dst(%arg9 : memref<128x128xf32, #tpu.memory_space<vmem>>)
      "tpu.region"() ({
        %run_scoped3A_122 = tpu.sem_alloc : memref<!tpu.dma_semaphore, #tpu.memory_space<semaphore_mem>>
        %dma_start3A_123 = arith.constant 0 : i32
        %dma_start3A_124 = tpu.memref_slice %arg8[%mul3A_89, %dma_start3A_123] : memref<40x128xi32, #tpu.memory_space<vmem>> -> memref<1x128xi32, #tpu.memory_space<vmem>>
        %dma_start3A_125 = tpu.memref_squeeze %dma_start3A_124 : memref<1x128xi32, #tpu.memory_space<vmem>> -> memref<128xi32, #tpu.memory_space<vmem>>
        %dma_start3A_126 = arith.constant 0 : i32
        %dma_start3A_127 = arith.constant 0 : i32
        %dma_start3A_128 = tpu.memref_slice %arg11[%dma_start3A_126, %dma_start3A_127] : memref<10240x128xf32, #tpu.memory_space<vmem_shared>> -> memref<10240x128xf32, #tpu.memory_space<vmem_shared>>
        tpu.enqueue_indirect_dma source(%arg9 : memref<128x128xf32, #tpu.memory_space<vmem>>) target(%dma_start3A_128 : memref<10240x128xf32, #tpu.memory_space<vmem_shared>>) offsets(%dma_start3A_125 : memref<128xi32, #tpu.memory_space<vmem>>) semaphore(%run_scoped3A_122 : memref<!tpu.dma_semaphore, #tpu.memory_space<semaphore_mem>>) {add = true}
        %dma_wait3A_129 = arith.constant 0 : i32
        %dma_wait3A_130 = tpu.memref_slice %arg8[%mul3A_89, %dma_wait3A_129] : memref<40x128xi32, #tpu.memory_space<vmem>> -> memref<1x128xi32, #tpu.memory_space<vmem>>
        %dma_wait3A_131 = tpu.memref_squeeze %dma_wait3A_130 : memref<1x128xi32, #tpu.memory_space<vmem>> -> memref<128xi32, #tpu.memory_space<vmem>>
        %dma_wait3A_132 = arith.constant 0 : i32
        %dma_wait3A_133 = arith.constant 0 : i32
        %dma_wait3A_134 = tpu.memref_slice %arg11[%dma_wait3A_132, %dma_wait3A_133] : memref<10240x128xf32, #tpu.memory_space<vmem_shared>> -> memref<10240x128xf32, #tpu.memory_space<vmem_shared>>
        tpu.wait_indirect_dma semaphore(%run_scoped3A_122 : memref<!tpu.dma_semaphore, #tpu.memory_space<semaphore_mem>>) src(%arg9 : memref<128x128xf32, #tpu.memory_space<vmem>>) dst(%dma_wait3A_134 : memref<10240x128xf32, #tpu.memory_space<vmem_shared>>)
        tpu.yield
      }) : () -> ()
      %add3A_104 = arith.constant 2 : i32
      %add3A_105 = arith.addi %mul3A_89, %add3A_104 : i32
      %dma_start3A_106 = arith.constant 0 : i32
      %dma_start3A_107 = tpu.memref_slice %arg7[%add3A_105, %dma_start3A_106] : memref<40x128xi32, #tpu.memory_space<vmem>> -> memref<1x128xi32, #tpu.memory_space<vmem>>
      %dma_start3A_108 = tpu.memref_squeeze %dma_start3A_107 : memref<1x128xi32, #tpu.memory_space<vmem>> -> memref<128xi32, #tpu.memory_space<vmem>>
      %dma_start3A_109 = arith.constant 0 : i32
      %dma_start3A_110 = arith.constant 0 : i32
      %dma_start3A_111 = tpu.memref_slice %arg2[%dma_start3A_109, %dma_start3A_110] : memref<40000x128xf32, #tpu.memory_space<hbm>> -> memref<40000x128xf32, #tpu.memory_space<hbm>>
      tpu.enqueue_indirect_dma source(%dma_start3A_111 : memref<40000x128xf32, #tpu.memory_space<hbm>>) target(%arg9 : memref<128x128xf32, #tpu.memory_space<vmem>>) offsets(%dma_start3A_108 : memref<128xi32, #tpu.memory_space<vmem>>) semaphore(%arg12 : memref<!tpu.dma_semaphore, #tpu.memory_space<semaphore_mem>>)
      %add3A_112 = arith.constant 1 : i32
      %add3A_113 = arith.addi %mul3A_89, %add3A_112 : i32
      %dma_wait3A_114 = arith.constant 0 : i32
      %dma_wait3A_115 = tpu.memref_slice %arg7[%add3A_113, %dma_wait3A_114] : memref<40x128xi32, #tpu.memory_space<vmem>> -> memref<1x128xi32, #tpu.memory_space<vmem>>
      %dma_wait3A_116 = tpu.memref_squeeze %dma_wait3A_115 : memref<1x128xi32, #tpu.memory_space<vmem>> -> memref<128xi32, #tpu.memory_space<vmem>>
      %dma_wait3A_117 = arith.constant 0 : i32
      %dma_wait3A_118 = arith.constant 0 : i32
      %dma_wait3A_119 = tpu.memref_slice %arg2[%dma_wait3A_117, %dma_wait3A_118] : memref<40000x128xf32, #tpu.memory_space<hbm>> -> memref<40000x128xf32, #tpu.memory_space<hbm>>
      tpu.wait_indirect_dma semaphore(%arg13 : memref<!tpu.dma_semaphore, #tpu.memory_space<semaphore_mem>>) src(%dma_wait3A_119 : memref<40000x128xf32, #tpu.memory_space<hbm>>) dst(%arg10 : memref<128x128xf32, #tpu.memory_space<vmem>>)
      %add3A_120 = arith.constant 1 : i32
      %add3A_121 = arith.addi %mul3A_89, %add3A_120 : i32
      "tpu.region"() ({
        %run_scoped3A_122 = tpu.sem_alloc : memref<!tpu.dma_semaphore, #tpu.memory_space<semaphore_mem>>
        %dma_start3A_123 = arith.constant 0 : i32
        %dma_start3A_124 = tpu.memref_slice %arg8[%add3A_121, %dma_start3A_123] : memref<40x128xi32, #tpu.memory_space<vmem>> -> memref<1x128xi32, #tpu.memory_space<vmem>>
        %dma_start3A_125 = tpu.memref_squeeze %dma_start3A_124 : memref<1x128xi32, #tpu.memory_space<vmem>> -> memref<128xi32, #tpu.memory_space<vmem>>
        %dma_start3A_126 = arith.constant 0 : i32
        %dma_start3A_127 = arith.constant 0 : i32
        %dma_start3A_128 = tpu.memref_slice %arg11[%dma_start3A_126, %dma_start3A_127] : memref<10240x128xf32, #tpu.memory_space<vmem_shared>> -> memref<10240x128xf32, #tpu.memory_space<vmem_shared>>
        tpu.enqueue_indirect_dma source(%arg10 : memref<128x128xf32, #tpu.memory_space<vmem>>) target(%dma_start3A_128 : memref<10240x128xf32, #tpu.memory_space<vmem_shared>>) offsets(%dma_start3A_125 : memref<128xi32, #tpu.memory_space<vmem>>) semaphore(%run_scoped3A_122 : memref<!tpu.dma_semaphore, #tpu.memory_space<semaphore_mem>>) {add = true}
        %dma_wait3A_129 = arith.constant 0 : i32
        %dma_wait3A_130 = tpu.memref_slice %arg8[%add3A_121, %dma_wait3A_129] : memref<40x128xi32, #tpu.memory_space<vmem>> -> memref<1x128xi32, #tpu.memory_space<vmem>>
        %dma_wait3A_131 = tpu.memref_squeeze %dma_wait3A_130 : memref<1x128xi32, #tpu.memory_space<vmem>> -> memref<128xi32, #tpu.memory_space<vmem>>
        %dma_wait3A_132 = arith.constant 0 : i32
        %dma_wait3A_133 = arith.constant 0 : i32
        %dma_wait3A_134 = tpu.memref_slice %arg11[%dma_wait3A_132, %dma_wait3A_133] : memref<10240x128xf32, #tpu.memory_space<vmem_shared>> -> memref<10240x128xf32, #tpu.memory_space<vmem_shared>>
        tpu.wait_indirect_dma semaphore(%run_scoped3A_122 : memref<!tpu.dma_semaphore, #tpu.memory_space<semaphore_mem>>) src(%arg10 : memref<128x128xf32, #tpu.memory_space<vmem>>) dst(%dma_wait3A_134 : memref<10240x128xf32, #tpu.memory_space<vmem_shared>>)
        tpu.yield
      }) : () -> ()
    }
    %scan3A_17 = arith.constant 19 : i32
    %dma_start3A_18 = arith.constant 39 : i32
    %dma_start3A_19 = arith.constant 0 : i32
    %dma_start3A_20 = tpu.memref_slice %arg7[%dma_start3A_18, %dma_start3A_19] : memref<40x128xi32, #tpu.memory_space<vmem>> -> memref<1x128xi32, #tpu.memory_space<vmem>>
    %dma_start3A_21 = tpu.memref_squeeze %dma_start3A_20 : memref<1x128xi32, #tpu.memory_space<vmem>> -> memref<128xi32, #tpu.memory_space<vmem>>
    %dma_start3A_22 = arith.constant 0 : i32
    %dma_start3A_23 = arith.constant 0 : i32
    %dma_start3A_24 = tpu.memref_slice %arg2[%dma_start3A_22, %dma_start3A_23] : memref<40000x128xf32, #tpu.memory_space<hbm>> -> memref<40000x128xf32, #tpu.memory_space<hbm>>
    tpu.enqueue_indirect_dma source(%dma_start3A_24 : memref<40000x128xf32, #tpu.memory_space<hbm>>) target(%arg10 : memref<128x128xf32, #tpu.memory_space<vmem>>) offsets(%dma_start3A_21 : memref<128xi32, #tpu.memory_space<vmem>>) semaphore(%arg13 : memref<!tpu.dma_semaphore, #tpu.memory_space<semaphore_mem>>)
    %dma_wait3A = arith.constant 38 : i32
    %dma_wait3A_25 = arith.constant 0 : i32
    %dma_wait3A_26 = tpu.memref_slice %arg7[%dma_wait3A, %dma_wait3A_25] : memref<40x128xi32, #tpu.memory_space<vmem>> -> memref<1x128xi32, #tpu.memory_space<vmem>>
    %dma_wait3A_27 = tpu.memref_squeeze %dma_wait3A_26 : memref<1x128xi32, #tpu.memory_space<vmem>> -> memref<128xi32, #tpu.memory_space<vmem>>
    %dma_wait3A_28 = arith.constant 0 : i32
    %dma_wait3A_29 = arith.constant 0 : i32
    %dma_wait3A_30 = tpu.memref_slice %arg2[%dma_wait3A_28, %dma_wait3A_29] : memref<40000x128xf32, #tpu.memory_space<hbm>> -> memref<40000x128xf32, #tpu.memory_space<hbm>>
    tpu.wait_indirect_dma semaphore(%arg12 : memref<!tpu.dma_semaphore, #tpu.memory_space<semaphore_mem>>) src(%dma_wait3A_30 : memref<40000x128xf32, #tpu.memory_space<hbm>>) dst(%arg9 : memref<128x128xf32, #tpu.memory_space<vmem>>)
    %run_scoped3A = arith.constant 38 : i32
    "tpu.region"() ({
      %run_scoped3A_87 = tpu.sem_alloc : memref<!tpu.dma_semaphore, #tpu.memory_space<semaphore_mem>>
      %dma_start3A_88 = arith.constant 0 : i32
      %dma_start3A_89 = tpu.memref_slice %arg8[%run_scoped3A, %dma_start3A_88] : memref<40x128xi32, #tpu.memory_space<vmem>> -> memref<1x128xi32, #tpu.memory_space<vmem>>
      %dma_start3A_90 = tpu.memref_squeeze %dma_start3A_89 : memref<1x128xi32, #tpu.memory_space<vmem>> -> memref<128xi32, #tpu.memory_space<vmem>>
      %dma_start3A_91 = arith.constant 0 : i32
      %dma_start3A_92 = arith.constant 0 : i32
      %dma_start3A_93 = tpu.memref_slice %arg11[%dma_start3A_91, %dma_start3A_92] : memref<10240x128xf32, #tpu.memory_space<vmem_shared>> -> memref<10240x128xf32, #tpu.memory_space<vmem_shared>>
      tpu.enqueue_indirect_dma source(%arg9 : memref<128x128xf32, #tpu.memory_space<vmem>>) target(%dma_start3A_93 : memref<10240x128xf32, #tpu.memory_space<vmem_shared>>) offsets(%dma_start3A_90 : memref<128xi32, #tpu.memory_space<vmem>>) semaphore(%run_scoped3A_87 : memref<!tpu.dma_semaphore, #tpu.memory_space<semaphore_mem>>) {add = true}
      %dma_wait3A_94 = arith.constant 0 : i32
      %dma_wait3A_95 = tpu.memref_slice %arg8[%run_scoped3A, %dma_wait3A_94] : memref<40x128xi32, #tpu.memory_space<vmem>> -> memref<1x128xi32, #tpu.memory_space<vmem>>
      %dma_wait3A_96 = tpu.memref_squeeze %dma_wait3A_95 : memref<1x128xi32, #tpu.memory_space<vmem>> -> memref<128xi32, #tpu.memory_space<vmem>>
      %dma_wait3A_97 = arith.constant 0 : i32
      %dma_wait3A_98 = arith.constant 0 : i32
      %dma_wait3A_99 = tpu.memref_slice %arg11[%dma_wait3A_97, %dma_wait3A_98] : memref<10240x128xf32, #tpu.memory_space<vmem_shared>> -> memref<10240x128xf32, #tpu.memory_space<vmem_shared>>
      tpu.wait_indirect_dma semaphore(%run_scoped3A_87 : memref<!tpu.dma_semaphore, #tpu.memory_space<semaphore_mem>>) src(%arg9 : memref<128x128xf32, #tpu.memory_space<vmem>>) dst(%dma_wait3A_99 : memref<10240x128xf32, #tpu.memory_space<vmem_shared>>)
      tpu.yield
    }) : () -> ()
    %dma_wait3A_31 = arith.constant 39 : i32
    %dma_wait3A_32 = arith.constant 0 : i32
    %dma_wait3A_33 = tpu.memref_slice %arg7[%dma_wait3A_31, %dma_wait3A_32] : memref<40x128xi32, #tpu.memory_space<vmem>> -> memref<1x128xi32, #tpu.memory_space<vmem>>
    %dma_wait3A_34 = tpu.memref_squeeze %dma_wait3A_33 : memref<1x128xi32, #tpu.memory_space<vmem>> -> memref<128xi32, #tpu.memory_space<vmem>>
    %dma_wait3A_35 = arith.constant 0 : i32
    %dma_wait3A_36 = arith.constant 0 : i32
    %dma_wait3A_37 = tpu.memref_slice %arg2[%dma_wait3A_35, %dma_wait3A_36] : memref<40000x128xf32, #tpu.memory_space<hbm>> -> memref<40000x128xf32, #tpu.memory_space<hbm>>
    tpu.wait_indirect_dma semaphore(%arg13 : memref<!tpu.dma_semaphore, #tpu.memory_space<semaphore_mem>>) src(%dma_wait3A_37 : memref<40000x128xf32, #tpu.memory_space<hbm>>) dst(%arg10 : memref<128x128xf32, #tpu.memory_space<vmem>>)
    %run_scoped3A_38 = arith.constant 39 : i32
    "tpu.region"() ({
      %run_scoped3A_87 = tpu.sem_alloc : memref<!tpu.dma_semaphore, #tpu.memory_space<semaphore_mem>>
      %dma_start3A_88 = arith.constant 0 : i32
      %dma_start3A_89 = tpu.memref_slice %arg8[%run_scoped3A_38, %dma_start3A_88] : memref<40x128xi32, #tpu.memory_space<vmem>> -> memref<1x128xi32, #tpu.memory_space<vmem>>
      %dma_start3A_90 = tpu.memref_squeeze %dma_start3A_89 : memref<1x128xi32, #tpu.memory_space<vmem>> -> memref<128xi32, #tpu.memory_space<vmem>>
      %dma_start3A_91 = arith.constant 0 : i32
      %dma_start3A_92 = arith.constant 0 : i32
      %dma_start3A_93 = tpu.memref_slice %arg11[%dma_start3A_91, %dma_start3A_92] : memref<10240x128xf32, #tpu.memory_space<vmem_shared>> -> memref<10240x128xf32, #tpu.memory_space<vmem_shared>>
      tpu.enqueue_indirect_dma source(%arg10 : memref<128x128xf32, #tpu.memory_space<vmem>>) target(%dma_start3A_93 : memref<10240x128xf32, #tpu.memory_space<vmem_shared>>) offsets(%dma_start3A_90 : memref<128xi32, #tpu.memory_space<vmem>>) semaphore(%run_scoped3A_87 : memref<!tpu.dma_semaphore, #tpu.memory_space<semaphore_mem>>) {add = true}
      %dma_wait3A_94 = arith.constant 0 : i32
      %dma_wait3A_95 = tpu.memref_slice %arg8[%run_scoped3A_38, %dma_wait3A_94] : memref<40x128xi32, #tpu.memory_space<vmem>> -> memref<1x128xi32, #tpu.memory_space<vmem>>
      %dma_wait3A_96 = tpu.memref_squeeze %dma_wait3A_95 : memref<1x128xi32, #tpu.memory_space<vmem>> -> memref<128xi32, #tpu.memory_space<vmem>>
      %dma_wait3A_97 = arith.constant 0 : i32
      %dma_wait3A_98 = arith.constant 0 : i32
      %dma_wait3A_99 = tpu.memref_slice %arg11[%dma_wait3A_97, %dma_wait3A_98] : memref<10240x128xf32, #tpu.memory_space<vmem_shared>> -> memref<10240x128xf32, #tpu.memory_space<vmem_shared>>
      tpu.wait_indirect_dma semaphore(%run_scoped3A_87 : memref<!tpu.dma_semaphore, #tpu.memory_space<semaphore_mem>>) src(%arg10 : memref<128x128xf32, #tpu.memory_space<vmem>>) dst(%dma_wait3A_99 : memref<10240x128xf32, #tpu.memory_space<vmem_shared>>)
      tpu.yield
    }) : () -> ()
    %mul3A_39 = arith.constant 80 : i32
    %mul3A_40 = arith.muli %add3A, %mul3A_39 : i32
    %add3A_41 = arith.constant 40 : i32
    %add3A_42 = arith.addi %mul3A_40, %add3A_41 : i32
    "tpu.region"() ({
      %run_scoped3A_87 = tpu.sem_alloc : memref<!tpu.dma_semaphore, #tpu.memory_space<semaphore_mem>>
      %dma_start3A_88 = arith.constant 0 : i32
      %dma_start3A_89 = tpu.memref_slice %arg3[%add3A_42, %dma_start3A_88] : memref<2560x128xi32, #tpu.memory_space<hbm>> -> memref<40x128xi32, #tpu.memory_space<hbm>>
      %dma_start3A_90 = arith.constant 0 : i32
      %dma_start3A_91 = tpu.memref_slice %arg3[%add3A_42, %dma_start3A_90] : memref<2560x128xi32, #tpu.memory_space<hbm>> -> memref<40x128xi32, #tpu.memory_space<hbm>>
      tpu.enqueue_dma source(%dma_start3A_91 : memref<40x128xi32, #tpu.memory_space<hbm>>) target(%arg7 : memref<40x128xi32, #tpu.memory_space<vmem>>) target_semaphore(%run_scoped3A_87 : memref<!tpu.dma_semaphore, #tpu.memory_space<semaphore_mem>>)
      %dma_wait3A_92 = arith.constant 0 : i32
      %dma_wait3A_93 = tpu.memref_slice %arg3[%add3A_42, %dma_wait3A_92] : memref<2560x128xi32, #tpu.memory_space<hbm>> -> memref<40x128xi32, #tpu.memory_space<hbm>>
      %dma_wait3A_94 = arith.constant 0 : i32
      %dma_wait3A_95 = tpu.memref_slice %arg3[%add3A_42, %dma_wait3A_94] : memref<2560x128xi32, #tpu.memory_space<hbm>> -> memref<40x128xi32, #tpu.memory_space<hbm>>
      tpu.wait_dma2 semaphore(%run_scoped3A_87 : memref<!tpu.dma_semaphore, #tpu.memory_space<semaphore_mem>>) src(%dma_wait3A_95 : memref<40x128xi32, #tpu.memory_space<hbm>>) dst(%arg7 : memref<40x128xi32, #tpu.memory_space<vmem>>)
      tpu.yield
    }) : () -> ()
    "tpu.region"() ({
      %run_scoped3A_87 = tpu.sem_alloc : memref<!tpu.dma_semaphore, #tpu.memory_space<semaphore_mem>>
      %dma_start3A_88 = arith.constant 0 : i32
      %dma_start3A_89 = tpu.memref_slice %arg4[%add3A_42, %dma_start3A_88] : memref<2560x128xi32, #tpu.memory_space<hbm>> -> memref<40x128xi32, #tpu.memory_space<hbm>>
      %dma_start3A_90 = arith.constant 0 : i32
      %dma_start3A_91 = tpu.memref_slice %arg4[%add3A_42, %dma_start3A_90] : memref<2560x128xi32, #tpu.memory_space<hbm>> -> memref<40x128xi32, #tpu.memory_space<hbm>>
      tpu.enqueue_dma source(%dma_start3A_91 : memref<40x128xi32, #tpu.memory_space<hbm>>) target(%arg8 : memref<40x128xi32, #tpu.memory_space<vmem>>) target_semaphore(%run_scoped3A_87 : memref<!tpu.dma_semaphore, #tpu.memory_space<semaphore_mem>>)
      %dma_wait3A_92 = arith.constant 0 : i32
      %dma_wait3A_93 = tpu.memref_slice %arg4[%add3A_42, %dma_wait3A_92] : memref<2560x128xi32, #tpu.memory_space<hbm>> -> memref<40x128xi32, #tpu.memory_space<hbm>>
      %dma_wait3A_94 = arith.constant 0 : i32
      %dma_wait3A_95 = tpu.memref_slice %arg4[%add3A_42, %dma_wait3A_94] : memref<2560x128xi32, #tpu.memory_space<hbm>> -> memref<40x128xi32, #tpu.memory_space<hbm>>
      tpu.wait_dma2 semaphore(%run_scoped3A_87 : memref<!tpu.dma_semaphore, #tpu.memory_space<semaphore_mem>>) src(%dma_wait3A_95 : memref<40x128xi32, #tpu.memory_space<hbm>>) dst(%arg8 : memref<40x128xi32, #tpu.memory_space<vmem>>)
      tpu.yield
    }) : () -> ()
    %dma_start3A_43 = arith.constant 0 : i32
    %dma_start3A_44 = arith.constant 0 : i32
    %dma_start3A_45 = tpu.memref_slice %arg7[%dma_start3A_43, %dma_start3A_44] : memref<40x128xi32, #tpu.memory_space<vmem>> -> memref<1x128xi32, #tpu.memory_space<vmem>>
    %dma_start3A_46 = tpu.memref_squeeze %dma_start3A_45 : memref<1x128xi32, #tpu.memory_space<vmem>> -> memref<128xi32, #tpu.memory_space<vmem>>
    %dma_start3A_47 = arith.constant 0 : i32
    %dma_start3A_48 = arith.constant 0 : i32
    %dma_start3A_49 = tpu.memref_slice %arg2[%dma_start3A_47, %dma_start3A_48] : memref<40000x128xf32, #tpu.memory_space<hbm>> -> memref<40000x128xf32, #tpu.memory_space<hbm>>
    tpu.enqueue_indirect_dma source(%dma_start3A_49 : memref<40000x128xf32, #tpu.memory_space<hbm>>) target(%arg9 : memref<128x128xf32, #tpu.memory_space<vmem>>) offsets(%dma_start3A_46 : memref<128xi32, #tpu.memory_space<vmem>>) semaphore(%arg12 : memref<!tpu.dma_semaphore, #tpu.memory_space<semaphore_mem>>)
    %scan3A_50 = arith.constant 0 : i32
    %scan3A_51 = arith.constant 0 : i32
    %scan3A_52 = arith.constant 19 : i32
    %scan3A_53 = arith.addi %scan3A_51, %scan3A_52 : i32
    %scan3A_54 = arith.constant 1 : i32
    scf.for %scan3A_87 = %scan3A_51 to %scan3A_53 step %scan3A_54  : i32 {
      %mul3A_88 = arith.constant 2 : i32
      %mul3A_89 = arith.muli %mul3A_88, %scan3A_87 : i32
      %add3A_90 = arith.constant 1 : i32
      %add3A_91 = arith.addi %mul3A_89, %add3A_90 : i32
      %dma_start3A_92 = arith.constant 0 : i32
      %dma_start3A_93 = tpu.memref_slice %arg7[%add3A_91, %dma_start3A_92] : memref<40x128xi32, #tpu.memory_space<vmem>> -> memref<1x128xi32, #tpu.memory_space<vmem>>
      %dma_start3A_94 = tpu.memref_squeeze %dma_start3A_93 : memref<1x128xi32, #tpu.memory_space<vmem>> -> memref<128xi32, #tpu.memory_space<vmem>>
      %dma_start3A_95 = arith.constant 0 : i32
      %dma_start3A_96 = arith.constant 0 : i32
      %dma_start3A_97 = tpu.memref_slice %arg2[%dma_start3A_95, %dma_start3A_96] : memref<40000x128xf32, #tpu.memory_space<hbm>> -> memref<40000x128xf32, #tpu.memory_space<hbm>>
      tpu.enqueue_indirect_dma source(%dma_start3A_97 : memref<40000x128xf32, #tpu.memory_space<hbm>>) target(%arg10 : memref<128x128xf32, #tpu.memory_space<vmem>>) offsets(%dma_start3A_94 : memref<128xi32, #tpu.memory_space<vmem>>) semaphore(%arg13 : memref<!tpu.dma_semaphore, #tpu.memory_space<semaphore_mem>>)
      %dma_wait3A_98 = arith.constant 0 : i32
      %dma_wait3A_99 = tpu.memref_slice %arg7[%mul3A_89, %dma_wait3A_98] : memref<40x128xi32, #tpu.memory_space<vmem>> -> memref<1x128xi32, #tpu.memory_space<vmem>>
      %dma_wait3A_100 = tpu.memref_squeeze %dma_wait3A_99 : memref<1x128xi32, #tpu.memory_space<vmem>> -> memref<128xi32, #tpu.memory_space<vmem>>
      %dma_wait3A_101 = arith.constant 0 : i32
      %dma_wait3A_102 = arith.constant 0 : i32
      %dma_wait3A_103 = tpu.memref_slice %arg2[%dma_wait3A_101, %dma_wait3A_102] : memref<40000x128xf32, #tpu.memory_space<hbm>> -> memref<40000x128xf32, #tpu.memory_space<hbm>>
      tpu.wait_indirect_dma semaphore(%arg12 : memref<!tpu.dma_semaphore, #tpu.memory_space<semaphore_mem>>) src(%dma_wait3A_103 : memref<40000x128xf32, #tpu.memory_space<hbm>>) dst(%arg9 : memref<128x128xf32, #tpu.memory_space<vmem>>)
      "tpu.region"() ({
        %run_scoped3A_122 = tpu.sem_alloc : memref<!tpu.dma_semaphore, #tpu.memory_space<semaphore_mem>>
        %dma_start3A_123 = arith.constant 0 : i32
        %dma_start3A_124 = tpu.memref_slice %arg8[%mul3A_89, %dma_start3A_123] : memref<40x128xi32, #tpu.memory_space<vmem>> -> memref<1x128xi32, #tpu.memory_space<vmem>>
        %dma_start3A_125 = tpu.memref_squeeze %dma_start3A_124 : memref<1x128xi32, #tpu.memory_space<vmem>> -> memref<128xi32, #tpu.memory_space<vmem>>
        %dma_start3A_126 = arith.constant 0 : i32
        %dma_start3A_127 = arith.constant 0 : i32
        %dma_start3A_128 = tpu.memref_slice %arg11[%dma_start3A_126, %dma_start3A_127] : memref<10240x128xf32, #tpu.memory_space<vmem_shared>> -> memref<10240x128xf32, #tpu.memory_space<vmem_shared>>
        tpu.enqueue_indirect_dma source(%arg9 : memref<128x128xf32, #tpu.memory_space<vmem>>) target(%dma_start3A_128 : memref<10240x128xf32, #tpu.memory_space<vmem_shared>>) offsets(%dma_start3A_125 : memref<128xi32, #tpu.memory_space<vmem>>) semaphore(%run_scoped3A_122 : memref<!tpu.dma_semaphore, #tpu.memory_space<semaphore_mem>>) {add = true}
        %dma_wait3A_129 = arith.constant 0 : i32
        %dma_wait3A_130 = tpu.memref_slice %arg8[%mul3A_89, %dma_wait3A_129] : memref<40x128xi32, #tpu.memory_space<vmem>> -> memref<1x128xi32, #tpu.memory_space<vmem>>
        %dma_wait3A_131 = tpu.memref_squeeze %dma_wait3A_130 : memref<1x128xi32, #tpu.memory_space<vmem>> -> memref<128xi32, #tpu.memory_space<vmem>>
        %dma_wait3A_132 = arith.constant 0 : i32
        %dma_wait3A_133 = arith.constant 0 : i32
        %dma_wait3A_134 = tpu.memref_slice %arg11[%dma_wait3A_132, %dma_wait3A_133] : memref<10240x128xf32, #tpu.memory_space<vmem_shared>> -> memref<10240x128xf32, #tpu.memory_space<vmem_shared>>
        tpu.wait_indirect_dma semaphore(%run_scoped3A_122 : memref<!tpu.dma_semaphore, #tpu.memory_space<semaphore_mem>>) src(%arg9 : memref<128x128xf32, #tpu.memory_space<vmem>>) dst(%dma_wait3A_134 : memref<10240x128xf32, #tpu.memory_space<vmem_shared>>)
        tpu.yield
      }) : () -> ()
      %add3A_104 = arith.constant 2 : i32
      %add3A_105 = arith.addi %mul3A_89, %add3A_104 : i32
      %dma_start3A_106 = arith.constant 0 : i32
      %dma_start3A_107 = tpu.memref_slice %arg7[%add3A_105, %dma_start3A_106] : memref<40x128xi32, #tpu.memory_space<vmem>> -> memref<1x128xi32, #tpu.memory_space<vmem>>
      %dma_start3A_108 = tpu.memref_squeeze %dma_start3A_107 : memref<1x128xi32, #tpu.memory_space<vmem>> -> memref<128xi32, #tpu.memory_space<vmem>>
      %dma_start3A_109 = arith.constant 0 : i32
      %dma_start3A_110 = arith.constant 0 : i32
      %dma_start3A_111 = tpu.memref_slice %arg2[%dma_start3A_109, %dma_start3A_110] : memref<40000x128xf32, #tpu.memory_space<hbm>> -> memref<40000x128xf32, #tpu.memory_space<hbm>>
      tpu.enqueue_indirect_dma source(%dma_start3A_111 : memref<40000x128xf32, #tpu.memory_space<hbm>>) target(%arg9 : memref<128x128xf32, #tpu.memory_space<vmem>>) offsets(%dma_start3A_108 : memref<128xi32, #tpu.memory_space<vmem>>) semaphore(%arg12 : memref<!tpu.dma_semaphore, #tpu.memory_space<semaphore_mem>>)
      %add3A_112 = arith.constant 1 : i32
      %add3A_113 = arith.addi %mul3A_89, %add3A_112 : i32
      %dma_wait3A_114 = arith.constant 0 : i32
      %dma_wait3A_115 = tpu.memref_slice %arg7[%add3A_113, %dma_wait3A_114] : memref<40x128xi32, #tpu.memory_space<vmem>> -> memref<1x128xi32, #tpu.memory_space<vmem>>
      %dma_wait3A_116 = tpu.memref_squeeze %dma_wait3A_115 : memref<1x128xi32, #tpu.memory_space<vmem>> -> memref<128xi32, #tpu.memory_space<vmem>>
      %dma_wait3A_117 = arith.constant 0 : i32
      %dma_wait3A_118 = arith.constant 0 : i32
      %dma_wait3A_119 = tpu.memref_slice %arg2[%dma_wait3A_117, %dma_wait3A_118] : memref<40000x128xf32, #tpu.memory_space<hbm>> -> memref<40000x128xf32, #tpu.memory_space<hbm>>
      tpu.wait_indirect_dma semaphore(%arg13 : memref<!tpu.dma_semaphore, #tpu.memory_space<semaphore_mem>>) src(%dma_wait3A_119 : memref<40000x128xf32, #tpu.memory_space<hbm>>) dst(%arg10 : memref<128x128xf32, #tpu.memory_space<vmem>>)
      %add3A_120 = arith.constant 1 : i32
      %add3A_121 = arith.addi %mul3A_89, %add3A_120 : i32
      "tpu.region"() ({
        %run_scoped3A_122 = tpu.sem_alloc : memref<!tpu.dma_semaphore, #tpu.memory_space<semaphore_mem>>
        %dma_start3A_123 = arith.constant 0 : i32
        %dma_start3A_124 = tpu.memref_slice %arg8[%add3A_121, %dma_start3A_123] : memref<40x128xi32, #tpu.memory_space<vmem>> -> memref<1x128xi32, #tpu.memory_space<vmem>>
        %dma_start3A_125 = tpu.memref_squeeze %dma_start3A_124 : memref<1x128xi32, #tpu.memory_space<vmem>> -> memref<128xi32, #tpu.memory_space<vmem>>
        %dma_start3A_126 = arith.constant 0 : i32
        %dma_start3A_127 = arith.constant 0 : i32
        %dma_start3A_128 = tpu.memref_slice %arg11[%dma_start3A_126, %dma_start3A_127] : memref<10240x128xf32, #tpu.memory_space<vmem_shared>> -> memref<10240x128xf32, #tpu.memory_space<vmem_shared>>
        tpu.enqueue_indirect_dma source(%arg10 : memref<128x128xf32, #tpu.memory_space<vmem>>) target(%dma_start3A_128 : memref<10240x128xf32, #tpu.memory_space<vmem_shared>>) offsets(%dma_start3A_125 : memref<128xi32, #tpu.memory_space<vmem>>) semaphore(%run_scoped3A_122 : memref<!tpu.dma_semaphore, #tpu.memory_space<semaphore_mem>>) {add = true}
        %dma_wait3A_129 = arith.constant 0 : i32
        %dma_wait3A_130 = tpu.memref_slice %arg8[%add3A_121, %dma_wait3A_129] : memref<40x128xi32, #tpu.memory_space<vmem>> -> memref<1x128xi32, #tpu.memory_space<vmem>>
        %dma_wait3A_131 = tpu.memref_squeeze %dma_wait3A_130 : memref<1x128xi32, #tpu.memory_space<vmem>> -> memref<128xi32, #tpu.memory_space<vmem>>
        %dma_wait3A_132 = arith.constant 0 : i32
        %dma_wait3A_133 = arith.constant 0 : i32
        %dma_wait3A_134 = tpu.memref_slice %arg11[%dma_wait3A_132, %dma_wait3A_133] : memref<10240x128xf32, #tpu.memory_space<vmem_shared>> -> memref<10240x128xf32, #tpu.memory_space<vmem_shared>>
        tpu.wait_indirect_dma semaphore(%run_scoped3A_122 : memref<!tpu.dma_semaphore, #tpu.memory_space<semaphore_mem>>) src(%arg10 : memref<128x128xf32, #tpu.memory_space<vmem>>) dst(%dma_wait3A_134 : memref<10240x128xf32, #tpu.memory_space<vmem_shared>>)
        tpu.yield
      }) : () -> ()
    }
    %scan3A_55 = arith.constant 19 : i32
    %dma_start3A_56 = arith.constant 39 : i32
    %dma_start3A_57 = arith.constant 0 : i32
    %dma_start3A_58 = tpu.memref_slice %arg7[%dma_start3A_56, %dma_start3A_57] : memref<40x128xi32, #tpu.memory_space<vmem>> -> memref<1x128xi32, #tpu.memory_space<vmem>>
    %dma_start3A_59 = tpu.memref_squeeze %dma_start3A_58 : memref<1x128xi32, #tpu.memory_space<vmem>> -> memref<128xi32, #tpu.memory_space<vmem>>
    %dma_start3A_60 = arith.constant 0 : i32
    %dma_start3A_61 = arith.constant 0 : i32
    %dma_start3A_62 = tpu.memref_slice %arg2[%dma_start3A_60, %dma_start3A_61] : memref<40000x128xf32, #tpu.memory_space<hbm>> -> memref<40000x128xf32, #tpu.memory_space<hbm>>
    tpu.enqueue_indirect_dma source(%dma_start3A_62 : memref<40000x128xf32, #tpu.memory_space<hbm>>) target(%arg10 : memref<128x128xf32, #tpu.memory_space<vmem>>) offsets(%dma_start3A_59 : memref<128xi32, #tpu.memory_space<vmem>>) semaphore(%arg13 : memref<!tpu.dma_semaphore, #tpu.memory_space<semaphore_mem>>)
    %dma_wait3A_63 = arith.constant 38 : i32
    %dma_wait3A_64 = arith.constant 0 : i32
    %dma_wait3A_65 = tpu.memref_slice %arg7[%dma_wait3A_63, %dma_wait3A_64] : memref<40x128xi32, #tpu.memory_space<vmem>> -> memref<1x128xi32, #tpu.memory_space<vmem>>
    %dma_wait3A_66 = tpu.memref_squeeze %dma_wait3A_65 : memref<1x128xi32, #tpu.memory_space<vmem>> -> memref<128xi32, #tpu.memory_space<vmem>>
    %dma_wait3A_67 = arith.constant 0 : i32
    %dma_wait3A_68 = arith.constant 0 : i32
    %dma_wait3A_69 = tpu.memref_slice %arg2[%dma_wait3A_67, %dma_wait3A_68] : memref<40000x128xf32, #tpu.memory_space<hbm>> -> memref<40000x128xf32, #tpu.memory_space<hbm>>
    tpu.wait_indirect_dma semaphore(%arg12 : memref<!tpu.dma_semaphore, #tpu.memory_space<semaphore_mem>>) src(%dma_wait3A_69 : memref<40000x128xf32, #tpu.memory_space<hbm>>) dst(%arg9 : memref<128x128xf32, #tpu.memory_space<vmem>>)
    %run_scoped3A_70 = arith.constant 38 : i32
    "tpu.region"() ({
      %run_scoped3A_87 = tpu.sem_alloc : memref<!tpu.dma_semaphore, #tpu.memory_space<semaphore_mem>>
      %dma_start3A_88 = arith.constant 0 : i32
      %dma_start3A_89 = tpu.memref_slice %arg8[%run_scoped3A_70, %dma_start3A_88] : memref<40x128xi32, #tpu.memory_space<vmem>> -> memref<1x128xi32, #tpu.memory_space<vmem>>
      %dma_start3A_90 = tpu.memref_squeeze %dma_start3A_89 : memref<1x128xi32, #tpu.memory_space<vmem>> -> memref<128xi32, #tpu.memory_space<vmem>>
      %dma_start3A_91 = arith.constant 0 : i32
      %dma_start3A_92 = arith.constant 0 : i32
      %dma_start3A_93 = tpu.memref_slice %arg11[%dma_start3A_91, %dma_start3A_92] : memref<10240x128xf32, #tpu.memory_space<vmem_shared>> -> memref<10240x128xf32, #tpu.memory_space<vmem_shared>>
      tpu.enqueue_indirect_dma source(%arg9 : memref<128x128xf32, #tpu.memory_space<vmem>>) target(%dma_start3A_93 : memref<10240x128xf32, #tpu.memory_space<vmem_shared>>) offsets(%dma_start3A_90 : memref<128xi32, #tpu.memory_space<vmem>>) semaphore(%run_scoped3A_87 : memref<!tpu.dma_semaphore, #tpu.memory_space<semaphore_mem>>) {add = true}
      %dma_wait3A_94 = arith.constant 0 : i32
      %dma_wait3A_95 = tpu.memref_slice %arg8[%run_scoped3A_70, %dma_wait3A_94] : memref<40x128xi32, #tpu.memory_space<vmem>> -> memref<1x128xi32, #tpu.memory_space<vmem>>
      %dma_wait3A_96 = tpu.memref_squeeze %dma_wait3A_95 : memref<1x128xi32, #tpu.memory_space<vmem>> -> memref<128xi32, #tpu.memory_space<vmem>>
      %dma_wait3A_97 = arith.constant 0 : i32
      %dma_wait3A_98 = arith.constant 0 : i32
      %dma_wait3A_99 = tpu.memref_slice %arg11[%dma_wait3A_97, %dma_wait3A_98] : memref<10240x128xf32, #tpu.memory_space<vmem_shared>> -> memref<10240x128xf32, #tpu.memory_space<vmem_shared>>
      tpu.wait_indirect_dma semaphore(%run_scoped3A_87 : memref<!tpu.dma_semaphore, #tpu.memory_space<semaphore_mem>>) src(%arg9 : memref<128x128xf32, #tpu.memory_space<vmem>>) dst(%dma_wait3A_99 : memref<10240x128xf32, #tpu.memory_space<vmem_shared>>)
      tpu.yield
    }) : () -> ()
    %dma_wait3A_71 = arith.constant 39 : i32
    %dma_wait3A_72 = arith.constant 0 : i32
    %dma_wait3A_73 = tpu.memref_slice %arg7[%dma_wait3A_71, %dma_wait3A_72] : memref<40x128xi32, #tpu.memory_space<vmem>> -> memref<1x128xi32, #tpu.memory_space<vmem>>
    %dma_wait3A_74 = tpu.memref_squeeze %dma_wait3A_73 : memref<1x128xi32, #tpu.memory_space<vmem>> -> memref<128xi32, #tpu.memory_space<vmem>>
    %dma_wait3A_75 = arith.constant 0 : i32
    %dma_wait3A_76 = arith.constant 0 : i32
    %dma_wait3A_77 = tpu.memref_slice %arg2[%dma_wait3A_75, %dma_wait3A_76] : memref<40000x128xf32, #tpu.memory_space<hbm>> -> memref<40000x128xf32, #tpu.memory_space<hbm>>
    tpu.wait_indirect_dma semaphore(%arg13 : memref<!tpu.dma_semaphore, #tpu.memory_space<semaphore_mem>>) src(%dma_wait3A_77 : memref<40000x128xf32, #tpu.memory_space<hbm>>) dst(%arg10 : memref<128x128xf32, #tpu.memory_space<vmem>>)
    %run_scoped3A_78 = arith.constant 39 : i32
    "tpu.region"() ({
      %run_scoped3A_87 = tpu.sem_alloc : memref<!tpu.dma_semaphore, #tpu.memory_space<semaphore_mem>>
      %dma_start3A_88 = arith.constant 0 : i32
      %dma_start3A_89 = tpu.memref_slice %arg8[%run_scoped3A_78, %dma_start3A_88] : memref<40x128xi32, #tpu.memory_space<vmem>> -> memref<1x128xi32, #tpu.memory_space<vmem>>
      %dma_start3A_90 = tpu.memref_squeeze %dma_start3A_89 : memref<1x128xi32, #tpu.memory_space<vmem>> -> memref<128xi32, #tpu.memory_space<vmem>>
      %dma_start3A_91 = arith.constant 0 : i32
      %dma_start3A_92 = arith.constant 0 : i32
      %dma_start3A_93 = tpu.memref_slice %arg11[%dma_start3A_91, %dma_start3A_92] : memref<10240x128xf32, #tpu.memory_space<vmem_shared>> -> memref<10240x128xf32, #tpu.memory_space<vmem_shared>>
      tpu.enqueue_indirect_dma source(%arg10 : memref<128x128xf32, #tpu.memory_space<vmem>>) target(%dma_start3A_93 : memref<10240x128xf32, #tpu.memory_space<vmem_shared>>) offsets(%dma_start3A_90 : memref<128xi32, #tpu.memory_space<vmem>>) semaphore(%run_scoped3A_87 : memref<!tpu.dma_semaphore, #tpu.memory_space<semaphore_mem>>) {add = true}
      %dma_wait3A_94 = arith.constant 0 : i32
      %dma_wait3A_95 = tpu.memref_slice %arg8[%run_scoped3A_78, %dma_wait3A_94] : memref<40x128xi32, #tpu.memory_space<vmem>> -> memref<1x128xi32, #tpu.memory_space<vmem>>
      %dma_wait3A_96 = tpu.memref_squeeze %dma_wait3A_95 : memref<1x128xi32, #tpu.memory_space<vmem>> -> memref<128xi32, #tpu.memory_space<vmem>>
      %dma_wait3A_97 = arith.constant 0 : i32
      %dma_wait3A_98 = arith.constant 0 : i32
      %dma_wait3A_99 = tpu.memref_slice %arg11[%dma_wait3A_97, %dma_wait3A_98] : memref<10240x128xf32, #tpu.memory_space<vmem_shared>> -> memref<10240x128xf32, #tpu.memory_space<vmem_shared>>
      tpu.wait_indirect_dma semaphore(%run_scoped3A_87 : memref<!tpu.dma_semaphore, #tpu.memory_space<semaphore_mem>>) src(%arg10 : memref<128x128xf32, #tpu.memory_space<vmem>>) dst(%dma_wait3A_99 : memref<10240x128xf32, #tpu.memory_space<vmem_shared>>)
      tpu.yield
    }) : () -> ()
    %barrier3A_79 = arith.constant 0 : index
    tpu.barrier barrier_id(%barrier3A_79)
    %mul3A_80 = arith.constant 10240 : i32
    %mul3A_81 = arith.muli %arg0, %mul3A_80 : i32
    %mul3A_82 = arith.constant 640 : i32
    %mul3A_83 = arith.muli %arg1, %mul3A_82 : i32
    %add3A_84 = arith.addi %mul3A_81, %mul3A_83 : i32
    %mul3A_85 = arith.constant 640 : i32
    %mul3A_86 = arith.muli %arg1, %mul3A_85 : i32
    "tpu.region"() ({
      %run_scoped3A_87 = tpu.sem_alloc : memref<!tpu.dma_semaphore, #tpu.memory_space<semaphore_mem>>
      %dma_start3A_88 = arith.constant 0 : i32
      %dma_start3A_89 = tpu.memref_slice %arg6[%add3A_84, %dma_start3A_88] : memref<20480x128xf32, #tpu.memory_space<hbm>> -> memref<640x128xf32, #tpu.memory_space<hbm>>
      %dma_start3A_90 = arith.constant 0 : i32
      %dma_start3A_91 = tpu.memref_slice %arg11[%mul3A_86, %dma_start3A_90] : memref<10240x128xf32, #tpu.memory_space<vmem_shared>> -> memref<640x128xf32, #tpu.memory_space<vmem_shared>>
      tpu.enqueue_dma source(%dma_start3A_91 : memref<640x128xf32, #tpu.memory_space<vmem_shared>>) target(%dma_start3A_89 : memref<640x128xf32, #tpu.memory_space<hbm>>) target_semaphore(%run_scoped3A_87 : memref<!tpu.dma_semaphore, #tpu.memory_space<semaphore_mem>>)
      %dma_wait3A_92 = arith.constant 0 : i32
      %dma_wait3A_93 = tpu.memref_slice %arg6[%add3A_84, %dma_wait3A_92] : memref<20480x128xf32, #tpu.memory_space<hbm>> -> memref<640x128xf32, #tpu.memory_space<hbm>>
      %dma_wait3A_94 = arith.constant 0 : i32
      %dma_wait3A_95 = tpu.memref_slice %arg11[%mul3A_86, %dma_wait3A_94] : memref<10240x128xf32, #tpu.memory_space<vmem_shared>> -> memref<640x128xf32, #tpu.memory_space<vmem_shared>>
      tpu.wait_dma2 semaphore(%run_scoped3A_87 : memref<!tpu.dma_semaphore, #tpu.memory_space<semaphore_mem>>) src(%dma_wait3A_95 : memref<640x128xf32, #tpu.memory_space<vmem_shared>>) dst(%dma_wait3A_93 : memref<640x128xf32, #tpu.memory_space<hbm>>)
      tpu.yield
    }) : () -> ()
    return
  }
}

#map = affine_map<(d0, d1) -> (0, 0)>
module attributes {stable_mosaic.version = 14 : i64} {
  func.func @_sc_aggr_body(%arg0: i32, %arg1: i32, %arg2: memref<40000x128xf32, #tpu.memory_space<hbm>>, %arg3: memref<2560x128xi32, #tpu.memory_space<hbm>>, %arg4: memref<2560x128xi32, #tpu.memory_space<hbm>>, %arg5: memref<640x128xf32, #tpu.memory_space<hbm>>, %arg6: memref<20480x128xf32, #tpu.memory_space<hbm>>, %arg7: memref<40x128xi32, #tpu.memory_space<vmem>>, %arg8: memref<40x128xi32, #tpu.memory_space<vmem>>, %arg9: memref<128x128xf32, #tpu.memory_space<vmem>>, %arg10: memref<128x128xf32, #tpu.memory_space<vmem>>, %arg11: memref<10240x128xf32, #tpu.memory_space<vmem_shared>>, %arg12: memref<!tpu.dma_semaphore, #tpu.memory_space<semaphore_mem>>, %arg13: memref<!tpu.dma_semaphore, #tpu.memory_space<semaphore_mem>>) attributes {dimension_semantics = [#tpu.dimension_semantics<core_parallel>, #tpu.dimension_semantics<subcore_parallel>], iteration_bounds = array<i64: 2, 16>, scalar_prefetch = 0 : i64, scratch_operands = 7 : i64, tpu.core_type = #tpu.core_type<sc_vector_subcore>, window_params = [{transform_indices = #map}, {transform_indices = #map}, {transform_indices = #map}, {transform_indices = #map}, {transform_indices = #map}]} {
    %mul3A = arith.constant 2 : i32
    %mul3A_0 = arith.muli %arg1, %mul3A : i32
    %add3A = arith.addi %mul3A_0, %arg0 : i32
    %mul3A_1 = arith.constant 640 : i32
    %mul3A_2 = arith.muli %arg1, %mul3A_1 : i32
    "tpu.region"() ({
      %run_scoped3A_87 = tpu.sem_alloc : memref<!tpu.dma_semaphore, #tpu.memory_space<semaphore_mem>>
      %dma_start3A_88 = arith.constant 0 : i32
      %dma_start3A_89 = tpu.memref_slice %arg11[%mul3A_2, %dma_start3A_88] : memref<10240x128xf32, #tpu.memory_space<vmem_shared>> -> memref<640x128xf32, #tpu.memory_space<vmem_shared>>
      tpu.enqueue_dma source(%arg5 : memref<640x128xf32, #tpu.memory_space<hbm>>) target(%dma_start3A_89 : memref<640x128xf32, #tpu.memory_space<vmem_shared>>) target_semaphore(%run_scoped3A_87 : memref<!tpu.dma_semaphore, #tpu.memory_space<semaphore_mem>>)
      %dma_wait3A_90 = arith.constant 0 : i32
      %dma_wait3A_91 = tpu.memref_slice %arg11[%mul3A_2, %dma_wait3A_90] : memref<10240x128xf32, #tpu.memory_space<vmem_shared>> -> memref<640x128xf32, #tpu.memory_space<vmem_shared>>
      tpu.wait_dma2 semaphore(%run_scoped3A_87 : memref<!tpu.dma_semaphore, #tpu.memory_space<semaphore_mem>>) src(%arg5 : memref<640x128xf32, #tpu.memory_space<hbm>>) dst(%dma_wait3A_91 : memref<640x128xf32, #tpu.memory_space<vmem_shared>>)
      tpu.yield
    }) : () -> ()
    %barrier3A = arith.constant 0 : index
    tpu.barrier barrier_id(%barrier3A)
    %mul3A_3 = arith.constant 80 : i32
    %mul3A_4 = arith.muli %add3A, %mul3A_3 : i32
    %add3A_5 = arith.constant 0 : i32
    %add3A_6 = arith.addi %mul3A_4, %add3A_5 : i32
    "tpu.region"() ({
      %run_scoped3A_87 = tpu.sem_alloc : memref<!tpu.dma_semaphore, #tpu.memory_space<semaphore_mem>>
      %dma_start3A_88 = arith.constant 0 : i32
      %dma_start3A_89 = tpu.memref_slice %arg3[%add3A_6, %dma_start3A_88] : memref<2560x128xi32, #tpu.memory_space<hbm>> -> memref<40x128xi32, #tpu.memory_space<hbm>>
      %dma_start3A_90 = arith.constant 0 : i32
      %dma_start3A_91 = tpu.memref_slice %arg3[%add3A_6, %dma_start3A_90] : memref<2560x128xi32, #tpu.memory_space<hbm>> -> memref<40x128xi32, #tpu.memory_space<hbm>>
      tpu.enqueue_dma source(%dma_start3A_91 : memref<40x128xi32, #tpu.memory_space<hbm>>) target(%arg7 : memref<40x128xi32, #tpu.memory_space<vmem>>) target_semaphore(%run_scoped3A_87 : memref<!tpu.dma_semaphore, #tpu.memory_space<semaphore_mem>>)
      %dma_wait3A_92 = arith.constant 0 : i32
      %dma_wait3A_93 = tpu.memref_slice %arg3[%add3A_6, %dma_wait3A_92] : memref<2560x128xi32, #tpu.memory_space<hbm>> -> memref<40x128xi32, #tpu.memory_space<hbm>>
      %dma_wait3A_94 = arith.constant 0 : i32
      %dma_wait3A_95 = tpu.memref_slice %arg3[%add3A_6, %dma_wait3A_94] : memref<2560x128xi32, #tpu.memory_space<hbm>> -> memref<40x128xi32, #tpu.memory_space<hbm>>
      tpu.wait_dma2 semaphore(%run_scoped3A_87 : memref<!tpu.dma_semaphore, #tpu.memory_space<semaphore_mem>>) src(%dma_wait3A_95 : memref<40x128xi32, #tpu.memory_space<hbm>>) dst(%arg7 : memref<40x128xi32, #tpu.memory_space<vmem>>)
      tpu.yield
    }) : () -> ()
    "tpu.region"() ({
      %run_scoped3A_87 = tpu.sem_alloc : memref<!tpu.dma_semaphore, #tpu.memory_space<semaphore_mem>>
      %dma_start3A_88 = arith.constant 0 : i32
      %dma_start3A_89 = tpu.memref_slice %arg4[%add3A_6, %dma_start3A_88] : memref<2560x128xi32, #tpu.memory_space<hbm>> -> memref<40x128xi32, #tpu.memory_space<hbm>>
      %dma_start3A_90 = arith.constant 0 : i32
      %dma_start3A_91 = tpu.memref_slice %arg4[%add3A_6, %dma_start3A_90] : memref<2560x128xi32, #tpu.memory_space<hbm>> -> memref<40x128xi32, #tpu.memory_space<hbm>>
      tpu.enqueue_dma source(%dma_start3A_91 : memref<40x128xi32, #tpu.memory_space<hbm>>) target(%arg8 : memref<40x128xi32, #tpu.memory_space<vmem>>) target_semaphore(%run_scoped3A_87 : memref<!tpu.dma_semaphore, #tpu.memory_space<semaphore_mem>>)
      %dma_wait3A_92 = arith.constant 0 : i32
      %dma_wait3A_93 = tpu.memref_slice %arg4[%add3A_6, %dma_wait3A_92] : memref<2560x128xi32, #tpu.memory_space<hbm>> -> memref<40x128xi32, #tpu.memory_space<hbm>>
      %dma_wait3A_94 = arith.constant 0 : i32
      %dma_wait3A_95 = tpu.memref_slice %arg4[%add3A_6, %dma_wait3A_94] : memref<2560x128xi32, #tpu.memory_space<hbm>> -> memref<40x128xi32, #tpu.memory_space<hbm>>
      tpu.wait_dma2 semaphore(%run_scoped3A_87 : memref<!tpu.dma_semaphore, #tpu.memory_space<semaphore_mem>>) src(%dma_wait3A_95 : memref<40x128xi32, #tpu.memory_space<hbm>>) dst(%arg8 : memref<40x128xi32, #tpu.memory_space<vmem>>)
      tpu.yield
    }) : () -> ()
    %dma_start3A = arith.constant 0 : i32
    %dma_start3A_7 = arith.constant 0 : i32
    %dma_start3A_8 = tpu.memref_slice %arg7[%dma_start3A, %dma_start3A_7] : memref<40x128xi32, #tpu.memory_space<vmem>> -> memref<1x128xi32, #tpu.memory_space<vmem>>
    %dma_start3A_9 = tpu.memref_squeeze %dma_start3A_8 : memref<1x128xi32, #tpu.memory_space<vmem>> -> memref<128xi32, #tpu.memory_space<vmem>>
    %dma_start3A_10 = arith.constant 0 : i32
    %dma_start3A_11 = arith.constant 0 : i32
    %dma_start3A_12 = tpu.memref_slice %arg2[%dma_start3A_10, %dma_start3A_11] : memref<40000x128xf32, #tpu.memory_space<hbm>> -> memref<40000x128xf32, #tpu.memory_space<hbm>>
    tpu.enqueue_indirect_dma source(%dma_start3A_12 : memref<40000x128xf32, #tpu.memory_space<hbm>>) target(%arg9 : memref<128x128xf32, #tpu.memory_space<vmem>>) offsets(%dma_start3A_9 : memref<128xi32, #tpu.memory_space<vmem>>) semaphore(%arg12 : memref<!tpu.dma_semaphore, #tpu.memory_space<semaphore_mem>>)
    %scan3A = arith.constant 0 : i32
    %scan3A_13 = arith.constant 0 : i32
    %scan3A_14 = arith.constant 19 : i32
    %scan3A_15 = arith.addi %scan3A_13, %scan3A_14 : i32
    %scan3A_16 = arith.constant 1 : i32
    scf.for %scan3A_87 = %scan3A_13 to %scan3A_15 step %scan3A_16  : i32 {
      %mul3A_88 = arith.constant 2 : i32
      %mul3A_89 = arith.muli %mul3A_88, %scan3A_87 : i32
      %add3A_90 = arith.constant 1 : i32
      %add3A_91 = arith.addi %mul3A_89, %add3A_90 : i32
      %dma_start3A_92 = arith.constant 0 : i32
      %dma_start3A_93 = tpu.memref_slice %arg7[%add3A_91, %dma_start3A_92] : memref<40x128xi32, #tpu.memory_space<vmem>> -> memref<1x128xi32, #tpu.memory_space<vmem>>
      %dma_start3A_94 = tpu.memref_squeeze %dma_start3A_93 : memref<1x128xi32, #tpu.memory_space<vmem>> -> memref<128xi32, #tpu.memory_space<vmem>>
      %dma_start3A_95 = arith.constant 0 : i32
      %dma_start3A_96 = arith.constant 0 : i32
      %dma_start3A_97 = tpu.memref_slice %arg2[%dma_start3A_95, %dma_start3A_96] : memref<40000x128xf32, #tpu.memory_space<hbm>> -> memref<40000x128xf32, #tpu.memory_space<hbm>>
      tpu.enqueue_indirect_dma source(%dma_start3A_97 : memref<40000x128xf32, #tpu.memory_space<hbm>>) target(%arg10 : memref<128x128xf32, #tpu.memory_space<vmem>>) offsets(%dma_start3A_94 : memref<128xi32, #tpu.memory_space<vmem>>) semaphore(%arg13 : memref<!tpu.dma_semaphore, #tpu.memory_space<semaphore_mem>>)
      %dma_wait3A_98 = arith.constant 0 : i32
      %dma_wait3A_99 = tpu.memref_slice %arg7[%mul3A_89, %dma_wait3A_98] : memref<40x128xi32, #tpu.memory_space<vmem>> -> memref<1x128xi32, #tpu.memory_space<vmem>>
      %dma_wait3A_100 = tpu.memref_squeeze %dma_wait3A_99 : memref<1x128xi32, #tpu.memory_space<vmem>> -> memref<128xi32, #tpu.memory_space<vmem>>
      %dma_wait3A_101 = arith.constant 0 : i32
      %dma_wait3A_102 = arith.constant 0 : i32
      %dma_wait3A_103 = tpu.memref_slice %arg2[%dma_wait3A_101, %dma_wait3A_102] : memref<40000x128xf32, #tpu.memory_space<hbm>> -> memref<40000x128xf32, #tpu.memory_space<hbm>>
      tpu.wait_indirect_dma semaphore(%arg12 : memref<!tpu.dma_semaphore, #tpu.memory_space<semaphore_mem>>) src(%dma_wait3A_103 : memref<40000x128xf32, #tpu.memory_space<hbm>>) dst(%arg9 : memref<128x128xf32, #tpu.memory_space<vmem>>)
      "tpu.region"() ({
        %run_scoped3A_122 = tpu.sem_alloc : memref<!tpu.dma_semaphore, #tpu.memory_space<semaphore_mem>>
        %dma_start3A_123 = arith.constant 0 : i32
        %dma_start3A_124 = tpu.memref_slice %arg8[%mul3A_89, %dma_start3A_123] : memref<40x128xi32, #tpu.memory_space<vmem>> -> memref<1x128xi32, #tpu.memory_space<vmem>>
        %dma_start3A_125 = tpu.memref_squeeze %dma_start3A_124 : memref<1x128xi32, #tpu.memory_space<vmem>> -> memref<128xi32, #tpu.memory_space<vmem>>
        %dma_start3A_126 = arith.constant 0 : i32
        %dma_start3A_127 = arith.constant 0 : i32
        %dma_start3A_128 = tpu.memref_slice %arg11[%dma_start3A_126, %dma_start3A_127] : memref<10240x128xf32, #tpu.memory_space<vmem_shared>> -> memref<10240x128xf32, #tpu.memory_space<vmem_shared>>
        tpu.enqueue_indirect_dma source(%arg9 : memref<128x128xf32, #tpu.memory_space<vmem>>) target(%dma_start3A_128 : memref<10240x128xf32, #tpu.memory_space<vmem_shared>>) offsets(%dma_start3A_125 : memref<128xi32, #tpu.memory_space<vmem>>) semaphore(%run_scoped3A_122 : memref<!tpu.dma_semaphore, #tpu.memory_space<semaphore_mem>>) {add = true}
        %dma_wait3A_129 = arith.constant 0 : i32
        %dma_wait3A_130 = tpu.memref_slice %arg8[%mul3A_89, %dma_wait3A_129] : memref<40x128xi32, #tpu.memory_space<vmem>> -> memref<1x128xi32, #tpu.memory_space<vmem>>
        %dma_wait3A_131 = tpu.memref_squeeze %dma_wait3A_130 : memref<1x128xi32, #tpu.memory_space<vmem>> -> memref<128xi32, #tpu.memory_space<vmem>>
        %dma_wait3A_132 = arith.constant 0 : i32
        %dma_wait3A_133 = arith.constant 0 : i32
        %dma_wait3A_134 = tpu.memref_slice %arg11[%dma_wait3A_132, %dma_wait3A_133] : memref<10240x128xf32, #tpu.memory_space<vmem_shared>> -> memref<10240x128xf32, #tpu.memory_space<vmem_shared>>
        tpu.wait_indirect_dma semaphore(%run_scoped3A_122 : memref<!tpu.dma_semaphore, #tpu.memory_space<semaphore_mem>>) src(%arg9 : memref<128x128xf32, #tpu.memory_space<vmem>>) dst(%dma_wait3A_134 : memref<10240x128xf32, #tpu.memory_space<vmem_shared>>)
        tpu.yield
      }) : () -> ()
      %add3A_104 = arith.constant 2 : i32
      %add3A_105 = arith.addi %mul3A_89, %add3A_104 : i32
      %dma_start3A_106 = arith.constant 0 : i32
      %dma_start3A_107 = tpu.memref_slice %arg7[%add3A_105, %dma_start3A_106] : memref<40x128xi32, #tpu.memory_space<vmem>> -> memref<1x128xi32, #tpu.memory_space<vmem>>
      %dma_start3A_108 = tpu.memref_squeeze %dma_start3A_107 : memref<1x128xi32, #tpu.memory_space<vmem>> -> memref<128xi32, #tpu.memory_space<vmem>>
      %dma_start3A_109 = arith.constant 0 : i32
      %dma_start3A_110 = arith.constant 0 : i32
      %dma_start3A_111 = tpu.memref_slice %arg2[%dma_start3A_109, %dma_start3A_110] : memref<40000x128xf32, #tpu.memory_space<hbm>> -> memref<40000x128xf32, #tpu.memory_space<hbm>>
      tpu.enqueue_indirect_dma source(%dma_start3A_111 : memref<40000x128xf32, #tpu.memory_space<hbm>>) target(%arg9 : memref<128x128xf32, #tpu.memory_space<vmem>>) offsets(%dma_start3A_108 : memref<128xi32, #tpu.memory_space<vmem>>) semaphore(%arg12 : memref<!tpu.dma_semaphore, #tpu.memory_space<semaphore_mem>>)
      %add3A_112 = arith.constant 1 : i32
      %add3A_113 = arith.addi %mul3A_89, %add3A_112 : i32
      %dma_wait3A_114 = arith.constant 0 : i32
      %dma_wait3A_115 = tpu.memref_slice %arg7[%add3A_113, %dma_wait3A_114] : memref<40x128xi32, #tpu.memory_space<vmem>> -> memref<1x128xi32, #tpu.memory_space<vmem>>
      %dma_wait3A_116 = tpu.memref_squeeze %dma_wait3A_115 : memref<1x128xi32, #tpu.memory_space<vmem>> -> memref<128xi32, #tpu.memory_space<vmem>>
      %dma_wait3A_117 = arith.constant 0 : i32
      %dma_wait3A_118 = arith.constant 0 : i32
      %dma_wait3A_119 = tpu.memref_slice %arg2[%dma_wait3A_117, %dma_wait3A_118] : memref<40000x128xf32, #tpu.memory_space<hbm>> -> memref<40000x128xf32, #tpu.memory_space<hbm>>
      tpu.wait_indirect_dma semaphore(%arg13 : memref<!tpu.dma_semaphore, #tpu.memory_space<semaphore_mem>>) src(%dma_wait3A_119 : memref<40000x128xf32, #tpu.memory_space<hbm>>) dst(%arg10 : memref<128x128xf32, #tpu.memory_space<vmem>>)
      %add3A_120 = arith.constant 1 : i32
      %add3A_121 = arith.addi %mul3A_89, %add3A_120 : i32
      "tpu.region"() ({
        %run_scoped3A_122 = tpu.sem_alloc : memref<!tpu.dma_semaphore, #tpu.memory_space<semaphore_mem>>
        %dma_start3A_123 = arith.constant 0 : i32
        %dma_start3A_124 = tpu.memref_slice %arg8[%add3A_121, %dma_start3A_123] : memref<40x128xi32, #tpu.memory_space<vmem>> -> memref<1x128xi32, #tpu.memory_space<vmem>>
        %dma_start3A_125 = tpu.memref_squeeze %dma_start3A_124 : memref<1x128xi32, #tpu.memory_space<vmem>> -> memref<128xi32, #tpu.memory_space<vmem>>
        %dma_start3A_126 = arith.constant 0 : i32
        %dma_start3A_127 = arith.constant 0 : i32
        %dma_start3A_128 = tpu.memref_slice %arg11[%dma_start3A_126, %dma_start3A_127] : memref<10240x128xf32, #tpu.memory_space<vmem_shared>> -> memref<10240x128xf32, #tpu.memory_space<vmem_shared>>
        tpu.enqueue_indirect_dma source(%arg10 : memref<128x128xf32, #tpu.memory_space<vmem>>) target(%dma_start3A_128 : memref<10240x128xf32, #tpu.memory_space<vmem_shared>>) offsets(%dma_start3A_125 : memref<128xi32, #tpu.memory_space<vmem>>) semaphore(%run_scoped3A_122 : memref<!tpu.dma_semaphore, #tpu.memory_space<semaphore_mem>>) {add = true}
        %dma_wait3A_129 = arith.constant 0 : i32
        %dma_wait3A_130 = tpu.memref_slice %arg8[%add3A_121, %dma_wait3A_129] : memref<40x128xi32, #tpu.memory_space<vmem>> -> memref<1x128xi32, #tpu.memory_space<vmem>>
        %dma_wait3A_131 = tpu.memref_squeeze %dma_wait3A_130 : memref<1x128xi32, #tpu.memory_space<vmem>> -> memref<128xi32, #tpu.memory_space<vmem>>
        %dma_wait3A_132 = arith.constant 0 : i32
        %dma_wait3A_133 = arith.constant 0 : i32
        %dma_wait3A_134 = tpu.memref_slice %arg11[%dma_wait3A_132, %dma_wait3A_133] : memref<10240x128xf32, #tpu.memory_space<vmem_shared>> -> memref<10240x128xf32, #tpu.memory_space<vmem_shared>>
        tpu.wait_indirect_dma semaphore(%run_scoped3A_122 : memref<!tpu.dma_semaphore, #tpu.memory_space<semaphore_mem>>) src(%arg10 : memref<128x128xf32, #tpu.memory_space<vmem>>) dst(%dma_wait3A_134 : memref<10240x128xf32, #tpu.memory_space<vmem_shared>>)
        tpu.yield
      }) : () -> ()
    }
    %scan3A_17 = arith.constant 19 : i32
    %dma_start3A_18 = arith.constant 39 : i32
    %dma_start3A_19 = arith.constant 0 : i32
    %dma_start3A_20 = tpu.memref_slice %arg7[%dma_start3A_18, %dma_start3A_19] : memref<40x128xi32, #tpu.memory_space<vmem>> -> memref<1x128xi32, #tpu.memory_space<vmem>>
    %dma_start3A_21 = tpu.memref_squeeze %dma_start3A_20 : memref<1x128xi32, #tpu.memory_space<vmem>> -> memref<128xi32, #tpu.memory_space<vmem>>
    %dma_start3A_22 = arith.constant 0 : i32
    %dma_start3A_23 = arith.constant 0 : i32
    %dma_start3A_24 = tpu.memref_slice %arg2[%dma_start3A_22, %dma_start3A_23] : memref<40000x128xf32, #tpu.memory_space<hbm>> -> memref<40000x128xf32, #tpu.memory_space<hbm>>
    tpu.enqueue_indirect_dma source(%dma_start3A_24 : memref<40000x128xf32, #tpu.memory_space<hbm>>) target(%arg10 : memref<128x128xf32, #tpu.memory_space<vmem>>) offsets(%dma_start3A_21 : memref<128xi32, #tpu.memory_space<vmem>>) semaphore(%arg13 : memref<!tpu.dma_semaphore, #tpu.memory_space<semaphore_mem>>)
    %dma_wait3A = arith.constant 38 : i32
    %dma_wait3A_25 = arith.constant 0 : i32
    %dma_wait3A_26 = tpu.memref_slice %arg7[%dma_wait3A, %dma_wait3A_25] : memref<40x128xi32, #tpu.memory_space<vmem>> -> memref<1x128xi32, #tpu.memory_space<vmem>>
    %dma_wait3A_27 = tpu.memref_squeeze %dma_wait3A_26 : memref<1x128xi32, #tpu.memory_space<vmem>> -> memref<128xi32, #tpu.memory_space<vmem>>
    %dma_wait3A_28 = arith.constant 0 : i32
    %dma_wait3A_29 = arith.constant 0 : i32
    %dma_wait3A_30 = tpu.memref_slice %arg2[%dma_wait3A_28, %dma_wait3A_29] : memref<40000x128xf32, #tpu.memory_space<hbm>> -> memref<40000x128xf32, #tpu.memory_space<hbm>>
    tpu.wait_indirect_dma semaphore(%arg12 : memref<!tpu.dma_semaphore, #tpu.memory_space<semaphore_mem>>) src(%dma_wait3A_30 : memref<40000x128xf32, #tpu.memory_space<hbm>>) dst(%arg9 : memref<128x128xf32, #tpu.memory_space<vmem>>)
    %run_scoped3A = arith.constant 38 : i32
    "tpu.region"() ({
      %run_scoped3A_87 = tpu.sem_alloc : memref<!tpu.dma_semaphore, #tpu.memory_space<semaphore_mem>>
      %dma_start3A_88 = arith.constant 0 : i32
      %dma_start3A_89 = tpu.memref_slice %arg8[%run_scoped3A, %dma_start3A_88] : memref<40x128xi32, #tpu.memory_space<vmem>> -> memref<1x128xi32, #tpu.memory_space<vmem>>
      %dma_start3A_90 = tpu.memref_squeeze %dma_start3A_89 : memref<1x128xi32, #tpu.memory_space<vmem>> -> memref<128xi32, #tpu.memory_space<vmem>>
      %dma_start3A_91 = arith.constant 0 : i32
      %dma_start3A_92 = arith.constant 0 : i32
      %dma_start3A_93 = tpu.memref_slice %arg11[%dma_start3A_91, %dma_start3A_92] : memref<10240x128xf32, #tpu.memory_space<vmem_shared>> -> memref<10240x128xf32, #tpu.memory_space<vmem_shared>>
      tpu.enqueue_indirect_dma source(%arg9 : memref<128x128xf32, #tpu.memory_space<vmem>>) target(%dma_start3A_93 : memref<10240x128xf32, #tpu.memory_space<vmem_shared>>) offsets(%dma_start3A_90 : memref<128xi32, #tpu.memory_space<vmem>>) semaphore(%run_scoped3A_87 : memref<!tpu.dma_semaphore, #tpu.memory_space<semaphore_mem>>) {add = true}
      %dma_wait3A_94 = arith.constant 0 : i32
      %dma_wait3A_95 = tpu.memref_slice %arg8[%run_scoped3A, %dma_wait3A_94] : memref<40x128xi32, #tpu.memory_space<vmem>> -> memref<1x128xi32, #tpu.memory_space<vmem>>
      %dma_wait3A_96 = tpu.memref_squeeze %dma_wait3A_95 : memref<1x128xi32, #tpu.memory_space<vmem>> -> memref<128xi32, #tpu.memory_space<vmem>>
      %dma_wait3A_97 = arith.constant 0 : i32
      %dma_wait3A_98 = arith.constant 0 : i32
      %dma_wait3A_99 = tpu.memref_slice %arg11[%dma_wait3A_97, %dma_wait3A_98] : memref<10240x128xf32, #tpu.memory_space<vmem_shared>> -> memref<10240x128xf32, #tpu.memory_space<vmem_shared>>
      tpu.wait_indirect_dma semaphore(%run_scoped3A_87 : memref<!tpu.dma_semaphore, #tpu.memory_space<semaphore_mem>>) src(%arg9 : memref<128x128xf32, #tpu.memory_space<vmem>>) dst(%dma_wait3A_99 : memref<10240x128xf32, #tpu.memory_space<vmem_shared>>)
      tpu.yield
    }) : () -> ()
    %dma_wait3A_31 = arith.constant 39 : i32
    %dma_wait3A_32 = arith.constant 0 : i32
    %dma_wait3A_33 = tpu.memref_slice %arg7[%dma_wait3A_31, %dma_wait3A_32] : memref<40x128xi32, #tpu.memory_space<vmem>> -> memref<1x128xi32, #tpu.memory_space<vmem>>
    %dma_wait3A_34 = tpu.memref_squeeze %dma_wait3A_33 : memref<1x128xi32, #tpu.memory_space<vmem>> -> memref<128xi32, #tpu.memory_space<vmem>>
    %dma_wait3A_35 = arith.constant 0 : i32
    %dma_wait3A_36 = arith.constant 0 : i32
    %dma_wait3A_37 = tpu.memref_slice %arg2[%dma_wait3A_35, %dma_wait3A_36] : memref<40000x128xf32, #tpu.memory_space<hbm>> -> memref<40000x128xf32, #tpu.memory_space<hbm>>
    tpu.wait_indirect_dma semaphore(%arg13 : memref<!tpu.dma_semaphore, #tpu.memory_space<semaphore_mem>>) src(%dma_wait3A_37 : memref<40000x128xf32, #tpu.memory_space<hbm>>) dst(%arg10 : memref<128x128xf32, #tpu.memory_space<vmem>>)
    %run_scoped3A_38 = arith.constant 39 : i32
    "tpu.region"() ({
      %run_scoped3A_87 = tpu.sem_alloc : memref<!tpu.dma_semaphore, #tpu.memory_space<semaphore_mem>>
      %dma_start3A_88 = arith.constant 0 : i32
      %dma_start3A_89 = tpu.memref_slice %arg8[%run_scoped3A_38, %dma_start3A_88] : memref<40x128xi32, #tpu.memory_space<vmem>> -> memref<1x128xi32, #tpu.memory_space<vmem>>
      %dma_start3A_90 = tpu.memref_squeeze %dma_start3A_89 : memref<1x128xi32, #tpu.memory_space<vmem>> -> memref<128xi32, #tpu.memory_space<vmem>>
      %dma_start3A_91 = arith.constant 0 : i32
      %dma_start3A_92 = arith.constant 0 : i32
      %dma_start3A_93 = tpu.memref_slice %arg11[%dma_start3A_91, %dma_start3A_92] : memref<10240x128xf32, #tpu.memory_space<vmem_shared>> -> memref<10240x128xf32, #tpu.memory_space<vmem_shared>>
      tpu.enqueue_indirect_dma source(%arg10 : memref<128x128xf32, #tpu.memory_space<vmem>>) target(%dma_start3A_93 : memref<10240x128xf32, #tpu.memory_space<vmem_shared>>) offsets(%dma_start3A_90 : memref<128xi32, #tpu.memory_space<vmem>>) semaphore(%run_scoped3A_87 : memref<!tpu.dma_semaphore, #tpu.memory_space<semaphore_mem>>) {add = true}
      %dma_wait3A_94 = arith.constant 0 : i32
      %dma_wait3A_95 = tpu.memref_slice %arg8[%run_scoped3A_38, %dma_wait3A_94] : memref<40x128xi32, #tpu.memory_space<vmem>> -> memref<1x128xi32, #tpu.memory_space<vmem>>
      %dma_wait3A_96 = tpu.memref_squeeze %dma_wait3A_95 : memref<1x128xi32, #tpu.memory_space<vmem>> -> memref<128xi32, #tpu.memory_space<vmem>>
      %dma_wait3A_97 = arith.constant 0 : i32
      %dma_wait3A_98 = arith.constant 0 : i32
      %dma_wait3A_99 = tpu.memref_slice %arg11[%dma_wait3A_97, %dma_wait3A_98] : memref<10240x128xf32, #tpu.memory_space<vmem_shared>> -> memref<10240x128xf32, #tpu.memory_space<vmem_shared>>
      tpu.wait_indirect_dma semaphore(%run_scoped3A_87 : memref<!tpu.dma_semaphore, #tpu.memory_space<semaphore_mem>>) src(%arg10 : memref<128x128xf32, #tpu.memory_space<vmem>>) dst(%dma_wait3A_99 : memref<10240x128xf32, #tpu.memory_space<vmem_shared>>)
      tpu.yield
    }) : () -> ()
    %mul3A_39 = arith.constant 80 : i32
    %mul3A_40 = arith.muli %add3A, %mul3A_39 : i32
    %add3A_41 = arith.constant 40 : i32
    %add3A_42 = arith.addi %mul3A_40, %add3A_41 : i32
    "tpu.region"() ({
      %run_scoped3A_87 = tpu.sem_alloc : memref<!tpu.dma_semaphore, #tpu.memory_space<semaphore_mem>>
      %dma_start3A_88 = arith.constant 0 : i32
      %dma_start3A_89 = tpu.memref_slice %arg3[%add3A_42, %dma_start3A_88] : memref<2560x128xi32, #tpu.memory_space<hbm>> -> memref<40x128xi32, #tpu.memory_space<hbm>>
      %dma_start3A_90 = arith.constant 0 : i32
      %dma_start3A_91 = tpu.memref_slice %arg3[%add3A_42, %dma_start3A_90] : memref<2560x128xi32, #tpu.memory_space<hbm>> -> memref<40x128xi32, #tpu.memory_space<hbm>>
      tpu.enqueue_dma source(%dma_start3A_91 : memref<40x128xi32, #tpu.memory_space<hbm>>) target(%arg7 : memref<40x128xi32, #tpu.memory_space<vmem>>) target_semaphore(%run_scoped3A_87 : memref<!tpu.dma_semaphore, #tpu.memory_space<semaphore_mem>>)
      %dma_wait3A_92 = arith.constant 0 : i32
      %dma_wait3A_93 = tpu.memref_slice %arg3[%add3A_42, %dma_wait3A_92] : memref<2560x128xi32, #tpu.memory_space<hbm>> -> memref<40x128xi32, #tpu.memory_space<hbm>>
      %dma_wait3A_94 = arith.constant 0 : i32
      %dma_wait3A_95 = tpu.memref_slice %arg3[%add3A_42, %dma_wait3A_94] : memref<2560x128xi32, #tpu.memory_space<hbm>> -> memref<40x128xi32, #tpu.memory_space<hbm>>
      tpu.wait_dma2 semaphore(%run_scoped3A_87 : memref<!tpu.dma_semaphore, #tpu.memory_space<semaphore_mem>>) src(%dma_wait3A_95 : memref<40x128xi32, #tpu.memory_space<hbm>>) dst(%arg7 : memref<40x128xi32, #tpu.memory_space<vmem>>)
      tpu.yield
    }) : () -> ()
    "tpu.region"() ({
      %run_scoped3A_87 = tpu.sem_alloc : memref<!tpu.dma_semaphore, #tpu.memory_space<semaphore_mem>>
      %dma_start3A_88 = arith.constant 0 : i32
      %dma_start3A_89 = tpu.memref_slice %arg4[%add3A_42, %dma_start3A_88] : memref<2560x128xi32, #tpu.memory_space<hbm>> -> memref<40x128xi32, #tpu.memory_space<hbm>>
      %dma_start3A_90 = arith.constant 0 : i32
      %dma_start3A_91 = tpu.memref_slice %arg4[%add3A_42, %dma_start3A_90] : memref<2560x128xi32, #tpu.memory_space<hbm>> -> memref<40x128xi32, #tpu.memory_space<hbm>>
      tpu.enqueue_dma source(%dma_start3A_91 : memref<40x128xi32, #tpu.memory_space<hbm>>) target(%arg8 : memref<40x128xi32, #tpu.memory_space<vmem>>) target_semaphore(%run_scoped3A_87 : memref<!tpu.dma_semaphore, #tpu.memory_space<semaphore_mem>>)
      %dma_wait3A_92 = arith.constant 0 : i32
      %dma_wait3A_93 = tpu.memref_slice %arg4[%add3A_42, %dma_wait3A_92] : memref<2560x128xi32, #tpu.memory_space<hbm>> -> memref<40x128xi32, #tpu.memory_space<hbm>>
      %dma_wait3A_94 = arith.constant 0 : i32
      %dma_wait3A_95 = tpu.memref_slice %arg4[%add3A_42, %dma_wait3A_94] : memref<2560x128xi32, #tpu.memory_space<hbm>> -> memref<40x128xi32, #tpu.memory_space<hbm>>
      tpu.wait_dma2 semaphore(%run_scoped3A_87 : memref<!tpu.dma_semaphore, #tpu.memory_space<semaphore_mem>>) src(%dma_wait3A_95 : memref<40x128xi32, #tpu.memory_space<hbm>>) dst(%arg8 : memref<40x128xi32, #tpu.memory_space<vmem>>)
      tpu.yield
    }) : () -> ()
    %dma_start3A_43 = arith.constant 0 : i32
    %dma_start3A_44 = arith.constant 0 : i32
    %dma_start3A_45 = tpu.memref_slice %arg7[%dma_start3A_43, %dma_start3A_44] : memref<40x128xi32, #tpu.memory_space<vmem>> -> memref<1x128xi32, #tpu.memory_space<vmem>>
    %dma_start3A_46 = tpu.memref_squeeze %dma_start3A_45 : memref<1x128xi32, #tpu.memory_space<vmem>> -> memref<128xi32, #tpu.memory_space<vmem>>
    %dma_start3A_47 = arith.constant 0 : i32
    %dma_start3A_48 = arith.constant 0 : i32
    %dma_start3A_49 = tpu.memref_slice %arg2[%dma_start3A_47, %dma_start3A_48] : memref<40000x128xf32, #tpu.memory_space<hbm>> -> memref<40000x128xf32, #tpu.memory_space<hbm>>
    tpu.enqueue_indirect_dma source(%dma_start3A_49 : memref<40000x128xf32, #tpu.memory_space<hbm>>) target(%arg9 : memref<128x128xf32, #tpu.memory_space<vmem>>) offsets(%dma_start3A_46 : memref<128xi32, #tpu.memory_space<vmem>>) semaphore(%arg12 : memref<!tpu.dma_semaphore, #tpu.memory_space<semaphore_mem>>)
    %scan3A_50 = arith.constant 0 : i32
    %scan3A_51 = arith.constant 0 : i32
    %scan3A_52 = arith.constant 19 : i32
    %scan3A_53 = arith.addi %scan3A_51, %scan3A_52 : i32
    %scan3A_54 = arith.constant 1 : i32
    scf.for %scan3A_87 = %scan3A_51 to %scan3A_53 step %scan3A_54  : i32 {
      %mul3A_88 = arith.constant 2 : i32
      %mul3A_89 = arith.muli %mul3A_88, %scan3A_87 : i32
      %add3A_90 = arith.constant 1 : i32
      %add3A_91 = arith.addi %mul3A_89, %add3A_90 : i32
      %dma_start3A_92 = arith.constant 0 : i32
      %dma_start3A_93 = tpu.memref_slice %arg7[%add3A_91, %dma_start3A_92] : memref<40x128xi32, #tpu.memory_space<vmem>> -> memref<1x128xi32, #tpu.memory_space<vmem>>
      %dma_start3A_94 = tpu.memref_squeeze %dma_start3A_93 : memref<1x128xi32, #tpu.memory_space<vmem>> -> memref<128xi32, #tpu.memory_space<vmem>>
      %dma_start3A_95 = arith.constant 0 : i32
      %dma_start3A_96 = arith.constant 0 : i32
      %dma_start3A_97 = tpu.memref_slice %arg2[%dma_start3A_95, %dma_start3A_96] : memref<40000x128xf32, #tpu.memory_space<hbm>> -> memref<40000x128xf32, #tpu.memory_space<hbm>>
      tpu.enqueue_indirect_dma source(%dma_start3A_97 : memref<40000x128xf32, #tpu.memory_space<hbm>>) target(%arg10 : memref<128x128xf32, #tpu.memory_space<vmem>>) offsets(%dma_start3A_94 : memref<128xi32, #tpu.memory_space<vmem>>) semaphore(%arg13 : memref<!tpu.dma_semaphore, #tpu.memory_space<semaphore_mem>>)
      %dma_wait3A_98 = arith.constant 0 : i32
      %dma_wait3A_99 = tpu.memref_slice %arg7[%mul3A_89, %dma_wait3A_98] : memref<40x128xi32, #tpu.memory_space<vmem>> -> memref<1x128xi32, #tpu.memory_space<vmem>>
      %dma_wait3A_100 = tpu.memref_squeeze %dma_wait3A_99 : memref<1x128xi32, #tpu.memory_space<vmem>> -> memref<128xi32, #tpu.memory_space<vmem>>
      %dma_wait3A_101 = arith.constant 0 : i32
      %dma_wait3A_102 = arith.constant 0 : i32
      %dma_wait3A_103 = tpu.memref_slice %arg2[%dma_wait3A_101, %dma_wait3A_102] : memref<40000x128xf32, #tpu.memory_space<hbm>> -> memref<40000x128xf32, #tpu.memory_space<hbm>>
      tpu.wait_indirect_dma semaphore(%arg12 : memref<!tpu.dma_semaphore, #tpu.memory_space<semaphore_mem>>) src(%dma_wait3A_103 : memref<40000x128xf32, #tpu.memory_space<hbm>>) dst(%arg9 : memref<128x128xf32, #tpu.memory_space<vmem>>)
      "tpu.region"() ({
        %run_scoped3A_122 = tpu.sem_alloc : memref<!tpu.dma_semaphore, #tpu.memory_space<semaphore_mem>>
        %dma_start3A_123 = arith.constant 0 : i32
        %dma_start3A_124 = tpu.memref_slice %arg8[%mul3A_89, %dma_start3A_123] : memref<40x128xi32, #tpu.memory_space<vmem>> -> memref<1x128xi32, #tpu.memory_space<vmem>>
        %dma_start3A_125 = tpu.memref_squeeze %dma_start3A_124 : memref<1x128xi32, #tpu.memory_space<vmem>> -> memref<128xi32, #tpu.memory_space<vmem>>
        %dma_start3A_126 = arith.constant 0 : i32
        %dma_start3A_127 = arith.constant 0 : i32
        %dma_start3A_128 = tpu.memref_slice %arg11[%dma_start3A_126, %dma_start3A_127] : memref<10240x128xf32, #tpu.memory_space<vmem_shared>> -> memref<10240x128xf32, #tpu.memory_space<vmem_shared>>
        tpu.enqueue_indirect_dma source(%arg9 : memref<128x128xf32, #tpu.memory_space<vmem>>) target(%dma_start3A_128 : memref<10240x128xf32, #tpu.memory_space<vmem_shared>>) offsets(%dma_start3A_125 : memref<128xi32, #tpu.memory_space<vmem>>) semaphore(%run_scoped3A_122 : memref<!tpu.dma_semaphore, #tpu.memory_space<semaphore_mem>>) {add = true}
        %dma_wait3A_129 = arith.constant 0 : i32
        %dma_wait3A_130 = tpu.memref_slice %arg8[%mul3A_89, %dma_wait3A_129] : memref<40x128xi32, #tpu.memory_space<vmem>> -> memref<1x128xi32, #tpu.memory_space<vmem>>
        %dma_wait3A_131 = tpu.memref_squeeze %dma_wait3A_130 : memref<1x128xi32, #tpu.memory_space<vmem>> -> memref<128xi32, #tpu.memory_space<vmem>>
        %dma_wait3A_132 = arith.constant 0 : i32
        %dma_wait3A_133 = arith.constant 0 : i32
        %dma_wait3A_134 = tpu.memref_slice %arg11[%dma_wait3A_132, %dma_wait3A_133] : memref<10240x128xf32, #tpu.memory_space<vmem_shared>> -> memref<10240x128xf32, #tpu.memory_space<vmem_shared>>
        tpu.wait_indirect_dma semaphore(%run_scoped3A_122 : memref<!tpu.dma_semaphore, #tpu.memory_space<semaphore_mem>>) src(%arg9 : memref<128x128xf32, #tpu.memory_space<vmem>>) dst(%dma_wait3A_134 : memref<10240x128xf32, #tpu.memory_space<vmem_shared>>)
        tpu.yield
      }) : () -> ()
      %add3A_104 = arith.constant 2 : i32
      %add3A_105 = arith.addi %mul3A_89, %add3A_104 : i32
      %dma_start3A_106 = arith.constant 0 : i32
      %dma_start3A_107 = tpu.memref_slice %arg7[%add3A_105, %dma_start3A_106] : memref<40x128xi32, #tpu.memory_space<vmem>> -> memref<1x128xi32, #tpu.memory_space<vmem>>
      %dma_start3A_108 = tpu.memref_squeeze %dma_start3A_107 : memref<1x128xi32, #tpu.memory_space<vmem>> -> memref<128xi32, #tpu.memory_space<vmem>>
      %dma_start3A_109 = arith.constant 0 : i32
      %dma_start3A_110 = arith.constant 0 : i32
      %dma_start3A_111 = tpu.memref_slice %arg2[%dma_start3A_109, %dma_start3A_110] : memref<40000x128xf32, #tpu.memory_space<hbm>> -> memref<40000x128xf32, #tpu.memory_space<hbm>>
      tpu.enqueue_indirect_dma source(%dma_start3A_111 : memref<40000x128xf32, #tpu.memory_space<hbm>>) target(%arg9 : memref<128x128xf32, #tpu.memory_space<vmem>>) offsets(%dma_start3A_108 : memref<128xi32, #tpu.memory_space<vmem>>) semaphore(%arg12 : memref<!tpu.dma_semaphore, #tpu.memory_space<semaphore_mem>>)
      %add3A_112 = arith.constant 1 : i32
      %add3A_113 = arith.addi %mul3A_89, %add3A_112 : i32
      %dma_wait3A_114 = arith.constant 0 : i32
      %dma_wait3A_115 = tpu.memref_slice %arg7[%add3A_113, %dma_wait3A_114] : memref<40x128xi32, #tpu.memory_space<vmem>> -> memref<1x128xi32, #tpu.memory_space<vmem>>
      %dma_wait3A_116 = tpu.memref_squeeze %dma_wait3A_115 : memref<1x128xi32, #tpu.memory_space<vmem>> -> memref<128xi32, #tpu.memory_space<vmem>>
      %dma_wait3A_117 = arith.constant 0 : i32
      %dma_wait3A_118 = arith.constant 0 : i32
      %dma_wait3A_119 = tpu.memref_slice %arg2[%dma_wait3A_117, %dma_wait3A_118] : memref<40000x128xf32, #tpu.memory_space<hbm>> -> memref<40000x128xf32, #tpu.memory_space<hbm>>
      tpu.wait_indirect_dma semaphore(%arg13 : memref<!tpu.dma_semaphore, #tpu.memory_space<semaphore_mem>>) src(%dma_wait3A_119 : memref<40000x128xf32, #tpu.memory_space<hbm>>) dst(%arg10 : memref<128x128xf32, #tpu.memory_space<vmem>>)
      %add3A_120 = arith.constant 1 : i32
      %add3A_121 = arith.addi %mul3A_89, %add3A_120 : i32
      "tpu.region"() ({
        %run_scoped3A_122 = tpu.sem_alloc : memref<!tpu.dma_semaphore, #tpu.memory_space<semaphore_mem>>
        %dma_start3A_123 = arith.constant 0 : i32
        %dma_start3A_124 = tpu.memref_slice %arg8[%add3A_121, %dma_start3A_123] : memref<40x128xi32, #tpu.memory_space<vmem>> -> memref<1x128xi32, #tpu.memory_space<vmem>>
        %dma_start3A_125 = tpu.memref_squeeze %dma_start3A_124 : memref<1x128xi32, #tpu.memory_space<vmem>> -> memref<128xi32, #tpu.memory_space<vmem>>
        %dma_start3A_126 = arith.constant 0 : i32
        %dma_start3A_127 = arith.constant 0 : i32
        %dma_start3A_128 = tpu.memref_slice %arg11[%dma_start3A_126, %dma_start3A_127] : memref<10240x128xf32, #tpu.memory_space<vmem_shared>> -> memref<10240x128xf32, #tpu.memory_space<vmem_shared>>
        tpu.enqueue_indirect_dma source(%arg10 : memref<128x128xf32, #tpu.memory_space<vmem>>) target(%dma_start3A_128 : memref<10240x128xf32, #tpu.memory_space<vmem_shared>>) offsets(%dma_start3A_125 : memref<128xi32, #tpu.memory_space<vmem>>) semaphore(%run_scoped3A_122 : memref<!tpu.dma_semaphore, #tpu.memory_space<semaphore_mem>>) {add = true}
        %dma_wait3A_129 = arith.constant 0 : i32
        %dma_wait3A_130 = tpu.memref_slice %arg8[%add3A_121, %dma_wait3A_129] : memref<40x128xi32, #tpu.memory_space<vmem>> -> memref<1x128xi32, #tpu.memory_space<vmem>>
        %dma_wait3A_131 = tpu.memref_squeeze %dma_wait3A_130 : memref<1x128xi32, #tpu.memory_space<vmem>> -> memref<128xi32, #tpu.memory_space<vmem>>
        %dma_wait3A_132 = arith.constant 0 : i32
        %dma_wait3A_133 = arith.constant 0 : i32
        %dma_wait3A_134 = tpu.memref_slice %arg11[%dma_wait3A_132, %dma_wait3A_133] : memref<10240x128xf32, #tpu.memory_space<vmem_shared>> -> memref<10240x128xf32, #tpu.memory_space<vmem_shared>>
        tpu.wait_indirect_dma semaphore(%run_scoped3A_122 : memref<!tpu.dma_semaphore, #tpu.memory_space<semaphore_mem>>) src(%arg10 : memref<128x128xf32, #tpu.memory_space<vmem>>) dst(%dma_wait3A_134 : memref<10240x128xf32, #tpu.memory_space<vmem_shared>>)
        tpu.yield
      }) : () -> ()
    }
    %scan3A_55 = arith.constant 19 : i32
    %dma_start3A_56 = arith.constant 39 : i32
    %dma_start3A_57 = arith.constant 0 : i32
    %dma_start3A_58 = tpu.memref_slice %arg7[%dma_start3A_56, %dma_start3A_57] : memref<40x128xi32, #tpu.memory_space<vmem>> -> memref<1x128xi32, #tpu.memory_space<vmem>>
    %dma_start3A_59 = tpu.memref_squeeze %dma_start3A_58 : memref<1x128xi32, #tpu.memory_space<vmem>> -> memref<128xi32, #tpu.memory_space<vmem>>
    %dma_start3A_60 = arith.constant 0 : i32
    %dma_start3A_61 = arith.constant 0 : i32
    %dma_start3A_62 = tpu.memref_slice %arg2[%dma_start3A_60, %dma_start3A_61] : memref<40000x128xf32, #tpu.memory_space<hbm>> -> memref<40000x128xf32, #tpu.memory_space<hbm>>
    tpu.enqueue_indirect_dma source(%dma_start3A_62 : memref<40000x128xf32, #tpu.memory_space<hbm>>) target(%arg10 : memref<128x128xf32, #tpu.memory_space<vmem>>) offsets(%dma_start3A_59 : memref<128xi32, #tpu.memory_space<vmem>>) semaphore(%arg13 : memref<!tpu.dma_semaphore, #tpu.memory_space<semaphore_mem>>)
    %dma_wait3A_63 = arith.constant 38 : i32
    %dma_wait3A_64 = arith.constant 0 : i32
    %dma_wait3A_65 = tpu.memref_slice %arg7[%dma_wait3A_63, %dma_wait3A_64] : memref<40x128xi32, #tpu.memory_space<vmem>> -> memref<1x128xi32, #tpu.memory_space<vmem>>
    %dma_wait3A_66 = tpu.memref_squeeze %dma_wait3A_65 : memref<1x128xi32, #tpu.memory_space<vmem>> -> memref<128xi32, #tpu.memory_space<vmem>>
    %dma_wait3A_67 = arith.constant 0 : i32
    %dma_wait3A_68 = arith.constant 0 : i32
    %dma_wait3A_69 = tpu.memref_slice %arg2[%dma_wait3A_67, %dma_wait3A_68] : memref<40000x128xf32, #tpu.memory_space<hbm>> -> memref<40000x128xf32, #tpu.memory_space<hbm>>
    tpu.wait_indirect_dma semaphore(%arg12 : memref<!tpu.dma_semaphore, #tpu.memory_space<semaphore_mem>>) src(%dma_wait3A_69 : memref<40000x128xf32, #tpu.memory_space<hbm>>) dst(%arg9 : memref<128x128xf32, #tpu.memory_space<vmem>>)
    %run_scoped3A_70 = arith.constant 38 : i32
    "tpu.region"() ({
      %run_scoped3A_87 = tpu.sem_alloc : memref<!tpu.dma_semaphore, #tpu.memory_space<semaphore_mem>>
      %dma_start3A_88 = arith.constant 0 : i32
      %dma_start3A_89 = tpu.memref_slice %arg8[%run_scoped3A_70, %dma_start3A_88] : memref<40x128xi32, #tpu.memory_space<vmem>> -> memref<1x128xi32, #tpu.memory_space<vmem>>
      %dma_start3A_90 = tpu.memref_squeeze %dma_start3A_89 : memref<1x128xi32, #tpu.memory_space<vmem>> -> memref<128xi32, #tpu.memory_space<vmem>>
      %dma_start3A_91 = arith.constant 0 : i32
      %dma_start3A_92 = arith.constant 0 : i32
      %dma_start3A_93 = tpu.memref_slice %arg11[%dma_start3A_91, %dma_start3A_92] : memref<10240x128xf32, #tpu.memory_space<vmem_shared>> -> memref<10240x128xf32, #tpu.memory_space<vmem_shared>>
      tpu.enqueue_indirect_dma source(%arg9 : memref<128x128xf32, #tpu.memory_space<vmem>>) target(%dma_start3A_93 : memref<10240x128xf32, #tpu.memory_space<vmem_shared>>) offsets(%dma_start3A_90 : memref<128xi32, #tpu.memory_space<vmem>>) semaphore(%run_scoped3A_87 : memref<!tpu.dma_semaphore, #tpu.memory_space<semaphore_mem>>) {add = true}
      %dma_wait3A_94 = arith.constant 0 : i32
      %dma_wait3A_95 = tpu.memref_slice %arg8[%run_scoped3A_70, %dma_wait3A_94] : memref<40x128xi32, #tpu.memory_space<vmem>> -> memref<1x128xi32, #tpu.memory_space<vmem>>
      %dma_wait3A_96 = tpu.memref_squeeze %dma_wait3A_95 : memref<1x128xi32, #tpu.memory_space<vmem>> -> memref<128xi32, #tpu.memory_space<vmem>>
      %dma_wait3A_97 = arith.constant 0 : i32
      %dma_wait3A_98 = arith.constant 0 : i32
      %dma_wait3A_99 = tpu.memref_slice %arg11[%dma_wait3A_97, %dma_wait3A_98] : memref<10240x128xf32, #tpu.memory_space<vmem_shared>> -> memref<10240x128xf32, #tpu.memory_space<vmem_shared>>
      tpu.wait_indirect_dma semaphore(%run_scoped3A_87 : memref<!tpu.dma_semaphore, #tpu.memory_space<semaphore_mem>>) src(%arg9 : memref<128x128xf32, #tpu.memory_space<vmem>>) dst(%dma_wait3A_99 : memref<10240x128xf32, #tpu.memory_space<vmem_shared>>)
      tpu.yield
    }) : () -> ()
    %dma_wait3A_71 = arith.constant 39 : i32
    %dma_wait3A_72 = arith.constant 0 : i32
    %dma_wait3A_73 = tpu.memref_slice %arg7[%dma_wait3A_71, %dma_wait3A_72] : memref<40x128xi32, #tpu.memory_space<vmem>> -> memref<1x128xi32, #tpu.memory_space<vmem>>
    %dma_wait3A_74 = tpu.memref_squeeze %dma_wait3A_73 : memref<1x128xi32, #tpu.memory_space<vmem>> -> memref<128xi32, #tpu.memory_space<vmem>>
    %dma_wait3A_75 = arith.constant 0 : i32
    %dma_wait3A_76 = arith.constant 0 : i32
    %dma_wait3A_77 = tpu.memref_slice %arg2[%dma_wait3A_75, %dma_wait3A_76] : memref<40000x128xf32, #tpu.memory_space<hbm>> -> memref<40000x128xf32, #tpu.memory_space<hbm>>
    tpu.wait_indirect_dma semaphore(%arg13 : memref<!tpu.dma_semaphore, #tpu.memory_space<semaphore_mem>>) src(%dma_wait3A_77 : memref<40000x128xf32, #tpu.memory_space<hbm>>) dst(%arg10 : memref<128x128xf32, #tpu.memory_space<vmem>>)
    %run_scoped3A_78 = arith.constant 39 : i32
    "tpu.region"() ({
      %run_scoped3A_87 = tpu.sem_alloc : memref<!tpu.dma_semaphore, #tpu.memory_space<semaphore_mem>>
      %dma_start3A_88 = arith.constant 0 : i32
      %dma_start3A_89 = tpu.memref_slice %arg8[%run_scoped3A_78, %dma_start3A_88] : memref<40x128xi32, #tpu.memory_space<vmem>> -> memref<1x128xi32, #tpu.memory_space<vmem>>
      %dma_start3A_90 = tpu.memref_squeeze %dma_start3A_89 : memref<1x128xi32, #tpu.memory_space<vmem>> -> memref<128xi32, #tpu.memory_space<vmem>>
      %dma_start3A_91 = arith.constant 0 : i32
      %dma_start3A_92 = arith.constant 0 : i32
      %dma_start3A_93 = tpu.memref_slice %arg11[%dma_start3A_91, %dma_start3A_92] : memref<10240x128xf32, #tpu.memory_space<vmem_shared>> -> memref<10240x128xf32, #tpu.memory_space<vmem_shared>>
      tpu.enqueue_indirect_dma source(%arg10 : memref<128x128xf32, #tpu.memory_space<vmem>>) target(%dma_start3A_93 : memref<10240x128xf32, #tpu.memory_space<vmem_shared>>) offsets(%dma_start3A_90 : memref<128xi32, #tpu.memory_space<vmem>>) semaphore(%run_scoped3A_87 : memref<!tpu.dma_semaphore, #tpu.memory_space<semaphore_mem>>) {add = true}
      %dma_wait3A_94 = arith.constant 0 : i32
      %dma_wait3A_95 = tpu.memref_slice %arg8[%run_scoped3A_78, %dma_wait3A_94] : memref<40x128xi32, #tpu.memory_space<vmem>> -> memref<1x128xi32, #tpu.memory_space<vmem>>
      %dma_wait3A_96 = tpu.memref_squeeze %dma_wait3A_95 : memref<1x128xi32, #tpu.memory_space<vmem>> -> memref<128xi32, #tpu.memory_space<vmem>>
      %dma_wait3A_97 = arith.constant 0 : i32
      %dma_wait3A_98 = arith.constant 0 : i32
      %dma_wait3A_99 = tpu.memref_slice %arg11[%dma_wait3A_97, %dma_wait3A_98] : memref<10240x128xf32, #tpu.memory_space<vmem_shared>> -> memref<10240x128xf32, #tpu.memory_space<vmem_shared>>
      tpu.wait_indirect_dma semaphore(%run_scoped3A_87 : memref<!tpu.dma_semaphore, #tpu.memory_space<semaphore_mem>>) src(%arg10 : memref<128x128xf32, #tpu.memory_space<vmem>>) dst(%dma_wait3A_99 : memref<10240x128xf32, #tpu.memory_space<vmem_shared>>)
      tpu.yield
    }) : () -> ()
    %barrier3A_79 = arith.constant 0 : index
    tpu.barrier barrier_id(%barrier3A_79)
    %mul3A_80 = arith.constant 10240 : i32
    %mul3A_81 = arith.muli %arg0, %mul3A_80 : i32
    %mul3A_82 = arith.constant 640 : i32
    %mul3A_83 = arith.muli %arg1, %mul3A_82 : i32
    %add3A_84 = arith.addi %mul3A_81, %mul3A_83 : i32
    %mul3A_85 = arith.constant 640 : i32
    %mul3A_86 = arith.muli %arg1, %mul3A_85 : i32
    "tpu.region"() ({
      %run_scoped3A_87 = tpu.sem_alloc : memref<!tpu.dma_semaphore, #tpu.memory_space<semaphore_mem>>
      %dma_start3A_88 = arith.constant 0 : i32
      %dma_start3A_89 = tpu.memref_slice %arg6[%add3A_84, %dma_start3A_88] : memref<20480x128xf32, #tpu.memory_space<hbm>> -> memref<640x128xf32, #tpu.memory_space<hbm>>
      %dma_start3A_90 = arith.constant 0 : i32
      %dma_start3A_91 = tpu.memref_slice %arg11[%mul3A_86, %dma_start3A_90] : memref<10240x128xf32, #tpu.memory_space<vmem_shared>> -> memref<640x128xf32, #tpu.memory_space<vmem_shared>>
      tpu.enqueue_dma source(%dma_start3A_91 : memref<640x128xf32, #tpu.memory_space<vmem_shared>>) target(%dma_start3A_89 : memref<640x128xf32, #tpu.memory_space<hbm>>) target_semaphore(%run_scoped3A_87 : memref<!tpu.dma_semaphore, #tpu.memory_space<semaphore_mem>>)
      %dma_wait3A_92 = arith.constant 0 : i32
      %dma_wait3A_93 = tpu.memref_slice %arg6[%add3A_84, %dma_wait3A_92] : memref<20480x128xf32, #tpu.memory_space<hbm>> -> memref<640x128xf32, #tpu.memory_space<hbm>>
      %dma_wait3A_94 = arith.constant 0 : i32
      %dma_wait3A_95 = tpu.memref_slice %arg11[%mul3A_86, %dma_wait3A_94] : memref<10240x128xf32, #tpu.memory_space<vmem_shared>> -> memref<640x128xf32, #tpu.memory_space<vmem_shared>>
      tpu.wait_dma2 semaphore(%run_scoped3A_87 : memref<!tpu.dma_semaphore, #tpu.memory_space<semaphore_mem>>) src(%dma_wait3A_95 : memref<640x128xf32, #tpu.memory_space<vmem_shared>>) dst(%dma_wait3A_93 : memref<640x128xf32, #tpu.memory_space<hbm>>)
      tpu.yield
    }) : () -> ()
    return
  }
}

#map = affine_map<(d0, d1) -> (0, 0)>
module attributes {stable_mosaic.version = 14 : i64} {
  func.func @_sc_aggr_body(%arg0: i32, %arg1: i32, %arg2: memref<40000x128xf32, #tpu.memory_space<hbm>>, %arg3: memref<2560x128xi32, #tpu.memory_space<hbm>>, %arg4: memref<2560x128xi32, #tpu.memory_space<hbm>>, %arg5: memref<640x128xf32, #tpu.memory_space<hbm>>, %arg6: memref<20480x128xf32, #tpu.memory_space<hbm>>, %arg7: memref<40x128xi32, #tpu.memory_space<vmem>>, %arg8: memref<40x128xi32, #tpu.memory_space<vmem>>, %arg9: memref<128x128xf32, #tpu.memory_space<vmem>>, %arg10: memref<128x128xf32, #tpu.memory_space<vmem>>, %arg11: memref<10240x128xf32, #tpu.memory_space<vmem_shared>>, %arg12: memref<!tpu.dma_semaphore, #tpu.memory_space<semaphore_mem>>, %arg13: memref<!tpu.dma_semaphore, #tpu.memory_space<semaphore_mem>>) attributes {dimension_semantics = [#tpu.dimension_semantics<core_parallel>, #tpu.dimension_semantics<subcore_parallel>], iteration_bounds = array<i64: 2, 16>, scalar_prefetch = 0 : i64, scratch_operands = 7 : i64, tpu.core_type = #tpu.core_type<sc_vector_subcore>, window_params = [{transform_indices = #map}, {transform_indices = #map}, {transform_indices = #map}, {transform_indices = #map}, {transform_indices = #map}]} {
    %mul3A = arith.constant 2 : i32
    %mul3A_0 = arith.muli %arg1, %mul3A : i32
    %add3A = arith.addi %mul3A_0, %arg0 : i32
    %mul3A_1 = arith.constant 640 : i32
    %mul3A_2 = arith.muli %arg1, %mul3A_1 : i32
    "tpu.region"() ({
      %run_scoped3A_87 = tpu.sem_alloc : memref<!tpu.dma_semaphore, #tpu.memory_space<semaphore_mem>>
      %dma_start3A_88 = arith.constant 0 : i32
      %dma_start3A_89 = tpu.memref_slice %arg11[%mul3A_2, %dma_start3A_88] : memref<10240x128xf32, #tpu.memory_space<vmem_shared>> -> memref<640x128xf32, #tpu.memory_space<vmem_shared>>
      tpu.enqueue_dma source(%arg5 : memref<640x128xf32, #tpu.memory_space<hbm>>) target(%dma_start3A_89 : memref<640x128xf32, #tpu.memory_space<vmem_shared>>) target_semaphore(%run_scoped3A_87 : memref<!tpu.dma_semaphore, #tpu.memory_space<semaphore_mem>>)
      %dma_wait3A_90 = arith.constant 0 : i32
      %dma_wait3A_91 = tpu.memref_slice %arg11[%mul3A_2, %dma_wait3A_90] : memref<10240x128xf32, #tpu.memory_space<vmem_shared>> -> memref<640x128xf32, #tpu.memory_space<vmem_shared>>
      tpu.wait_dma2 semaphore(%run_scoped3A_87 : memref<!tpu.dma_semaphore, #tpu.memory_space<semaphore_mem>>) src(%arg5 : memref<640x128xf32, #tpu.memory_space<hbm>>) dst(%dma_wait3A_91 : memref<640x128xf32, #tpu.memory_space<vmem_shared>>)
      tpu.yield
    }) : () -> ()
    %barrier3A = arith.constant 0 : index
    tpu.barrier barrier_id(%barrier3A)
    %mul3A_3 = arith.constant 80 : i32
    %mul3A_4 = arith.muli %add3A, %mul3A_3 : i32
    %add3A_5 = arith.constant 0 : i32
    %add3A_6 = arith.addi %mul3A_4, %add3A_5 : i32
    "tpu.region"() ({
      %run_scoped3A_87 = tpu.sem_alloc : memref<!tpu.dma_semaphore, #tpu.memory_space<semaphore_mem>>
      %dma_start3A_88 = arith.constant 0 : i32
      %dma_start3A_89 = tpu.memref_slice %arg3[%add3A_6, %dma_start3A_88] : memref<2560x128xi32, #tpu.memory_space<hbm>> -> memref<40x128xi32, #tpu.memory_space<hbm>>
      %dma_start3A_90 = arith.constant 0 : i32
      %dma_start3A_91 = tpu.memref_slice %arg3[%add3A_6, %dma_start3A_90] : memref<2560x128xi32, #tpu.memory_space<hbm>> -> memref<40x128xi32, #tpu.memory_space<hbm>>
      tpu.enqueue_dma source(%dma_start3A_91 : memref<40x128xi32, #tpu.memory_space<hbm>>) target(%arg7 : memref<40x128xi32, #tpu.memory_space<vmem>>) target_semaphore(%run_scoped3A_87 : memref<!tpu.dma_semaphore, #tpu.memory_space<semaphore_mem>>)
      %dma_wait3A_92 = arith.constant 0 : i32
      %dma_wait3A_93 = tpu.memref_slice %arg3[%add3A_6, %dma_wait3A_92] : memref<2560x128xi32, #tpu.memory_space<hbm>> -> memref<40x128xi32, #tpu.memory_space<hbm>>
      %dma_wait3A_94 = arith.constant 0 : i32
      %dma_wait3A_95 = tpu.memref_slice %arg3[%add3A_6, %dma_wait3A_94] : memref<2560x128xi32, #tpu.memory_space<hbm>> -> memref<40x128xi32, #tpu.memory_space<hbm>>
      tpu.wait_dma2 semaphore(%run_scoped3A_87 : memref<!tpu.dma_semaphore, #tpu.memory_space<semaphore_mem>>) src(%dma_wait3A_95 : memref<40x128xi32, #tpu.memory_space<hbm>>) dst(%arg7 : memref<40x128xi32, #tpu.memory_space<vmem>>)
      tpu.yield
    }) : () -> ()
    "tpu.region"() ({
      %run_scoped3A_87 = tpu.sem_alloc : memref<!tpu.dma_semaphore, #tpu.memory_space<semaphore_mem>>
      %dma_start3A_88 = arith.constant 0 : i32
      %dma_start3A_89 = tpu.memref_slice %arg4[%add3A_6, %dma_start3A_88] : memref<2560x128xi32, #tpu.memory_space<hbm>> -> memref<40x128xi32, #tpu.memory_space<hbm>>
      %dma_start3A_90 = arith.constant 0 : i32
      %dma_start3A_91 = tpu.memref_slice %arg4[%add3A_6, %dma_start3A_90] : memref<2560x128xi32, #tpu.memory_space<hbm>> -> memref<40x128xi32, #tpu.memory_space<hbm>>
      tpu.enqueue_dma source(%dma_start3A_91 : memref<40x128xi32, #tpu.memory_space<hbm>>) target(%arg8 : memref<40x128xi32, #tpu.memory_space<vmem>>) target_semaphore(%run_scoped3A_87 : memref<!tpu.dma_semaphore, #tpu.memory_space<semaphore_mem>>)
      %dma_wait3A_92 = arith.constant 0 : i32
      %dma_wait3A_93 = tpu.memref_slice %arg4[%add3A_6, %dma_wait3A_92] : memref<2560x128xi32, #tpu.memory_space<hbm>> -> memref<40x128xi32, #tpu.memory_space<hbm>>
      %dma_wait3A_94 = arith.constant 0 : i32
      %dma_wait3A_95 = tpu.memref_slice %arg4[%add3A_6, %dma_wait3A_94] : memref<2560x128xi32, #tpu.memory_space<hbm>> -> memref<40x128xi32, #tpu.memory_space<hbm>>
      tpu.wait_dma2 semaphore(%run_scoped3A_87 : memref<!tpu.dma_semaphore, #tpu.memory_space<semaphore_mem>>) src(%dma_wait3A_95 : memref<40x128xi32, #tpu.memory_space<hbm>>) dst(%arg8 : memref<40x128xi32, #tpu.memory_space<vmem>>)
      tpu.yield
    }) : () -> ()
    %dma_start3A = arith.constant 0 : i32
    %dma_start3A_7 = arith.constant 0 : i32
    %dma_start3A_8 = tpu.memref_slice %arg7[%dma_start3A, %dma_start3A_7] : memref<40x128xi32, #tpu.memory_space<vmem>> -> memref<1x128xi32, #tpu.memory_space<vmem>>
    %dma_start3A_9 = tpu.memref_squeeze %dma_start3A_8 : memref<1x128xi32, #tpu.memory_space<vmem>> -> memref<128xi32, #tpu.memory_space<vmem>>
    %dma_start3A_10 = arith.constant 0 : i32
    %dma_start3A_11 = arith.constant 0 : i32
    %dma_start3A_12 = tpu.memref_slice %arg2[%dma_start3A_10, %dma_start3A_11] : memref<40000x128xf32, #tpu.memory_space<hbm>> -> memref<40000x128xf32, #tpu.memory_space<hbm>>
    tpu.enqueue_indirect_dma source(%dma_start3A_12 : memref<40000x128xf32, #tpu.memory_space<hbm>>) target(%arg9 : memref<128x128xf32, #tpu.memory_space<vmem>>) offsets(%dma_start3A_9 : memref<128xi32, #tpu.memory_space<vmem>>) semaphore(%arg12 : memref<!tpu.dma_semaphore, #tpu.memory_space<semaphore_mem>>)
    %scan3A = arith.constant 0 : i32
    %scan3A_13 = arith.constant 0 : i32
    %scan3A_14 = arith.constant 19 : i32
    %scan3A_15 = arith.addi %scan3A_13, %scan3A_14 : i32
    %scan3A_16 = arith.constant 1 : i32
    scf.for %scan3A_87 = %scan3A_13 to %scan3A_15 step %scan3A_16  : i32 {
      %mul3A_88 = arith.constant 2 : i32
      %mul3A_89 = arith.muli %mul3A_88, %scan3A_87 : i32
      %add3A_90 = arith.constant 1 : i32
      %add3A_91 = arith.addi %mul3A_89, %add3A_90 : i32
      %dma_start3A_92 = arith.constant 0 : i32
      %dma_start3A_93 = tpu.memref_slice %arg7[%add3A_91, %dma_start3A_92] : memref<40x128xi32, #tpu.memory_space<vmem>> -> memref<1x128xi32, #tpu.memory_space<vmem>>
      %dma_start3A_94 = tpu.memref_squeeze %dma_start3A_93 : memref<1x128xi32, #tpu.memory_space<vmem>> -> memref<128xi32, #tpu.memory_space<vmem>>
      %dma_start3A_95 = arith.constant 0 : i32
      %dma_start3A_96 = arith.constant 0 : i32
      %dma_start3A_97 = tpu.memref_slice %arg2[%dma_start3A_95, %dma_start3A_96] : memref<40000x128xf32, #tpu.memory_space<hbm>> -> memref<40000x128xf32, #tpu.memory_space<hbm>>
      tpu.enqueue_indirect_dma source(%dma_start3A_97 : memref<40000x128xf32, #tpu.memory_space<hbm>>) target(%arg10 : memref<128x128xf32, #tpu.memory_space<vmem>>) offsets(%dma_start3A_94 : memref<128xi32, #tpu.memory_space<vmem>>) semaphore(%arg13 : memref<!tpu.dma_semaphore, #tpu.memory_space<semaphore_mem>>)
      %dma_wait3A_98 = arith.constant 0 : i32
      %dma_wait3A_99 = tpu.memref_slice %arg7[%mul3A_89, %dma_wait3A_98] : memref<40x128xi32, #tpu.memory_space<vmem>> -> memref<1x128xi32, #tpu.memory_space<vmem>>
      %dma_wait3A_100 = tpu.memref_squeeze %dma_wait3A_99 : memref<1x128xi32, #tpu.memory_space<vmem>> -> memref<128xi32, #tpu.memory_space<vmem>>
      %dma_wait3A_101 = arith.constant 0 : i32
      %dma_wait3A_102 = arith.constant 0 : i32
      %dma_wait3A_103 = tpu.memref_slice %arg2[%dma_wait3A_101, %dma_wait3A_102] : memref<40000x128xf32, #tpu.memory_space<hbm>> -> memref<40000x128xf32, #tpu.memory_space<hbm>>
      tpu.wait_indirect_dma semaphore(%arg12 : memref<!tpu.dma_semaphore, #tpu.memory_space<semaphore_mem>>) src(%dma_wait3A_103 : memref<40000x128xf32, #tpu.memory_space<hbm>>) dst(%arg9 : memref<128x128xf32, #tpu.memory_space<vmem>>)
      "tpu.region"() ({
        %run_scoped3A_122 = tpu.sem_alloc : memref<!tpu.dma_semaphore, #tpu.memory_space<semaphore_mem>>
        %dma_start3A_123 = arith.constant 0 : i32
        %dma_start3A_124 = tpu.memref_slice %arg8[%mul3A_89, %dma_start3A_123] : memref<40x128xi32, #tpu.memory_space<vmem>> -> memref<1x128xi32, #tpu.memory_space<vmem>>
        %dma_start3A_125 = tpu.memref_squeeze %dma_start3A_124 : memref<1x128xi32, #tpu.memory_space<vmem>> -> memref<128xi32, #tpu.memory_space<vmem>>
        %dma_start3A_126 = arith.constant 0 : i32
        %dma_start3A_127 = arith.constant 0 : i32
        %dma_start3A_128 = tpu.memref_slice %arg11[%dma_start3A_126, %dma_start3A_127] : memref<10240x128xf32, #tpu.memory_space<vmem_shared>> -> memref<10240x128xf32, #tpu.memory_space<vmem_shared>>
        tpu.enqueue_indirect_dma source(%arg9 : memref<128x128xf32, #tpu.memory_space<vmem>>) target(%dma_start3A_128 : memref<10240x128xf32, #tpu.memory_space<vmem_shared>>) offsets(%dma_start3A_125 : memref<128xi32, #tpu.memory_space<vmem>>) semaphore(%run_scoped3A_122 : memref<!tpu.dma_semaphore, #tpu.memory_space<semaphore_mem>>) {add = true}
        %dma_wait3A_129 = arith.constant 0 : i32
        %dma_wait3A_130 = tpu.memref_slice %arg8[%mul3A_89, %dma_wait3A_129] : memref<40x128xi32, #tpu.memory_space<vmem>> -> memref<1x128xi32, #tpu.memory_space<vmem>>
        %dma_wait3A_131 = tpu.memref_squeeze %dma_wait3A_130 : memref<1x128xi32, #tpu.memory_space<vmem>> -> memref<128xi32, #tpu.memory_space<vmem>>
        %dma_wait3A_132 = arith.constant 0 : i32
        %dma_wait3A_133 = arith.constant 0 : i32
        %dma_wait3A_134 = tpu.memref_slice %arg11[%dma_wait3A_132, %dma_wait3A_133] : memref<10240x128xf32, #tpu.memory_space<vmem_shared>> -> memref<10240x128xf32, #tpu.memory_space<vmem_shared>>
        tpu.wait_indirect_dma semaphore(%run_scoped3A_122 : memref<!tpu.dma_semaphore, #tpu.memory_space<semaphore_mem>>) src(%arg9 : memref<128x128xf32, #tpu.memory_space<vmem>>) dst(%dma_wait3A_134 : memref<10240x128xf32, #tpu.memory_space<vmem_shared>>)
        tpu.yield
      }) : () -> ()
      %add3A_104 = arith.constant 2 : i32
      %add3A_105 = arith.addi %mul3A_89, %add3A_104 : i32
      %dma_start3A_106 = arith.constant 0 : i32
      %dma_start3A_107 = tpu.memref_slice %arg7[%add3A_105, %dma_start3A_106] : memref<40x128xi32, #tpu.memory_space<vmem>> -> memref<1x128xi32, #tpu.memory_space<vmem>>
      %dma_start3A_108 = tpu.memref_squeeze %dma_start3A_107 : memref<1x128xi32, #tpu.memory_space<vmem>> -> memref<128xi32, #tpu.memory_space<vmem>>
      %dma_start3A_109 = arith.constant 0 : i32
      %dma_start3A_110 = arith.constant 0 : i32
      %dma_start3A_111 = tpu.memref_slice %arg2[%dma_start3A_109, %dma_start3A_110] : memref<40000x128xf32, #tpu.memory_space<hbm>> -> memref<40000x128xf32, #tpu.memory_space<hbm>>
      tpu.enqueue_indirect_dma source(%dma_start3A_111 : memref<40000x128xf32, #tpu.memory_space<hbm>>) target(%arg9 : memref<128x128xf32, #tpu.memory_space<vmem>>) offsets(%dma_start3A_108 : memref<128xi32, #tpu.memory_space<vmem>>) semaphore(%arg12 : memref<!tpu.dma_semaphore, #tpu.memory_space<semaphore_mem>>)
      %add3A_112 = arith.constant 1 : i32
      %add3A_113 = arith.addi %mul3A_89, %add3A_112 : i32
      %dma_wait3A_114 = arith.constant 0 : i32
      %dma_wait3A_115 = tpu.memref_slice %arg7[%add3A_113, %dma_wait3A_114] : memref<40x128xi32, #tpu.memory_space<vmem>> -> memref<1x128xi32, #tpu.memory_space<vmem>>
      %dma_wait3A_116 = tpu.memref_squeeze %dma_wait3A_115 : memref<1x128xi32, #tpu.memory_space<vmem>> -> memref<128xi32, #tpu.memory_space<vmem>>
      %dma_wait3A_117 = arith.constant 0 : i32
      %dma_wait3A_118 = arith.constant 0 : i32
      %dma_wait3A_119 = tpu.memref_slice %arg2[%dma_wait3A_117, %dma_wait3A_118] : memref<40000x128xf32, #tpu.memory_space<hbm>> -> memref<40000x128xf32, #tpu.memory_space<hbm>>
      tpu.wait_indirect_dma semaphore(%arg13 : memref<!tpu.dma_semaphore, #tpu.memory_space<semaphore_mem>>) src(%dma_wait3A_119 : memref<40000x128xf32, #tpu.memory_space<hbm>>) dst(%arg10 : memref<128x128xf32, #tpu.memory_space<vmem>>)
      %add3A_120 = arith.constant 1 : i32
      %add3A_121 = arith.addi %mul3A_89, %add3A_120 : i32
      "tpu.region"() ({
        %run_scoped3A_122 = tpu.sem_alloc : memref<!tpu.dma_semaphore, #tpu.memory_space<semaphore_mem>>
        %dma_start3A_123 = arith.constant 0 : i32
        %dma_start3A_124 = tpu.memref_slice %arg8[%add3A_121, %dma_start3A_123] : memref<40x128xi32, #tpu.memory_space<vmem>> -> memref<1x128xi32, #tpu.memory_space<vmem>>
        %dma_start3A_125 = tpu.memref_squeeze %dma_start3A_124 : memref<1x128xi32, #tpu.memory_space<vmem>> -> memref<128xi32, #tpu.memory_space<vmem>>
        %dma_start3A_126 = arith.constant 0 : i32
        %dma_start3A_127 = arith.constant 0 : i32
        %dma_start3A_128 = tpu.memref_slice %arg11[%dma_start3A_126, %dma_start3A_127] : memref<10240x128xf32, #tpu.memory_space<vmem_shared>> -> memref<10240x128xf32, #tpu.memory_space<vmem_shared>>
        tpu.enqueue_indirect_dma source(%arg10 : memref<128x128xf32, #tpu.memory_space<vmem>>) target(%dma_start3A_128 : memref<10240x128xf32, #tpu.memory_space<vmem_shared>>) offsets(%dma_start3A_125 : memref<128xi32, #tpu.memory_space<vmem>>) semaphore(%run_scoped3A_122 : memref<!tpu.dma_semaphore, #tpu.memory_space<semaphore_mem>>) {add = true}
        %dma_wait3A_129 = arith.constant 0 : i32
        %dma_wait3A_130 = tpu.memref_slice %arg8[%add3A_121, %dma_wait3A_129] : memref<40x128xi32, #tpu.memory_space<vmem>> -> memref<1x128xi32, #tpu.memory_space<vmem>>
        %dma_wait3A_131 = tpu.memref_squeeze %dma_wait3A_130 : memref<1x128xi32, #tpu.memory_space<vmem>> -> memref<128xi32, #tpu.memory_space<vmem>>
        %dma_wait3A_132 = arith.constant 0 : i32
        %dma_wait3A_133 = arith.constant 0 : i32
        %dma_wait3A_134 = tpu.memref_slice %arg11[%dma_wait3A_132, %dma_wait3A_133] : memref<10240x128xf32, #tpu.memory_space<vmem_shared>> -> memref<10240x128xf32, #tpu.memory_space<vmem_shared>>
        tpu.wait_indirect_dma semaphore(%run_scoped3A_122 : memref<!tpu.dma_semaphore, #tpu.memory_space<semaphore_mem>>) src(%arg10 : memref<128x128xf32, #tpu.memory_space<vmem>>) dst(%dma_wait3A_134 : memref<10240x128xf32, #tpu.memory_space<vmem_shared>>)
        tpu.yield
      }) : () -> ()
    }
    %scan3A_17 = arith.constant 19 : i32
    %dma_start3A_18 = arith.constant 39 : i32
    %dma_start3A_19 = arith.constant 0 : i32
    %dma_start3A_20 = tpu.memref_slice %arg7[%dma_start3A_18, %dma_start3A_19] : memref<40x128xi32, #tpu.memory_space<vmem>> -> memref<1x128xi32, #tpu.memory_space<vmem>>
    %dma_start3A_21 = tpu.memref_squeeze %dma_start3A_20 : memref<1x128xi32, #tpu.memory_space<vmem>> -> memref<128xi32, #tpu.memory_space<vmem>>
    %dma_start3A_22 = arith.constant 0 : i32
    %dma_start3A_23 = arith.constant 0 : i32
    %dma_start3A_24 = tpu.memref_slice %arg2[%dma_start3A_22, %dma_start3A_23] : memref<40000x128xf32, #tpu.memory_space<hbm>> -> memref<40000x128xf32, #tpu.memory_space<hbm>>
    tpu.enqueue_indirect_dma source(%dma_start3A_24 : memref<40000x128xf32, #tpu.memory_space<hbm>>) target(%arg10 : memref<128x128xf32, #tpu.memory_space<vmem>>) offsets(%dma_start3A_21 : memref<128xi32, #tpu.memory_space<vmem>>) semaphore(%arg13 : memref<!tpu.dma_semaphore, #tpu.memory_space<semaphore_mem>>)
    %dma_wait3A = arith.constant 38 : i32
    %dma_wait3A_25 = arith.constant 0 : i32
    %dma_wait3A_26 = tpu.memref_slice %arg7[%dma_wait3A, %dma_wait3A_25] : memref<40x128xi32, #tpu.memory_space<vmem>> -> memref<1x128xi32, #tpu.memory_space<vmem>>
    %dma_wait3A_27 = tpu.memref_squeeze %dma_wait3A_26 : memref<1x128xi32, #tpu.memory_space<vmem>> -> memref<128xi32, #tpu.memory_space<vmem>>
    %dma_wait3A_28 = arith.constant 0 : i32
    %dma_wait3A_29 = arith.constant 0 : i32
    %dma_wait3A_30 = tpu.memref_slice %arg2[%dma_wait3A_28, %dma_wait3A_29] : memref<40000x128xf32, #tpu.memory_space<hbm>> -> memref<40000x128xf32, #tpu.memory_space<hbm>>
    tpu.wait_indirect_dma semaphore(%arg12 : memref<!tpu.dma_semaphore, #tpu.memory_space<semaphore_mem>>) src(%dma_wait3A_30 : memref<40000x128xf32, #tpu.memory_space<hbm>>) dst(%arg9 : memref<128x128xf32, #tpu.memory_space<vmem>>)
    %run_scoped3A = arith.constant 38 : i32
    "tpu.region"() ({
      %run_scoped3A_87 = tpu.sem_alloc : memref<!tpu.dma_semaphore, #tpu.memory_space<semaphore_mem>>
      %dma_start3A_88 = arith.constant 0 : i32
      %dma_start3A_89 = tpu.memref_slice %arg8[%run_scoped3A, %dma_start3A_88] : memref<40x128xi32, #tpu.memory_space<vmem>> -> memref<1x128xi32, #tpu.memory_space<vmem>>
      %dma_start3A_90 = tpu.memref_squeeze %dma_start3A_89 : memref<1x128xi32, #tpu.memory_space<vmem>> -> memref<128xi32, #tpu.memory_space<vmem>>
      %dma_start3A_91 = arith.constant 0 : i32
      %dma_start3A_92 = arith.constant 0 : i32
      %dma_start3A_93 = tpu.memref_slice %arg11[%dma_start3A_91, %dma_start3A_92] : memref<10240x128xf32, #tpu.memory_space<vmem_shared>> -> memref<10240x128xf32, #tpu.memory_space<vmem_shared>>
      tpu.enqueue_indirect_dma source(%arg9 : memref<128x128xf32, #tpu.memory_space<vmem>>) target(%dma_start3A_93 : memref<10240x128xf32, #tpu.memory_space<vmem_shared>>) offsets(%dma_start3A_90 : memref<128xi32, #tpu.memory_space<vmem>>) semaphore(%run_scoped3A_87 : memref<!tpu.dma_semaphore, #tpu.memory_space<semaphore_mem>>) {add = true}
      %dma_wait3A_94 = arith.constant 0 : i32
      %dma_wait3A_95 = tpu.memref_slice %arg8[%run_scoped3A, %dma_wait3A_94] : memref<40x128xi32, #tpu.memory_space<vmem>> -> memref<1x128xi32, #tpu.memory_space<vmem>>
      %dma_wait3A_96 = tpu.memref_squeeze %dma_wait3A_95 : memref<1x128xi32, #tpu.memory_space<vmem>> -> memref<128xi32, #tpu.memory_space<vmem>>
      %dma_wait3A_97 = arith.constant 0 : i32
      %dma_wait3A_98 = arith.constant 0 : i32
      %dma_wait3A_99 = tpu.memref_slice %arg11[%dma_wait3A_97, %dma_wait3A_98] : memref<10240x128xf32, #tpu.memory_space<vmem_shared>> -> memref<10240x128xf32, #tpu.memory_space<vmem_shared>>
      tpu.wait_indirect_dma semaphore(%run_scoped3A_87 : memref<!tpu.dma_semaphore, #tpu.memory_space<semaphore_mem>>) src(%arg9 : memref<128x128xf32, #tpu.memory_space<vmem>>) dst(%dma_wait3A_99 : memref<10240x128xf32, #tpu.memory_space<vmem_shared>>)
      tpu.yield
    }) : () -> ()
    %dma_wait3A_31 = arith.constant 39 : i32
    %dma_wait3A_32 = arith.constant 0 : i32
    %dma_wait3A_33 = tpu.memref_slice %arg7[%dma_wait3A_31, %dma_wait3A_32] : memref<40x128xi32, #tpu.memory_space<vmem>> -> memref<1x128xi32, #tpu.memory_space<vmem>>
    %dma_wait3A_34 = tpu.memref_squeeze %dma_wait3A_33 : memref<1x128xi32, #tpu.memory_space<vmem>> -> memref<128xi32, #tpu.memory_space<vmem>>
    %dma_wait3A_35 = arith.constant 0 : i32
    %dma_wait3A_36 = arith.constant 0 : i32
    %dma_wait3A_37 = tpu.memref_slice %arg2[%dma_wait3A_35, %dma_wait3A_36] : memref<40000x128xf32, #tpu.memory_space<hbm>> -> memref<40000x128xf32, #tpu.memory_space<hbm>>
    tpu.wait_indirect_dma semaphore(%arg13 : memref<!tpu.dma_semaphore, #tpu.memory_space<semaphore_mem>>) src(%dma_wait3A_37 : memref<40000x128xf32, #tpu.memory_space<hbm>>) dst(%arg10 : memref<128x128xf32, #tpu.memory_space<vmem>>)
    %run_scoped3A_38 = arith.constant 39 : i32
    "tpu.region"() ({
      %run_scoped3A_87 = tpu.sem_alloc : memref<!tpu.dma_semaphore, #tpu.memory_space<semaphore_mem>>
      %dma_start3A_88 = arith.constant 0 : i32
      %dma_start3A_89 = tpu.memref_slice %arg8[%run_scoped3A_38, %dma_start3A_88] : memref<40x128xi32, #tpu.memory_space<vmem>> -> memref<1x128xi32, #tpu.memory_space<vmem>>
      %dma_start3A_90 = tpu.memref_squeeze %dma_start3A_89 : memref<1x128xi32, #tpu.memory_space<vmem>> -> memref<128xi32, #tpu.memory_space<vmem>>
      %dma_start3A_91 = arith.constant 0 : i32
      %dma_start3A_92 = arith.constant 0 : i32
      %dma_start3A_93 = tpu.memref_slice %arg11[%dma_start3A_91, %dma_start3A_92] : memref<10240x128xf32, #tpu.memory_space<vmem_shared>> -> memref<10240x128xf32, #tpu.memory_space<vmem_shared>>
      tpu.enqueue_indirect_dma source(%arg10 : memref<128x128xf32, #tpu.memory_space<vmem>>) target(%dma_start3A_93 : memref<10240x128xf32, #tpu.memory_space<vmem_shared>>) offsets(%dma_start3A_90 : memref<128xi32, #tpu.memory_space<vmem>>) semaphore(%run_scoped3A_87 : memref<!tpu.dma_semaphore, #tpu.memory_space<semaphore_mem>>) {add = true}
      %dma_wait3A_94 = arith.constant 0 : i32
      %dma_wait3A_95 = tpu.memref_slice %arg8[%run_scoped3A_38, %dma_wait3A_94] : memref<40x128xi32, #tpu.memory_space<vmem>> -> memref<1x128xi32, #tpu.memory_space<vmem>>
      %dma_wait3A_96 = tpu.memref_squeeze %dma_wait3A_95 : memref<1x128xi32, #tpu.memory_space<vmem>> -> memref<128xi32, #tpu.memory_space<vmem>>
      %dma_wait3A_97 = arith.constant 0 : i32
      %dma_wait3A_98 = arith.constant 0 : i32
      %dma_wait3A_99 = tpu.memref_slice %arg11[%dma_wait3A_97, %dma_wait3A_98] : memref<10240x128xf32, #tpu.memory_space<vmem_shared>> -> memref<10240x128xf32, #tpu.memory_space<vmem_shared>>
      tpu.wait_indirect_dma semaphore(%run_scoped3A_87 : memref<!tpu.dma_semaphore, #tpu.memory_space<semaphore_mem>>) src(%arg10 : memref<128x128xf32, #tpu.memory_space<vmem>>) dst(%dma_wait3A_99 : memref<10240x128xf32, #tpu.memory_space<vmem_shared>>)
      tpu.yield
    }) : () -> ()
    %mul3A_39 = arith.constant 80 : i32
    %mul3A_40 = arith.muli %add3A, %mul3A_39 : i32
    %add3A_41 = arith.constant 40 : i32
    %add3A_42 = arith.addi %mul3A_40, %add3A_41 : i32
    "tpu.region"() ({
      %run_scoped3A_87 = tpu.sem_alloc : memref<!tpu.dma_semaphore, #tpu.memory_space<semaphore_mem>>
      %dma_start3A_88 = arith.constant 0 : i32
      %dma_start3A_89 = tpu.memref_slice %arg3[%add3A_42, %dma_start3A_88] : memref<2560x128xi32, #tpu.memory_space<hbm>> -> memref<40x128xi32, #tpu.memory_space<hbm>>
      %dma_start3A_90 = arith.constant 0 : i32
      %dma_start3A_91 = tpu.memref_slice %arg3[%add3A_42, %dma_start3A_90] : memref<2560x128xi32, #tpu.memory_space<hbm>> -> memref<40x128xi32, #tpu.memory_space<hbm>>
      tpu.enqueue_dma source(%dma_start3A_91 : memref<40x128xi32, #tpu.memory_space<hbm>>) target(%arg7 : memref<40x128xi32, #tpu.memory_space<vmem>>) target_semaphore(%run_scoped3A_87 : memref<!tpu.dma_semaphore, #tpu.memory_space<semaphore_mem>>)
      %dma_wait3A_92 = arith.constant 0 : i32
      %dma_wait3A_93 = tpu.memref_slice %arg3[%add3A_42, %dma_wait3A_92] : memref<2560x128xi32, #tpu.memory_space<hbm>> -> memref<40x128xi32, #tpu.memory_space<hbm>>
      %dma_wait3A_94 = arith.constant 0 : i32
      %dma_wait3A_95 = tpu.memref_slice %arg3[%add3A_42, %dma_wait3A_94] : memref<2560x128xi32, #tpu.memory_space<hbm>> -> memref<40x128xi32, #tpu.memory_space<hbm>>
      tpu.wait_dma2 semaphore(%run_scoped3A_87 : memref<!tpu.dma_semaphore, #tpu.memory_space<semaphore_mem>>) src(%dma_wait3A_95 : memref<40x128xi32, #tpu.memory_space<hbm>>) dst(%arg7 : memref<40x128xi32, #tpu.memory_space<vmem>>)
      tpu.yield
    }) : () -> ()
    "tpu.region"() ({
      %run_scoped3A_87 = tpu.sem_alloc : memref<!tpu.dma_semaphore, #tpu.memory_space<semaphore_mem>>
      %dma_start3A_88 = arith.constant 0 : i32
      %dma_start3A_89 = tpu.memref_slice %arg4[%add3A_42, %dma_start3A_88] : memref<2560x128xi32, #tpu.memory_space<hbm>> -> memref<40x128xi32, #tpu.memory_space<hbm>>
      %dma_start3A_90 = arith.constant 0 : i32
      %dma_start3A_91 = tpu.memref_slice %arg4[%add3A_42, %dma_start3A_90] : memref<2560x128xi32, #tpu.memory_space<hbm>> -> memref<40x128xi32, #tpu.memory_space<hbm>>
      tpu.enqueue_dma source(%dma_start3A_91 : memref<40x128xi32, #tpu.memory_space<hbm>>) target(%arg8 : memref<40x128xi32, #tpu.memory_space<vmem>>) target_semaphore(%run_scoped3A_87 : memref<!tpu.dma_semaphore, #tpu.memory_space<semaphore_mem>>)
      %dma_wait3A_92 = arith.constant 0 : i32
      %dma_wait3A_93 = tpu.memref_slice %arg4[%add3A_42, %dma_wait3A_92] : memref<2560x128xi32, #tpu.memory_space<hbm>> -> memref<40x128xi32, #tpu.memory_space<hbm>>
      %dma_wait3A_94 = arith.constant 0 : i32
      %dma_wait3A_95 = tpu.memref_slice %arg4[%add3A_42, %dma_wait3A_94] : memref<2560x128xi32, #tpu.memory_space<hbm>> -> memref<40x128xi32, #tpu.memory_space<hbm>>
      tpu.wait_dma2 semaphore(%run_scoped3A_87 : memref<!tpu.dma_semaphore, #tpu.memory_space<semaphore_mem>>) src(%dma_wait3A_95 : memref<40x128xi32, #tpu.memory_space<hbm>>) dst(%arg8 : memref<40x128xi32, #tpu.memory_space<vmem>>)
      tpu.yield
    }) : () -> ()
    %dma_start3A_43 = arith.constant 0 : i32
    %dma_start3A_44 = arith.constant 0 : i32
    %dma_start3A_45 = tpu.memref_slice %arg7[%dma_start3A_43, %dma_start3A_44] : memref<40x128xi32, #tpu.memory_space<vmem>> -> memref<1x128xi32, #tpu.memory_space<vmem>>
    %dma_start3A_46 = tpu.memref_squeeze %dma_start3A_45 : memref<1x128xi32, #tpu.memory_space<vmem>> -> memref<128xi32, #tpu.memory_space<vmem>>
    %dma_start3A_47 = arith.constant 0 : i32
    %dma_start3A_48 = arith.constant 0 : i32
    %dma_start3A_49 = tpu.memref_slice %arg2[%dma_start3A_47, %dma_start3A_48] : memref<40000x128xf32, #tpu.memory_space<hbm>> -> memref<40000x128xf32, #tpu.memory_space<hbm>>
    tpu.enqueue_indirect_dma source(%dma_start3A_49 : memref<40000x128xf32, #tpu.memory_space<hbm>>) target(%arg9 : memref<128x128xf32, #tpu.memory_space<vmem>>) offsets(%dma_start3A_46 : memref<128xi32, #tpu.memory_space<vmem>>) semaphore(%arg12 : memref<!tpu.dma_semaphore, #tpu.memory_space<semaphore_mem>>)
    %scan3A_50 = arith.constant 0 : i32
    %scan3A_51 = arith.constant 0 : i32
    %scan3A_52 = arith.constant 19 : i32
    %scan3A_53 = arith.addi %scan3A_51, %scan3A_52 : i32
    %scan3A_54 = arith.constant 1 : i32
    scf.for %scan3A_87 = %scan3A_51 to %scan3A_53 step %scan3A_54  : i32 {
      %mul3A_88 = arith.constant 2 : i32
      %mul3A_89 = arith.muli %mul3A_88, %scan3A_87 : i32
      %add3A_90 = arith.constant 1 : i32
      %add3A_91 = arith.addi %mul3A_89, %add3A_90 : i32
      %dma_start3A_92 = arith.constant 0 : i32
      %dma_start3A_93 = tpu.memref_slice %arg7[%add3A_91, %dma_start3A_92] : memref<40x128xi32, #tpu.memory_space<vmem>> -> memref<1x128xi32, #tpu.memory_space<vmem>>
      %dma_start3A_94 = tpu.memref_squeeze %dma_start3A_93 : memref<1x128xi32, #tpu.memory_space<vmem>> -> memref<128xi32, #tpu.memory_space<vmem>>
      %dma_start3A_95 = arith.constant 0 : i32
      %dma_start3A_96 = arith.constant 0 : i32
      %dma_start3A_97 = tpu.memref_slice %arg2[%dma_start3A_95, %dma_start3A_96] : memref<40000x128xf32, #tpu.memory_space<hbm>> -> memref<40000x128xf32, #tpu.memory_space<hbm>>
      tpu.enqueue_indirect_dma source(%dma_start3A_97 : memref<40000x128xf32, #tpu.memory_space<hbm>>) target(%arg10 : memref<128x128xf32, #tpu.memory_space<vmem>>) offsets(%dma_start3A_94 : memref<128xi32, #tpu.memory_space<vmem>>) semaphore(%arg13 : memref<!tpu.dma_semaphore, #tpu.memory_space<semaphore_mem>>)
      %dma_wait3A_98 = arith.constant 0 : i32
      %dma_wait3A_99 = tpu.memref_slice %arg7[%mul3A_89, %dma_wait3A_98] : memref<40x128xi32, #tpu.memory_space<vmem>> -> memref<1x128xi32, #tpu.memory_space<vmem>>
      %dma_wait3A_100 = tpu.memref_squeeze %dma_wait3A_99 : memref<1x128xi32, #tpu.memory_space<vmem>> -> memref<128xi32, #tpu.memory_space<vmem>>
      %dma_wait3A_101 = arith.constant 0 : i32
      %dma_wait3A_102 = arith.constant 0 : i32
      %dma_wait3A_103 = tpu.memref_slice %arg2[%dma_wait3A_101, %dma_wait3A_102] : memref<40000x128xf32, #tpu.memory_space<hbm>> -> memref<40000x128xf32, #tpu.memory_space<hbm>>
      tpu.wait_indirect_dma semaphore(%arg12 : memref<!tpu.dma_semaphore, #tpu.memory_space<semaphore_mem>>) src(%dma_wait3A_103 : memref<40000x128xf32, #tpu.memory_space<hbm>>) dst(%arg9 : memref<128x128xf32, #tpu.memory_space<vmem>>)
      "tpu.region"() ({
        %run_scoped3A_122 = tpu.sem_alloc : memref<!tpu.dma_semaphore, #tpu.memory_space<semaphore_mem>>
        %dma_start3A_123 = arith.constant 0 : i32
        %dma_start3A_124 = tpu.memref_slice %arg8[%mul3A_89, %dma_start3A_123] : memref<40x128xi32, #tpu.memory_space<vmem>> -> memref<1x128xi32, #tpu.memory_space<vmem>>
        %dma_start3A_125 = tpu.memref_squeeze %dma_start3A_124 : memref<1x128xi32, #tpu.memory_space<vmem>> -> memref<128xi32, #tpu.memory_space<vmem>>
        %dma_start3A_126 = arith.constant 0 : i32
        %dma_start3A_127 = arith.constant 0 : i32
        %dma_start3A_128 = tpu.memref_slice %arg11[%dma_start3A_126, %dma_start3A_127] : memref<10240x128xf32, #tpu.memory_space<vmem_shared>> -> memref<10240x128xf32, #tpu.memory_space<vmem_shared>>
        tpu.enqueue_indirect_dma source(%arg9 : memref<128x128xf32, #tpu.memory_space<vmem>>) target(%dma_start3A_128 : memref<10240x128xf32, #tpu.memory_space<vmem_shared>>) offsets(%dma_start3A_125 : memref<128xi32, #tpu.memory_space<vmem>>) semaphore(%run_scoped3A_122 : memref<!tpu.dma_semaphore, #tpu.memory_space<semaphore_mem>>) {add = true}
        %dma_wait3A_129 = arith.constant 0 : i32
        %dma_wait3A_130 = tpu.memref_slice %arg8[%mul3A_89, %dma_wait3A_129] : memref<40x128xi32, #tpu.memory_space<vmem>> -> memref<1x128xi32, #tpu.memory_space<vmem>>
        %dma_wait3A_131 = tpu.memref_squeeze %dma_wait3A_130 : memref<1x128xi32, #tpu.memory_space<vmem>> -> memref<128xi32, #tpu.memory_space<vmem>>
        %dma_wait3A_132 = arith.constant 0 : i32
        %dma_wait3A_133 = arith.constant 0 : i32
        %dma_wait3A_134 = tpu.memref_slice %arg11[%dma_wait3A_132, %dma_wait3A_133] : memref<10240x128xf32, #tpu.memory_space<vmem_shared>> -> memref<10240x128xf32, #tpu.memory_space<vmem_shared>>
        tpu.wait_indirect_dma semaphore(%run_scoped3A_122 : memref<!tpu.dma_semaphore, #tpu.memory_space<semaphore_mem>>) src(%arg9 : memref<128x128xf32, #tpu.memory_space<vmem>>) dst(%dma_wait3A_134 : memref<10240x128xf32, #tpu.memory_space<vmem_shared>>)
        tpu.yield
      }) : () -> ()
      %add3A_104 = arith.constant 2 : i32
      %add3A_105 = arith.addi %mul3A_89, %add3A_104 : i32
      %dma_start3A_106 = arith.constant 0 : i32
      %dma_start3A_107 = tpu.memref_slice %arg7[%add3A_105, %dma_start3A_106] : memref<40x128xi32, #tpu.memory_space<vmem>> -> memref<1x128xi32, #tpu.memory_space<vmem>>
      %dma_start3A_108 = tpu.memref_squeeze %dma_start3A_107 : memref<1x128xi32, #tpu.memory_space<vmem>> -> memref<128xi32, #tpu.memory_space<vmem>>
      %dma_start3A_109 = arith.constant 0 : i32
      %dma_start3A_110 = arith.constant 0 : i32
      %dma_start3A_111 = tpu.memref_slice %arg2[%dma_start3A_109, %dma_start3A_110] : memref<40000x128xf32, #tpu.memory_space<hbm>> -> memref<40000x128xf32, #tpu.memory_space<hbm>>
      tpu.enqueue_indirect_dma source(%dma_start3A_111 : memref<40000x128xf32, #tpu.memory_space<hbm>>) target(%arg9 : memref<128x128xf32, #tpu.memory_space<vmem>>) offsets(%dma_start3A_108 : memref<128xi32, #tpu.memory_space<vmem>>) semaphore(%arg12 : memref<!tpu.dma_semaphore, #tpu.memory_space<semaphore_mem>>)
      %add3A_112 = arith.constant 1 : i32
      %add3A_113 = arith.addi %mul3A_89, %add3A_112 : i32
      %dma_wait3A_114 = arith.constant 0 : i32
      %dma_wait3A_115 = tpu.memref_slice %arg7[%add3A_113, %dma_wait3A_114] : memref<40x128xi32, #tpu.memory_space<vmem>> -> memref<1x128xi32, #tpu.memory_space<vmem>>
      %dma_wait3A_116 = tpu.memref_squeeze %dma_wait3A_115 : memref<1x128xi32, #tpu.memory_space<vmem>> -> memref<128xi32, #tpu.memory_space<vmem>>
      %dma_wait3A_117 = arith.constant 0 : i32
      %dma_wait3A_118 = arith.constant 0 : i32
      %dma_wait3A_119 = tpu.memref_slice %arg2[%dma_wait3A_117, %dma_wait3A_118] : memref<40000x128xf32, #tpu.memory_space<hbm>> -> memref<40000x128xf32, #tpu.memory_space<hbm>>
      tpu.wait_indirect_dma semaphore(%arg13 : memref<!tpu.dma_semaphore, #tpu.memory_space<semaphore_mem>>) src(%dma_wait3A_119 : memref<40000x128xf32, #tpu.memory_space<hbm>>) dst(%arg10 : memref<128x128xf32, #tpu.memory_space<vmem>>)
      %add3A_120 = arith.constant 1 : i32
      %add3A_121 = arith.addi %mul3A_89, %add3A_120 : i32
      "tpu.region"() ({
        %run_scoped3A_122 = tpu.sem_alloc : memref<!tpu.dma_semaphore, #tpu.memory_space<semaphore_mem>>
        %dma_start3A_123 = arith.constant 0 : i32
        %dma_start3A_124 = tpu.memref_slice %arg8[%add3A_121, %dma_start3A_123] : memref<40x128xi32, #tpu.memory_space<vmem>> -> memref<1x128xi32, #tpu.memory_space<vmem>>
        %dma_start3A_125 = tpu.memref_squeeze %dma_start3A_124 : memref<1x128xi32, #tpu.memory_space<vmem>> -> memref<128xi32, #tpu.memory_space<vmem>>
        %dma_start3A_126 = arith.constant 0 : i32
        %dma_start3A_127 = arith.constant 0 : i32
        %dma_start3A_128 = tpu.memref_slice %arg11[%dma_start3A_126, %dma_start3A_127] : memref<10240x128xf32, #tpu.memory_space<vmem_shared>> -> memref<10240x128xf32, #tpu.memory_space<vmem_shared>>
        tpu.enqueue_indirect_dma source(%arg10 : memref<128x128xf32, #tpu.memory_space<vmem>>) target(%dma_start3A_128 : memref<10240x128xf32, #tpu.memory_space<vmem_shared>>) offsets(%dma_start3A_125 : memref<128xi32, #tpu.memory_space<vmem>>) semaphore(%run_scoped3A_122 : memref<!tpu.dma_semaphore, #tpu.memory_space<semaphore_mem>>) {add = true}
        %dma_wait3A_129 = arith.constant 0 : i32
        %dma_wait3A_130 = tpu.memref_slice %arg8[%add3A_121, %dma_wait3A_129] : memref<40x128xi32, #tpu.memory_space<vmem>> -> memref<1x128xi32, #tpu.memory_space<vmem>>
        %dma_wait3A_131 = tpu.memref_squeeze %dma_wait3A_130 : memref<1x128xi32, #tpu.memory_space<vmem>> -> memref<128xi32, #tpu.memory_space<vmem>>
        %dma_wait3A_132 = arith.constant 0 : i32
        %dma_wait3A_133 = arith.constant 0 : i32
        %dma_wait3A_134 = tpu.memref_slice %arg11[%dma_wait3A_132, %dma_wait3A_133] : memref<10240x128xf32, #tpu.memory_space<vmem_shared>> -> memref<10240x128xf32, #tpu.memory_space<vmem_shared>>
        tpu.wait_indirect_dma semaphore(%run_scoped3A_122 : memref<!tpu.dma_semaphore, #tpu.memory_space<semaphore_mem>>) src(%arg10 : memref<128x128xf32, #tpu.memory_space<vmem>>) dst(%dma_wait3A_134 : memref<10240x128xf32, #tpu.memory_space<vmem_shared>>)
        tpu.yield
      }) : () -> ()
    }
    %scan3A_55 = arith.constant 19 : i32
    %dma_start3A_56 = arith.constant 39 : i32
    %dma_start3A_57 = arith.constant 0 : i32
    %dma_start3A_58 = tpu.memref_slice %arg7[%dma_start3A_56, %dma_start3A_57] : memref<40x128xi32, #tpu.memory_space<vmem>> -> memref<1x128xi32, #tpu.memory_space<vmem>>
    %dma_start3A_59 = tpu.memref_squeeze %dma_start3A_58 : memref<1x128xi32, #tpu.memory_space<vmem>> -> memref<128xi32, #tpu.memory_space<vmem>>
    %dma_start3A_60 = arith.constant 0 : i32
    %dma_start3A_61 = arith.constant 0 : i32
    %dma_start3A_62 = tpu.memref_slice %arg2[%dma_start3A_60, %dma_start3A_61] : memref<40000x128xf32, #tpu.memory_space<hbm>> -> memref<40000x128xf32, #tpu.memory_space<hbm>>
    tpu.enqueue_indirect_dma source(%dma_start3A_62 : memref<40000x128xf32, #tpu.memory_space<hbm>>) target(%arg10 : memref<128x128xf32, #tpu.memory_space<vmem>>) offsets(%dma_start3A_59 : memref<128xi32, #tpu.memory_space<vmem>>) semaphore(%arg13 : memref<!tpu.dma_semaphore, #tpu.memory_space<semaphore_mem>>)
    %dma_wait3A_63 = arith.constant 38 : i32
    %dma_wait3A_64 = arith.constant 0 : i32
    %dma_wait3A_65 = tpu.memref_slice %arg7[%dma_wait3A_63, %dma_wait3A_64] : memref<40x128xi32, #tpu.memory_space<vmem>> -> memref<1x128xi32, #tpu.memory_space<vmem>>
    %dma_wait3A_66 = tpu.memref_squeeze %dma_wait3A_65 : memref<1x128xi32, #tpu.memory_space<vmem>> -> memref<128xi32, #tpu.memory_space<vmem>>
    %dma_wait3A_67 = arith.constant 0 : i32
    %dma_wait3A_68 = arith.constant 0 : i32
    %dma_wait3A_69 = tpu.memref_slice %arg2[%dma_wait3A_67, %dma_wait3A_68] : memref<40000x128xf32, #tpu.memory_space<hbm>> -> memref<40000x128xf32, #tpu.memory_space<hbm>>
    tpu.wait_indirect_dma semaphore(%arg12 : memref<!tpu.dma_semaphore, #tpu.memory_space<semaphore_mem>>) src(%dma_wait3A_69 : memref<40000x128xf32, #tpu.memory_space<hbm>>) dst(%arg9 : memref<128x128xf32, #tpu.memory_space<vmem>>)
    %run_scoped3A_70 = arith.constant 38 : i32
    "tpu.region"() ({
      %run_scoped3A_87 = tpu.sem_alloc : memref<!tpu.dma_semaphore, #tpu.memory_space<semaphore_mem>>
      %dma_start3A_88 = arith.constant 0 : i32
      %dma_start3A_89 = tpu.memref_slice %arg8[%run_scoped3A_70, %dma_start3A_88] : memref<40x128xi32, #tpu.memory_space<vmem>> -> memref<1x128xi32, #tpu.memory_space<vmem>>
      %dma_start3A_90 = tpu.memref_squeeze %dma_start3A_89 : memref<1x128xi32, #tpu.memory_space<vmem>> -> memref<128xi32, #tpu.memory_space<vmem>>
      %dma_start3A_91 = arith.constant 0 : i32
      %dma_start3A_92 = arith.constant 0 : i32
      %dma_start3A_93 = tpu.memref_slice %arg11[%dma_start3A_91, %dma_start3A_92] : memref<10240x128xf32, #tpu.memory_space<vmem_shared>> -> memref<10240x128xf32, #tpu.memory_space<vmem_shared>>
      tpu.enqueue_indirect_dma source(%arg9 : memref<128x128xf32, #tpu.memory_space<vmem>>) target(%dma_start3A_93 : memref<10240x128xf32, #tpu.memory_space<vmem_shared>>) offsets(%dma_start3A_90 : memref<128xi32, #tpu.memory_space<vmem>>) semaphore(%run_scoped3A_87 : memref<!tpu.dma_semaphore, #tpu.memory_space<semaphore_mem>>) {add = true}
      %dma_wait3A_94 = arith.constant 0 : i32
      %dma_wait3A_95 = tpu.memref_slice %arg8[%run_scoped3A_70, %dma_wait3A_94] : memref<40x128xi32, #tpu.memory_space<vmem>> -> memref<1x128xi32, #tpu.memory_space<vmem>>
      %dma_wait3A_96 = tpu.memref_squeeze %dma_wait3A_95 : memref<1x128xi32, #tpu.memory_space<vmem>> -> memref<128xi32, #tpu.memory_space<vmem>>
      %dma_wait3A_97 = arith.constant 0 : i32
      %dma_wait3A_98 = arith.constant 0 : i32
      %dma_wait3A_99 = tpu.memref_slice %arg11[%dma_wait3A_97, %dma_wait3A_98] : memref<10240x128xf32, #tpu.memory_space<vmem_shared>> -> memref<10240x128xf32, #tpu.memory_space<vmem_shared>>
      tpu.wait_indirect_dma semaphore(%run_scoped3A_87 : memref<!tpu.dma_semaphore, #tpu.memory_space<semaphore_mem>>) src(%arg9 : memref<128x128xf32, #tpu.memory_space<vmem>>) dst(%dma_wait3A_99 : memref<10240x128xf32, #tpu.memory_space<vmem_shared>>)
      tpu.yield
    }) : () -> ()
    %dma_wait3A_71 = arith.constant 39 : i32
    %dma_wait3A_72 = arith.constant 0 : i32
    %dma_wait3A_73 = tpu.memref_slice %arg7[%dma_wait3A_71, %dma_wait3A_72] : memref<40x128xi32, #tpu.memory_space<vmem>> -> memref<1x128xi32, #tpu.memory_space<vmem>>
    %dma_wait3A_74 = tpu.memref_squeeze %dma_wait3A_73 : memref<1x128xi32, #tpu.memory_space<vmem>> -> memref<128xi32, #tpu.memory_space<vmem>>
    %dma_wait3A_75 = arith.constant 0 : i32
    %dma_wait3A_76 = arith.constant 0 : i32
    %dma_wait3A_77 = tpu.memref_slice %arg2[%dma_wait3A_75, %dma_wait3A_76] : memref<40000x128xf32, #tpu.memory_space<hbm>> -> memref<40000x128xf32, #tpu.memory_space<hbm>>
    tpu.wait_indirect_dma semaphore(%arg13 : memref<!tpu.dma_semaphore, #tpu.memory_space<semaphore_mem>>) src(%dma_wait3A_77 : memref<40000x128xf32, #tpu.memory_space<hbm>>) dst(%arg10 : memref<128x128xf32, #tpu.memory_space<vmem>>)
    %run_scoped3A_78 = arith.constant 39 : i32
    "tpu.region"() ({
      %run_scoped3A_87 = tpu.sem_alloc : memref<!tpu.dma_semaphore, #tpu.memory_space<semaphore_mem>>
      %dma_start3A_88 = arith.constant 0 : i32
      %dma_start3A_89 = tpu.memref_slice %arg8[%run_scoped3A_78, %dma_start3A_88] : memref<40x128xi32, #tpu.memory_space<vmem>> -> memref<1x128xi32, #tpu.memory_space<vmem>>
      %dma_start3A_90 = tpu.memref_squeeze %dma_start3A_89 : memref<1x128xi32, #tpu.memory_space<vmem>> -> memref<128xi32, #tpu.memory_space<vmem>>
      %dma_start3A_91 = arith.constant 0 : i32
      %dma_start3A_92 = arith.constant 0 : i32
      %dma_start3A_93 = tpu.memref_slice %arg11[%dma_start3A_91, %dma_start3A_92] : memref<10240x128xf32, #tpu.memory_space<vmem_shared>> -> memref<10240x128xf32, #tpu.memory_space<vmem_shared>>
      tpu.enqueue_indirect_dma source(%arg10 : memref<128x128xf32, #tpu.memory_space<vmem>>) target(%dma_start3A_93 : memref<10240x128xf32, #tpu.memory_space<vmem_shared>>) offsets(%dma_start3A_90 : memref<128xi32, #tpu.memory_space<vmem>>) semaphore(%run_scoped3A_87 : memref<!tpu.dma_semaphore, #tpu.memory_space<semaphore_mem>>) {add = true}
      %dma_wait3A_94 = arith.constant 0 : i32
      %dma_wait3A_95 = tpu.memref_slice %arg8[%run_scoped3A_78, %dma_wait3A_94] : memref<40x128xi32, #tpu.memory_space<vmem>> -> memref<1x128xi32, #tpu.memory_space<vmem>>
      %dma_wait3A_96 = tpu.memref_squeeze %dma_wait3A_95 : memref<1x128xi32, #tpu.memory_space<vmem>> -> memref<128xi32, #tpu.memory_space<vmem>>
      %dma_wait3A_97 = arith.constant 0 : i32
      %dma_wait3A_98 = arith.constant 0 : i32
      %dma_wait3A_99 = tpu.memref_slice %arg11[%dma_wait3A_97, %dma_wait3A_98] : memref<10240x128xf32, #tpu.memory_space<vmem_shared>> -> memref<10240x128xf32, #tpu.memory_space<vmem_shared>>
      tpu.wait_indirect_dma semaphore(%run_scoped3A_87 : memref<!tpu.dma_semaphore, #tpu.memory_space<semaphore_mem>>) src(%arg10 : memref<128x128xf32, #tpu.memory_space<vmem>>) dst(%dma_wait3A_99 : memref<10240x128xf32, #tpu.memory_space<vmem_shared>>)
      tpu.yield
    }) : () -> ()
    %barrier3A_79 = arith.constant 0 : index
    tpu.barrier barrier_id(%barrier3A_79)
    %mul3A_80 = arith.constant 10240 : i32
    %mul3A_81 = arith.muli %arg0, %mul3A_80 : i32
    %mul3A_82 = arith.constant 640 : i32
    %mul3A_83 = arith.muli %arg1, %mul3A_82 : i32
    %add3A_84 = arith.addi %mul3A_81, %mul3A_83 : i32
    %mul3A_85 = arith.constant 640 : i32
    %mul3A_86 = arith.muli %arg1, %mul3A_85 : i32
    "tpu.region"() ({
      %run_scoped3A_87 = tpu.sem_alloc : memref<!tpu.dma_semaphore, #tpu.memory_space<semaphore_mem>>
      %dma_start3A_88 = arith.constant 0 : i32
      %dma_start3A_89 = tpu.memref_slice %arg6[%add3A_84, %dma_start3A_88] : memref<20480x128xf32, #tpu.memory_space<hbm>> -> memref<640x128xf32, #tpu.memory_space<hbm>>
      %dma_start3A_90 = arith.constant 0 : i32
      %dma_start3A_91 = tpu.memref_slice %arg11[%mul3A_86, %dma_start3A_90] : memref<10240x128xf32, #tpu.memory_space<vmem_shared>> -> memref<640x128xf32, #tpu.memory_space<vmem_shared>>
      tpu.enqueue_dma source(%dma_start3A_91 : memref<640x128xf32, #tpu.memory_space<vmem_shared>>) target(%dma_start3A_89 : memref<640x128xf32, #tpu.memory_space<hbm>>) target_semaphore(%run_scoped3A_87 : memref<!tpu.dma_semaphore, #tpu.memory_space<semaphore_mem>>)
      %dma_wait3A_92 = arith.constant 0 : i32
      %dma_wait3A_93 = tpu.memref_slice %arg6[%add3A_84, %dma_wait3A_92] : memref<20480x128xf32, #tpu.memory_space<hbm>> -> memref<640x128xf32, #tpu.memory_space<hbm>>
      %dma_wait3A_94 = arith.constant 0 : i32
      %dma_wait3A_95 = tpu.memref_slice %arg11[%mul3A_86, %dma_wait3A_94] : memref<10240x128xf32, #tpu.memory_space<vmem_shared>> -> memref<640x128xf32, #tpu.memory_space<vmem_shared>>
      tpu.wait_dma2 semaphore(%run_scoped3A_87 : memref<!tpu.dma_semaphore, #tpu.memory_space<semaphore_mem>>) src(%dma_wait3A_95 : memref<640x128xf32, #tpu.memory_space<vmem_shared>>) dst(%dma_wait3A_93 : memref<640x128xf32, #tpu.memory_space<hbm>>)
      tpu.yield
    }) : () -> ()
    return
  }
}

#map = affine_map<(d0, d1) -> (0, 0)>
module attributes {stable_mosaic.version = 14 : i64} {
  func.func @_sc_aggr_body(%arg0: i32, %arg1: i32, %arg2: memref<40000x128xf32, #tpu.memory_space<hbm>>, %arg3: memref<2560x128xi32, #tpu.memory_space<hbm>>, %arg4: memref<2560x128xi32, #tpu.memory_space<hbm>>, %arg5: memref<640x128xf32, #tpu.memory_space<hbm>>, %arg6: memref<20480x128xf32, #tpu.memory_space<hbm>>, %arg7: memref<40x128xi32, #tpu.memory_space<vmem>>, %arg8: memref<40x128xi32, #tpu.memory_space<vmem>>, %arg9: memref<128x128xf32, #tpu.memory_space<vmem>>, %arg10: memref<128x128xf32, #tpu.memory_space<vmem>>, %arg11: memref<10240x128xf32, #tpu.memory_space<vmem_shared>>, %arg12: memref<!tpu.dma_semaphore, #tpu.memory_space<semaphore_mem>>, %arg13: memref<!tpu.dma_semaphore, #tpu.memory_space<semaphore_mem>>) attributes {dimension_semantics = [#tpu.dimension_semantics<core_parallel>, #tpu.dimension_semantics<subcore_parallel>], iteration_bounds = array<i64: 2, 16>, scalar_prefetch = 0 : i64, scratch_operands = 7 : i64, tpu.core_type = #tpu.core_type<sc_vector_subcore>, window_params = [{transform_indices = #map}, {transform_indices = #map}, {transform_indices = #map}, {transform_indices = #map}, {transform_indices = #map}]} {
    %mul3A = arith.constant 2 : i32
    %mul3A_0 = arith.muli %arg1, %mul3A : i32
    %add3A = arith.addi %mul3A_0, %arg0 : i32
    %mul3A_1 = arith.constant 640 : i32
    %mul3A_2 = arith.muli %arg1, %mul3A_1 : i32
    "tpu.region"() ({
      %run_scoped3A_87 = tpu.sem_alloc : memref<!tpu.dma_semaphore, #tpu.memory_space<semaphore_mem>>
      %dma_start3A_88 = arith.constant 0 : i32
      %dma_start3A_89 = tpu.memref_slice %arg11[%mul3A_2, %dma_start3A_88] : memref<10240x128xf32, #tpu.memory_space<vmem_shared>> -> memref<640x128xf32, #tpu.memory_space<vmem_shared>>
      tpu.enqueue_dma source(%arg5 : memref<640x128xf32, #tpu.memory_space<hbm>>) target(%dma_start3A_89 : memref<640x128xf32, #tpu.memory_space<vmem_shared>>) target_semaphore(%run_scoped3A_87 : memref<!tpu.dma_semaphore, #tpu.memory_space<semaphore_mem>>)
      %dma_wait3A_90 = arith.constant 0 : i32
      %dma_wait3A_91 = tpu.memref_slice %arg11[%mul3A_2, %dma_wait3A_90] : memref<10240x128xf32, #tpu.memory_space<vmem_shared>> -> memref<640x128xf32, #tpu.memory_space<vmem_shared>>
      tpu.wait_dma2 semaphore(%run_scoped3A_87 : memref<!tpu.dma_semaphore, #tpu.memory_space<semaphore_mem>>) src(%arg5 : memref<640x128xf32, #tpu.memory_space<hbm>>) dst(%dma_wait3A_91 : memref<640x128xf32, #tpu.memory_space<vmem_shared>>)
      tpu.yield
    }) : () -> ()
    %barrier3A = arith.constant 0 : index
    tpu.barrier barrier_id(%barrier3A)
    %mul3A_3 = arith.constant 80 : i32
    %mul3A_4 = arith.muli %add3A, %mul3A_3 : i32
    %add3A_5 = arith.constant 0 : i32
    %add3A_6 = arith.addi %mul3A_4, %add3A_5 : i32
    "tpu.region"() ({
      %run_scoped3A_87 = tpu.sem_alloc : memref<!tpu.dma_semaphore, #tpu.memory_space<semaphore_mem>>
      %dma_start3A_88 = arith.constant 0 : i32
      %dma_start3A_89 = tpu.memref_slice %arg3[%add3A_6, %dma_start3A_88] : memref<2560x128xi32, #tpu.memory_space<hbm>> -> memref<40x128xi32, #tpu.memory_space<hbm>>
      %dma_start3A_90 = arith.constant 0 : i32
      %dma_start3A_91 = tpu.memref_slice %arg3[%add3A_6, %dma_start3A_90] : memref<2560x128xi32, #tpu.memory_space<hbm>> -> memref<40x128xi32, #tpu.memory_space<hbm>>
      tpu.enqueue_dma source(%dma_start3A_91 : memref<40x128xi32, #tpu.memory_space<hbm>>) target(%arg7 : memref<40x128xi32, #tpu.memory_space<vmem>>) target_semaphore(%run_scoped3A_87 : memref<!tpu.dma_semaphore, #tpu.memory_space<semaphore_mem>>)
      %dma_wait3A_92 = arith.constant 0 : i32
      %dma_wait3A_93 = tpu.memref_slice %arg3[%add3A_6, %dma_wait3A_92] : memref<2560x128xi32, #tpu.memory_space<hbm>> -> memref<40x128xi32, #tpu.memory_space<hbm>>
      %dma_wait3A_94 = arith.constant 0 : i32
      %dma_wait3A_95 = tpu.memref_slice %arg3[%add3A_6, %dma_wait3A_94] : memref<2560x128xi32, #tpu.memory_space<hbm>> -> memref<40x128xi32, #tpu.memory_space<hbm>>
      tpu.wait_dma2 semaphore(%run_scoped3A_87 : memref<!tpu.dma_semaphore, #tpu.memory_space<semaphore_mem>>) src(%dma_wait3A_95 : memref<40x128xi32, #tpu.memory_space<hbm>>) dst(%arg7 : memref<40x128xi32, #tpu.memory_space<vmem>>)
      tpu.yield
    }) : () -> ()
    "tpu.region"() ({
      %run_scoped3A_87 = tpu.sem_alloc : memref<!tpu.dma_semaphore, #tpu.memory_space<semaphore_mem>>
      %dma_start3A_88 = arith.constant 0 : i32
      %dma_start3A_89 = tpu.memref_slice %arg4[%add3A_6, %dma_start3A_88] : memref<2560x128xi32, #tpu.memory_space<hbm>> -> memref<40x128xi32, #tpu.memory_space<hbm>>
      %dma_start3A_90 = arith.constant 0 : i32
      %dma_start3A_91 = tpu.memref_slice %arg4[%add3A_6, %dma_start3A_90] : memref<2560x128xi32, #tpu.memory_space<hbm>> -> memref<40x128xi32, #tpu.memory_space<hbm>>
      tpu.enqueue_dma source(%dma_start3A_91 : memref<40x128xi32, #tpu.memory_space<hbm>>) target(%arg8 : memref<40x128xi32, #tpu.memory_space<vmem>>) target_semaphore(%run_scoped3A_87 : memref<!tpu.dma_semaphore, #tpu.memory_space<semaphore_mem>>)
      %dma_wait3A_92 = arith.constant 0 : i32
      %dma_wait3A_93 = tpu.memref_slice %arg4[%add3A_6, %dma_wait3A_92] : memref<2560x128xi32, #tpu.memory_space<hbm>> -> memref<40x128xi32, #tpu.memory_space<hbm>>
      %dma_wait3A_94 = arith.constant 0 : i32
      %dma_wait3A_95 = tpu.memref_slice %arg4[%add3A_6, %dma_wait3A_94] : memref<2560x128xi32, #tpu.memory_space<hbm>> -> memref<40x128xi32, #tpu.memory_space<hbm>>
      tpu.wait_dma2 semaphore(%run_scoped3A_87 : memref<!tpu.dma_semaphore, #tpu.memory_space<semaphore_mem>>) src(%dma_wait3A_95 : memref<40x128xi32, #tpu.memory_space<hbm>>) dst(%arg8 : memref<40x128xi32, #tpu.memory_space<vmem>>)
      tpu.yield
    }) : () -> ()
    %dma_start3A = arith.constant 0 : i32
    %dma_start3A_7 = arith.constant 0 : i32
    %dma_start3A_8 = tpu.memref_slice %arg7[%dma_start3A, %dma_start3A_7] : memref<40x128xi32, #tpu.memory_space<vmem>> -> memref<1x128xi32, #tpu.memory_space<vmem>>
    %dma_start3A_9 = tpu.memref_squeeze %dma_start3A_8 : memref<1x128xi32, #tpu.memory_space<vmem>> -> memref<128xi32, #tpu.memory_space<vmem>>
    %dma_start3A_10 = arith.constant 0 : i32
    %dma_start3A_11 = arith.constant 0 : i32
    %dma_start3A_12 = tpu.memref_slice %arg2[%dma_start3A_10, %dma_start3A_11] : memref<40000x128xf32, #tpu.memory_space<hbm>> -> memref<40000x128xf32, #tpu.memory_space<hbm>>
    tpu.enqueue_indirect_dma source(%dma_start3A_12 : memref<40000x128xf32, #tpu.memory_space<hbm>>) target(%arg9 : memref<128x128xf32, #tpu.memory_space<vmem>>) offsets(%dma_start3A_9 : memref<128xi32, #tpu.memory_space<vmem>>) semaphore(%arg12 : memref<!tpu.dma_semaphore, #tpu.memory_space<semaphore_mem>>)
    %scan3A = arith.constant 0 : i32
    %scan3A_13 = arith.constant 0 : i32
    %scan3A_14 = arith.constant 19 : i32
    %scan3A_15 = arith.addi %scan3A_13, %scan3A_14 : i32
    %scan3A_16 = arith.constant 1 : i32
    scf.for %scan3A_87 = %scan3A_13 to %scan3A_15 step %scan3A_16  : i32 {
      %mul3A_88 = arith.constant 2 : i32
      %mul3A_89 = arith.muli %mul3A_88, %scan3A_87 : i32
      %add3A_90 = arith.constant 1 : i32
      %add3A_91 = arith.addi %mul3A_89, %add3A_90 : i32
      %dma_start3A_92 = arith.constant 0 : i32
      %dma_start3A_93 = tpu.memref_slice %arg7[%add3A_91, %dma_start3A_92] : memref<40x128xi32, #tpu.memory_space<vmem>> -> memref<1x128xi32, #tpu.memory_space<vmem>>
      %dma_start3A_94 = tpu.memref_squeeze %dma_start3A_93 : memref<1x128xi32, #tpu.memory_space<vmem>> -> memref<128xi32, #tpu.memory_space<vmem>>
      %dma_start3A_95 = arith.constant 0 : i32
      %dma_start3A_96 = arith.constant 0 : i32
      %dma_start3A_97 = tpu.memref_slice %arg2[%dma_start3A_95, %dma_start3A_96] : memref<40000x128xf32, #tpu.memory_space<hbm>> -> memref<40000x128xf32, #tpu.memory_space<hbm>>
      tpu.enqueue_indirect_dma source(%dma_start3A_97 : memref<40000x128xf32, #tpu.memory_space<hbm>>) target(%arg10 : memref<128x128xf32, #tpu.memory_space<vmem>>) offsets(%dma_start3A_94 : memref<128xi32, #tpu.memory_space<vmem>>) semaphore(%arg13 : memref<!tpu.dma_semaphore, #tpu.memory_space<semaphore_mem>>)
      %dma_wait3A_98 = arith.constant 0 : i32
      %dma_wait3A_99 = tpu.memref_slice %arg7[%mul3A_89, %dma_wait3A_98] : memref<40x128xi32, #tpu.memory_space<vmem>> -> memref<1x128xi32, #tpu.memory_space<vmem>>
      %dma_wait3A_100 = tpu.memref_squeeze %dma_wait3A_99 : memref<1x128xi32, #tpu.memory_space<vmem>> -> memref<128xi32, #tpu.memory_space<vmem>>
      %dma_wait3A_101 = arith.constant 0 : i32
      %dma_wait3A_102 = arith.constant 0 : i32
      %dma_wait3A_103 = tpu.memref_slice %arg2[%dma_wait3A_101, %dma_wait3A_102] : memref<40000x128xf32, #tpu.memory_space<hbm>> -> memref<40000x128xf32, #tpu.memory_space<hbm>>
      tpu.wait_indirect_dma semaphore(%arg12 : memref<!tpu.dma_semaphore, #tpu.memory_space<semaphore_mem>>) src(%dma_wait3A_103 : memref<40000x128xf32, #tpu.memory_space<hbm>>) dst(%arg9 : memref<128x128xf32, #tpu.memory_space<vmem>>)
      "tpu.region"() ({
        %run_scoped3A_122 = tpu.sem_alloc : memref<!tpu.dma_semaphore, #tpu.memory_space<semaphore_mem>>
        %dma_start3A_123 = arith.constant 0 : i32
        %dma_start3A_124 = tpu.memref_slice %arg8[%mul3A_89, %dma_start3A_123] : memref<40x128xi32, #tpu.memory_space<vmem>> -> memref<1x128xi32, #tpu.memory_space<vmem>>
        %dma_start3A_125 = tpu.memref_squeeze %dma_start3A_124 : memref<1x128xi32, #tpu.memory_space<vmem>> -> memref<128xi32, #tpu.memory_space<vmem>>
        %dma_start3A_126 = arith.constant 0 : i32
        %dma_start3A_127 = arith.constant 0 : i32
        %dma_start3A_128 = tpu.memref_slice %arg11[%dma_start3A_126, %dma_start3A_127] : memref<10240x128xf32, #tpu.memory_space<vmem_shared>> -> memref<10240x128xf32, #tpu.memory_space<vmem_shared>>
        tpu.enqueue_indirect_dma source(%arg9 : memref<128x128xf32, #tpu.memory_space<vmem>>) target(%dma_start3A_128 : memref<10240x128xf32, #tpu.memory_space<vmem_shared>>) offsets(%dma_start3A_125 : memref<128xi32, #tpu.memory_space<vmem>>) semaphore(%run_scoped3A_122 : memref<!tpu.dma_semaphore, #tpu.memory_space<semaphore_mem>>) {add = true}
        %dma_wait3A_129 = arith.constant 0 : i32
        %dma_wait3A_130 = tpu.memref_slice %arg8[%mul3A_89, %dma_wait3A_129] : memref<40x128xi32, #tpu.memory_space<vmem>> -> memref<1x128xi32, #tpu.memory_space<vmem>>
        %dma_wait3A_131 = tpu.memref_squeeze %dma_wait3A_130 : memref<1x128xi32, #tpu.memory_space<vmem>> -> memref<128xi32, #tpu.memory_space<vmem>>
        %dma_wait3A_132 = arith.constant 0 : i32
        %dma_wait3A_133 = arith.constant 0 : i32
        %dma_wait3A_134 = tpu.memref_slice %arg11[%dma_wait3A_132, %dma_wait3A_133] : memref<10240x128xf32, #tpu.memory_space<vmem_shared>> -> memref<10240x128xf32, #tpu.memory_space<vmem_shared>>
        tpu.wait_indirect_dma semaphore(%run_scoped3A_122 : memref<!tpu.dma_semaphore, #tpu.memory_space<semaphore_mem>>) src(%arg9 : memref<128x128xf32, #tpu.memory_space<vmem>>) dst(%dma_wait3A_134 : memref<10240x128xf32, #tpu.memory_space<vmem_shared>>)
        tpu.yield
      }) : () -> ()
      %add3A_104 = arith.constant 2 : i32
      %add3A_105 = arith.addi %mul3A_89, %add3A_104 : i32
      %dma_start3A_106 = arith.constant 0 : i32
      %dma_start3A_107 = tpu.memref_slice %arg7[%add3A_105, %dma_start3A_106] : memref<40x128xi32, #tpu.memory_space<vmem>> -> memref<1x128xi32, #tpu.memory_space<vmem>>
      %dma_start3A_108 = tpu.memref_squeeze %dma_start3A_107 : memref<1x128xi32, #tpu.memory_space<vmem>> -> memref<128xi32, #tpu.memory_space<vmem>>
      %dma_start3A_109 = arith.constant 0 : i32
      %dma_start3A_110 = arith.constant 0 : i32
      %dma_start3A_111 = tpu.memref_slice %arg2[%dma_start3A_109, %dma_start3A_110] : memref<40000x128xf32, #tpu.memory_space<hbm>> -> memref<40000x128xf32, #tpu.memory_space<hbm>>
      tpu.enqueue_indirect_dma source(%dma_start3A_111 : memref<40000x128xf32, #tpu.memory_space<hbm>>) target(%arg9 : memref<128x128xf32, #tpu.memory_space<vmem>>) offsets(%dma_start3A_108 : memref<128xi32, #tpu.memory_space<vmem>>) semaphore(%arg12 : memref<!tpu.dma_semaphore, #tpu.memory_space<semaphore_mem>>)
      %add3A_112 = arith.constant 1 : i32
      %add3A_113 = arith.addi %mul3A_89, %add3A_112 : i32
      %dma_wait3A_114 = arith.constant 0 : i32
      %dma_wait3A_115 = tpu.memref_slice %arg7[%add3A_113, %dma_wait3A_114] : memref<40x128xi32, #tpu.memory_space<vmem>> -> memref<1x128xi32, #tpu.memory_space<vmem>>
      %dma_wait3A_116 = tpu.memref_squeeze %dma_wait3A_115 : memref<1x128xi32, #tpu.memory_space<vmem>> -> memref<128xi32, #tpu.memory_space<vmem>>
      %dma_wait3A_117 = arith.constant 0 : i32
      %dma_wait3A_118 = arith.constant 0 : i32
      %dma_wait3A_119 = tpu.memref_slice %arg2[%dma_wait3A_117, %dma_wait3A_118] : memref<40000x128xf32, #tpu.memory_space<hbm>> -> memref<40000x128xf32, #tpu.memory_space<hbm>>
      tpu.wait_indirect_dma semaphore(%arg13 : memref<!tpu.dma_semaphore, #tpu.memory_space<semaphore_mem>>) src(%dma_wait3A_119 : memref<40000x128xf32, #tpu.memory_space<hbm>>) dst(%arg10 : memref<128x128xf32, #tpu.memory_space<vmem>>)
      %add3A_120 = arith.constant 1 : i32
      %add3A_121 = arith.addi %mul3A_89, %add3A_120 : i32
      "tpu.region"() ({
        %run_scoped3A_122 = tpu.sem_alloc : memref<!tpu.dma_semaphore, #tpu.memory_space<semaphore_mem>>
        %dma_start3A_123 = arith.constant 0 : i32
        %dma_start3A_124 = tpu.memref_slice %arg8[%add3A_121, %dma_start3A_123] : memref<40x128xi32, #tpu.memory_space<vmem>> -> memref<1x128xi32, #tpu.memory_space<vmem>>
        %dma_start3A_125 = tpu.memref_squeeze %dma_start3A_124 : memref<1x128xi32, #tpu.memory_space<vmem>> -> memref<128xi32, #tpu.memory_space<vmem>>
        %dma_start3A_126 = arith.constant 0 : i32
        %dma_start3A_127 = arith.constant 0 : i32
        %dma_start3A_128 = tpu.memref_slice %arg11[%dma_start3A_126, %dma_start3A_127] : memref<10240x128xf32, #tpu.memory_space<vmem_shared>> -> memref<10240x128xf32, #tpu.memory_space<vmem_shared>>
        tpu.enqueue_indirect_dma source(%arg10 : memref<128x128xf32, #tpu.memory_space<vmem>>) target(%dma_start3A_128 : memref<10240x128xf32, #tpu.memory_space<vmem_shared>>) offsets(%dma_start3A_125 : memref<128xi32, #tpu.memory_space<vmem>>) semaphore(%run_scoped3A_122 : memref<!tpu.dma_semaphore, #tpu.memory_space<semaphore_mem>>) {add = true}
        %dma_wait3A_129 = arith.constant 0 : i32
        %dma_wait3A_130 = tpu.memref_slice %arg8[%add3A_121, %dma_wait3A_129] : memref<40x128xi32, #tpu.memory_space<vmem>> -> memref<1x128xi32, #tpu.memory_space<vmem>>
        %dma_wait3A_131 = tpu.memref_squeeze %dma_wait3A_130 : memref<1x128xi32, #tpu.memory_space<vmem>> -> memref<128xi32, #tpu.memory_space<vmem>>
        %dma_wait3A_132 = arith.constant 0 : i32
        %dma_wait3A_133 = arith.constant 0 : i32
        %dma_wait3A_134 = tpu.memref_slice %arg11[%dma_wait3A_132, %dma_wait3A_133] : memref<10240x128xf32, #tpu.memory_space<vmem_shared>> -> memref<10240x128xf32, #tpu.memory_space<vmem_shared>>
        tpu.wait_indirect_dma semaphore(%run_scoped3A_122 : memref<!tpu.dma_semaphore, #tpu.memory_space<semaphore_mem>>) src(%arg10 : memref<128x128xf32, #tpu.memory_space<vmem>>) dst(%dma_wait3A_134 : memref<10240x128xf32, #tpu.memory_space<vmem_shared>>)
        tpu.yield
      }) : () -> ()
    }
    %scan3A_17 = arith.constant 19 : i32
    %dma_start3A_18 = arith.constant 39 : i32
    %dma_start3A_19 = arith.constant 0 : i32
    %dma_start3A_20 = tpu.memref_slice %arg7[%dma_start3A_18, %dma_start3A_19] : memref<40x128xi32, #tpu.memory_space<vmem>> -> memref<1x128xi32, #tpu.memory_space<vmem>>
    %dma_start3A_21 = tpu.memref_squeeze %dma_start3A_20 : memref<1x128xi32, #tpu.memory_space<vmem>> -> memref<128xi32, #tpu.memory_space<vmem>>
    %dma_start3A_22 = arith.constant 0 : i32
    %dma_start3A_23 = arith.constant 0 : i32
    %dma_start3A_24 = tpu.memref_slice %arg2[%dma_start3A_22, %dma_start3A_23] : memref<40000x128xf32, #tpu.memory_space<hbm>> -> memref<40000x128xf32, #tpu.memory_space<hbm>>
    tpu.enqueue_indirect_dma source(%dma_start3A_24 : memref<40000x128xf32, #tpu.memory_space<hbm>>) target(%arg10 : memref<128x128xf32, #tpu.memory_space<vmem>>) offsets(%dma_start3A_21 : memref<128xi32, #tpu.memory_space<vmem>>) semaphore(%arg13 : memref<!tpu.dma_semaphore, #tpu.memory_space<semaphore_mem>>)
    %dma_wait3A = arith.constant 38 : i32
    %dma_wait3A_25 = arith.constant 0 : i32
    %dma_wait3A_26 = tpu.memref_slice %arg7[%dma_wait3A, %dma_wait3A_25] : memref<40x128xi32, #tpu.memory_space<vmem>> -> memref<1x128xi32, #tpu.memory_space<vmem>>
    %dma_wait3A_27 = tpu.memref_squeeze %dma_wait3A_26 : memref<1x128xi32, #tpu.memory_space<vmem>> -> memref<128xi32, #tpu.memory_space<vmem>>
    %dma_wait3A_28 = arith.constant 0 : i32
    %dma_wait3A_29 = arith.constant 0 : i32
    %dma_wait3A_30 = tpu.memref_slice %arg2[%dma_wait3A_28, %dma_wait3A_29] : memref<40000x128xf32, #tpu.memory_space<hbm>> -> memref<40000x128xf32, #tpu.memory_space<hbm>>
    tpu.wait_indirect_dma semaphore(%arg12 : memref<!tpu.dma_semaphore, #tpu.memory_space<semaphore_mem>>) src(%dma_wait3A_30 : memref<40000x128xf32, #tpu.memory_space<hbm>>) dst(%arg9 : memref<128x128xf32, #tpu.memory_space<vmem>>)
    %run_scoped3A = arith.constant 38 : i32
    "tpu.region"() ({
      %run_scoped3A_87 = tpu.sem_alloc : memref<!tpu.dma_semaphore, #tpu.memory_space<semaphore_mem>>
      %dma_start3A_88 = arith.constant 0 : i32
      %dma_start3A_89 = tpu.memref_slice %arg8[%run_scoped3A, %dma_start3A_88] : memref<40x128xi32, #tpu.memory_space<vmem>> -> memref<1x128xi32, #tpu.memory_space<vmem>>
      %dma_start3A_90 = tpu.memref_squeeze %dma_start3A_89 : memref<1x128xi32, #tpu.memory_space<vmem>> -> memref<128xi32, #tpu.memory_space<vmem>>
      %dma_start3A_91 = arith.constant 0 : i32
      %dma_start3A_92 = arith.constant 0 : i32
      %dma_start3A_93 = tpu.memref_slice %arg11[%dma_start3A_91, %dma_start3A_92] : memref<10240x128xf32, #tpu.memory_space<vmem_shared>> -> memref<10240x128xf32, #tpu.memory_space<vmem_shared>>
      tpu.enqueue_indirect_dma source(%arg9 : memref<128x128xf32, #tpu.memory_space<vmem>>) target(%dma_start3A_93 : memref<10240x128xf32, #tpu.memory_space<vmem_shared>>) offsets(%dma_start3A_90 : memref<128xi32, #tpu.memory_space<vmem>>) semaphore(%run_scoped3A_87 : memref<!tpu.dma_semaphore, #tpu.memory_space<semaphore_mem>>) {add = true}
      %dma_wait3A_94 = arith.constant 0 : i32
      %dma_wait3A_95 = tpu.memref_slice %arg8[%run_scoped3A, %dma_wait3A_94] : memref<40x128xi32, #tpu.memory_space<vmem>> -> memref<1x128xi32, #tpu.memory_space<vmem>>
      %dma_wait3A_96 = tpu.memref_squeeze %dma_wait3A_95 : memref<1x128xi32, #tpu.memory_space<vmem>> -> memref<128xi32, #tpu.memory_space<vmem>>
      %dma_wait3A_97 = arith.constant 0 : i32
      %dma_wait3A_98 = arith.constant 0 : i32
      %dma_wait3A_99 = tpu.memref_slice %arg11[%dma_wait3A_97, %dma_wait3A_98] : memref<10240x128xf32, #tpu.memory_space<vmem_shared>> -> memref<10240x128xf32, #tpu.memory_space<vmem_shared>>
      tpu.wait_indirect_dma semaphore(%run_scoped3A_87 : memref<!tpu.dma_semaphore, #tpu.memory_space<semaphore_mem>>) src(%arg9 : memref<128x128xf32, #tpu.memory_space<vmem>>) dst(%dma_wait3A_99 : memref<10240x128xf32, #tpu.memory_space<vmem_shared>>)
      tpu.yield
    }) : () -> ()
    %dma_wait3A_31 = arith.constant 39 : i32
    %dma_wait3A_32 = arith.constant 0 : i32
    %dma_wait3A_33 = tpu.memref_slice %arg7[%dma_wait3A_31, %dma_wait3A_32] : memref<40x128xi32, #tpu.memory_space<vmem>> -> memref<1x128xi32, #tpu.memory_space<vmem>>
    %dma_wait3A_34 = tpu.memref_squeeze %dma_wait3A_33 : memref<1x128xi32, #tpu.memory_space<vmem>> -> memref<128xi32, #tpu.memory_space<vmem>>
    %dma_wait3A_35 = arith.constant 0 : i32
    %dma_wait3A_36 = arith.constant 0 : i32
    %dma_wait3A_37 = tpu.memref_slice %arg2[%dma_wait3A_35, %dma_wait3A_36] : memref<40000x128xf32, #tpu.memory_space<hbm>> -> memref<40000x128xf32, #tpu.memory_space<hbm>>
    tpu.wait_indirect_dma semaphore(%arg13 : memref<!tpu.dma_semaphore, #tpu.memory_space<semaphore_mem>>) src(%dma_wait3A_37 : memref<40000x128xf32, #tpu.memory_space<hbm>>) dst(%arg10 : memref<128x128xf32, #tpu.memory_space<vmem>>)
    %run_scoped3A_38 = arith.constant 39 : i32
    "tpu.region"() ({
      %run_scoped3A_87 = tpu.sem_alloc : memref<!tpu.dma_semaphore, #tpu.memory_space<semaphore_mem>>
      %dma_start3A_88 = arith.constant 0 : i32
      %dma_start3A_89 = tpu.memref_slice %arg8[%run_scoped3A_38, %dma_start3A_88] : memref<40x128xi32, #tpu.memory_space<vmem>> -> memref<1x128xi32, #tpu.memory_space<vmem>>
      %dma_start3A_90 = tpu.memref_squeeze %dma_start3A_89 : memref<1x128xi32, #tpu.memory_space<vmem>> -> memref<128xi32, #tpu.memory_space<vmem>>
      %dma_start3A_91 = arith.constant 0 : i32
      %dma_start3A_92 = arith.constant 0 : i32
      %dma_start3A_93 = tpu.memref_slice %arg11[%dma_start3A_91, %dma_start3A_92] : memref<10240x128xf32, #tpu.memory_space<vmem_shared>> -> memref<10240x128xf32, #tpu.memory_space<vmem_shared>>
      tpu.enqueue_indirect_dma source(%arg10 : memref<128x128xf32, #tpu.memory_space<vmem>>) target(%dma_start3A_93 : memref<10240x128xf32, #tpu.memory_space<vmem_shared>>) offsets(%dma_start3A_90 : memref<128xi32, #tpu.memory_space<vmem>>) semaphore(%run_scoped3A_87 : memref<!tpu.dma_semaphore, #tpu.memory_space<semaphore_mem>>) {add = true}
      %dma_wait3A_94 = arith.constant 0 : i32
      %dma_wait3A_95 = tpu.memref_slice %arg8[%run_scoped3A_38, %dma_wait3A_94] : memref<40x128xi32, #tpu.memory_space<vmem>> -> memref<1x128xi32, #tpu.memory_space<vmem>>
      %dma_wait3A_96 = tpu.memref_squeeze %dma_wait3A_95 : memref<1x128xi32, #tpu.memory_space<vmem>> -> memref<128xi32, #tpu.memory_space<vmem>>
      %dma_wait3A_97 = arith.constant 0 : i32
      %dma_wait3A_98 = arith.constant 0 : i32
      %dma_wait3A_99 = tpu.memref_slice %arg11[%dma_wait3A_97, %dma_wait3A_98] : memref<10240x128xf32, #tpu.memory_space<vmem_shared>> -> memref<10240x128xf32, #tpu.memory_space<vmem_shared>>
      tpu.wait_indirect_dma semaphore(%run_scoped3A_87 : memref<!tpu.dma_semaphore, #tpu.memory_space<semaphore_mem>>) src(%arg10 : memref<128x128xf32, #tpu.memory_space<vmem>>) dst(%dma_wait3A_99 : memref<10240x128xf32, #tpu.memory_space<vmem_shared>>)
      tpu.yield
    }) : () -> ()
    %mul3A_39 = arith.constant 80 : i32
    %mul3A_40 = arith.muli %add3A, %mul3A_39 : i32
    %add3A_41 = arith.constant 40 : i32
    %add3A_42 = arith.addi %mul3A_40, %add3A_41 : i32
    "tpu.region"() ({
      %run_scoped3A_87 = tpu.sem_alloc : memref<!tpu.dma_semaphore, #tpu.memory_space<semaphore_mem>>
      %dma_start3A_88 = arith.constant 0 : i32
      %dma_start3A_89 = tpu.memref_slice %arg3[%add3A_42, %dma_start3A_88] : memref<2560x128xi32, #tpu.memory_space<hbm>> -> memref<40x128xi32, #tpu.memory_space<hbm>>
      %dma_start3A_90 = arith.constant 0 : i32
      %dma_start3A_91 = tpu.memref_slice %arg3[%add3A_42, %dma_start3A_90] : memref<2560x128xi32, #tpu.memory_space<hbm>> -> memref<40x128xi32, #tpu.memory_space<hbm>>
      tpu.enqueue_dma source(%dma_start3A_91 : memref<40x128xi32, #tpu.memory_space<hbm>>) target(%arg7 : memref<40x128xi32, #tpu.memory_space<vmem>>) target_semaphore(%run_scoped3A_87 : memref<!tpu.dma_semaphore, #tpu.memory_space<semaphore_mem>>)
      %dma_wait3A_92 = arith.constant 0 : i32
      %dma_wait3A_93 = tpu.memref_slice %arg3[%add3A_42, %dma_wait3A_92] : memref<2560x128xi32, #tpu.memory_space<hbm>> -> memref<40x128xi32, #tpu.memory_space<hbm>>
      %dma_wait3A_94 = arith.constant 0 : i32
      %dma_wait3A_95 = tpu.memref_slice %arg3[%add3A_42, %dma_wait3A_94] : memref<2560x128xi32, #tpu.memory_space<hbm>> -> memref<40x128xi32, #tpu.memory_space<hbm>>
      tpu.wait_dma2 semaphore(%run_scoped3A_87 : memref<!tpu.dma_semaphore, #tpu.memory_space<semaphore_mem>>) src(%dma_wait3A_95 : memref<40x128xi32, #tpu.memory_space<hbm>>) dst(%arg7 : memref<40x128xi32, #tpu.memory_space<vmem>>)
      tpu.yield
    }) : () -> ()
    "tpu.region"() ({
      %run_scoped3A_87 = tpu.sem_alloc : memref<!tpu.dma_semaphore, #tpu.memory_space<semaphore_mem>>
      %dma_start3A_88 = arith.constant 0 : i32
      %dma_start3A_89 = tpu.memref_slice %arg4[%add3A_42, %dma_start3A_88] : memref<2560x128xi32, #tpu.memory_space<hbm>> -> memref<40x128xi32, #tpu.memory_space<hbm>>
      %dma_start3A_90 = arith.constant 0 : i32
      %dma_start3A_91 = tpu.memref_slice %arg4[%add3A_42, %dma_start3A_90] : memref<2560x128xi32, #tpu.memory_space<hbm>> -> memref<40x128xi32, #tpu.memory_space<hbm>>
      tpu.enqueue_dma source(%dma_start3A_91 : memref<40x128xi32, #tpu.memory_space<hbm>>) target(%arg8 : memref<40x128xi32, #tpu.memory_space<vmem>>) target_semaphore(%run_scoped3A_87 : memref<!tpu.dma_semaphore, #tpu.memory_space<semaphore_mem>>)
      %dma_wait3A_92 = arith.constant 0 : i32
      %dma_wait3A_93 = tpu.memref_slice %arg4[%add3A_42, %dma_wait3A_92] : memref<2560x128xi32, #tpu.memory_space<hbm>> -> memref<40x128xi32, #tpu.memory_space<hbm>>
      %dma_wait3A_94 = arith.constant 0 : i32
      %dma_wait3A_95 = tpu.memref_slice %arg4[%add3A_42, %dma_wait3A_94] : memref<2560x128xi32, #tpu.memory_space<hbm>> -> memref<40x128xi32, #tpu.memory_space<hbm>>
      tpu.wait_dma2 semaphore(%run_scoped3A_87 : memref<!tpu.dma_semaphore, #tpu.memory_space<semaphore_mem>>) src(%dma_wait3A_95 : memref<40x128xi32, #tpu.memory_space<hbm>>) dst(%arg8 : memref<40x128xi32, #tpu.memory_space<vmem>>)
      tpu.yield
    }) : () -> ()
    %dma_start3A_43 = arith.constant 0 : i32
    %dma_start3A_44 = arith.constant 0 : i32
    %dma_start3A_45 = tpu.memref_slice %arg7[%dma_start3A_43, %dma_start3A_44] : memref<40x128xi32, #tpu.memory_space<vmem>> -> memref<1x128xi32, #tpu.memory_space<vmem>>
    %dma_start3A_46 = tpu.memref_squeeze %dma_start3A_45 : memref<1x128xi32, #tpu.memory_space<vmem>> -> memref<128xi32, #tpu.memory_space<vmem>>
    %dma_start3A_47 = arith.constant 0 : i32
    %dma_start3A_48 = arith.constant 0 : i32
    %dma_start3A_49 = tpu.memref_slice %arg2[%dma_start3A_47, %dma_start3A_48] : memref<40000x128xf32, #tpu.memory_space<hbm>> -> memref<40000x128xf32, #tpu.memory_space<hbm>>
    tpu.enqueue_indirect_dma source(%dma_start3A_49 : memref<40000x128xf32, #tpu.memory_space<hbm>>) target(%arg9 : memref<128x128xf32, #tpu.memory_space<vmem>>) offsets(%dma_start3A_46 : memref<128xi32, #tpu.memory_space<vmem>>) semaphore(%arg12 : memref<!tpu.dma_semaphore, #tpu.memory_space<semaphore_mem>>)
    %scan3A_50 = arith.constant 0 : i32
    %scan3A_51 = arith.constant 0 : i32
    %scan3A_52 = arith.constant 19 : i32
    %scan3A_53 = arith.addi %scan3A_51, %scan3A_52 : i32
    %scan3A_54 = arith.constant 1 : i32
    scf.for %scan3A_87 = %scan3A_51 to %scan3A_53 step %scan3A_54  : i32 {
      %mul3A_88 = arith.constant 2 : i32
      %mul3A_89 = arith.muli %mul3A_88, %scan3A_87 : i32
      %add3A_90 = arith.constant 1 : i32
      %add3A_91 = arith.addi %mul3A_89, %add3A_90 : i32
      %dma_start3A_92 = arith.constant 0 : i32
      %dma_start3A_93 = tpu.memref_slice %arg7[%add3A_91, %dma_start3A_92] : memref<40x128xi32, #tpu.memory_space<vmem>> -> memref<1x128xi32, #tpu.memory_space<vmem>>
      %dma_start3A_94 = tpu.memref_squeeze %dma_start3A_93 : memref<1x128xi32, #tpu.memory_space<vmem>> -> memref<128xi32, #tpu.memory_space<vmem>>
      %dma_start3A_95 = arith.constant 0 : i32
      %dma_start3A_96 = arith.constant 0 : i32
      %dma_start3A_97 = tpu.memref_slice %arg2[%dma_start3A_95, %dma_start3A_96] : memref<40000x128xf32, #tpu.memory_space<hbm>> -> memref<40000x128xf32, #tpu.memory_space<hbm>>
      tpu.enqueue_indirect_dma source(%dma_start3A_97 : memref<40000x128xf32, #tpu.memory_space<hbm>>) target(%arg10 : memref<128x128xf32, #tpu.memory_space<vmem>>) offsets(%dma_start3A_94 : memref<128xi32, #tpu.memory_space<vmem>>) semaphore(%arg13 : memref<!tpu.dma_semaphore, #tpu.memory_space<semaphore_mem>>)
      %dma_wait3A_98 = arith.constant 0 : i32
      %dma_wait3A_99 = tpu.memref_slice %arg7[%mul3A_89, %dma_wait3A_98] : memref<40x128xi32, #tpu.memory_space<vmem>> -> memref<1x128xi32, #tpu.memory_space<vmem>>
      %dma_wait3A_100 = tpu.memref_squeeze %dma_wait3A_99 : memref<1x128xi32, #tpu.memory_space<vmem>> -> memref<128xi32, #tpu.memory_space<vmem>>
      %dma_wait3A_101 = arith.constant 0 : i32
      %dma_wait3A_102 = arith.constant 0 : i32
      %dma_wait3A_103 = tpu.memref_slice %arg2[%dma_wait3A_101, %dma_wait3A_102] : memref<40000x128xf32, #tpu.memory_space<hbm>> -> memref<40000x128xf32, #tpu.memory_space<hbm>>
      tpu.wait_indirect_dma semaphore(%arg12 : memref<!tpu.dma_semaphore, #tpu.memory_space<semaphore_mem>>) src(%dma_wait3A_103 : memref<40000x128xf32, #tpu.memory_space<hbm>>) dst(%arg9 : memref<128x128xf32, #tpu.memory_space<vmem>>)
      "tpu.region"() ({
        %run_scoped3A_122 = tpu.sem_alloc : memref<!tpu.dma_semaphore, #tpu.memory_space<semaphore_mem>>
        %dma_start3A_123 = arith.constant 0 : i32
        %dma_start3A_124 = tpu.memref_slice %arg8[%mul3A_89, %dma_start3A_123] : memref<40x128xi32, #tpu.memory_space<vmem>> -> memref<1x128xi32, #tpu.memory_space<vmem>>
        %dma_start3A_125 = tpu.memref_squeeze %dma_start3A_124 : memref<1x128xi32, #tpu.memory_space<vmem>> -> memref<128xi32, #tpu.memory_space<vmem>>
        %dma_start3A_126 = arith.constant 0 : i32
        %dma_start3A_127 = arith.constant 0 : i32
        %dma_start3A_128 = tpu.memref_slice %arg11[%dma_start3A_126, %dma_start3A_127] : memref<10240x128xf32, #tpu.memory_space<vmem_shared>> -> memref<10240x128xf32, #tpu.memory_space<vmem_shared>>
        tpu.enqueue_indirect_dma source(%arg9 : memref<128x128xf32, #tpu.memory_space<vmem>>) target(%dma_start3A_128 : memref<10240x128xf32, #tpu.memory_space<vmem_shared>>) offsets(%dma_start3A_125 : memref<128xi32, #tpu.memory_space<vmem>>) semaphore(%run_scoped3A_122 : memref<!tpu.dma_semaphore, #tpu.memory_space<semaphore_mem>>) {add = true}
        %dma_wait3A_129 = arith.constant 0 : i32
        %dma_wait3A_130 = tpu.memref_slice %arg8[%mul3A_89, %dma_wait3A_129] : memref<40x128xi32, #tpu.memory_space<vmem>> -> memref<1x128xi32, #tpu.memory_space<vmem>>
        %dma_wait3A_131 = tpu.memref_squeeze %dma_wait3A_130 : memref<1x128xi32, #tpu.memory_space<vmem>> -> memref<128xi32, #tpu.memory_space<vmem>>
        %dma_wait3A_132 = arith.constant 0 : i32
        %dma_wait3A_133 = arith.constant 0 : i32
        %dma_wait3A_134 = tpu.memref_slice %arg11[%dma_wait3A_132, %dma_wait3A_133] : memref<10240x128xf32, #tpu.memory_space<vmem_shared>> -> memref<10240x128xf32, #tpu.memory_space<vmem_shared>>
        tpu.wait_indirect_dma semaphore(%run_scoped3A_122 : memref<!tpu.dma_semaphore, #tpu.memory_space<semaphore_mem>>) src(%arg9 : memref<128x128xf32, #tpu.memory_space<vmem>>) dst(%dma_wait3A_134 : memref<10240x128xf32, #tpu.memory_space<vmem_shared>>)
        tpu.yield
      }) : () -> ()
      %add3A_104 = arith.constant 2 : i32
      %add3A_105 = arith.addi %mul3A_89, %add3A_104 : i32
      %dma_start3A_106 = arith.constant 0 : i32
      %dma_start3A_107 = tpu.memref_slice %arg7[%add3A_105, %dma_start3A_106] : memref<40x128xi32, #tpu.memory_space<vmem>> -> memref<1x128xi32, #tpu.memory_space<vmem>>
      %dma_start3A_108 = tpu.memref_squeeze %dma_start3A_107 : memref<1x128xi32, #tpu.memory_space<vmem>> -> memref<128xi32, #tpu.memory_space<vmem>>
      %dma_start3A_109 = arith.constant 0 : i32
      %dma_start3A_110 = arith.constant 0 : i32
      %dma_start3A_111 = tpu.memref_slice %arg2[%dma_start3A_109, %dma_start3A_110] : memref<40000x128xf32, #tpu.memory_space<hbm>> -> memref<40000x128xf32, #tpu.memory_space<hbm>>
      tpu.enqueue_indirect_dma source(%dma_start3A_111 : memref<40000x128xf32, #tpu.memory_space<hbm>>) target(%arg9 : memref<128x128xf32, #tpu.memory_space<vmem>>) offsets(%dma_start3A_108 : memref<128xi32, #tpu.memory_space<vmem>>) semaphore(%arg12 : memref<!tpu.dma_semaphore, #tpu.memory_space<semaphore_mem>>)
      %add3A_112 = arith.constant 1 : i32
      %add3A_113 = arith.addi %mul3A_89, %add3A_112 : i32
      %dma_wait3A_114 = arith.constant 0 : i32
      %dma_wait3A_115 = tpu.memref_slice %arg7[%add3A_113, %dma_wait3A_114] : memref<40x128xi32, #tpu.memory_space<vmem>> -> memref<1x128xi32, #tpu.memory_space<vmem>>
      %dma_wait3A_116 = tpu.memref_squeeze %dma_wait3A_115 : memref<1x128xi32, #tpu.memory_space<vmem>> -> memref<128xi32, #tpu.memory_space<vmem>>
      %dma_wait3A_117 = arith.constant 0 : i32
      %dma_wait3A_118 = arith.constant 0 : i32
      %dma_wait3A_119 = tpu.memref_slice %arg2[%dma_wait3A_117, %dma_wait3A_118] : memref<40000x128xf32, #tpu.memory_space<hbm>> -> memref<40000x128xf32, #tpu.memory_space<hbm>>
      tpu.wait_indirect_dma semaphore(%arg13 : memref<!tpu.dma_semaphore, #tpu.memory_space<semaphore_mem>>) src(%dma_wait3A_119 : memref<40000x128xf32, #tpu.memory_space<hbm>>) dst(%arg10 : memref<128x128xf32, #tpu.memory_space<vmem>>)
      %add3A_120 = arith.constant 1 : i32
      %add3A_121 = arith.addi %mul3A_89, %add3A_120 : i32
      "tpu.region"() ({
        %run_scoped3A_122 = tpu.sem_alloc : memref<!tpu.dma_semaphore, #tpu.memory_space<semaphore_mem>>
        %dma_start3A_123 = arith.constant 0 : i32
        %dma_start3A_124 = tpu.memref_slice %arg8[%add3A_121, %dma_start3A_123] : memref<40x128xi32, #tpu.memory_space<vmem>> -> memref<1x128xi32, #tpu.memory_space<vmem>>
        %dma_start3A_125 = tpu.memref_squeeze %dma_start3A_124 : memref<1x128xi32, #tpu.memory_space<vmem>> -> memref<128xi32, #tpu.memory_space<vmem>>
        %dma_start3A_126 = arith.constant 0 : i32
        %dma_start3A_127 = arith.constant 0 : i32
        %dma_start3A_128 = tpu.memref_slice %arg11[%dma_start3A_126, %dma_start3A_127] : memref<10240x128xf32, #tpu.memory_space<vmem_shared>> -> memref<10240x128xf32, #tpu.memory_space<vmem_shared>>
        tpu.enqueue_indirect_dma source(%arg10 : memref<128x128xf32, #tpu.memory_space<vmem>>) target(%dma_start3A_128 : memref<10240x128xf32, #tpu.memory_space<vmem_shared>>) offsets(%dma_start3A_125 : memref<128xi32, #tpu.memory_space<vmem>>) semaphore(%run_scoped3A_122 : memref<!tpu.dma_semaphore, #tpu.memory_space<semaphore_mem>>) {add = true}
        %dma_wait3A_129 = arith.constant 0 : i32
        %dma_wait3A_130 = tpu.memref_slice %arg8[%add3A_121, %dma_wait3A_129] : memref<40x128xi32, #tpu.memory_space<vmem>> -> memref<1x128xi32, #tpu.memory_space<vmem>>
        %dma_wait3A_131 = tpu.memref_squeeze %dma_wait3A_130 : memref<1x128xi32, #tpu.memory_space<vmem>> -> memref<128xi32, #tpu.memory_space<vmem>>
        %dma_wait3A_132 = arith.constant 0 : i32
        %dma_wait3A_133 = arith.constant 0 : i32
        %dma_wait3A_134 = tpu.memref_slice %arg11[%dma_wait3A_132, %dma_wait3A_133] : memref<10240x128xf32, #tpu.memory_space<vmem_shared>> -> memref<10240x128xf32, #tpu.memory_space<vmem_shared>>
        tpu.wait_indirect_dma semaphore(%run_scoped3A_122 : memref<!tpu.dma_semaphore, #tpu.memory_space<semaphore_mem>>) src(%arg10 : memref<128x128xf32, #tpu.memory_space<vmem>>) dst(%dma_wait3A_134 : memref<10240x128xf32, #tpu.memory_space<vmem_shared>>)
        tpu.yield
      }) : () -> ()
    }
    %scan3A_55 = arith.constant 19 : i32
    %dma_start3A_56 = arith.constant 39 : i32
    %dma_start3A_57 = arith.constant 0 : i32
    %dma_start3A_58 = tpu.memref_slice %arg7[%dma_start3A_56, %dma_start3A_57] : memref<40x128xi32, #tpu.memory_space<vmem>> -> memref<1x128xi32, #tpu.memory_space<vmem>>
    %dma_start3A_59 = tpu.memref_squeeze %dma_start3A_58 : memref<1x128xi32, #tpu.memory_space<vmem>> -> memref<128xi32, #tpu.memory_space<vmem>>
    %dma_start3A_60 = arith.constant 0 : i32
    %dma_start3A_61 = arith.constant 0 : i32
    %dma_start3A_62 = tpu.memref_slice %arg2[%dma_start3A_60, %dma_start3A_61] : memref<40000x128xf32, #tpu.memory_space<hbm>> -> memref<40000x128xf32, #tpu.memory_space<hbm>>
    tpu.enqueue_indirect_dma source(%dma_start3A_62 : memref<40000x128xf32, #tpu.memory_space<hbm>>) target(%arg10 : memref<128x128xf32, #tpu.memory_space<vmem>>) offsets(%dma_start3A_59 : memref<128xi32, #tpu.memory_space<vmem>>) semaphore(%arg13 : memref<!tpu.dma_semaphore, #tpu.memory_space<semaphore_mem>>)
    %dma_wait3A_63 = arith.constant 38 : i32
    %dma_wait3A_64 = arith.constant 0 : i32
    %dma_wait3A_65 = tpu.memref_slice %arg7[%dma_wait3A_63, %dma_wait3A_64] : memref<40x128xi32, #tpu.memory_space<vmem>> -> memref<1x128xi32, #tpu.memory_space<vmem>>
    %dma_wait3A_66 = tpu.memref_squeeze %dma_wait3A_65 : memref<1x128xi32, #tpu.memory_space<vmem>> -> memref<128xi32, #tpu.memory_space<vmem>>
    %dma_wait3A_67 = arith.constant 0 : i32
    %dma_wait3A_68 = arith.constant 0 : i32
    %dma_wait3A_69 = tpu.memref_slice %arg2[%dma_wait3A_67, %dma_wait3A_68] : memref<40000x128xf32, #tpu.memory_space<hbm>> -> memref<40000x128xf32, #tpu.memory_space<hbm>>
    tpu.wait_indirect_dma semaphore(%arg12 : memref<!tpu.dma_semaphore, #tpu.memory_space<semaphore_mem>>) src(%dma_wait3A_69 : memref<40000x128xf32, #tpu.memory_space<hbm>>) dst(%arg9 : memref<128x128xf32, #tpu.memory_space<vmem>>)
    %run_scoped3A_70 = arith.constant 38 : i32
    "tpu.region"() ({
      %run_scoped3A_87 = tpu.sem_alloc : memref<!tpu.dma_semaphore, #tpu.memory_space<semaphore_mem>>
      %dma_start3A_88 = arith.constant 0 : i32
      %dma_start3A_89 = tpu.memref_slice %arg8[%run_scoped3A_70, %dma_start3A_88] : memref<40x128xi32, #tpu.memory_space<vmem>> -> memref<1x128xi32, #tpu.memory_space<vmem>>
      %dma_start3A_90 = tpu.memref_squeeze %dma_start3A_89 : memref<1x128xi32, #tpu.memory_space<vmem>> -> memref<128xi32, #tpu.memory_space<vmem>>
      %dma_start3A_91 = arith.constant 0 : i32
      %dma_start3A_92 = arith.constant 0 : i32
      %dma_start3A_93 = tpu.memref_slice %arg11[%dma_start3A_91, %dma_start3A_92] : memref<10240x128xf32, #tpu.memory_space<vmem_shared>> -> memref<10240x128xf32, #tpu.memory_space<vmem_shared>>
      tpu.enqueue_indirect_dma source(%arg9 : memref<128x128xf32, #tpu.memory_space<vmem>>) target(%dma_start3A_93 : memref<10240x128xf32, #tpu.memory_space<vmem_shared>>) offsets(%dma_start3A_90 : memref<128xi32, #tpu.memory_space<vmem>>) semaphore(%run_scoped3A_87 : memref<!tpu.dma_semaphore, #tpu.memory_space<semaphore_mem>>) {add = true}
      %dma_wait3A_94 = arith.constant 0 : i32
      %dma_wait3A_95 = tpu.memref_slice %arg8[%run_scoped3A_70, %dma_wait3A_94] : memref<40x128xi32, #tpu.memory_space<vmem>> -> memref<1x128xi32, #tpu.memory_space<vmem>>
      %dma_wait3A_96 = tpu.memref_squeeze %dma_wait3A_95 : memref<1x128xi32, #tpu.memory_space<vmem>> -> memref<128xi32, #tpu.memory_space<vmem>>
      %dma_wait3A_97 = arith.constant 0 : i32
      %dma_wait3A_98 = arith.constant 0 : i32
      %dma_wait3A_99 = tpu.memref_slice %arg11[%dma_wait3A_97, %dma_wait3A_98] : memref<10240x128xf32, #tpu.memory_space<vmem_shared>> -> memref<10240x128xf32, #tpu.memory_space<vmem_shared>>
      tpu.wait_indirect_dma semaphore(%run_scoped3A_87 : memref<!tpu.dma_semaphore, #tpu.memory_space<semaphore_mem>>) src(%arg9 : memref<128x128xf32, #tpu.memory_space<vmem>>) dst(%dma_wait3A_99 : memref<10240x128xf32, #tpu.memory_space<vmem_shared>>)
      tpu.yield
    }) : () -> ()
    %dma_wait3A_71 = arith.constant 39 : i32
    %dma_wait3A_72 = arith.constant 0 : i32
    %dma_wait3A_73 = tpu.memref_slice %arg7[%dma_wait3A_71, %dma_wait3A_72] : memref<40x128xi32, #tpu.memory_space<vmem>> -> memref<1x128xi32, #tpu.memory_space<vmem>>
    %dma_wait3A_74 = tpu.memref_squeeze %dma_wait3A_73 : memref<1x128xi32, #tpu.memory_space<vmem>> -> memref<128xi32, #tpu.memory_space<vmem>>
    %dma_wait3A_75 = arith.constant 0 : i32
    %dma_wait3A_76 = arith.constant 0 : i32
    %dma_wait3A_77 = tpu.memref_slice %arg2[%dma_wait3A_75, %dma_wait3A_76] : memref<40000x128xf32, #tpu.memory_space<hbm>> -> memref<40000x128xf32, #tpu.memory_space<hbm>>
    tpu.wait_indirect_dma semaphore(%arg13 : memref<!tpu.dma_semaphore, #tpu.memory_space<semaphore_mem>>) src(%dma_wait3A_77 : memref<40000x128xf32, #tpu.memory_space<hbm>>) dst(%arg10 : memref<128x128xf32, #tpu.memory_space<vmem>>)
    %run_scoped3A_78 = arith.constant 39 : i32
    "tpu.region"() ({
      %run_scoped3A_87 = tpu.sem_alloc : memref<!tpu.dma_semaphore, #tpu.memory_space<semaphore_mem>>
      %dma_start3A_88 = arith.constant 0 : i32
      %dma_start3A_89 = tpu.memref_slice %arg8[%run_scoped3A_78, %dma_start3A_88] : memref<40x128xi32, #tpu.memory_space<vmem>> -> memref<1x128xi32, #tpu.memory_space<vmem>>
      %dma_start3A_90 = tpu.memref_squeeze %dma_start3A_89 : memref<1x128xi32, #tpu.memory_space<vmem>> -> memref<128xi32, #tpu.memory_space<vmem>>
      %dma_start3A_91 = arith.constant 0 : i32
      %dma_start3A_92 = arith.constant 0 : i32
      %dma_start3A_93 = tpu.memref_slice %arg11[%dma_start3A_91, %dma_start3A_92] : memref<10240x128xf32, #tpu.memory_space<vmem_shared>> -> memref<10240x128xf32, #tpu.memory_space<vmem_shared>>
      tpu.enqueue_indirect_dma source(%arg10 : memref<128x128xf32, #tpu.memory_space<vmem>>) target(%dma_start3A_93 : memref<10240x128xf32, #tpu.memory_space<vmem_shared>>) offsets(%dma_start3A_90 : memref<128xi32, #tpu.memory_space<vmem>>) semaphore(%run_scoped3A_87 : memref<!tpu.dma_semaphore, #tpu.memory_space<semaphore_mem>>) {add = true}
      %dma_wait3A_94 = arith.constant 0 : i32
      %dma_wait3A_95 = tpu.memref_slice %arg8[%run_scoped3A_78, %dma_wait3A_94] : memref<40x128xi32, #tpu.memory_space<vmem>> -> memref<1x128xi32, #tpu.memory_space<vmem>>
      %dma_wait3A_96 = tpu.memref_squeeze %dma_wait3A_95 : memref<1x128xi32, #tpu.memory_space<vmem>> -> memref<128xi32, #tpu.memory_space<vmem>>
      %dma_wait3A_97 = arith.constant 0 : i32
      %dma_wait3A_98 = arith.constant 0 : i32
      %dma_wait3A_99 = tpu.memref_slice %arg11[%dma_wait3A_97, %dma_wait3A_98] : memref<10240x128xf32, #tpu.memory_space<vmem_shared>> -> memref<10240x128xf32, #tpu.memory_space<vmem_shared>>
      tpu.wait_indirect_dma semaphore(%run_scoped3A_87 : memref<!tpu.dma_semaphore, #tpu.memory_space<semaphore_mem>>) src(%arg10 : memref<128x128xf32, #tpu.memory_space<vmem>>) dst(%dma_wait3A_99 : memref<10240x128xf32, #tpu.memory_space<vmem_shared>>)
      tpu.yield
    }) : () -> ()
    %barrier3A_79 = arith.constant 0 : index
    tpu.barrier barrier_id(%barrier3A_79)
    %mul3A_80 = arith.constant 10240 : i32
    %mul3A_81 = arith.muli %arg0, %mul3A_80 : i32
    %mul3A_82 = arith.constant 640 : i32
    %mul3A_83 = arith.muli %arg1, %mul3A_82 : i32
    %add3A_84 = arith.addi %mul3A_81, %mul3A_83 : i32
    %mul3A_85 = arith.constant 640 : i32
    %mul3A_86 = arith.muli %arg1, %mul3A_85 : i32
    "tpu.region"() ({
      %run_scoped3A_87 = tpu.sem_alloc : memref<!tpu.dma_semaphore, #tpu.memory_space<semaphore_mem>>
      %dma_start3A_88 = arith.constant 0 : i32
      %dma_start3A_89 = tpu.memref_slice %arg6[%add3A_84, %dma_start3A_88] : memref<20480x128xf32, #tpu.memory_space<hbm>> -> memref<640x128xf32, #tpu.memory_space<hbm>>
      %dma_start3A_90 = arith.constant 0 : i32
      %dma_start3A_91 = tpu.memref_slice %arg11[%mul3A_86, %dma_start3A_90] : memref<10240x128xf32, #tpu.memory_space<vmem_shared>> -> memref<640x128xf32, #tpu.memory_space<vmem_shared>>
      tpu.enqueue_dma source(%dma_start3A_91 : memref<640x128xf32, #tpu.memory_space<vmem_shared>>) target(%dma_start3A_89 : memref<640x128xf32, #tpu.memory_space<hbm>>) target_semaphore(%run_scoped3A_87 : memref<!tpu.dma_semaphore, #tpu.memory_space<semaphore_mem>>)
      %dma_wait3A_92 = arith.constant 0 : i32
      %dma_wait3A_93 = tpu.memref_slice %arg6[%add3A_84, %dma_wait3A_92] : memref<20480x128xf32, #tpu.memory_space<hbm>> -> memref<640x128xf32, #tpu.memory_space<hbm>>
      %dma_wait3A_94 = arith.constant 0 : i32
      %dma_wait3A_95 = tpu.memref_slice %arg11[%mul3A_86, %dma_wait3A_94] : memref<10240x128xf32, #tpu.memory_space<vmem_shared>> -> memref<640x128xf32, #tpu.memory_space<vmem_shared>>
      tpu.wait_dma2 semaphore(%run_scoped3A_87 : memref<!tpu.dma_semaphore, #tpu.memory_space<semaphore_mem>>) src(%dma_wait3A_95 : memref<640x128xf32, #tpu.memory_space<vmem_shared>>) dst(%dma_wait3A_93 : memref<640x128xf32, #tpu.memory_space<hbm>>)
      tpu.yield
    }) : () -> ()
    return
  }
}

module attributes {stable_mosaic.version = 14 : i64} {
  func.func @_prologue_kernel(%arg0: memref<10000x1xi32, #tpu.memory_space<vmem>>, %arg1: memref<28x128xf32, #tpu.memory_space<vmem>>, %arg2: memref<4x128xf32, #tpu.memory_space<vmem>>, %arg3: memref<2560x128xi32, #tpu.memory_space<vmem>>, %arg4: memref<2560x128xi32, #tpu.memory_space<vmem>>, %arg5: memref<2560x128xi32, #tpu.memory_space<vmem>>, %arg6: memref<10000x128xf32, #tpu.memory_space<vmem>>, %arg7: memref<4x10000x128xf32, #tpu.memory_space<vmem>>, %arg8: memref<2560x128xi32, #tpu.memory_space<vmem>>, %arg9: memref<2560x128xi32, #tpu.memory_space<vmem>>) attributes {dimension_semantics = [], scalar_prefetch = 0 : i64, scratch_operands = 0 : i64, tpu.core_type = #tpu.core_type<tc>} {
    %get3A = arith.constant 0 : index
    %get3A_0 = arith.constant 0 : index
    %get3A_1 = vector.load %arg0[%get3A, %get3A_0] : memref<10000x1xi32, #tpu.memory_space<vmem>>, vector<10000x1xi32>
    %broadcast_in_dim3A = arith.constant 0.000000e+00 : f32
    %broadcast_in_dim3A_2 = vector.broadcast %broadcast_in_dim3A : f32 to vector<10000x128xf32>
    %eq3A = arith.constant 0 : i32
    %eq3A_3 = vector.broadcast %eq3A : i32 to vector<10000x1xi32>
    %eq3A_4 = arith.cmpi eq, %get3A_1, %eq3A_3 : vector<10000x1xi32>
    %jit3A = arith.constant 1.000000e+00 : f32
    %jit3A_5 = arith.constant 0.000000e+00 : f32
    %broadcast_in_dim3A_6 = vector.broadcast %jit3A : f32 to vector<10000x1xf32>
    %broadcast_in_dim3A_7 = vector.broadcast %jit3A_5 : f32 to vector<10000x1xf32>
    %select_n3A = arith.select %eq3A_4, %broadcast_in_dim3A_6, %broadcast_in_dim3A_7 : vector<10000x1xi1>, vector<10000x1xf32>
    %get3A_8 = arith.constant 0 : index
    %get3A_9 = arith.constant 0 : index
    %get3A_10 = vector.load %arg1[%get3A_8, %get3A_9] : memref<28x128xf32, #tpu.memory_space<vmem>>, vector<1x128xf32>
    %get3A_11 = vector.shape_cast %get3A_10 : vector<1x128xf32> to vector<128xf32>
    %broadcast_in_dim3A_12 = vector.shape_cast %get3A_11 : vector<128xf32> to vector<1x128xf32>
    %mul3A = vector.broadcast %select_n3A : vector<10000x1xf32> to vector<10000x128xf32>
    %mul3A_13 = vector.broadcast %broadcast_in_dim3A_12 : vector<1x128xf32> to vector<10000x128xf32>
    %mul3A_14 = arith.mulf %mul3A, %mul3A_13 : vector<10000x128xf32>
    %add3A = arith.addf %broadcast_in_dim3A_2, %mul3A_14 : vector<10000x128xf32>
    %eq3A_15 = arith.constant 1 : i32
    %eq3A_16 = vector.broadcast %eq3A_15 : i32 to vector<10000x1xi32>
    %eq3A_17 = arith.cmpi eq, %get3A_1, %eq3A_16 : vector<10000x1xi32>
    %jit3A_18 = arith.constant 1.000000e+00 : f32
    %jit3A_19 = arith.constant 0.000000e+00 : f32
    %broadcast_in_dim3A_20 = vector.broadcast %jit3A_18 : f32 to vector<10000x1xf32>
    %broadcast_in_dim3A_21 = vector.broadcast %jit3A_19 : f32 to vector<10000x1xf32>
    %select_n3A_22 = arith.select %eq3A_17, %broadcast_in_dim3A_20, %broadcast_in_dim3A_21 : vector<10000x1xi1>, vector<10000x1xf32>
    %get3A_23 = arith.constant 1 : index
    %get3A_24 = arith.constant 0 : index
    %get3A_25 = vector.load %arg1[%get3A_23, %get3A_24] : memref<28x128xf32, #tpu.memory_space<vmem>>, vector<1x128xf32>
    %get3A_26 = vector.shape_cast %get3A_25 : vector<1x128xf32> to vector<128xf32>
    %broadcast_in_dim3A_27 = vector.shape_cast %get3A_26 : vector<128xf32> to vector<1x128xf32>
    %mul3A_28 = vector.broadcast %select_n3A_22 : vector<10000x1xf32> to vector<10000x128xf32>
    %mul3A_29 = vector.broadcast %broadcast_in_dim3A_27 : vector<1x128xf32> to vector<10000x128xf32>
    %mul3A_30 = arith.mulf %mul3A_28, %mul3A_29 : vector<10000x128xf32>
    %add3A_31 = arith.addf %add3A, %mul3A_30 : vector<10000x128xf32>
    %eq3A_32 = arith.constant 2 : i32
    %eq3A_33 = vector.broadcast %eq3A_32 : i32 to vector<10000x1xi32>
    %eq3A_34 = arith.cmpi eq, %get3A_1, %eq3A_33 : vector<10000x1xi32>
    %jit3A_35 = arith.constant 1.000000e+00 : f32
    %jit3A_36 = arith.constant 0.000000e+00 : f32
    %broadcast_in_dim3A_37 = vector.broadcast %jit3A_35 : f32 to vector<10000x1xf32>
    %broadcast_in_dim3A_38 = vector.broadcast %jit3A_36 : f32 to vector<10000x1xf32>
    %select_n3A_39 = arith.select %eq3A_34, %broadcast_in_dim3A_37, %broadcast_in_dim3A_38 : vector<10000x1xi1>, vector<10000x1xf32>
    %get3A_40 = arith.constant 2 : index
    %get3A_41 = arith.constant 0 : index
    %get3A_42 = vector.load %arg1[%get3A_40, %get3A_41] : memref<28x128xf32, #tpu.memory_space<vmem>>, vector<1x128xf32>
    %get3A_43 = vector.shape_cast %get3A_42 : vector<1x128xf32> to vector<128xf32>
    %broadcast_in_dim3A_44 = vector.shape_cast %get3A_43 : vector<128xf32> to vector<1x128xf32>
    %mul3A_45 = vector.broadcast %select_n3A_39 : vector<10000x1xf32> to vector<10000x128xf32>
    %mul3A_46 = vector.broadcast %broadcast_in_dim3A_44 : vector<1x128xf32> to vector<10000x128xf32>
    %mul3A_47 = arith.mulf %mul3A_45, %mul3A_46 : vector<10000x128xf32>
    %add3A_48 = arith.addf %add3A_31, %mul3A_47 : vector<10000x128xf32>
    %eq3A_49 = arith.constant 3 : i32
    %eq3A_50 = vector.broadcast %eq3A_49 : i32 to vector<10000x1xi32>
    %eq3A_51 = arith.cmpi eq, %get3A_1, %eq3A_50 : vector<10000x1xi32>
    %jit3A_52 = arith.constant 1.000000e+00 : f32
    %jit3A_53 = arith.constant 0.000000e+00 : f32
    %broadcast_in_dim3A_54 = vector.broadcast %jit3A_52 : f32 to vector<10000x1xf32>
    %broadcast_in_dim3A_55 = vector.broadcast %jit3A_53 : f32 to vector<10000x1xf32>
    %select_n3A_56 = arith.select %eq3A_51, %broadcast_in_dim3A_54, %broadcast_in_dim3A_55 : vector<10000x1xi1>, vector<10000x1xf32>
    %get3A_57 = arith.constant 3 : index
    %get3A_58 = arith.constant 0 : index
    %get3A_59 = vector.load %arg1[%get3A_57, %get3A_58] : memref<28x128xf32, #tpu.memory_space<vmem>>, vector<1x128xf32>
    %get3A_60 = vector.shape_cast %get3A_59 : vector<1x128xf32> to vector<128xf32>
    %broadcast_in_dim3A_61 = vector.shape_cast %get3A_60 : vector<128xf32> to vector<1x128xf32>
    %mul3A_62 = vector.broadcast %select_n3A_56 : vector<10000x1xf32> to vector<10000x128xf32>
    %mul3A_63 = vector.broadcast %broadcast_in_dim3A_61 : vector<1x128xf32> to vector<10000x128xf32>
    %mul3A_64 = arith.mulf %mul3A_62, %mul3A_63 : vector<10000x128xf32>
    %add3A_65 = arith.addf %add3A_48, %mul3A_64 : vector<10000x128xf32>
    %eq3A_66 = arith.constant 4 : i32
    %eq3A_67 = vector.broadcast %eq3A_66 : i32 to vector<10000x1xi32>
    %eq3A_68 = arith.cmpi eq, %get3A_1, %eq3A_67 : vector<10000x1xi32>
    %jit3A_69 = arith.constant 1.000000e+00 : f32
    %jit3A_70 = arith.constant 0.000000e+00 : f32
    %broadcast_in_dim3A_71 = vector.broadcast %jit3A_69 : f32 to vector<10000x1xf32>
    %broadcast_in_dim3A_72 = vector.broadcast %jit3A_70 : f32 to vector<10000x1xf32>
    %select_n3A_73 = arith.select %eq3A_68, %broadcast_in_dim3A_71, %broadcast_in_dim3A_72 : vector<10000x1xi1>, vector<10000x1xf32>
    %get3A_74 = arith.constant 4 : index
    %get3A_75 = arith.constant 0 : index
    %get3A_76 = vector.load %arg1[%get3A_74, %get3A_75] : memref<28x128xf32, #tpu.memory_space<vmem>>, vector<1x128xf32>
    %get3A_77 = vector.shape_cast %get3A_76 : vector<1x128xf32> to vector<128xf32>
    %broadcast_in_dim3A_78 = vector.shape_cast %get3A_77 : vector<128xf32> to vector<1x128xf32>
    %mul3A_79 = vector.broadcast %select_n3A_73 : vector<10000x1xf32> to vector<10000x128xf32>
    %mul3A_80 = vector.broadcast %broadcast_in_dim3A_78 : vector<1x128xf32> to vector<10000x128xf32>
    %mul3A_81 = arith.mulf %mul3A_79, %mul3A_80 : vector<10000x128xf32>
    %add3A_82 = arith.addf %add3A_65, %mul3A_81 : vector<10000x128xf32>
    %eq3A_83 = arith.constant 5 : i32
    %eq3A_84 = vector.broadcast %eq3A_83 : i32 to vector<10000x1xi32>
    %eq3A_85 = arith.cmpi eq, %get3A_1, %eq3A_84 : vector<10000x1xi32>
    %jit3A_86 = arith.constant 1.000000e+00 : f32
    %jit3A_87 = arith.constant 0.000000e+00 : f32
    %broadcast_in_dim3A_88 = vector.broadcast %jit3A_86 : f32 to vector<10000x1xf32>
    %broadcast_in_dim3A_89 = vector.broadcast %jit3A_87 : f32 to vector<10000x1xf32>
    %select_n3A_90 = arith.select %eq3A_85, %broadcast_in_dim3A_88, %broadcast_in_dim3A_89 : vector<10000x1xi1>, vector<10000x1xf32>
    %get3A_91 = arith.constant 5 : index
    %get3A_92 = arith.constant 0 : index
    %get3A_93 = vector.load %arg1[%get3A_91, %get3A_92] : memref<28x128xf32, #tpu.memory_space<vmem>>, vector<1x128xf32>
    %get3A_94 = vector.shape_cast %get3A_93 : vector<1x128xf32> to vector<128xf32>
    %broadcast_in_dim3A_95 = vector.shape_cast %get3A_94 : vector<128xf32> to vector<1x128xf32>
    %mul3A_96 = vector.broadcast %select_n3A_90 : vector<10000x1xf32> to vector<10000x128xf32>
    %mul3A_97 = vector.broadcast %broadcast_in_dim3A_95 : vector<1x128xf32> to vector<10000x128xf32>
    %mul3A_98 = arith.mulf %mul3A_96, %mul3A_97 : vector<10000x128xf32>
    %add3A_99 = arith.addf %add3A_82, %mul3A_98 : vector<10000x128xf32>
    %eq3A_100 = arith.constant 6 : i32
    %eq3A_101 = vector.broadcast %eq3A_100 : i32 to vector<10000x1xi32>
    %eq3A_102 = arith.cmpi eq, %get3A_1, %eq3A_101 : vector<10000x1xi32>
    %jit3A_103 = arith.constant 1.000000e+00 : f32
    %jit3A_104 = arith.constant 0.000000e+00 : f32
    %broadcast_in_dim3A_105 = vector.broadcast %jit3A_103 : f32 to vector<10000x1xf32>
    %broadcast_in_dim3A_106 = vector.broadcast %jit3A_104 : f32 to vector<10000x1xf32>
    %select_n3A_107 = arith.select %eq3A_102, %broadcast_in_dim3A_105, %broadcast_in_dim3A_106 : vector<10000x1xi1>, vector<10000x1xf32>
    %get3A_108 = arith.constant 6 : index
    %get3A_109 = arith.constant 0 : index
    %get3A_110 = vector.load %arg1[%get3A_108, %get3A_109] : memref<28x128xf32, #tpu.memory_space<vmem>>, vector<1x128xf32>
    %get3A_111 = vector.shape_cast %get3A_110 : vector<1x128xf32> to vector<128xf32>
    %broadcast_in_dim3A_112 = vector.shape_cast %get3A_111 : vector<128xf32> to vector<1x128xf32>
    %mul3A_113 = vector.broadcast %select_n3A_107 : vector<10000x1xf32> to vector<10000x128xf32>
    %mul3A_114 = vector.broadcast %broadcast_in_dim3A_112 : vector<1x128xf32> to vector<10000x128xf32>
    %mul3A_115 = arith.mulf %mul3A_113, %mul3A_114 : vector<10000x128xf32>
    %add3A_116 = arith.addf %add3A_99, %mul3A_115 : vector<10000x128xf32>
    %eq3A_117 = arith.constant 7 : i32
    %eq3A_118 = vector.broadcast %eq3A_117 : i32 to vector<10000x1xi32>
    %eq3A_119 = arith.cmpi eq, %get3A_1, %eq3A_118 : vector<10000x1xi32>
    %jit3A_120 = arith.constant 1.000000e+00 : f32
    %jit3A_121 = arith.constant 0.000000e+00 : f32
    %broadcast_in_dim3A_122 = vector.broadcast %jit3A_120 : f32 to vector<10000x1xf32>
    %broadcast_in_dim3A_123 = vector.broadcast %jit3A_121 : f32 to vector<10000x1xf32>
    %select_n3A_124 = arith.select %eq3A_119, %broadcast_in_dim3A_122, %broadcast_in_dim3A_123 : vector<10000x1xi1>, vector<10000x1xf32>
    %get3A_125 = arith.constant 7 : index
    %get3A_126 = arith.constant 0 : index
    %get3A_127 = vector.load %arg1[%get3A_125, %get3A_126] : memref<28x128xf32, #tpu.memory_space<vmem>>, vector<1x128xf32>
    %get3A_128 = vector.shape_cast %get3A_127 : vector<1x128xf32> to vector<128xf32>
    %broadcast_in_dim3A_129 = vector.shape_cast %get3A_128 : vector<128xf32> to vector<1x128xf32>
    %mul3A_130 = vector.broadcast %select_n3A_124 : vector<10000x1xf32> to vector<10000x128xf32>
    %mul3A_131 = vector.broadcast %broadcast_in_dim3A_129 : vector<1x128xf32> to vector<10000x128xf32>
    %mul3A_132 = arith.mulf %mul3A_130, %mul3A_131 : vector<10000x128xf32>
    %add3A_133 = arith.addf %add3A_116, %mul3A_132 : vector<10000x128xf32>
    %eq3A_134 = arith.constant 8 : i32
    %eq3A_135 = vector.broadcast %eq3A_134 : i32 to vector<10000x1xi32>
    %eq3A_136 = arith.cmpi eq, %get3A_1, %eq3A_135 : vector<10000x1xi32>
    %jit3A_137 = arith.constant 1.000000e+00 : f32
    %jit3A_138 = arith.constant 0.000000e+00 : f32
    %broadcast_in_dim3A_139 = vector.broadcast %jit3A_137 : f32 to vector<10000x1xf32>
    %broadcast_in_dim3A_140 = vector.broadcast %jit3A_138 : f32 to vector<10000x1xf32>
    %select_n3A_141 = arith.select %eq3A_136, %broadcast_in_dim3A_139, %broadcast_in_dim3A_140 : vector<10000x1xi1>, vector<10000x1xf32>
    %get3A_142 = arith.constant 8 : index
    %get3A_143 = arith.constant 0 : index
    %get3A_144 = vector.load %arg1[%get3A_142, %get3A_143] : memref<28x128xf32, #tpu.memory_space<vmem>>, vector<1x128xf32>
    %get3A_145 = vector.shape_cast %get3A_144 : vector<1x128xf32> to vector<128xf32>
    %broadcast_in_dim3A_146 = vector.shape_cast %get3A_145 : vector<128xf32> to vector<1x128xf32>
    %mul3A_147 = vector.broadcast %select_n3A_141 : vector<10000x1xf32> to vector<10000x128xf32>
    %mul3A_148 = vector.broadcast %broadcast_in_dim3A_146 : vector<1x128xf32> to vector<10000x128xf32>
    %mul3A_149 = arith.mulf %mul3A_147, %mul3A_148 : vector<10000x128xf32>
    %add3A_150 = arith.addf %add3A_133, %mul3A_149 : vector<10000x128xf32>
    %eq3A_151 = arith.constant 9 : i32
    %eq3A_152 = vector.broadcast %eq3A_151 : i32 to vector<10000x1xi32>
    %eq3A_153 = arith.cmpi eq, %get3A_1, %eq3A_152 : vector<10000x1xi32>
    %jit3A_154 = arith.constant 1.000000e+00 : f32
    %jit3A_155 = arith.constant 0.000000e+00 : f32
    %broadcast_in_dim3A_156 = vector.broadcast %jit3A_154 : f32 to vector<10000x1xf32>
    %broadcast_in_dim3A_157 = vector.broadcast %jit3A_155 : f32 to vector<10000x1xf32>
    %select_n3A_158 = arith.select %eq3A_153, %broadcast_in_dim3A_156, %broadcast_in_dim3A_157 : vector<10000x1xi1>, vector<10000x1xf32>
    %get3A_159 = arith.constant 9 : index
    %get3A_160 = arith.constant 0 : index
    %get3A_161 = vector.load %arg1[%get3A_159, %get3A_160] : memref<28x128xf32, #tpu.memory_space<vmem>>, vector<1x128xf32>
    %get3A_162 = vector.shape_cast %get3A_161 : vector<1x128xf32> to vector<128xf32>
    %broadcast_in_dim3A_163 = vector.shape_cast %get3A_162 : vector<128xf32> to vector<1x128xf32>
    %mul3A_164 = vector.broadcast %select_n3A_158 : vector<10000x1xf32> to vector<10000x128xf32>
    %mul3A_165 = vector.broadcast %broadcast_in_dim3A_163 : vector<1x128xf32> to vector<10000x128xf32>
    %mul3A_166 = arith.mulf %mul3A_164, %mul3A_165 : vector<10000x128xf32>
    %add3A_167 = arith.addf %add3A_150, %mul3A_166 : vector<10000x128xf32>
    %eq3A_168 = arith.constant 10 : i32
    %eq3A_169 = vector.broadcast %eq3A_168 : i32 to vector<10000x1xi32>
    %eq3A_170 = arith.cmpi eq, %get3A_1, %eq3A_169 : vector<10000x1xi32>
    %jit3A_171 = arith.constant 1.000000e+00 : f32
    %jit3A_172 = arith.constant 0.000000e+00 : f32
    %broadcast_in_dim3A_173 = vector.broadcast %jit3A_171 : f32 to vector<10000x1xf32>
    %broadcast_in_dim3A_174 = vector.broadcast %jit3A_172 : f32 to vector<10000x1xf32>
    %select_n3A_175 = arith.select %eq3A_170, %broadcast_in_dim3A_173, %broadcast_in_dim3A_174 : vector<10000x1xi1>, vector<10000x1xf32>
    %get3A_176 = arith.constant 10 : index
    %get3A_177 = arith.constant 0 : index
    %get3A_178 = vector.load %arg1[%get3A_176, %get3A_177] : memref<28x128xf32, #tpu.memory_space<vmem>>, vector<1x128xf32>
    %get3A_179 = vector.shape_cast %get3A_178 : vector<1x128xf32> to vector<128xf32>
    %broadcast_in_dim3A_180 = vector.shape_cast %get3A_179 : vector<128xf32> to vector<1x128xf32>
    %mul3A_181 = vector.broadcast %select_n3A_175 : vector<10000x1xf32> to vector<10000x128xf32>
    %mul3A_182 = vector.broadcast %broadcast_in_dim3A_180 : vector<1x128xf32> to vector<10000x128xf32>
    %mul3A_183 = arith.mulf %mul3A_181, %mul3A_182 : vector<10000x128xf32>
    %add3A_184 = arith.addf %add3A_167, %mul3A_183 : vector<10000x128xf32>
    %eq3A_185 = arith.constant 11 : i32
    %eq3A_186 = vector.broadcast %eq3A_185 : i32 to vector<10000x1xi32>
    %eq3A_187 = arith.cmpi eq, %get3A_1, %eq3A_186 : vector<10000x1xi32>
    %jit3A_188 = arith.constant 1.000000e+00 : f32
    %jit3A_189 = arith.constant 0.000000e+00 : f32
    %broadcast_in_dim3A_190 = vector.broadcast %jit3A_188 : f32 to vector<10000x1xf32>
    %broadcast_in_dim3A_191 = vector.broadcast %jit3A_189 : f32 to vector<10000x1xf32>
    %select_n3A_192 = arith.select %eq3A_187, %broadcast_in_dim3A_190, %broadcast_in_dim3A_191 : vector<10000x1xi1>, vector<10000x1xf32>
    %get3A_193 = arith.constant 11 : index
    %get3A_194 = arith.constant 0 : index
    %get3A_195 = vector.load %arg1[%get3A_193, %get3A_194] : memref<28x128xf32, #tpu.memory_space<vmem>>, vector<1x128xf32>
    %get3A_196 = vector.shape_cast %get3A_195 : vector<1x128xf32> to vector<128xf32>
    %broadcast_in_dim3A_197 = vector.shape_cast %get3A_196 : vector<128xf32> to vector<1x128xf32>
    %mul3A_198 = vector.broadcast %select_n3A_192 : vector<10000x1xf32> to vector<10000x128xf32>
    %mul3A_199 = vector.broadcast %broadcast_in_dim3A_197 : vector<1x128xf32> to vector<10000x128xf32>
    %mul3A_200 = arith.mulf %mul3A_198, %mul3A_199 : vector<10000x128xf32>
    %add3A_201 = arith.addf %add3A_184, %mul3A_200 : vector<10000x128xf32>
    %eq3A_202 = arith.constant 12 : i32
    %eq3A_203 = vector.broadcast %eq3A_202 : i32 to vector<10000x1xi32>
    %eq3A_204 = arith.cmpi eq, %get3A_1, %eq3A_203 : vector<10000x1xi32>
    %jit3A_205 = arith.constant 1.000000e+00 : f32
    %jit3A_206 = arith.constant 0.000000e+00 : f32
    %broadcast_in_dim3A_207 = vector.broadcast %jit3A_205 : f32 to vector<10000x1xf32>
    %broadcast_in_dim3A_208 = vector.broadcast %jit3A_206 : f32 to vector<10000x1xf32>
    %select_n3A_209 = arith.select %eq3A_204, %broadcast_in_dim3A_207, %broadcast_in_dim3A_208 : vector<10000x1xi1>, vector<10000x1xf32>
    %get3A_210 = arith.constant 12 : index
    %get3A_211 = arith.constant 0 : index
    %get3A_212 = vector.load %arg1[%get3A_210, %get3A_211] : memref<28x128xf32, #tpu.memory_space<vmem>>, vector<1x128xf32>
    %get3A_213 = vector.shape_cast %get3A_212 : vector<1x128xf32> to vector<128xf32>
    %broadcast_in_dim3A_214 = vector.shape_cast %get3A_213 : vector<128xf32> to vector<1x128xf32>
    %mul3A_215 = vector.broadcast %select_n3A_209 : vector<10000x1xf32> to vector<10000x128xf32>
    %mul3A_216 = vector.broadcast %broadcast_in_dim3A_214 : vector<1x128xf32> to vector<10000x128xf32>
    %mul3A_217 = arith.mulf %mul3A_215, %mul3A_216 : vector<10000x128xf32>
    %add3A_218 = arith.addf %add3A_201, %mul3A_217 : vector<10000x128xf32>
    %eq3A_219 = arith.constant 13 : i32
    %eq3A_220 = vector.broadcast %eq3A_219 : i32 to vector<10000x1xi32>
    %eq3A_221 = arith.cmpi eq, %get3A_1, %eq3A_220 : vector<10000x1xi32>
    %jit3A_222 = arith.constant 1.000000e+00 : f32
    %jit3A_223 = arith.constant 0.000000e+00 : f32
    %broadcast_in_dim3A_224 = vector.broadcast %jit3A_222 : f32 to vector<10000x1xf32>
    %broadcast_in_dim3A_225 = vector.broadcast %jit3A_223 : f32 to vector<10000x1xf32>
    %select_n3A_226 = arith.select %eq3A_221, %broadcast_in_dim3A_224, %broadcast_in_dim3A_225 : vector<10000x1xi1>, vector<10000x1xf32>
    %get3A_227 = arith.constant 13 : index
    %get3A_228 = arith.constant 0 : index
    %get3A_229 = vector.load %arg1[%get3A_227, %get3A_228] : memref<28x128xf32, #tpu.memory_space<vmem>>, vector<1x128xf32>
    %get3A_230 = vector.shape_cast %get3A_229 : vector<1x128xf32> to vector<128xf32>
    %broadcast_in_dim3A_231 = vector.shape_cast %get3A_230 : vector<128xf32> to vector<1x128xf32>
    %mul3A_232 = vector.broadcast %select_n3A_226 : vector<10000x1xf32> to vector<10000x128xf32>
    %mul3A_233 = vector.broadcast %broadcast_in_dim3A_231 : vector<1x128xf32> to vector<10000x128xf32>
    %mul3A_234 = arith.mulf %mul3A_232, %mul3A_233 : vector<10000x128xf32>
    %add3A_235 = arith.addf %add3A_218, %mul3A_234 : vector<10000x128xf32>
    %eq3A_236 = arith.constant 14 : i32
    %eq3A_237 = vector.broadcast %eq3A_236 : i32 to vector<10000x1xi32>
    %eq3A_238 = arith.cmpi eq, %get3A_1, %eq3A_237 : vector<10000x1xi32>
    %jit3A_239 = arith.constant 1.000000e+00 : f32
    %jit3A_240 = arith.constant 0.000000e+00 : f32
    %broadcast_in_dim3A_241 = vector.broadcast %jit3A_239 : f32 to vector<10000x1xf32>
    %broadcast_in_dim3A_242 = vector.broadcast %jit3A_240 : f32 to vector<10000x1xf32>
    %select_n3A_243 = arith.select %eq3A_238, %broadcast_in_dim3A_241, %broadcast_in_dim3A_242 : vector<10000x1xi1>, vector<10000x1xf32>
    %get3A_244 = arith.constant 14 : index
    %get3A_245 = arith.constant 0 : index
    %get3A_246 = vector.load %arg1[%get3A_244, %get3A_245] : memref<28x128xf32, #tpu.memory_space<vmem>>, vector<1x128xf32>
    %get3A_247 = vector.shape_cast %get3A_246 : vector<1x128xf32> to vector<128xf32>
    %broadcast_in_dim3A_248 = vector.shape_cast %get3A_247 : vector<128xf32> to vector<1x128xf32>
    %mul3A_249 = vector.broadcast %select_n3A_243 : vector<10000x1xf32> to vector<10000x128xf32>
    %mul3A_250 = vector.broadcast %broadcast_in_dim3A_248 : vector<1x128xf32> to vector<10000x128xf32>
    %mul3A_251 = arith.mulf %mul3A_249, %mul3A_250 : vector<10000x128xf32>
    %add3A_252 = arith.addf %add3A_235, %mul3A_251 : vector<10000x128xf32>
    %eq3A_253 = arith.constant 15 : i32
    %eq3A_254 = vector.broadcast %eq3A_253 : i32 to vector<10000x1xi32>
    %eq3A_255 = arith.cmpi eq, %get3A_1, %eq3A_254 : vector<10000x1xi32>
    %jit3A_256 = arith.constant 1.000000e+00 : f32
    %jit3A_257 = arith.constant 0.000000e+00 : f32
    %broadcast_in_dim3A_258 = vector.broadcast %jit3A_256 : f32 to vector<10000x1xf32>
    %broadcast_in_dim3A_259 = vector.broadcast %jit3A_257 : f32 to vector<10000x1xf32>
    %select_n3A_260 = arith.select %eq3A_255, %broadcast_in_dim3A_258, %broadcast_in_dim3A_259 : vector<10000x1xi1>, vector<10000x1xf32>
    %get3A_261 = arith.constant 15 : index
    %get3A_262 = arith.constant 0 : index
    %get3A_263 = vector.load %arg1[%get3A_261, %get3A_262] : memref<28x128xf32, #tpu.memory_space<vmem>>, vector<1x128xf32>
    %get3A_264 = vector.shape_cast %get3A_263 : vector<1x128xf32> to vector<128xf32>
    %broadcast_in_dim3A_265 = vector.shape_cast %get3A_264 : vector<128xf32> to vector<1x128xf32>
    %mul3A_266 = vector.broadcast %select_n3A_260 : vector<10000x1xf32> to vector<10000x128xf32>
    %mul3A_267 = vector.broadcast %broadcast_in_dim3A_265 : vector<1x128xf32> to vector<10000x128xf32>
    %mul3A_268 = arith.mulf %mul3A_266, %mul3A_267 : vector<10000x128xf32>
    %add3A_269 = arith.addf %add3A_252, %mul3A_268 : vector<10000x128xf32>
    %eq3A_270 = arith.constant 16 : i32
    %eq3A_271 = vector.broadcast %eq3A_270 : i32 to vector<10000x1xi32>
    %eq3A_272 = arith.cmpi eq, %get3A_1, %eq3A_271 : vector<10000x1xi32>
    %jit3A_273 = arith.constant 1.000000e+00 : f32
    %jit3A_274 = arith.constant 0.000000e+00 : f32
    %broadcast_in_dim3A_275 = vector.broadcast %jit3A_273 : f32 to vector<10000x1xf32>
    %broadcast_in_dim3A_276 = vector.broadcast %jit3A_274 : f32 to vector<10000x1xf32>
    %select_n3A_277 = arith.select %eq3A_272, %broadcast_in_dim3A_275, %broadcast_in_dim3A_276 : vector<10000x1xi1>, vector<10000x1xf32>
    %get3A_278 = arith.constant 16 : index
    %get3A_279 = arith.constant 0 : index
    %get3A_280 = vector.load %arg1[%get3A_278, %get3A_279] : memref<28x128xf32, #tpu.memory_space<vmem>>, vector<1x128xf32>
    %get3A_281 = vector.shape_cast %get3A_280 : vector<1x128xf32> to vector<128xf32>
    %broadcast_in_dim3A_282 = vector.shape_cast %get3A_281 : vector<128xf32> to vector<1x128xf32>
    %mul3A_283 = vector.broadcast %select_n3A_277 : vector<10000x1xf32> to vector<10000x128xf32>
    %mul3A_284 = vector.broadcast %broadcast_in_dim3A_282 : vector<1x128xf32> to vector<10000x128xf32>
    %mul3A_285 = arith.mulf %mul3A_283, %mul3A_284 : vector<10000x128xf32>
    %add3A_286 = arith.addf %add3A_269, %mul3A_285 : vector<10000x128xf32>
    %eq3A_287 = arith.constant 17 : i32
    %eq3A_288 = vector.broadcast %eq3A_287 : i32 to vector<10000x1xi32>
    %eq3A_289 = arith.cmpi eq, %get3A_1, %eq3A_288 : vector<10000x1xi32>
    %jit3A_290 = arith.constant 1.000000e+00 : f32
    %jit3A_291 = arith.constant 0.000000e+00 : f32
    %broadcast_in_dim3A_292 = vector.broadcast %jit3A_290 : f32 to vector<10000x1xf32>
    %broadcast_in_dim3A_293 = vector.broadcast %jit3A_291 : f32 to vector<10000x1xf32>
    %select_n3A_294 = arith.select %eq3A_289, %broadcast_in_dim3A_292, %broadcast_in_dim3A_293 : vector<10000x1xi1>, vector<10000x1xf32>
    %get3A_295 = arith.constant 17 : index
    %get3A_296 = arith.constant 0 : index
    %get3A_297 = vector.load %arg1[%get3A_295, %get3A_296] : memref<28x128xf32, #tpu.memory_space<vmem>>, vector<1x128xf32>
    %get3A_298 = vector.shape_cast %get3A_297 : vector<1x128xf32> to vector<128xf32>
    %broadcast_in_dim3A_299 = vector.shape_cast %get3A_298 : vector<128xf32> to vector<1x128xf32>
    %mul3A_300 = vector.broadcast %select_n3A_294 : vector<10000x1xf32> to vector<10000x128xf32>
    %mul3A_301 = vector.broadcast %broadcast_in_dim3A_299 : vector<1x128xf32> to vector<10000x128xf32>
    %mul3A_302 = arith.mulf %mul3A_300, %mul3A_301 : vector<10000x128xf32>
    %add3A_303 = arith.addf %add3A_286, %mul3A_302 : vector<10000x128xf32>
    %eq3A_304 = arith.constant 18 : i32
    %eq3A_305 = vector.broadcast %eq3A_304 : i32 to vector<10000x1xi32>
    %eq3A_306 = arith.cmpi eq, %get3A_1, %eq3A_305 : vector<10000x1xi32>
    %jit3A_307 = arith.constant 1.000000e+00 : f32
    %jit3A_308 = arith.constant 0.000000e+00 : f32
    %broadcast_in_dim3A_309 = vector.broadcast %jit3A_307 : f32 to vector<10000x1xf32>
    %broadcast_in_dim3A_310 = vector.broadcast %jit3A_308 : f32 to vector<10000x1xf32>
    %select_n3A_311 = arith.select %eq3A_306, %broadcast_in_dim3A_309, %broadcast_in_dim3A_310 : vector<10000x1xi1>, vector<10000x1xf32>
    %get3A_312 = arith.constant 18 : index
    %get3A_313 = arith.constant 0 : index
    %get3A_314 = vector.load %arg1[%get3A_312, %get3A_313] : memref<28x128xf32, #tpu.memory_space<vmem>>, vector<1x128xf32>
    %get3A_315 = vector.shape_cast %get3A_314 : vector<1x128xf32> to vector<128xf32>
    %broadcast_in_dim3A_316 = vector.shape_cast %get3A_315 : vector<128xf32> to vector<1x128xf32>
    %mul3A_317 = vector.broadcast %select_n3A_311 : vector<10000x1xf32> to vector<10000x128xf32>
    %mul3A_318 = vector.broadcast %broadcast_in_dim3A_316 : vector<1x128xf32> to vector<10000x128xf32>
    %mul3A_319 = arith.mulf %mul3A_317, %mul3A_318 : vector<10000x128xf32>
    %add3A_320 = arith.addf %add3A_303, %mul3A_319 : vector<10000x128xf32>
    %eq3A_321 = arith.constant 19 : i32
    %eq3A_322 = vector.broadcast %eq3A_321 : i32 to vector<10000x1xi32>
    %eq3A_323 = arith.cmpi eq, %get3A_1, %eq3A_322 : vector<10000x1xi32>
    %jit3A_324 = arith.constant 1.000000e+00 : f32
    %jit3A_325 = arith.constant 0.000000e+00 : f32
    %broadcast_in_dim3A_326 = vector.broadcast %jit3A_324 : f32 to vector<10000x1xf32>
    %broadcast_in_dim3A_327 = vector.broadcast %jit3A_325 : f32 to vector<10000x1xf32>
    %select_n3A_328 = arith.select %eq3A_323, %broadcast_in_dim3A_326, %broadcast_in_dim3A_327 : vector<10000x1xi1>, vector<10000x1xf32>
    %get3A_329 = arith.constant 19 : index
    %get3A_330 = arith.constant 0 : index
    %get3A_331 = vector.load %arg1[%get3A_329, %get3A_330] : memref<28x128xf32, #tpu.memory_space<vmem>>, vector<1x128xf32>
    %get3A_332 = vector.shape_cast %get3A_331 : vector<1x128xf32> to vector<128xf32>
    %broadcast_in_dim3A_333 = vector.shape_cast %get3A_332 : vector<128xf32> to vector<1x128xf32>
    %mul3A_334 = vector.broadcast %select_n3A_328 : vector<10000x1xf32> to vector<10000x128xf32>
    %mul3A_335 = vector.broadcast %broadcast_in_dim3A_333 : vector<1x128xf32> to vector<10000x128xf32>
    %mul3A_336 = arith.mulf %mul3A_334, %mul3A_335 : vector<10000x128xf32>
    %add3A_337 = arith.addf %add3A_320, %mul3A_336 : vector<10000x128xf32>
    %eq3A_338 = arith.constant 20 : i32
    %eq3A_339 = vector.broadcast %eq3A_338 : i32 to vector<10000x1xi32>
    %eq3A_340 = arith.cmpi eq, %get3A_1, %eq3A_339 : vector<10000x1xi32>
    %jit3A_341 = arith.constant 1.000000e+00 : f32
    %jit3A_342 = arith.constant 0.000000e+00 : f32
    %broadcast_in_dim3A_343 = vector.broadcast %jit3A_341 : f32 to vector<10000x1xf32>
    %broadcast_in_dim3A_344 = vector.broadcast %jit3A_342 : f32 to vector<10000x1xf32>
    %select_n3A_345 = arith.select %eq3A_340, %broadcast_in_dim3A_343, %broadcast_in_dim3A_344 : vector<10000x1xi1>, vector<10000x1xf32>
    %get3A_346 = arith.constant 20 : index
    %get3A_347 = arith.constant 0 : index
    %get3A_348 = vector.load %arg1[%get3A_346, %get3A_347] : memref<28x128xf32, #tpu.memory_space<vmem>>, vector<1x128xf32>
    %get3A_349 = vector.shape_cast %get3A_348 : vector<1x128xf32> to vector<128xf32>
    %broadcast_in_dim3A_350 = vector.shape_cast %get3A_349 : vector<128xf32> to vector<1x128xf32>
    %mul3A_351 = vector.broadcast %select_n3A_345 : vector<10000x1xf32> to vector<10000x128xf32>
    %mul3A_352 = vector.broadcast %broadcast_in_dim3A_350 : vector<1x128xf32> to vector<10000x128xf32>
    %mul3A_353 = arith.mulf %mul3A_351, %mul3A_352 : vector<10000x128xf32>
    %add3A_354 = arith.addf %add3A_337, %mul3A_353 : vector<10000x128xf32>
    %eq3A_355 = arith.constant 21 : i32
    %eq3A_356 = vector.broadcast %eq3A_355 : i32 to vector<10000x1xi32>
    %eq3A_357 = arith.cmpi eq, %get3A_1, %eq3A_356 : vector<10000x1xi32>
    %jit3A_358 = arith.constant 1.000000e+00 : f32
    %jit3A_359 = arith.constant 0.000000e+00 : f32
    %broadcast_in_dim3A_360 = vector.broadcast %jit3A_358 : f32 to vector<10000x1xf32>
    %broadcast_in_dim3A_361 = vector.broadcast %jit3A_359 : f32 to vector<10000x1xf32>
    %select_n3A_362 = arith.select %eq3A_357, %broadcast_in_dim3A_360, %broadcast_in_dim3A_361 : vector<10000x1xi1>, vector<10000x1xf32>
    %get3A_363 = arith.constant 21 : index
    %get3A_364 = arith.constant 0 : index
    %get3A_365 = vector.load %arg1[%get3A_363, %get3A_364] : memref<28x128xf32, #tpu.memory_space<vmem>>, vector<1x128xf32>
    %get3A_366 = vector.shape_cast %get3A_365 : vector<1x128xf32> to vector<128xf32>
    %broadcast_in_dim3A_367 = vector.shape_cast %get3A_366 : vector<128xf32> to vector<1x128xf32>
    %mul3A_368 = vector.broadcast %select_n3A_362 : vector<10000x1xf32> to vector<10000x128xf32>
    %mul3A_369 = vector.broadcast %broadcast_in_dim3A_367 : vector<1x128xf32> to vector<10000x128xf32>
    %mul3A_370 = arith.mulf %mul3A_368, %mul3A_369 : vector<10000x128xf32>
    %add3A_371 = arith.addf %add3A_354, %mul3A_370 : vector<10000x128xf32>
    %eq3A_372 = arith.constant 22 : i32
    %eq3A_373 = vector.broadcast %eq3A_372 : i32 to vector<10000x1xi32>
    %eq3A_374 = arith.cmpi eq, %get3A_1, %eq3A_373 : vector<10000x1xi32>
    %jit3A_375 = arith.constant 1.000000e+00 : f32
    %jit3A_376 = arith.constant 0.000000e+00 : f32
    %broadcast_in_dim3A_377 = vector.broadcast %jit3A_375 : f32 to vector<10000x1xf32>
    %broadcast_in_dim3A_378 = vector.broadcast %jit3A_376 : f32 to vector<10000x1xf32>
    %select_n3A_379 = arith.select %eq3A_374, %broadcast_in_dim3A_377, %broadcast_in_dim3A_378 : vector<10000x1xi1>, vector<10000x1xf32>
    %get3A_380 = arith.constant 22 : index
    %get3A_381 = arith.constant 0 : index
    %get3A_382 = vector.load %arg1[%get3A_380, %get3A_381] : memref<28x128xf32, #tpu.memory_space<vmem>>, vector<1x128xf32>
    %get3A_383 = vector.shape_cast %get3A_382 : vector<1x128xf32> to vector<128xf32>
    %broadcast_in_dim3A_384 = vector.shape_cast %get3A_383 : vector<128xf32> to vector<1x128xf32>
    %mul3A_385 = vector.broadcast %select_n3A_379 : vector<10000x1xf32> to vector<10000x128xf32>
    %mul3A_386 = vector.broadcast %broadcast_in_dim3A_384 : vector<1x128xf32> to vector<10000x128xf32>
    %mul3A_387 = arith.mulf %mul3A_385, %mul3A_386 : vector<10000x128xf32>
    %add3A_388 = arith.addf %add3A_371, %mul3A_387 : vector<10000x128xf32>
    %eq3A_389 = arith.constant 23 : i32
    %eq3A_390 = vector.broadcast %eq3A_389 : i32 to vector<10000x1xi32>
    %eq3A_391 = arith.cmpi eq, %get3A_1, %eq3A_390 : vector<10000x1xi32>
    %jit3A_392 = arith.constant 1.000000e+00 : f32
    %jit3A_393 = arith.constant 0.000000e+00 : f32
    %broadcast_in_dim3A_394 = vector.broadcast %jit3A_392 : f32 to vector<10000x1xf32>
    %broadcast_in_dim3A_395 = vector.broadcast %jit3A_393 : f32 to vector<10000x1xf32>
    %select_n3A_396 = arith.select %eq3A_391, %broadcast_in_dim3A_394, %broadcast_in_dim3A_395 : vector<10000x1xi1>, vector<10000x1xf32>
    %get3A_397 = arith.constant 23 : index
    %get3A_398 = arith.constant 0 : index
    %get3A_399 = vector.load %arg1[%get3A_397, %get3A_398] : memref<28x128xf32, #tpu.memory_space<vmem>>, vector<1x128xf32>
    %get3A_400 = vector.shape_cast %get3A_399 : vector<1x128xf32> to vector<128xf32>
    %broadcast_in_dim3A_401 = vector.shape_cast %get3A_400 : vector<128xf32> to vector<1x128xf32>
    %mul3A_402 = vector.broadcast %select_n3A_396 : vector<10000x1xf32> to vector<10000x128xf32>
    %mul3A_403 = vector.broadcast %broadcast_in_dim3A_401 : vector<1x128xf32> to vector<10000x128xf32>
    %mul3A_404 = arith.mulf %mul3A_402, %mul3A_403 : vector<10000x128xf32>
    %add3A_405 = arith.addf %add3A_388, %mul3A_404 : vector<10000x128xf32>
    %eq3A_406 = arith.constant 24 : i32
    %eq3A_407 = vector.broadcast %eq3A_406 : i32 to vector<10000x1xi32>
    %eq3A_408 = arith.cmpi eq, %get3A_1, %eq3A_407 : vector<10000x1xi32>
    %jit3A_409 = arith.constant 1.000000e+00 : f32
    %jit3A_410 = arith.constant 0.000000e+00 : f32
    %broadcast_in_dim3A_411 = vector.broadcast %jit3A_409 : f32 to vector<10000x1xf32>
    %broadcast_in_dim3A_412 = vector.broadcast %jit3A_410 : f32 to vector<10000x1xf32>
    %select_n3A_413 = arith.select %eq3A_408, %broadcast_in_dim3A_411, %broadcast_in_dim3A_412 : vector<10000x1xi1>, vector<10000x1xf32>
    %get3A_414 = arith.constant 24 : index
    %get3A_415 = arith.constant 0 : index
    %get3A_416 = vector.load %arg1[%get3A_414, %get3A_415] : memref<28x128xf32, #tpu.memory_space<vmem>>, vector<1x128xf32>
    %get3A_417 = vector.shape_cast %get3A_416 : vector<1x128xf32> to vector<128xf32>
    %broadcast_in_dim3A_418 = vector.shape_cast %get3A_417 : vector<128xf32> to vector<1x128xf32>
    %mul3A_419 = vector.broadcast %select_n3A_413 : vector<10000x1xf32> to vector<10000x128xf32>
    %mul3A_420 = vector.broadcast %broadcast_in_dim3A_418 : vector<1x128xf32> to vector<10000x128xf32>
    %mul3A_421 = arith.mulf %mul3A_419, %mul3A_420 : vector<10000x128xf32>
    %add3A_422 = arith.addf %add3A_405, %mul3A_421 : vector<10000x128xf32>
    %eq3A_423 = arith.constant 25 : i32
    %eq3A_424 = vector.broadcast %eq3A_423 : i32 to vector<10000x1xi32>
    %eq3A_425 = arith.cmpi eq, %get3A_1, %eq3A_424 : vector<10000x1xi32>
    %jit3A_426 = arith.constant 1.000000e+00 : f32
    %jit3A_427 = arith.constant 0.000000e+00 : f32
    %broadcast_in_dim3A_428 = vector.broadcast %jit3A_426 : f32 to vector<10000x1xf32>
    %broadcast_in_dim3A_429 = vector.broadcast %jit3A_427 : f32 to vector<10000x1xf32>
    %select_n3A_430 = arith.select %eq3A_425, %broadcast_in_dim3A_428, %broadcast_in_dim3A_429 : vector<10000x1xi1>, vector<10000x1xf32>
    %get3A_431 = arith.constant 25 : index
    %get3A_432 = arith.constant 0 : index
    %get3A_433 = vector.load %arg1[%get3A_431, %get3A_432] : memref<28x128xf32, #tpu.memory_space<vmem>>, vector<1x128xf32>
    %get3A_434 = vector.shape_cast %get3A_433 : vector<1x128xf32> to vector<128xf32>
    %broadcast_in_dim3A_435 = vector.shape_cast %get3A_434 : vector<128xf32> to vector<1x128xf32>
    %mul3A_436 = vector.broadcast %select_n3A_430 : vector<10000x1xf32> to vector<10000x128xf32>
    %mul3A_437 = vector.broadcast %broadcast_in_dim3A_435 : vector<1x128xf32> to vector<10000x128xf32>
    %mul3A_438 = arith.mulf %mul3A_436, %mul3A_437 : vector<10000x128xf32>
    %add3A_439 = arith.addf %add3A_422, %mul3A_438 : vector<10000x128xf32>
    %eq3A_440 = arith.constant 26 : i32
    %eq3A_441 = vector.broadcast %eq3A_440 : i32 to vector<10000x1xi32>
    %eq3A_442 = arith.cmpi eq, %get3A_1, %eq3A_441 : vector<10000x1xi32>
    %jit3A_443 = arith.constant 1.000000e+00 : f32
    %jit3A_444 = arith.constant 0.000000e+00 : f32
    %broadcast_in_dim3A_445 = vector.broadcast %jit3A_443 : f32 to vector<10000x1xf32>
    %broadcast_in_dim3A_446 = vector.broadcast %jit3A_444 : f32 to vector<10000x1xf32>
    %select_n3A_447 = arith.select %eq3A_442, %broadcast_in_dim3A_445, %broadcast_in_dim3A_446 : vector<10000x1xi1>, vector<10000x1xf32>
    %get3A_448 = arith.constant 26 : index
    %get3A_449 = arith.constant 0 : index
    %get3A_450 = vector.load %arg1[%get3A_448, %get3A_449] : memref<28x128xf32, #tpu.memory_space<vmem>>, vector<1x128xf32>
    %get3A_451 = vector.shape_cast %get3A_450 : vector<1x128xf32> to vector<128xf32>
    %broadcast_in_dim3A_452 = vector.shape_cast %get3A_451 : vector<128xf32> to vector<1x128xf32>
    %mul3A_453 = vector.broadcast %select_n3A_447 : vector<10000x1xf32> to vector<10000x128xf32>
    %mul3A_454 = vector.broadcast %broadcast_in_dim3A_452 : vector<1x128xf32> to vector<10000x128xf32>
    %mul3A_455 = arith.mulf %mul3A_453, %mul3A_454 : vector<10000x128xf32>
    %add3A_456 = arith.addf %add3A_439, %mul3A_455 : vector<10000x128xf32>
    %eq3A_457 = arith.constant 27 : i32
    %eq3A_458 = vector.broadcast %eq3A_457 : i32 to vector<10000x1xi32>
    %eq3A_459 = arith.cmpi eq, %get3A_1, %eq3A_458 : vector<10000x1xi32>
    %jit3A_460 = arith.constant 1.000000e+00 : f32
    %jit3A_461 = arith.constant 0.000000e+00 : f32
    %broadcast_in_dim3A_462 = vector.broadcast %jit3A_460 : f32 to vector<10000x1xf32>
    %broadcast_in_dim3A_463 = vector.broadcast %jit3A_461 : f32 to vector<10000x1xf32>
    %select_n3A_464 = arith.select %eq3A_459, %broadcast_in_dim3A_462, %broadcast_in_dim3A_463 : vector<10000x1xi1>, vector<10000x1xf32>
    %get3A_465 = arith.constant 27 : index
    %get3A_466 = arith.constant 0 : index
    %get3A_467 = vector.load %arg1[%get3A_465, %get3A_466] : memref<28x128xf32, #tpu.memory_space<vmem>>, vector<1x128xf32>
    %get3A_468 = vector.shape_cast %get3A_467 : vector<1x128xf32> to vector<128xf32>
    %broadcast_in_dim3A_469 = vector.shape_cast %get3A_468 : vector<128xf32> to vector<1x128xf32>
    %mul3A_470 = vector.broadcast %select_n3A_464 : vector<10000x1xf32> to vector<10000x128xf32>
    %mul3A_471 = vector.broadcast %broadcast_in_dim3A_469 : vector<1x128xf32> to vector<10000x128xf32>
    %mul3A_472 = arith.mulf %mul3A_470, %mul3A_471 : vector<10000x128xf32>
    %add3A_473 = arith.addf %add3A_456, %mul3A_472 : vector<10000x128xf32>
    %swap3A = arith.constant 0 : index
    %swap3A_474 = arith.constant 0 : index
    %swap3A_475 = vector.load %arg6[%swap3A, %swap3A_474] : memref<10000x128xf32, #tpu.memory_space<vmem>>, vector<10000x128xf32>
    tpu.vector_store %arg6[%swap3A, %swap3A_474], %add3A_473 {strides = array<i32>} : memref<10000x128xf32, #tpu.memory_space<vmem>>, vector<10000x128xf32>,
    %get3A_476 = arith.constant 0 : index
    %get3A_477 = arith.constant 0 : index
    %get3A_478 = vector.load %arg2[%get3A_476, %get3A_477] : memref<4x128xf32, #tpu.memory_space<vmem>>, vector<1x128xf32>
    %get3A_479 = vector.shape_cast %get3A_478 : vector<1x128xf32> to vector<128xf32>
    %broadcast_in_dim3A_480 = vector.shape_cast %get3A_479 : vector<128xf32> to vector<1x128xf32>
    %add3A_481 = vector.broadcast %broadcast_in_dim3A_480 : vector<1x128xf32> to vector<10000x128xf32>
    %add3A_482 = arith.addf %add3A_473, %add3A_481 : vector<10000x128xf32>
    %max3A = arith.constant 0.000000e+00 : f32
    %max3A_483 = vector.broadcast %max3A : f32 to vector<10000x128xf32>
    %max3A_484 = arith.maximumf %add3A_482, %max3A_483 : vector<10000x128xf32>
    %swap3A_485 = arith.constant 0 : index
    %swap3A_486 = arith.constant 0 : index
    %swap3A_487 = arith.constant 0 : index
    %swap3A_488 = vector.load %arg7[%swap3A_485, %swap3A_486, %swap3A_487] : memref<4x10000x128xf32, #tpu.memory_space<vmem>>, vector<1x10000x128xf32>
    %swap3A_489 = vector.shape_cast %swap3A_488 : vector<1x10000x128xf32> to vector<10000x128xf32>
    %swap3A_490 = vector.shape_cast %max3A_484 : vector<10000x128xf32> to vector<1x10000x128xf32>
    tpu.vector_store %arg7[%swap3A_485, %swap3A_486, %swap3A_487], %swap3A_490 {strides = array<i32>} : memref<4x10000x128xf32, #tpu.memory_space<vmem>>, vector<1x10000x128xf32>,
    %get3A_491 = arith.constant 1 : index
    %get3A_492 = arith.constant 0 : index
    %get3A_493 = vector.load %arg2[%get3A_491, %get3A_492] : memref<4x128xf32, #tpu.memory_space<vmem>>, vector<1x128xf32>
    %get3A_494 = vector.shape_cast %get3A_493 : vector<1x128xf32> to vector<128xf32>
    %broadcast_in_dim3A_495 = vector.shape_cast %get3A_494 : vector<128xf32> to vector<1x128xf32>
    %add3A_496 = vector.broadcast %broadcast_in_dim3A_495 : vector<1x128xf32> to vector<10000x128xf32>
    %add3A_497 = arith.addf %add3A_473, %add3A_496 : vector<10000x128xf32>
    %max3A_498 = arith.constant 0.000000e+00 : f32
    %max3A_499 = vector.broadcast %max3A_498 : f32 to vector<10000x128xf32>
    %max3A_500 = arith.maximumf %add3A_497, %max3A_499 : vector<10000x128xf32>
    %swap3A_501 = arith.constant 1 : index
    %swap3A_502 = arith.constant 0 : index
    %swap3A_503 = arith.constant 0 : index
    %swap3A_504 = vector.load %arg7[%swap3A_501, %swap3A_502, %swap3A_503] : memref<4x10000x128xf32, #tpu.memory_space<vmem>>, vector<1x10000x128xf32>
    %swap3A_505 = vector.shape_cast %swap3A_504 : vector<1x10000x128xf32> to vector<10000x128xf32>
    %swap3A_506 = vector.shape_cast %max3A_500 : vector<10000x128xf32> to vector<1x10000x128xf32>
    tpu.vector_store %arg7[%swap3A_501, %swap3A_502, %swap3A_503], %swap3A_506 {strides = array<i32>} : memref<4x10000x128xf32, #tpu.memory_space<vmem>>, vector<1x10000x128xf32>,
    %get3A_507 = arith.constant 2 : index
    %get3A_508 = arith.constant 0 : index
    %get3A_509 = vector.load %arg2[%get3A_507, %get3A_508] : memref<4x128xf32, #tpu.memory_space<vmem>>, vector<1x128xf32>
    %get3A_510 = vector.shape_cast %get3A_509 : vector<1x128xf32> to vector<128xf32>
    %broadcast_in_dim3A_511 = vector.shape_cast %get3A_510 : vector<128xf32> to vector<1x128xf32>
    %add3A_512 = vector.broadcast %broadcast_in_dim3A_511 : vector<1x128xf32> to vector<10000x128xf32>
    %add3A_513 = arith.addf %add3A_473, %add3A_512 : vector<10000x128xf32>
    %max3A_514 = arith.constant 0.000000e+00 : f32
    %max3A_515 = vector.broadcast %max3A_514 : f32 to vector<10000x128xf32>
    %max3A_516 = arith.maximumf %add3A_513, %max3A_515 : vector<10000x128xf32>
    %swap3A_517 = arith.constant 2 : index
    %swap3A_518 = arith.constant 0 : index
    %swap3A_519 = arith.constant 0 : index
    %swap3A_520 = vector.load %arg7[%swap3A_517, %swap3A_518, %swap3A_519] : memref<4x10000x128xf32, #tpu.memory_space<vmem>>, vector<1x10000x128xf32>
    %swap3A_521 = vector.shape_cast %swap3A_520 : vector<1x10000x128xf32> to vector<10000x128xf32>
    %swap3A_522 = vector.shape_cast %max3A_516 : vector<10000x128xf32> to vector<1x10000x128xf32>
    tpu.vector_store %arg7[%swap3A_517, %swap3A_518, %swap3A_519], %swap3A_522 {strides = array<i32>} : memref<4x10000x128xf32, #tpu.memory_space<vmem>>, vector<1x10000x128xf32>,
    %get3A_523 = arith.constant 3 : index
    %get3A_524 = arith.constant 0 : index
    %get3A_525 = vector.load %arg2[%get3A_523, %get3A_524] : memref<4x128xf32, #tpu.memory_space<vmem>>, vector<1x128xf32>
    %get3A_526 = vector.shape_cast %get3A_525 : vector<1x128xf32> to vector<128xf32>
    %broadcast_in_dim3A_527 = vector.shape_cast %get3A_526 : vector<128xf32> to vector<1x128xf32>
    %add3A_528 = vector.broadcast %broadcast_in_dim3A_527 : vector<1x128xf32> to vector<10000x128xf32>
    %add3A_529 = arith.addf %add3A_473, %add3A_528 : vector<10000x128xf32>
    %max3A_530 = arith.constant 0.000000e+00 : f32
    %max3A_531 = vector.broadcast %max3A_530 : f32 to vector<10000x128xf32>
    %max3A_532 = arith.maximumf %add3A_529, %max3A_531 : vector<10000x128xf32>
    %swap3A_533 = arith.constant 3 : index
    %swap3A_534 = arith.constant 0 : index
    %swap3A_535 = arith.constant 0 : index
    %swap3A_536 = vector.load %arg7[%swap3A_533, %swap3A_534, %swap3A_535] : memref<4x10000x128xf32, #tpu.memory_space<vmem>>, vector<1x10000x128xf32>
    %swap3A_537 = vector.shape_cast %swap3A_536 : vector<1x10000x128xf32> to vector<10000x128xf32>
    %swap3A_538 = vector.shape_cast %max3A_532 : vector<10000x128xf32> to vector<1x10000x128xf32>
    tpu.vector_store %arg7[%swap3A_533, %swap3A_534, %swap3A_535], %swap3A_538 {strides = array<i32>} : memref<4x10000x128xf32, #tpu.memory_space<vmem>>, vector<1x10000x128xf32>,
    %iota3A = tpu.iota {dimensions = array<i32: 0>} : vector<2560x128xi32>
    %mul3A_539 = arith.constant 128 : i32
    %mul3A_540 = vector.broadcast %mul3A_539 : i32 to vector<2560x128xi32>
    %mul3A_541 = arith.muli %iota3A, %mul3A_540 : vector<2560x128xi32>
    %iota3A_542 = tpu.iota {dimensions = array<i32: 1>} : vector<2560x128xi32>
    %add3A_543 = arith.addi %mul3A_541, %iota3A_542 : vector<2560x128xi32>
    %lt3A = arith.constant 320000 : i32
    %lt3A_544 = vector.broadcast %lt3A : i32 to vector<2560x128xi32>
    %lt3A_545 = arith.cmpi slt, %add3A_543, %lt3A_544 : vector<2560x128xi32>
    %get3A_546 = arith.constant 0 : index
    %get3A_547 = arith.constant 0 : index
    %get3A_548 = vector.load %arg5[%get3A_546, %get3A_547] : memref<2560x128xi32, #tpu.memory_space<vmem>>, vector<2560x128xi32>
    %mul3A_549 = arith.constant 10000 : i32
    %mul3A_550 = vector.broadcast %mul3A_549 : i32 to vector<2560x128xi32>
    %mul3A_551 = arith.muli %get3A_548, %mul3A_550 : vector<2560x128xi32>
    %get3A_552 = arith.constant 0 : index
    %get3A_553 = arith.constant 0 : index
    %get3A_554 = vector.load %arg3[%get3A_552, %get3A_553] : memref<2560x128xi32, #tpu.memory_space<vmem>>, vector<2560x128xi32>
    %add3A_555 = arith.addi %mul3A_551, %get3A_554 : vector<2560x128xi32>
    %jit3A_556 = arith.constant 0 : i32
    %broadcast_in_dim3A_557 = vector.broadcast %jit3A_556 : i32 to vector<2560x128xi32>
    %select_n3A_558 = arith.select %lt3A_545, %add3A_555, %broadcast_in_dim3A_557 : vector<2560x128xi1>, vector<2560x128xi32>
    %swap3A_559 = arith.constant 0 : index
    %swap3A_560 = arith.constant 0 : index
    %swap3A_561 = vector.load %arg8[%swap3A_559, %swap3A_560] : memref<2560x128xi32, #tpu.memory_space<vmem>>, vector<2560x128xi32>
    tpu.vector_store %arg8[%swap3A_559, %swap3A_560], %select_n3A_558 {strides = array<i32>} : memref<2560x128xi32, #tpu.memory_space<vmem>>, vector<2560x128xi32>,
    %get3A_562 = arith.constant 0 : index
    %get3A_563 = arith.constant 0 : index
    %get3A_564 = vector.load %arg4[%get3A_562, %get3A_563] : memref<2560x128xi32, #tpu.memory_space<vmem>>, vector<2560x128xi32>
    %jit3A_565 = arith.constant 10000 : i32
    %broadcast_in_dim3A_566 = vector.broadcast %jit3A_565 : i32 to vector<2560x128xi32>
    %select_n3A_567 = arith.select %lt3A_545, %get3A_564, %broadcast_in_dim3A_566 : vector<2560x128xi1>, vector<2560x128xi32>
    %swap3A_568 = arith.constant 0 : index
    %swap3A_569 = arith.constant 0 : index
    %swap3A_570 = vector.load %arg9[%swap3A_568, %swap3A_569] : memref<2560x128xi32, #tpu.memory_space<vmem>>, vector<2560x128xi32>
    tpu.vector_store %arg9[%swap3A_568, %swap3A_569], %select_n3A_567 {strides = array<i32>} : memref<2560x128xi32, #tpu.memory_space<vmem>>, vector<2560x128xi32>,
    return
  }
}

module attributes {stable_mosaic.version = 14 : i64} {
  func.func @_layer_kernel(%arg0: memref<10000x128xf32, #tpu.memory_space<vmem>>, %arg1: memref<20480x128xf32, #tpu.memory_space<vmem>>, %arg2: memref<128x128xf32, #tpu.memory_space<vmem>>, %arg3: memref<1x128xf32, #tpu.memory_space<vmem>>, %arg4: memref<1x128xf32, #tpu.memory_space<vmem>>, %arg5: memref<1x128xf32, #tpu.memory_space<vmem>>, %arg6: memref<128x128xf32, #tpu.memory_space<vmem>>, %arg7: memref<1x128xf32, #tpu.memory_space<vmem>>, %arg8: memref<1x128xf32, #tpu.memory_space<vmem>>, %arg9: memref<1x128xf32, #tpu.memory_space<vmem>>, %arg10: memref<1x1xf32, #tpu.memory_space<vmem>>, %arg11: memref<4x128xf32, #tpu.memory_space<vmem>>, %arg12: memref<10000x128xf32, #tpu.memory_space<vmem>>, %arg13: memref<4x10000x128xf32, #tpu.memory_space<vmem>>) attributes {dimension_semantics = [], scalar_prefetch = 0 : i64, scratch_operands = 0 : i64, tpu.core_type = #tpu.core_type<tc>} {
    %get3A = arith.constant 0 : index
    %get3A_0 = arith.constant 0 : index
    %get3A_1 = vector.load %arg0[%get3A, %get3A_0] : memref<10000x128xf32, #tpu.memory_space<vmem>>, vector<10000x128xf32>
    %get3A_2 = arith.constant 0 : index
    %get3A_3 = arith.constant 0 : index
    %get3A_4 = vector.load %arg1[%get3A_2, %get3A_3] : memref<20480x128xf32, #tpu.memory_space<vmem>>, vector<10000x128xf32>
    %get3A_5 = arith.constant 10240 : index
    %get3A_6 = arith.constant 0 : index
    %get3A_7 = vector.load %arg1[%get3A_5, %get3A_6] : memref<20480x128xf32, #tpu.memory_space<vmem>>, vector<10000x128xf32>
    %add3A = arith.addf %get3A_4, %get3A_7 : vector<10000x128xf32>
    %get3A_8 = arith.constant 0 : index
    %get3A_9 = arith.constant 0 : index
    %get3A_10 = vector.load %arg10[%get3A_8, %get3A_9] : memref<1x1xf32, #tpu.memory_space<vmem>>, vector<1x1xf32>
    %get3A_11 = vector.extract %get3A_10[0, 0] : f32 from vector<1x1xf32>
    %add3A_12 = arith.constant 1.000000e+00 : f32
    %add3A_13 = arith.addf %add3A_12, %get3A_11 : f32
    %mul3A = vector.broadcast %add3A_13 : f32 to vector<10000x128xf32>
    %mul3A_14 = arith.mulf %mul3A, %get3A_1 : vector<10000x128xf32>
    %add3A_15 = arith.addf %mul3A_14, %add3A : vector<10000x128xf32>
    %get3A_16 = arith.constant 0 : index
    %get3A_17 = arith.constant 0 : index
    %get3A_18 = vector.load %arg2[%get3A_16, %get3A_17] : memref<128x128xf32, #tpu.memory_space<vmem>>, vector<128x128xf32>
    %convert_element_type3A = arith.truncf %add3A_15 : vector<10000x128xf32> to vector<10000x128xbf16>
    %convert_element_type3A_19 = arith.truncf %get3A_18 : vector<128x128xf32> to vector<128x128xbf16>
    %dot_general3A = arith.constant dense<0.000000e+00> : vector<10000x128xf32>
    %dot_general3A_20 = tpu.matmul %convert_element_type3A, %convert_element_type3A_19, %dot_general3A {dimension_numbers = #tpu.dot_dimension_numbers<[1], [0], [0], [1], [0, 0, 1, 1], [], []>, transpose_lhs_hint = false} : vector<10000x128xbf16>, vector<128x128xbf16>, vector<10000x128xf32> -> vector<10000x128xf32>
    %get3A_21 = arith.constant 0 : index
    %get3A_22 = arith.constant 0 : index
    %get3A_23 = vector.load %arg3[%get3A_21, %get3A_22] : memref<1x128xf32, #tpu.memory_space<vmem>>, vector<1x128xf32>
    %add3A_24 = vector.broadcast %get3A_23 : vector<1x128xf32> to vector<10000x128xf32>
    %add3A_25 = arith.addf %dot_general3A_20, %add3A_24 : vector<10000x128xf32>
    %reduce_sum3A = arith.constant dense<0.000000e+00> : vector<128xf32>
    %reduce_sum3A_26 = vector.multi_reduction <add>, %add3A_25, %reduce_sum3A [0] : vector<10000x128xf32> to vector<128xf32>
    %broadcast_in_dim3A = vector.shape_cast %reduce_sum3A_26 : vector<128xf32> to vector<1x128xf32>
    %div3A = arith.constant 1.000000e+04 : f32
    %div3A_27 = vector.broadcast %div3A : f32 to vector<1x128xf32>
    %div3A_28 = arith.divf %broadcast_in_dim3A, %div3A_27 : vector<1x128xf32>
    %sub3A = vector.broadcast %div3A_28 : vector<1x128xf32> to vector<10000x128xf32>
    %sub3A_29 = arith.subf %add3A_25, %sub3A : vector<10000x128xf32>
    %integer_pow3A = arith.mulf %sub3A_29, %sub3A_29 : vector<10000x128xf32>
    %reduce_sum3A_30 = arith.constant dense<0.000000e+00> : vector<128xf32>
    %reduce_sum3A_31 = vector.multi_reduction <add>, %integer_pow3A, %reduce_sum3A_30 [0] : vector<10000x128xf32> to vector<128xf32>
    %broadcast_in_dim3A_32 = vector.shape_cast %reduce_sum3A_31 : vector<128xf32> to vector<1x128xf32>
    %div3A_33 = arith.constant 1.000000e+04 : f32
    %div3A_34 = vector.broadcast %div3A_33 : f32 to vector<1x128xf32>
    %div3A_35 = arith.divf %broadcast_in_dim3A_32, %div3A_34 : vector<1x128xf32>
    %get3A_36 = arith.constant 0 : index
    %get3A_37 = arith.constant 0 : index
    %get3A_38 = vector.load %arg4[%get3A_36, %get3A_37] : memref<1x128xf32, #tpu.memory_space<vmem>>, vector<1x128xf32>
    %sub3A_39 = vector.broadcast %div3A_28 : vector<1x128xf32> to vector<10000x128xf32>
    %sub3A_40 = arith.subf %add3A_25, %sub3A_39 : vector<10000x128xf32>
    %mul3A_41 = vector.broadcast %get3A_38 : vector<1x128xf32> to vector<10000x128xf32>
    %mul3A_42 = arith.mulf %mul3A_41, %sub3A_40 : vector<10000x128xf32>
    %add3A_43 = arith.constant 9.99999974E-6 : f32
    %add3A_44 = vector.broadcast %add3A_43 : f32 to vector<1x128xf32>
    %add3A_45 = arith.addf %div3A_35, %add3A_44 : vector<1x128xf32>
    %sqrt3A = math.sqrt %add3A_45 : vector<1x128xf32>
    %div3A_46 = vector.broadcast %sqrt3A : vector<1x128xf32> to vector<10000x128xf32>
    %div3A_47 = arith.divf %mul3A_42, %div3A_46 : vector<10000x128xf32>
    %get3A_48 = arith.constant 0 : index
    %get3A_49 = arith.constant 0 : index
    %get3A_50 = vector.load %arg5[%get3A_48, %get3A_49] : memref<1x128xf32, #tpu.memory_space<vmem>>, vector<1x128xf32>
    %add3A_51 = vector.broadcast %get3A_50 : vector<1x128xf32> to vector<10000x128xf32>
    %add3A_52 = arith.addf %div3A_47, %add3A_51 : vector<10000x128xf32>
    %max3A = arith.constant 0.000000e+00 : f32
    %max3A_53 = vector.broadcast %max3A : f32 to vector<10000x128xf32>
    %max3A_54 = arith.maximumf %add3A_52, %max3A_53 : vector<10000x128xf32>
    %get3A_55 = arith.constant 0 : index
    %get3A_56 = arith.constant 0 : index
    %get3A_57 = vector.load %arg6[%get3A_55, %get3A_56] : memref<128x128xf32, #tpu.memory_space<vmem>>, vector<128x128xf32>
    %convert_element_type3A_58 = arith.truncf %max3A_54 : vector<10000x128xf32> to vector<10000x128xbf16>
    %convert_element_type3A_59 = arith.truncf %get3A_57 : vector<128x128xf32> to vector<128x128xbf16>
    %dot_general3A_60 = arith.constant dense<0.000000e+00> : vector<10000x128xf32>
    %dot_general3A_61 = tpu.matmul %convert_element_type3A_58, %convert_element_type3A_59, %dot_general3A_60 {dimension_numbers = #tpu.dot_dimension_numbers<[1], [0], [0], [1], [0, 0, 1, 1], [], []>, transpose_lhs_hint = false} : vector<10000x128xbf16>, vector<128x128xbf16>, vector<10000x128xf32> -> vector<10000x128xf32>
    %get3A_62 = arith.constant 0 : index
    %get3A_63 = arith.constant 0 : index
    %get3A_64 = vector.load %arg7[%get3A_62, %get3A_63] : memref<1x128xf32, #tpu.memory_space<vmem>>, vector<1x128xf32>
    %add3A_65 = vector.broadcast %get3A_64 : vector<1x128xf32> to vector<10000x128xf32>
    %add3A_66 = arith.addf %dot_general3A_61, %add3A_65 : vector<10000x128xf32>
    %add3A_67 = arith.addf %get3A_1, %add3A_66 : vector<10000x128xf32>
    %reduce_sum3A_68 = arith.constant dense<0.000000e+00> : vector<128xf32>
    %reduce_sum3A_69 = vector.multi_reduction <add>, %add3A_67, %reduce_sum3A_68 [0] : vector<10000x128xf32> to vector<128xf32>
    %broadcast_in_dim3A_70 = vector.shape_cast %reduce_sum3A_69 : vector<128xf32> to vector<1x128xf32>
    %div3A_71 = arith.constant 1.000000e+04 : f32
    %div3A_72 = vector.broadcast %div3A_71 : f32 to vector<1x128xf32>
    %div3A_73 = arith.divf %broadcast_in_dim3A_70, %div3A_72 : vector<1x128xf32>
    %sub3A_74 = vector.broadcast %div3A_73 : vector<1x128xf32> to vector<10000x128xf32>
    %sub3A_75 = arith.subf %add3A_67, %sub3A_74 : vector<10000x128xf32>
    %integer_pow3A_76 = arith.mulf %sub3A_75, %sub3A_75 : vector<10000x128xf32>
    %reduce_sum3A_77 = arith.constant dense<0.000000e+00> : vector<128xf32>
    %reduce_sum3A_78 = vector.multi_reduction <add>, %integer_pow3A_76, %reduce_sum3A_77 [0] : vector<10000x128xf32> to vector<128xf32>
    %broadcast_in_dim3A_79 = vector.shape_cast %reduce_sum3A_78 : vector<128xf32> to vector<1x128xf32>
    %div3A_80 = arith.constant 1.000000e+04 : f32
    %div3A_81 = vector.broadcast %div3A_80 : f32 to vector<1x128xf32>
    %div3A_82 = arith.divf %broadcast_in_dim3A_79, %div3A_81 : vector<1x128xf32>
    %get3A_83 = arith.constant 0 : index
    %get3A_84 = arith.constant 0 : index
    %get3A_85 = vector.load %arg8[%get3A_83, %get3A_84] : memref<1x128xf32, #tpu.memory_space<vmem>>, vector<1x128xf32>
    %sub3A_86 = vector.broadcast %div3A_73 : vector<1x128xf32> to vector<10000x128xf32>
    %sub3A_87 = arith.subf %add3A_67, %sub3A_86 : vector<10000x128xf32>
    %mul3A_88 = vector.broadcast %get3A_85 : vector<1x128xf32> to vector<10000x128xf32>
    %mul3A_89 = arith.mulf %mul3A_88, %sub3A_87 : vector<10000x128xf32>
    %add3A_90 = arith.constant 9.99999974E-6 : f32
    %add3A_91 = vector.broadcast %add3A_90 : f32 to vector<1x128xf32>
    %add3A_92 = arith.addf %div3A_82, %add3A_91 : vector<1x128xf32>
    %sqrt3A_93 = math.sqrt %add3A_92 : vector<1x128xf32>
    %div3A_94 = vector.broadcast %sqrt3A_93 : vector<1x128xf32> to vector<10000x128xf32>
    %div3A_95 = arith.divf %mul3A_89, %div3A_94 : vector<10000x128xf32>
    %get3A_96 = arith.constant 0 : index
    %get3A_97 = arith.constant 0 : index
    %get3A_98 = vector.load %arg9[%get3A_96, %get3A_97] : memref<1x128xf32, #tpu.memory_space<vmem>>, vector<1x128xf32>
    %add3A_99 = vector.broadcast %get3A_98 : vector<1x128xf32> to vector<10000x128xf32>
    %add3A_100 = arith.addf %div3A_95, %add3A_99 : vector<10000x128xf32>
    %max3A_101 = arith.constant 0.000000e+00 : f32
    %max3A_102 = vector.broadcast %max3A_101 : f32 to vector<10000x128xf32>
    %max3A_103 = arith.maximumf %add3A_100, %max3A_102 : vector<10000x128xf32>
    %swap3A = arith.constant 0 : index
    %swap3A_104 = arith.constant 0 : index
    %swap3A_105 = vector.load %arg12[%swap3A, %swap3A_104] : memref<10000x128xf32, #tpu.memory_space<vmem>>, vector<10000x128xf32>
    tpu.vector_store %arg12[%swap3A, %swap3A_104], %max3A_103 {strides = array<i32>} : memref<10000x128xf32, #tpu.memory_space<vmem>>, vector<10000x128xf32>,
    %get3A_106 = arith.constant 0 : index
    %get3A_107 = arith.constant 0 : index
    %get3A_108 = vector.load %arg11[%get3A_106, %get3A_107] : memref<4x128xf32, #tpu.memory_space<vmem>>, vector<1x128xf32>
    %get3A_109 = vector.shape_cast %get3A_108 : vector<1x128xf32> to vector<128xf32>
    %broadcast_in_dim3A_110 = vector.shape_cast %get3A_109 : vector<128xf32> to vector<1x128xf32>
    %add3A_111 = vector.broadcast %broadcast_in_dim3A_110 : vector<1x128xf32> to vector<10000x128xf32>
    %add3A_112 = arith.addf %max3A_103, %add3A_111 : vector<10000x128xf32>
    %max3A_113 = arith.constant 0.000000e+00 : f32
    %max3A_114 = vector.broadcast %max3A_113 : f32 to vector<10000x128xf32>
    %max3A_115 = arith.maximumf %add3A_112, %max3A_114 : vector<10000x128xf32>
    %swap3A_116 = arith.constant 0 : index
    %swap3A_117 = arith.constant 0 : index
    %swap3A_118 = arith.constant 0 : index
    %swap3A_119 = vector.load %arg13[%swap3A_116, %swap3A_117, %swap3A_118] : memref<4x10000x128xf32, #tpu.memory_space<vmem>>, vector<1x10000x128xf32>
    %swap3A_120 = vector.shape_cast %swap3A_119 : vector<1x10000x128xf32> to vector<10000x128xf32>
    %swap3A_121 = vector.shape_cast %max3A_115 : vector<10000x128xf32> to vector<1x10000x128xf32>
    tpu.vector_store %arg13[%swap3A_116, %swap3A_117, %swap3A_118], %swap3A_121 {strides = array<i32>} : memref<4x10000x128xf32, #tpu.memory_space<vmem>>, vector<1x10000x128xf32>,
    %get3A_122 = arith.constant 1 : index
    %get3A_123 = arith.constant 0 : index
    %get3A_124 = vector.load %arg11[%get3A_122, %get3A_123] : memref<4x128xf32, #tpu.memory_space<vmem>>, vector<1x128xf32>
    %get3A_125 = vector.shape_cast %get3A_124 : vector<1x128xf32> to vector<128xf32>
    %broadcast_in_dim3A_126 = vector.shape_cast %get3A_125 : vector<128xf32> to vector<1x128xf32>
    %add3A_127 = vector.broadcast %broadcast_in_dim3A_126 : vector<1x128xf32> to vector<10000x128xf32>
    %add3A_128 = arith.addf %max3A_103, %add3A_127 : vector<10000x128xf32>
    %max3A_129 = arith.constant 0.000000e+00 : f32
    %max3A_130 = vector.broadcast %max3A_129 : f32 to vector<10000x128xf32>
    %max3A_131 = arith.maximumf %add3A_128, %max3A_130 : vector<10000x128xf32>
    %swap3A_132 = arith.constant 1 : index
    %swap3A_133 = arith.constant 0 : index
    %swap3A_134 = arith.constant 0 : index
    %swap3A_135 = vector.load %arg13[%swap3A_132, %swap3A_133, %swap3A_134] : memref<4x10000x128xf32, #tpu.memory_space<vmem>>, vector<1x10000x128xf32>
    %swap3A_136 = vector.shape_cast %swap3A_135 : vector<1x10000x128xf32> to vector<10000x128xf32>
    %swap3A_137 = vector.shape_cast %max3A_131 : vector<10000x128xf32> to vector<1x10000x128xf32>
    tpu.vector_store %arg13[%swap3A_132, %swap3A_133, %swap3A_134], %swap3A_137 {strides = array<i32>} : memref<4x10000x128xf32, #tpu.memory_space<vmem>>, vector<1x10000x128xf32>,
    %get3A_138 = arith.constant 2 : index
    %get3A_139 = arith.constant 0 : index
    %get3A_140 = vector.load %arg11[%get3A_138, %get3A_139] : memref<4x128xf32, #tpu.memory_space<vmem>>, vector<1x128xf32>
    %get3A_141 = vector.shape_cast %get3A_140 : vector<1x128xf32> to vector<128xf32>
    %broadcast_in_dim3A_142 = vector.shape_cast %get3A_141 : vector<128xf32> to vector<1x128xf32>
    %add3A_143 = vector.broadcast %broadcast_in_dim3A_142 : vector<1x128xf32> to vector<10000x128xf32>
    %add3A_144 = arith.addf %max3A_103, %add3A_143 : vector<10000x128xf32>
    %max3A_145 = arith.constant 0.000000e+00 : f32
    %max3A_146 = vector.broadcast %max3A_145 : f32 to vector<10000x128xf32>
    %max3A_147 = arith.maximumf %add3A_144, %max3A_146 : vector<10000x128xf32>
    %swap3A_148 = arith.constant 2 : index
    %swap3A_149 = arith.constant 0 : index
    %swap3A_150 = arith.constant 0 : index
    %swap3A_151 = vector.load %arg13[%swap3A_148, %swap3A_149, %swap3A_150] : memref<4x10000x128xf32, #tpu.memory_space<vmem>>, vector<1x10000x128xf32>
    %swap3A_152 = vector.shape_cast %swap3A_151 : vector<1x10000x128xf32> to vector<10000x128xf32>
    %swap3A_153 = vector.shape_cast %max3A_147 : vector<10000x128xf32> to vector<1x10000x128xf32>
    tpu.vector_store %arg13[%swap3A_148, %swap3A_149, %swap3A_150], %swap3A_153 {strides = array<i32>} : memref<4x10000x128xf32, #tpu.memory_space<vmem>>, vector<1x10000x128xf32>,
    %get3A_154 = arith.constant 3 : index
    %get3A_155 = arith.constant 0 : index
    %get3A_156 = vector.load %arg11[%get3A_154, %get3A_155] : memref<4x128xf32, #tpu.memory_space<vmem>>, vector<1x128xf32>
    %get3A_157 = vector.shape_cast %get3A_156 : vector<1x128xf32> to vector<128xf32>
    %broadcast_in_dim3A_158 = vector.shape_cast %get3A_157 : vector<128xf32> to vector<1x128xf32>
    %add3A_159 = vector.broadcast %broadcast_in_dim3A_158 : vector<1x128xf32> to vector<10000x128xf32>
    %add3A_160 = arith.addf %max3A_103, %add3A_159 : vector<10000x128xf32>
    %max3A_161 = arith.constant 0.000000e+00 : f32
    %max3A_162 = vector.broadcast %max3A_161 : f32 to vector<10000x128xf32>
    %max3A_163 = arith.maximumf %add3A_160, %max3A_162 : vector<10000x128xf32>
    %swap3A_164 = arith.constant 3 : index
    %swap3A_165 = arith.constant 0 : index
    %swap3A_166 = arith.constant 0 : index
    %swap3A_167 = vector.load %arg13[%swap3A_164, %swap3A_165, %swap3A_166] : memref<4x10000x128xf32, #tpu.memory_space<vmem>>, vector<1x10000x128xf32>
    %swap3A_168 = vector.shape_cast %swap3A_167 : vector<1x10000x128xf32> to vector<10000x128xf32>
    %swap3A_169 = vector.shape_cast %max3A_163 : vector<10000x128xf32> to vector<1x10000x128xf32>
    tpu.vector_store %arg13[%swap3A_164, %swap3A_165, %swap3A_166], %swap3A_169 {strides = array<i32>} : memref<4x10000x128xf32, #tpu.memory_space<vmem>>, vector<1x10000x128xf32>,
    return
  }
}

module attributes {stable_mosaic.version = 14 : i64} {
  func.func @_final_kernel(%arg0: memref<10000x128xf32, #tpu.memory_space<vmem>>, %arg1: memref<20480x128xf32, #tpu.memory_space<vmem>>, %arg2: memref<128x128xf32, #tpu.memory_space<vmem>>, %arg3: memref<1x128xf32, #tpu.memory_space<vmem>>, %arg4: memref<1x128xf32, #tpu.memory_space<vmem>>, %arg5: memref<1x128xf32, #tpu.memory_space<vmem>>, %arg6: memref<128x128xf32, #tpu.memory_space<vmem>>, %arg7: memref<1x128xf32, #tpu.memory_space<vmem>>, %arg8: memref<1x128xf32, #tpu.memory_space<vmem>>, %arg9: memref<1x128xf32, #tpu.memory_space<vmem>>, %arg10: memref<1x1xf32, #tpu.memory_space<vmem>>, %arg11: memref<10000x1xi32, #tpu.memory_space<vmem>>, %arg12: memref<384x128xf32, #tpu.memory_space<vmem>>, %arg13: memref<1x128xf32, #tpu.memory_space<vmem>>, %arg14: memref<128x1xf32, #tpu.memory_space<vmem>>, %arg15: memref<1x1xf32, #tpu.memory_space<vmem>>, %arg16: memref<10000x128xf32, #tpu.memory_space<vmem>>, %arg17: memref<64x1xf32, #tpu.memory_space<vmem>>, %arg18: memref<64x128xf32, #tpu.memory_space<vmem>>) attributes {dimension_semantics = [], scalar_prefetch = 0 : i64, scratch_operands = 1 : i64, tpu.core_type = #tpu.core_type<tc>} {
    %get3A = arith.constant 0 : index
    %get3A_0 = arith.constant 0 : index
    %get3A_1 = vector.load %arg0[%get3A, %get3A_0] : memref<10000x128xf32, #tpu.memory_space<vmem>>, vector<10000x128xf32>
    %get3A_2 = arith.constant 0 : index
    %get3A_3 = arith.constant 0 : index
    %get3A_4 = vector.load %arg1[%get3A_2, %get3A_3] : memref<20480x128xf32, #tpu.memory_space<vmem>>, vector<10000x128xf32>
    %get3A_5 = arith.constant 10240 : index
    %get3A_6 = arith.constant 0 : index
    %get3A_7 = vector.load %arg1[%get3A_5, %get3A_6] : memref<20480x128xf32, #tpu.memory_space<vmem>>, vector<10000x128xf32>
    %add3A = arith.addf %get3A_4, %get3A_7 : vector<10000x128xf32>
    %get3A_8 = arith.constant 0 : index
    %get3A_9 = arith.constant 0 : index
    %get3A_10 = vector.load %arg10[%get3A_8, %get3A_9] : memref<1x1xf32, #tpu.memory_space<vmem>>, vector<1x1xf32>
    %get3A_11 = vector.extract %get3A_10[0, 0] : f32 from vector<1x1xf32>
    %add3A_12 = arith.constant 1.000000e+00 : f32
    %add3A_13 = arith.addf %add3A_12, %get3A_11 : f32
    %mul3A = vector.broadcast %add3A_13 : f32 to vector<10000x128xf32>
    %mul3A_14 = arith.mulf %mul3A, %get3A_1 : vector<10000x128xf32>
    %add3A_15 = arith.addf %mul3A_14, %add3A : vector<10000x128xf32>
    %get3A_16 = arith.constant 0 : index
    %get3A_17 = arith.constant 0 : index
    %get3A_18 = vector.load %arg2[%get3A_16, %get3A_17] : memref<128x128xf32, #tpu.memory_space<vmem>>, vector<128x128xf32>
    %convert_element_type3A = arith.truncf %add3A_15 : vector<10000x128xf32> to vector<10000x128xbf16>
    %convert_element_type3A_19 = arith.truncf %get3A_18 : vector<128x128xf32> to vector<128x128xbf16>
    %dot_general3A = arith.constant dense<0.000000e+00> : vector<10000x128xf32>
    %dot_general3A_20 = tpu.matmul %convert_element_type3A, %convert_element_type3A_19, %dot_general3A {dimension_numbers = #tpu.dot_dimension_numbers<[1], [0], [0], [1], [0, 0, 1, 1], [], []>, transpose_lhs_hint = false} : vector<10000x128xbf16>, vector<128x128xbf16>, vector<10000x128xf32> -> vector<10000x128xf32>
    %get3A_21 = arith.constant 0 : index
    %get3A_22 = arith.constant 0 : index
    %get3A_23 = vector.load %arg3[%get3A_21, %get3A_22] : memref<1x128xf32, #tpu.memory_space<vmem>>, vector<1x128xf32>
    %add3A_24 = vector.broadcast %get3A_23 : vector<1x128xf32> to vector<10000x128xf32>
    %add3A_25 = arith.addf %dot_general3A_20, %add3A_24 : vector<10000x128xf32>
    %reduce_sum3A = arith.constant dense<0.000000e+00> : vector<128xf32>
    %reduce_sum3A_26 = vector.multi_reduction <add>, %add3A_25, %reduce_sum3A [0] : vector<10000x128xf32> to vector<128xf32>
    %broadcast_in_dim3A = vector.shape_cast %reduce_sum3A_26 : vector<128xf32> to vector<1x128xf32>
    %div3A = arith.constant 1.000000e+04 : f32
    %div3A_27 = vector.broadcast %div3A : f32 to vector<1x128xf32>
    %div3A_28 = arith.divf %broadcast_in_dim3A, %div3A_27 : vector<1x128xf32>
    %sub3A = vector.broadcast %div3A_28 : vector<1x128xf32> to vector<10000x128xf32>
    %sub3A_29 = arith.subf %add3A_25, %sub3A : vector<10000x128xf32>
    %integer_pow3A = arith.mulf %sub3A_29, %sub3A_29 : vector<10000x128xf32>
    %reduce_sum3A_30 = arith.constant dense<0.000000e+00> : vector<128xf32>
    %reduce_sum3A_31 = vector.multi_reduction <add>, %integer_pow3A, %reduce_sum3A_30 [0] : vector<10000x128xf32> to vector<128xf32>
    %broadcast_in_dim3A_32 = vector.shape_cast %reduce_sum3A_31 : vector<128xf32> to vector<1x128xf32>
    %div3A_33 = arith.constant 1.000000e+04 : f32
    %div3A_34 = vector.broadcast %div3A_33 : f32 to vector<1x128xf32>
    %div3A_35 = arith.divf %broadcast_in_dim3A_32, %div3A_34 : vector<1x128xf32>
    %get3A_36 = arith.constant 0 : index
    %get3A_37 = arith.constant 0 : index
    %get3A_38 = vector.load %arg4[%get3A_36, %get3A_37] : memref<1x128xf32, #tpu.memory_space<vmem>>, vector<1x128xf32>
    %sub3A_39 = vector.broadcast %div3A_28 : vector<1x128xf32> to vector<10000x128xf32>
    %sub3A_40 = arith.subf %add3A_25, %sub3A_39 : vector<10000x128xf32>
    %mul3A_41 = vector.broadcast %get3A_38 : vector<1x128xf32> to vector<10000x128xf32>
    %mul3A_42 = arith.mulf %mul3A_41, %sub3A_40 : vector<10000x128xf32>
    %add3A_43 = arith.constant 9.99999974E-6 : f32
    %add3A_44 = vector.broadcast %add3A_43 : f32 to vector<1x128xf32>
    %add3A_45 = arith.addf %div3A_35, %add3A_44 : vector<1x128xf32>
    %sqrt3A = math.sqrt %add3A_45 : vector<1x128xf32>
    %div3A_46 = vector.broadcast %sqrt3A : vector<1x128xf32> to vector<10000x128xf32>
    %div3A_47 = arith.divf %mul3A_42, %div3A_46 : vector<10000x128xf32>
    %get3A_48 = arith.constant 0 : index
    %get3A_49 = arith.constant 0 : index
    %get3A_50 = vector.load %arg5[%get3A_48, %get3A_49] : memref<1x128xf32, #tpu.memory_space<vmem>>, vector<1x128xf32>
    %add3A_51 = vector.broadcast %get3A_50 : vector<1x128xf32> to vector<10000x128xf32>
    %add3A_52 = arith.addf %div3A_47, %add3A_51 : vector<10000x128xf32>
    %max3A = arith.constant 0.000000e+00 : f32
    %max3A_53 = vector.broadcast %max3A : f32 to vector<10000x128xf32>
    %max3A_54 = arith.maximumf %add3A_52, %max3A_53 : vector<10000x128xf32>
    %get3A_55 = arith.constant 0 : index
    %get3A_56 = arith.constant 0 : index
    %get3A_57 = vector.load %arg6[%get3A_55, %get3A_56] : memref<128x128xf32, #tpu.memory_space<vmem>>, vector<128x128xf32>
    %convert_element_type3A_58 = arith.truncf %max3A_54 : vector<10000x128xf32> to vector<10000x128xbf16>
    %convert_element_type3A_59 = arith.truncf %get3A_57 : vector<128x128xf32> to vector<128x128xbf16>
    %dot_general3A_60 = arith.constant dense<0.000000e+00> : vector<10000x128xf32>
    %dot_general3A_61 = tpu.matmul %convert_element_type3A_58, %convert_element_type3A_59, %dot_general3A_60 {dimension_numbers = #tpu.dot_dimension_numbers<[1], [0], [0], [1], [0, 0, 1, 1], [], []>, transpose_lhs_hint = false} : vector<10000x128xbf16>, vector<128x128xbf16>, vector<10000x128xf32> -> vector<10000x128xf32>
    %get3A_62 = arith.constant 0 : index
    %get3A_63 = arith.constant 0 : index
    %get3A_64 = vector.load %arg7[%get3A_62, %get3A_63] : memref<1x128xf32, #tpu.memory_space<vmem>>, vector<1x128xf32>
    %add3A_65 = vector.broadcast %get3A_64 : vector<1x128xf32> to vector<10000x128xf32>
    %add3A_66 = arith.addf %dot_general3A_61, %add3A_65 : vector<10000x128xf32>
    %add3A_67 = arith.addf %get3A_1, %add3A_66 : vector<10000x128xf32>
    %reduce_sum3A_68 = arith.constant dense<0.000000e+00> : vector<128xf32>
    %reduce_sum3A_69 = vector.multi_reduction <add>, %add3A_67, %reduce_sum3A_68 [0] : vector<10000x128xf32> to vector<128xf32>
    %broadcast_in_dim3A_70 = vector.shape_cast %reduce_sum3A_69 : vector<128xf32> to vector<1x128xf32>
    %div3A_71 = arith.constant 1.000000e+04 : f32
    %div3A_72 = vector.broadcast %div3A_71 : f32 to vector<1x128xf32>
    %div3A_73 = arith.divf %broadcast_in_dim3A_70, %div3A_72 : vector<1x128xf32>
    %sub3A_74 = vector.broadcast %div3A_73 : vector<1x128xf32> to vector<10000x128xf32>
    %sub3A_75 = arith.subf %add3A_67, %sub3A_74 : vector<10000x128xf32>
    %integer_pow3A_76 = arith.mulf %sub3A_75, %sub3A_75 : vector<10000x128xf32>
    %reduce_sum3A_77 = arith.constant dense<0.000000e+00> : vector<128xf32>
    %reduce_sum3A_78 = vector.multi_reduction <add>, %integer_pow3A_76, %reduce_sum3A_77 [0] : vector<10000x128xf32> to vector<128xf32>
    %broadcast_in_dim3A_79 = vector.shape_cast %reduce_sum3A_78 : vector<128xf32> to vector<1x128xf32>
    %div3A_80 = arith.constant 1.000000e+04 : f32
    %div3A_81 = vector.broadcast %div3A_80 : f32 to vector<1x128xf32>
    %div3A_82 = arith.divf %broadcast_in_dim3A_79, %div3A_81 : vector<1x128xf32>
    %get3A_83 = arith.constant 0 : index
    %get3A_84 = arith.constant 0 : index
    %get3A_85 = vector.load %arg8[%get3A_83, %get3A_84] : memref<1x128xf32, #tpu.memory_space<vmem>>, vector<1x128xf32>
    %sub3A_86 = vector.broadcast %div3A_73 : vector<1x128xf32> to vector<10000x128xf32>
    %sub3A_87 = arith.subf %add3A_67, %sub3A_86 : vector<10000x128xf32>
    %mul3A_88 = vector.broadcast %get3A_85 : vector<1x128xf32> to vector<10000x128xf32>
    %mul3A_89 = arith.mulf %mul3A_88, %sub3A_87 : vector<10000x128xf32>
    %add3A_90 = arith.constant 9.99999974E-6 : f32
    %add3A_91 = vector.broadcast %add3A_90 : f32 to vector<1x128xf32>
    %add3A_92 = arith.addf %div3A_82, %add3A_91 : vector<1x128xf32>
    %sqrt3A_93 = math.sqrt %add3A_92 : vector<1x128xf32>
    %div3A_94 = vector.broadcast %sqrt3A_93 : vector<1x128xf32> to vector<10000x128xf32>
    %div3A_95 = arith.divf %mul3A_89, %div3A_94 : vector<10000x128xf32>
    %get3A_96 = arith.constant 0 : index
    %get3A_97 = arith.constant 0 : index
    %get3A_98 = vector.load %arg9[%get3A_96, %get3A_97] : memref<1x128xf32, #tpu.memory_space<vmem>>, vector<1x128xf32>
    %add3A_99 = vector.broadcast %get3A_98 : vector<1x128xf32> to vector<10000x128xf32>
    %add3A_100 = arith.addf %div3A_95, %add3A_99 : vector<10000x128xf32>
    %max3A_101 = arith.constant 0.000000e+00 : f32
    %max3A_102 = vector.broadcast %max3A_101 : f32 to vector<10000x128xf32>
    %max3A_103 = arith.maximumf %add3A_100, %max3A_102 : vector<10000x128xf32>
    %swap3A = arith.constant 0 : index
    %swap3A_104 = arith.constant 0 : index
    %swap3A_105 = vector.load %arg16[%swap3A, %swap3A_104] : memref<10000x128xf32, #tpu.memory_space<vmem>>, vector<10000x128xf32>
    tpu.vector_store %arg16[%swap3A, %swap3A_104], %max3A_103 {strides = array<i32>} : memref<10000x128xf32, #tpu.memory_space<vmem>>, vector<10000x128xf32>,
    %get3A_106 = arith.constant 0 : index
    %get3A_107 = arith.constant 0 : index
    %get3A_108 = vector.load %arg11[%get3A_106, %get3A_107] : memref<10000x1xi32, #tpu.memory_space<vmem>>, vector<10000x1xi32>
    %iota3A = tpu.iota {dimensions = array<i32: 1>} : vector<10000x64xi32>
    %eq3A = vector.broadcast %get3A_108 : vector<10000x1xi32> to vector<10000x64xi32>
    %eq3A_109 = arith.cmpi eq, %eq3A, %iota3A : vector<10000x64xi32>
    %convert_element_type3A_110 = arith.extui %eq3A_109 : vector<10000x64xi1> to vector<10000x64xi32>
    %convert_element_type3A_111 = arith.sitofp %convert_element_type3A_110 : vector<10000x64xi32> to vector<10000x64xf32>
    %dot_general3A_112 = arith.constant dense<0.000000e+00> : vector<64x128xf32>
    %dot_general3A_113 = tpu.matmul %convert_element_type3A_111, %max3A_103, %dot_general3A_112 {dimension_numbers = #tpu.dot_dimension_numbers<[0], [0], [1], [1], [0, 1, 1, 1], [], []>, precision = #tpu.contract_precision<fp32>, transpose_lhs_hint = false} : vector<10000x64xf32>, vector<10000x128xf32>, vector<64x128xf32> -> vector<64x128xf32>
    %reduce_sum3A_114 = arith.constant dense<0.000000e+00> : vector<64xf32>
    %reduce_sum3A_115 = vector.multi_reduction <add>, %convert_element_type3A_111, %reduce_sum3A_114 [0] : vector<10000x64xf32> to vector<64xf32>
    %max3A_116 = arith.constant 1.000000e+00 : f32
    %max3A_117 = vector.broadcast %max3A_116 : f32 to vector<64xf32>
    %max3A_118 = arith.maximumf %reduce_sum3A_115, %max3A_117 : vector<64xf32>
    %broadcast_in_dim3A_119 = vector.shape_cast %max3A_118 : vector<64xf32> to vector<64x1xf32>
    %div3A_120 = vector.broadcast %broadcast_in_dim3A_119 : vector<64x1xf32> to vector<64x128xf32>
    %div3A_121 = arith.divf %dot_general3A_113, %div3A_120 : vector<64x128xf32>
    %scan3A = arith.constant 0 : i32
    %scan3A_122 = arith.constant 64 : i32
    %scan3A_123 = arith.addi %scan3A, %scan3A_122 : i32
    %scan3A_124 = arith.constant 1 : i32
    scf.for %scan3A_175 = %scan3A to %scan3A_123 step %scan3A_124  : i32 {
      %eq3A_176 = vector.broadcast %scan3A_175 : i32 to vector<10000x1xi32>
      %eq3A_177 = arith.cmpi eq, %get3A_108, %eq3A_176 : vector<10000x1xi32>
      %jit3A = arith.constant 0.000000e+00 : f32
      %broadcast_in_dim3A_178 = vector.shape_cast %eq3A_177 : vector<10000x1xi1> to vector<10000x1xi1>
      %broadcast_in_dim3A_179 = vector.broadcast %broadcast_in_dim3A_178 : vector<10000x1xi1> to vector<10000x128xi1>
      %broadcast_in_dim3A_180 = vector.broadcast %jit3A : f32 to vector<10000x128xf32>
      %select_n3A = arith.select %broadcast_in_dim3A_179, %max3A_103, %broadcast_in_dim3A_180 : vector<10000x128xi1>, vector<10000x128xf32>
      %reduce_max3A = arith.constant dense<0xFF800000> : vector<128xf32>
      %reduce_max3A_181 = vector.multi_reduction <maximumf>, %select_n3A, %reduce_max3A [0] : vector<10000x128xf32> to vector<128xf32>
      %broadcast_in_dim3A_182 = vector.shape_cast %reduce_max3A_181 : vector<128xf32> to vector<1x128xf32>
      %swap3A_183 = arith.index_cast %scan3A_175 : i32 to index
      %swap3A_184 = arith.constant 0 : index
      %swap3A_185 = vector.load %arg18[%swap3A_183, %swap3A_184] : memref<64x128xf32, #tpu.memory_space<vmem>>, vector<1x128xf32>
      tpu.vector_store %arg18[%swap3A_183, %swap3A_184], %broadcast_in_dim3A_182 {strides = array<i32>} : memref<64x128xf32, #tpu.memory_space<vmem>>, vector<1x128xf32>,
    }
    %scan3A_125 = arith.constant 64 : i32
    %get3A_126 = arith.constant 0 : index
    %get3A_127 = arith.constant 0 : index
    %get3A_128 = vector.load %arg18[%get3A_126, %get3A_127] : memref<64x128xf32, #tpu.memory_space<vmem>>, vector<64x128xf32>
    %get3A_129 = arith.constant 0 : index
    %get3A_130 = arith.constant 0 : index
    %get3A_131 = vector.load %arg12[%get3A_129, %get3A_130] : memref<384x128xf32, #tpu.memory_space<vmem>>, vector<128x128xf32>
    %convert_element_type3A_132 = arith.truncf %div3A_121 : vector<64x128xf32> to vector<64x128xbf16>
    %convert_element_type3A_133 = arith.truncf %get3A_131 : vector<128x128xf32> to vector<128x128xbf16>
    %dot_general3A_134 = arith.constant dense<0.000000e+00> : vector<64x128xf32>
    %dot_general3A_135 = tpu.matmul %convert_element_type3A_132, %convert_element_type3A_133, %dot_general3A_134 {dimension_numbers = #tpu.dot_dimension_numbers<[1], [0], [0], [1], [0, 0, 1, 1], [], []>, transpose_lhs_hint = false} : vector<64x128xbf16>, vector<128x128xbf16>, vector<64x128xf32> -> vector<64x128xf32>
    %get3A_136 = arith.constant 128 : index
    %get3A_137 = arith.constant 0 : index
    %get3A_138 = vector.load %arg12[%get3A_136, %get3A_137] : memref<384x128xf32, #tpu.memory_space<vmem>>, vector<128x128xf32>
    %convert_element_type3A_139 = arith.truncf %dot_general3A_113 : vector<64x128xf32> to vector<64x128xbf16>
    %convert_element_type3A_140 = arith.truncf %get3A_138 : vector<128x128xf32> to vector<128x128xbf16>
    %dot_general3A_141 = arith.constant dense<0.000000e+00> : vector<64x128xf32>
    %dot_general3A_142 = tpu.matmul %convert_element_type3A_139, %convert_element_type3A_140, %dot_general3A_141 {dimension_numbers = #tpu.dot_dimension_numbers<[1], [0], [0], [1], [0, 0, 1, 1], [], []>, transpose_lhs_hint = false} : vector<64x128xbf16>, vector<128x128xbf16>, vector<64x128xf32> -> vector<64x128xf32>
    %add3A_143 = arith.addf %dot_general3A_135, %dot_general3A_142 : vector<64x128xf32>
    %get3A_144 = arith.constant 256 : index
    %get3A_145 = arith.constant 0 : index
    %get3A_146 = vector.load %arg12[%get3A_144, %get3A_145] : memref<384x128xf32, #tpu.memory_space<vmem>>, vector<128x128xf32>
    %convert_element_type3A_147 = arith.truncf %get3A_128 : vector<64x128xf32> to vector<64x128xbf16>
    %convert_element_type3A_148 = arith.truncf %get3A_146 : vector<128x128xf32> to vector<128x128xbf16>
    %dot_general3A_149 = arith.constant dense<0.000000e+00> : vector<64x128xf32>
    %dot_general3A_150 = tpu.matmul %convert_element_type3A_147, %convert_element_type3A_148, %dot_general3A_149 {dimension_numbers = #tpu.dot_dimension_numbers<[1], [0], [0], [1], [0, 0, 1, 1], [], []>, transpose_lhs_hint = false} : vector<64x128xbf16>, vector<128x128xbf16>, vector<64x128xf32> -> vector<64x128xf32>
    %add3A_151 = arith.addf %add3A_143, %dot_general3A_150 : vector<64x128xf32>
    %get3A_152 = arith.constant 0 : index
    %get3A_153 = arith.constant 0 : index
    %get3A_154 = vector.load %arg13[%get3A_152, %get3A_153] : memref<1x128xf32, #tpu.memory_space<vmem>>, vector<1x128xf32>
    %add3A_155 = vector.broadcast %get3A_154 : vector<1x128xf32> to vector<64x128xf32>
    %add3A_156 = arith.addf %add3A_151, %add3A_155 : vector<64x128xf32>
    %max3A_157 = arith.constant 0.000000e+00 : f32
    %max3A_158 = vector.broadcast %max3A_157 : f32 to vector<64x128xf32>
    %max3A_159 = arith.maximumf %add3A_156, %max3A_158 : vector<64x128xf32>
    %get3A_160 = arith.constant 0 : index
    %get3A_161 = arith.constant 0 : index
    %get3A_162 = vector.load %arg14[%get3A_160, %get3A_161] : memref<128x1xf32, #tpu.memory_space<vmem>>, vector<128x1xf32>
    %convert_element_type3A_163 = arith.truncf %max3A_159 : vector<64x128xf32> to vector<64x128xbf16>
    %convert_element_type3A_164 = arith.truncf %get3A_162 : vector<128x1xf32> to vector<128x1xbf16>
    %dot_general3A_165 = arith.constant dense<0.000000e+00> : vector<64x1xf32>
    %dot_general3A_166 = tpu.matmul %convert_element_type3A_163, %convert_element_type3A_164, %dot_general3A_165 {dimension_numbers = #tpu.dot_dimension_numbers<[1], [0], [0], [1], [0, 0, 1, 1], [], []>, transpose_lhs_hint = false} : vector<64x128xbf16>, vector<128x1xbf16>, vector<64x1xf32> -> vector<64x1xf32>
    %get3A_167 = arith.constant 0 : index
    %get3A_168 = arith.constant 0 : index
    %get3A_169 = vector.load %arg15[%get3A_167, %get3A_168] : memref<1x1xf32, #tpu.memory_space<vmem>>, vector<1x1xf32>
    %add3A_170 = vector.broadcast %get3A_169 : vector<1x1xf32> to vector<64x1xf32>
    %add3A_171 = arith.addf %dot_general3A_166, %add3A_170 : vector<64x1xf32>
    %swap3A_172 = arith.constant 0 : index
    %swap3A_173 = arith.constant 0 : index
    %swap3A_174 = vector.load %arg17[%swap3A_172, %swap3A_173] : memref<64x1xf32, #tpu.memory_space<vmem>>, vector<64x1xf32>
    tpu.vector_store %arg17[%swap3A_172, %swap3A_173], %add3A_171 {strides = array<i32>} : memref<64x1xf32, #tpu.memory_space<vmem>>, vector<64x1xf32>,
    return
  }
}

</mosaic_0001>

<sc_bundles>
// kernel: kernel.15.cloned.1.call-start
scs
__scs_entry_jumppad:
0x0: {  	(pc) =	sbr.rel $0x88, $3  }
0x1: {  	(tag) =	ssettag $0x0;
	lr =	simm.s32 $0x1  }
0x2: {  	[smem:$0x3F8E] =	sst lr;
	_ =	strace $0xD0000000  }
0x3: {  	_ = 	snop  }
0x4: {  	_ = 	snop  }
0x5: {  	_ = 	snop  }
0x6: {  	_ = 	snop  }
0x7: {  	_ = 	snop  }
__scs_overlays_trampoline_lowered:
0x8: {  	[smem:$0x3F9D] =	sst s0  }
0x9: {  	[smem:$0x3F9E] =	sst s1  }
0xa: {  	[smem:$0x3F9F] =	sst s2  }
0xb: {  	[smem:$0x3FA0] =	sst s3  }
0xc: {  	[smem:$0x3FA1] =	sst s4  }
0xd: {  	[smem:$0x3FA2] =	sst s5  }
0xe: {  	[smem:$0x3FA3] =	sst s6  }
0xf: {  	[smem:$0x3FA4] =	sst s7  }
0x10: {  	[smem:$0x3FA5] =	sst s8  }
0x11: {  	[smem:$0x3FA6] =	sst s9;
	s0 =	simm.s32 @!p0 $0x0  }
0x12: {  	s1 =	sld [smem:$0x3F8C];
	s0 =	simm.s32 @p0 $0x1  }
0x13: {  	[smem:$0x3FA7] =	sst s0;
	s0 =	simm.s32 @!p1 $0x0  }
0x14: {  	s2 =	sld [smem:$0x3F8B];
	s0 =	simm.s32 @p1 $0x1  }
0x15: {  	[smem:$0x3FA8] =	sst s0;
	s0 =	simm.s32 @!p2 $0x0  }
0x16: {  	s3 =	sld [smem:$0x3FDB];
	s0 =	simm.s32 @p2 $0x1  }
0x17: {  	s4 =	simm.s32 $0x1BF5;
	[smem:$0x3FAA] =	sst s0  }
0x18: {  	s0 =	sld [smem:$0x3F8D];
	_ =	swait.ge [sflag:s4], $0x0  }
0x19: {  	s7 =	sld [smem:$0x3F8E]  }
0x1a: {  	s8 =	sadd.s32 $0xFFFFE003, lr  }
0x1b: {  	s9 =	sadd.s32 $0xFFFFFEF7, lr;
	s5 =	simm.s32 $0xFFFFFFFF;
	p2 =	slt.u32 s8, $0xFFFFF086  }
0x1c: {  	p1 =	slt.u32 s9, $0xF7A;
	s5 =	simm.s32 @!p2 $0x0  }
0x1d: {  	s5 =	simm.s32 @p1 $0x1;
	p0 =	seq.s32 s7, s2  }
0x1e: {  	s7 =	smul.u32 @!p0 $0xF7A, s2;
	p2 =	seq.s32 @!p0 s5, $0x0  }
0x1f: {  	s9 =	smul.u32 $0xF7A, s1;
	s8 =	simm.s32 @!p0 $0x1BF5;
	p2 =	por !p2, p0  }
0x20: {  	[sflag:s8] =	ssyncset.s32 @!p0 $0xFFFFF086;
	s6 =	sadd.s32 @!p0 s3, s7;
	s7 =	simm.s32 @!p0 $0x108  }
0x21: {  	s3 =	sadd.s32 s3, s9;
	s6 =	sadd.s32 @!p0 $0x88, s6;
	s7 =	simm.s32 @p2 $0x1082  }
0x22: {  	[simem:s7], [sflag:s8] =	dma.local @!p0 [hbm:s6], $0xF7A  }
0x23: {  	s9 =	sor.u32 $0xD0000000, s2;
	s6 =	simm.s32 $0x108;
	_ =	swait.ge @!p0 [sflag:s8], $0x0  }
0x24: {  	s3 =	sadd.s32 $0x88, s3;
	s6 =	simm.s32 @!p1 $0x1082;
	[sflag:s4] =	ssyncset.s32 $0xFFFFF086  }
0x25: {  	[simem:s6], [sflag:s4] =	dma.local [hbm:s3], $0xF7A  }
0x26: {  	[smem:$0x3F8E] =	sst s1;
	(tag) =	ssettag s2;
	_ =	strace s9  }
0x27: {  	s1 =	sld [smem:$0x3F9E]  }
0x28: {  	s2 =	sld [smem:$0x3F9F]  }
0x29: {  	s4 =	sld [smem:$0x3FA1]  }
0x2a: {  	p0 =	seq.s32 s5, $0x0;
	s5 =	sld [smem:$0x3FA2]  }
0x2b: {  	s6 =	sld [smem:$0x3FA3]  }
0x2c: {  	s7 =	sld [smem:$0x3FA4]  }
0x2d: {  	s3 =	simm.s32 $0x108;
	s8 =	sld [smem:$0x3FA5]  }
0x2e: {  	s3 =	simm.s32 @!p0 $0x1082;
	s9 =	sld [smem:$0x3FA6]  }
0x2f: {  	lr =	sadd.s32 s0, s3;
	s0 =	sld [smem:$0x3F9D]  }
0x30: {  	s3 =	sld [smem:$0x3FA0]  }
0x31: {  	[smem:$0x3FA9] =	sst s10  }
0x32: {  	s10 =	sld [smem:$0x3FA7];
	_ =	sdelay $0x3  }
0x33: {  	p0 =	seq.s32 s10, $0x1;
	s10 =	sld [smem:$0x3FA9];
	_ =	sdelay $0x3  }
0x34: {  	[smem:$0x3FA9] =	sst s10  }
0x35: {  	s10 =	sld [smem:$0x3FA8];
	_ =	sdelay $0x3  }
0x36: {  	p1 =	seq.s32 s10, $0x1;
	s10 =	sld [smem:$0x3FA9];
	_ =	sdelay $0x3  }
0x37: {  	[smem:$0x3FA9] =	sst s10  }
0x38: {  	s10 =	sld [smem:$0x3FAA]  }
0x39: {  	_ = 	snop;
	(pc) =	sbr.ind lr, $3  }
0x3a: {  	_ = 	snop  }
0x3b: {  	_ = 	snop  }
0x3c: {  	p2 =	seq.s32 s10, $0x1;
	s10 =	sld [smem:$0x3FA9]  }
0x3d: {  	_ =	shalt  }
0x3e: {  	_ =	shalt  }
0x3f: {  	_ =	shalt  }
0x40: {  	_ =	shalt  }
0x41: {  	_ =	shalt  }
0x42: {  	_ =	shalt  }
0x43: {  	_ =	shalt  }
0x44: {  	_ =	shalt  }
0x45: {  	_ =	shalt  }
0x46: {  	_ =	shalt  }
0x47: {  	_ =	shalt  }
0x48: {  	_ =	shalt  }
0x49: {  	_ =	shalt  }
0x4a: {  	_ =	shalt  }
0x4b: {  	_ =	shalt  }
0x4c: {  	_ =	shalt  }
0x4d: {  	_ =	shalt  }
0x4e: {  	_ =	shalt  }
0x4f: {  	_ =	shalt  }
0x50: {  	_ =	shalt  }
0x51: {  	_ =	shalt  }
0x52: {  	_ =	shalt  }
0x53: {  	_ =	shalt  }
0x54: {  	_ =	shalt  }
0x55: {  	_ =	shalt  }
0x56: {  	_ =	shalt  }
0x57: {  	_ =	shalt  }
0x58: {  	_ =	shalt  }
0x59: {  	_ =	shalt  }
0x5a: {  	_ =	shalt  }
0x5b: {  	_ =	shalt  }
0x5c: {  	_ =	shalt  }
0x5d: {  	_ =	shalt  }
0x5e: {  	_ =	shalt  }
0x5f: {  	_ =	shalt  }
0x60: {  	_ =	shalt  }
0x61: {  	_ =	shalt  }
0x62: {  	_ =	shalt  }
0x63: {  	_ =	shalt  }
0x64: {  	_ =	shalt  }
0x65: {  	_ =	shalt  }
0x66: {  	_ =	shalt  }
0x67: {  	_ =	shalt  }
0x68: {  	_ =	shalt  }
0x69: {  	_ =	shalt  }
0x6a: {  	_ =	shalt  }
0x6b: {  	_ =	shalt  }
0x6c: {  	_ =	shalt  }
0x6d: {  	_ =	shalt  }
0x6e: {  	_ =	shalt  }
0x6f: {  	_ =	shalt  }
0x70: {  	_ =	shalt  }
0x71: {  	_ =	shalt  }
0x72: {  	_ =	shalt  }
0x73: {  	_ =	shalt  }
0x74: {  	_ =	shalt  }
0x75: {  	_ =	shalt  }
0x76: {  	_ =	shalt  }
0x77: {  	_ =	shalt  }
0x78: {  	_ =	shalt  }
0x79: {  	_ =	shalt  }
0x7a: {  	_ =	shalt  }
0x7b: {  	_ =	shalt  }
0x7c: {  	_ =	shalt  }
0x7d: {  	_ =	shalt  }
0x7e: {  	_ =	shalt  }
0x7f: {  	_ =	shalt  }
0x80: {  	_ =	shalt  }
0x81: {  	_ =	shalt  }
0x82: {  	_ =	shalt  }
0x83: {  	_ =	shalt  }
0x84: {  	_ =	shalt  }
0x85: {  	_ =	shalt  }
0x86: {  	_ =	shalt  }
0x87: {  	_ =	shalt  }
.Lfunc_end0:
.L_simem_size_0:
called_computation_lowered:
.L_overlay_start_0:
0x88: {  	s2 =	sld [smem:$0x3FD9]  }
0x89: {  	s3 =	sld [smem:$0x3FFE];
	_ =	sdelay $0x1  }
0x8a: {  	s1 =	srdreg.scid  }
0x8b: {  	s0 =	sand.u32 $0x1, s1  }
0x8c: {  	s14 =	sshll.u32 s0, $0xA;
	s2 =	sadd.s32 s3, s2  }
0x8d: {  	s2 =	sadd.s32 s2, s14  }
0x8e: {  	[smem:$0x3FB5] =	sst s2  }
0x8f: {  	_ = 	snop  }
0x90: {  	s2 =	sld [smem:$0x3FD0];
	_ =	sdelay $0x2  }
0x91: {  	s15 =	simm.s32 $0xA;
	s4 =	simm.s32 $0x10  }
0x92: {  	[smem:s4], [sflag:s15] =	dma.local [hbm:s2], $0x1  }
0x93: {  	_ =	swait.eq [sflag:s15], $0x1  }
0x94: {  	[sflag:s15] =	ssyncset.done $0x0  }
0x95: {  	[sflag:s15] =	ssyncadd.s32 $0xFFFFFFFF  }
0x96: {  	s16 =	sld [smem:$0x11];
	(tm) =	ssettm $0x1  }
0x97: {  	s17 =	sld [smem:$0x3FFB];
	_ =	sdelay $0x3  }
0x98: {  	_ =	strace s17  }
0x99: {  	s3 =	sld [smem:$0x3FFC];
	_ =	sdelay $0x3  }
0x9a: {  	_ =	strace s3  }
0x9b: {  	s3 =	sld [smem:$0x3FFD];
	_ =	sdelay $0x3  }
0x9c: {  	_ =	strace s3  }
0x9d: {  	_ =	strace $0x8FFFFFFF  }
0x9e: {  	s18 =	sld [smem:$0x3FDB];
	_ =	sdelay $0x1  }
0x9f: {  	s19 =	simm.s32 $_scs_section_size  }
0xa0: {  	s5 =	simm.s32 $_size__tile_overlayer_lowered;
	s6 =	simm.s32 $_tile_overlayer_lowered  }
0xa1: {  	s22 =	simm.s32 $0x1BFF;
	s21 =	sshll.u32 s6, $0x1;
	s3 =	sadd.s32 s19, s18  }
0xa2: {  	s7 =	simm.s32 $0x0;
	s20 =	sshll.u32 s5, $0x1;
	s5 =	sadd.s32 s21, s3  }
0xa3: {  	[timem:s7], [sflag:s22] =	dma.local [hbm:s5], s20  }
0xa4: {  	_ =	swait.ge [sflag:s22], s20  }
0xa5: {  	s4 =	ssub.s32 $0x0, s20;
	[sflag:s22] =	ssyncset.done $0x0  }
0xa6: {  	[sflag:s22] =	ssyncadd.s32 s4;
	_ =	sdelay $0x1  }
0xa7: {  	s23 =	simm.s32 $0x1B8B  }
0xa8: {  	_ =	swait.ge [sflag:s23], $0x1  }
0xa9: {  	[sflag:s23] =	ssyncset.done $0x0  }
0xaa: {  	s25 =	simm.s32 $0x1B8E;
	s24 =	sld [smem:$0x3FFE];
	[sflag:s23] =	ssyncadd.s32 $0xFFFFFFFF  }
0xab: {  	s26 =	simm.s32 $execute0_lowered;
	[smem:$0x3FD2] =	sst s25  }
0xac: {  	s5 =	sshll.u32 s26, $0x1;
	_ =	strace $0x80000046;
	[dreg:$0x1] =	wrdreg $0xFFFFFFFF  }
0xad: {  	s28 =	simm.s32 $_size_execute0_lowered;
	s3 =	sadd.s32 s3, s5;
	[dreg:$0x0] =	wrdreg $0x0  }
0xae: {  	s5 =	sshll.u32 s28, $0x1;
	[dreg:$0x2] =	wrdreg s3  }
0xaf: {  	[dreg:$0x3] =	wrdreg s5  }
0xb0: {  	[dreg:$0x4] =	wrdreg $0xC0  }
0xb1: {  	_ =	task [dreg:s7], $0x5FFFF  }
0xb2: {  	[dreg:$0x1] =	wrdreg $0xFFFFFFFF  }
0xb3: {  	[dreg:$0x0] =	wrdreg $0x60  }
0xb4: {  	[dreg:$0x2] =	wrdreg s24  }
0xb5: {  	[dreg:$0x3] =	wrdreg s16  }
0xb6: {  	[dreg:$0x4] =	wrdreg $0xA8000  }
0xb7: {  	[dreg:$0x5] =	wrdreg $0x9  }
0xb8: {  	_ =	task.clear_ibuf [dreg:s7], $0x6FFFF;
	_ =	strace $0x90000046  }
0xb9: {  	s29 =	simm.s32 $0x9;
	_ =	strace $0x80000048  }
0xba: {  	_ =	swait.ge [sflag:s29], $0x1  }
0xbb: {  	[sflag:s29] =	ssyncadd.s32 $0xFFFFFFFF  }
0xbc: {  	_ =	strace $0x90000048  }
0xbd: {  	_ =	sfence  }
0xbe: {  	s30 =	sld [smem:$0x0];
	_ =	sdelay $0x2  }
0xbf: {  	s31 =	sshll.u32 s1, $0xD;
	s1 =	sshrl.u32 s1, $0x2  }
0xc0: {  	s3 =	sand.u32 $0x4000, s31;
	s1 =	sadd.s32 s1, s30  }
0xc1: {  	s0 =	sor.u32 s3, s0;
	s1 =	sshll.u32 s1, $0x11  }
0xc2: {  	s0 =	sor.u32 s1, s0  }
0xc3: {  	s0 =	sadd.s32 $0x8F2B, s0  }
0xc4: {  	[sflag:s0] =	ssyncadd.remote.s32 $0x1  }
0xc5: {  	_ =	sfence.sel $0xFFFF  }
0xc6: {  	[dreg:$0x0] =	wrdreg $0xFFFFFFFF;
	(pc) =	sbr.abs _section_cstart, $3  }
0xc7: {  	[dreg:$0x1] =	wrdreg $0xFFFFFFFF  }
0xc8: {  	_ =	task.clear_ibuf [dreg:s7], $0x2FFFF;
	_ =	strace $0x9FFFFFFF  }
0xc9: {  	(tm) =	ssettm $0x7FFFFFFF  }
tec
execute0_lowered:
.L_overlay_start_1:
0x0: {  	(tag) =	ssettag $0x1  }
0x1: {  	s6 =	rddreg [dreg:$0x0]  }
0x2: {  	s9 =	rddreg [dreg:$0x1]  }
0x3: {  	s1 =	rddreg [dreg:$0x2]  }
0x4: {  	s0 =	rddreg [dreg:$0x3]  }
0x5: {  	s2 =	simm.s32 $0x0;
	s5 =	srdreg.scid;
	s3 =	stileid.u32  }
0x6: {  	s16 =	simm.s32 $0x80;
	s17 =	simm.s32 $0x2800;
	s18 =	simm.s32 $0x6800  }
0x7: {  	s19 =	simm.s32 $0x1;
	s20 =	simm.s32 $0x2;
	s21 =	simm.s32 $0x1380  }
0x8: {  	s22 =	simm.s32 $0x2700;
	[smem:$0x7FF] =	sst s2;
	s4 =	sadd.s32 $0x6000, s6  }
0x9: {  	s10 =	sadd.s32 $0xA2400, s6;
	s7 =	sand.u32 $0x1, s5;
	s8 =	smul.u32 $0x2800, s3  }
0xa: {  	s5 =	sadd.s32 $0xAC400, s6;
	s12 =	sshll.u32 s3, $0x1;
	s23 =	smul.u32 $0x50000, s3  }
0xb: {  	s11 =	smul.u32 $0x28000, s7;
	s13 =	ssub.s32 $0x2, s7;
	s7 =	sor.u32 s7, s12  }
0xc: {  	s26 =	sshll.u32 s3, $0x6;
	_ =	strace $0x80000047;
	s14 =	smul.u32 $0x2800, s7  }
0xd: {  	s24 =	sshrl.u32 s13, $0x1;
	s25 =	sshrl.u32 s23, $0x2;
	s28 =	smul.u32 $0x500, s7  }
0xe: {  	s23 =	simm.s32 $0x2780;
	s8 =	sadd.s32 s8, s11;
	s13 =	ssub.s32 s13, s24  }
0xf: {  	s30 =	sadd.s32 s25, s1;
	s24 =	simm.s32 $0x0;
	s15 =	sadd.s32 s8, s6  }
0x10: {  	s29 =	sshrl.u32 s14, $0x3;
	s6 =	sor.u32 $0x1C03, s26;
	s7 =	sadd.s32 s9, s28  }
0x11: {  	s8 =	sadd.s32 s10, s28;
	s12 =	smax.u32 s13, $0x1;
	s13 =	sshrl.u32 s30, $0x3  }
0x12: {  	s14 =	simm.s32 $0x3;
	s31 =	sadd.s32 $0x280, s29;
	s11 =	sadd.s32 $0xAEC00, s15  }
0x13: {  	s15 =	simm.s32 $0x1400;
	s9 =	sadd.s32 s9, s31;
	s10 =	sadd.s32 s10, s31  }
.LBB2_1:
0x14: {  	[spmem:s13], [sflag:s6] =	dma.local [hbm:s5], $0x2800  }
0x15: {  	_ =	swait.ge [sflag:s14], $0x2800  }
0x16: {  	[sflag:s14] =	ssyncset.done $0x0  }
0x17: {  	[sflag:s14] =	ssyncadd.s32 $0xFFFFD800  }
0x18: {  	[bflag:$0x0] =	sbarrier.arrive $0xFFFF  }
0x19: {  	[tilespmem:s2], [sflag:$0x3] =	stream.linear.gather [hbm4b:s7+s2], $0x1400, $0x38;
	[tilespmem:$0x1E800] =	vst v63  }
0x1a: {  	_ =	swait.ge [sflag:s14], $0x1400  }
0x1b: {  	[sflag:s14] =	ssyncset.done $0x0  }
0x1c: {  	[sflag:s14] =	ssyncadd.s32 $0xFFFFEC00  }
0x1d: {  	[tilespmem:s15], [sflag:$0x3] =	stream.linear.gather [hbm4b:s8+s2], $0x1400, $0x38;
	[tilespmem:$0x1E800] =	vst v63  }
0x1e: {  	_ =	swait.ge [sflag:s14], $0x1400  }
0x1f: {  	[sflag:s14] =	ssyncset.done $0x0  }
0x20: {  	[sflag:s14] =	ssyncadd.s32 $0xFFFFEC00  }
0x21: {  	[tilespmem:s17], [sflag:$0x1] =	stream.indirect.gather [hbm4b:s4+s16], $0x80, s2, s16, $0xb8;
	[tilespmem:$0x1E800] =	vst v63  }
0x22: {  	s25 =	simm.s32 $0x80  }
0x23: {  	[tilespmem:s18], [sflag:$0x2] =	stream.indirect.gather [hbm4b:s4+s16], $0x80, s25, s16, $0xb8;
	[tilespmem:$0x1E800] =	vst v63  }
0x24: {  	_ =	swait.ge [sflag:s19], $0x4000  }
0x25: {  	[sflag:s19] =	ssyncset.done $0x0  }
0x26: {  	s29 =	simm.s32 $0x1400;
	[sflag:s19] =	ssyncadd.s32 $0xFFFFC000  }
0x27: {  	[spmem:s1] =	stream.indirect.scatter.add.f32 [tilespmem:s17], [sflag:$0x3], $0x80, s29, s16, $0xb8;
	[tilespmem:$0x1E800] =	vst v63  }
0x28: {  	_ =	swait.ge [sflag:s14], $0x4000  }
0x29: {  	[sflag:s14] =	ssyncset.done $0x0  }
0x2a: {  	s30 =	simm.s32 $0x100;
	[sflag:s14] =	ssyncadd.s32 $0xFFFFC000  }
0x2b: {  	[tilespmem:s17], [sflag:$0x1] =	stream.indirect.gather [hbm4b:s4+s16], $0x80, s30, s16, $0xb8;
	[tilespmem:$0x1E800] =	vst v63  }
0x2c: {  	_ =	swait.ge [sflag:s20], $0x4000  }
0x2d: {  	[sflag:s20] =	ssyncset.done $0x0  }
0x2e: {  	s31 =	simm.s32 $0x1480;
	[sflag:s20] =	ssyncadd.s32 $0xFFFFC000  }
0x2f: {  	[spmem:s1] =	stream.indirect.scatter.add.f32 [tilespmem:s18], [sflag:$0x3], $0x80, s31, s16, $0xb8;
	[tilespmem:$0x1E800] =	vst v63  }
0x30: {  	_ =	swait.ge [sflag:s14], $0x4000  }
0x31: {  	s26 =	simm.s32 $0x800;
	s25 =	simm.s32 $0x100;
	[sflag:s14] =	ssyncset.done $0x0  }
.LBB2_2:
0x32: {  	s28 =	sadd.s32 $0x80, s25  }
0x33: {  	[sflag:s14] =	ssyncadd.s32 $0xFFFFC000;
	s29 =	smov.u32 s26;
	s30 =	sadd.s32 $0x400, s26  }
0x34: {  	[tilespmem:s18], [sflag:$0x2] =	stream.indirect.gather [hbm4b:s4+s16], $0x80, s28, s16, $0xb8;
	[tilespmem:$0x1E800] =	vst v63  }
0x35: {  	p0 =	sne.s32 s26, $0x4800;
	_ =	swait.ge [sflag:s19], $0x4000  }
0x36: {  	[sflag:s19] =	ssyncset.done $0x0  }
0x37: {  	s26 =	sadd.s32 $0x1400, s25;
	[sflag:s19] =	ssyncadd.s32 $0xFFFFC000  }
0x38: {  	[spmem:s1] =	stream.indirect.scatter.add.f32 [tilespmem:s17], [sflag:$0x3], $0x80, s26, s16, $0xb8;
	[tilespmem:$0x1E800] =	vst v63  }
0x39: {  	_ =	swait.ge [sflag:s14], $0x4000  }
0x3a: {  	[sflag:s14] =	ssyncset.done $0x0  }
0x3b: {  	s26 =	sadd.s32 $0x100, s25;
	[sflag:s14] =	ssyncadd.s32 $0xFFFFC000  }
0x3c: {  	[tilespmem:s17], [sflag:$0x1] =	stream.indirect.gather [hbm4b:s4+s16], $0x80, s26, s16, $0xb8;
	[tilespmem:$0x1E800] =	vst v63  }
0x3d: {  	_ =	swait.ge [sflag:s20], $0x4000  }
.Ltmp0:
0x3e: {  	[sflag:s20] =	ssyncset.done $0x0;
	(pc) =	sbr.rel @p0 .LBB2_2-.Ltmp0, $4  }
0x3f: {  	s25 =	sadd.s32 $0x1480, s25;
	[sflag:s20] =	ssyncadd.s32 $0xFFFFC000  }
0x40: {  	[spmem:s1] =	stream.indirect.scatter.add.f32 [tilespmem:s18], [sflag:$0x3], $0x80, s25, s16, $0xb8;
	[tilespmem:$0x1E800] =	vst v63  }
0x41: {  	_ =	swait.ge [sflag:s14], $0x4000  }
0x42: {  	s26 =	smov.u32 s30;
	s25 =	sshra.s32 s29, $0x2;
	[sflag:s14] =	ssyncset.done $0x0  }
0x43: {  	s26 =	sadd.s32 $0x80, s25;
	[sflag:s14] =	ssyncadd.s32 $0xFFFFC000  }
0x44: {  	[tilespmem:s18], [sflag:$0x2] =	stream.indirect.gather [hbm4b:s4+s16], $0x80, s26, s16, $0xb8;
	[tilespmem:$0x1E800] =	vst v63  }
0x45: {  	_ =	swait.ge [sflag:s19], $0x4000  }
0x46: {  	[sflag:s19] =	ssyncset.done $0x0  }
0x47: {  	s29 =	sadd.s32 $0x1400, s25;
	[sflag:s19] =	ssyncadd.s32 $0xFFFFC000  }
0x48: {  	[spmem:s1] =	stream.indirect.scatter.add.f32 [tilespmem:s17], [sflag:$0x3], $0x80, s29, s16, $0xb8;
	[tilespmem:$0x1E800] =	vst v63  }
0x49: {  	_ =	swait.ge [sflag:s14], $0x4000  }
0x4a: {  	[sflag:s14] =	ssyncset.done $0x0  }
0x4b: {  	s30 =	sadd.s32 $0x100, s25;
	[sflag:s14] =	ssyncadd.s32 $0xFFFFC000  }
0x4c: {  	[tilespmem:s17], [sflag:$0x1] =	stream.indirect.gather [hbm4b:s4+s16], $0x80, s30, s16, $0xb8;
	[tilespmem:$0x1E800] =	vst v63  }
0x4d: {  	_ =	swait.ge [sflag:s20], $0x4000  }
0x4e: {  	[sflag:s20] =	ssyncset.done $0x0  }
0x4f: {  	s31 =	sadd.s32 $0x1480, s25;
	[sflag:s20] =	ssyncadd.s32 $0xFFFFC000  }
0x50: {  	[spmem:s1] =	stream.indirect.scatter.add.f32 [tilespmem:s18], [sflag:$0x3], $0x80, s31, s16, $0xb8;
	[tilespmem:$0x1E800] =	vst v63  }
0x51: {  	_ =	swait.ge [sflag:s14], $0x4000  }
0x52: {  	[sflag:s14] =	ssyncset.done $0x0  }
0x53: {  	[sflag:s14] =	ssyncadd.s32 $0xFFFFC000  }
0x54: {  	[tilespmem:s18], [sflag:$0x2] =	stream.indirect.gather [hbm4b:s4+s16], $0x80, s21, s16, $0xb8;
	[tilespmem:$0x1E800] =	vst v63  }
0x55: {  	_ =	swait.ge [sflag:s19], $0x4000  }
0x56: {  	[sflag:s19] =	ssyncset.done $0x0  }
0x57: {  	[sflag:s19] =	ssyncadd.s32 $0xFFFFC000  }
0x58: {  	[spmem:s1] =	stream.indirect.scatter.add.f32 [tilespmem:s17], [sflag:$0x3], $0x80, s22, s16, $0xb8;
	[tilespmem:$0x1E800] =	vst v63  }
0x59: {  	_ =	swait.ge [sflag:s14], $0x4000  }
0x5a: {  	[sflag:s14] =	ssyncset.done $0x0  }
0x5b: {  	[sflag:s14] =	ssyncadd.s32 $0xFFFFC000  }
0x5c: {  	_ =	swait.ge [sflag:s20], $0x4000  }
0x5d: {  	[sflag:s20] =	ssyncset.done $0x0  }
0x5e: {  	[sflag:s20] =	ssyncadd.s32 $0xFFFFC000  }
0x5f: {  	[spmem:s1] =	stream.indirect.scatter.add.f32 [tilespmem:s18], [sflag:$0x3], $0x80, s23, s16, $0xb8;
	[tilespmem:$0x1E800] =	vst v63  }
0x60: {  	_ =	swait.ge [sflag:s14], $0x4000  }
0x61: {  	[sflag:s14] =	ssyncset.done $0x0  }
0x62: {  	s26 =	simm.s32 $0x0;
	[sflag:s14] =	ssyncadd.s32 $0xFFFFC000  }
0x63: {  	[tilespmem:s26], [sflag:$0x3] =	stream.linear.gather [hbm4b:s9+s26], $0x1400, $0x38;
	[tilespmem:$0x1E800] =	vst v63  }
0x64: {  	_ =	swait.ge [sflag:s14], $0x1400  }
0x65: {  	[sflag:s14] =	ssyncset.done $0x0  }
0x66: {  	[sflag:s14] =	ssyncadd.s32 $0xFFFFEC00  }
0x67: {  	[tilespmem:s15], [sflag:$0x3] =	stream.linear.gather [hbm4b:s10+s26], $0x1400, $0x38;
	[tilespmem:$0x1E800] =	vst v63  }
0x68: {  	_ =	swait.ge [sflag:s14], $0x1400  }
0x69: {  	[sflag:s14] =	ssyncset.done $0x0  }
0x6a: {  	[sflag:s14] =	ssyncadd.s32 $0xFFFFEC00  }
0x6b: {  	[tilespmem:s17], [sflag:$0x1] =	stream.indirect.gather [hbm4b:s4+s16], $0x80, s26, s16, $0xb8;
	[tilespmem:$0x1E800] =	vst v63  }
0x6c: {  	s28 =	simm.s32 $0x80  }
0x6d: {  	[tilespmem:s18], [sflag:$0x2] =	stream.indirect.gather [hbm4b:s4+s16], $0x80, s28, s16, $0xb8;
	[tilespmem:$0x1E800] =	vst v63  }
0x6e: {  	_ =	swait.ge [sflag:s19], $0x4000  }
0x6f: {  	[sflag:s19] =	ssyncset.done $0x0  }
0x70: {  	s29 =	simm.s32 $0x1400;
	[sflag:s19] =	ssyncadd.s32 $0xFFFFC000  }
0x71: {  	[spmem:s1] =	stream.indirect.scatter.add.f32 [tilespmem:s17], [sflag:$0x3], $0x80, s29, s16, $0xb8;
	[tilespmem:$0x1E800] =	vst v63  }
0x72: {  	_ =	swait.ge [sflag:s14], $0x4000  }
0x73: {  	[sflag:s14] =	ssyncset.done $0x0  }
0x74: {  	s30 =	simm.s32 $0x100;
	[sflag:s14] =	ssyncadd.s32 $0xFFFFC000  }
0x75: {  	[tilespmem:s17], [sflag:$0x1] =	stream.indirect.gather [hbm4b:s4+s16], $0x80, s30, s16, $0xb8;
	[tilespmem:$0x1E800] =	vst v63  }
0x76: {  	_ =	swait.ge [sflag:s20], $0x4000  }
0x77: {  	[sflag:s20] =	ssyncset.done $0x0  }
0x78: {  	s31 =	simm.s32 $0x1480;
	[sflag:s20] =	ssyncadd.s32 $0xFFFFC000  }
0x79: {  	[spmem:s1] =	stream.indirect.scatter.add.f32 [tilespmem:s18], [sflag:$0x3], $0x80, s31, s16, $0xb8;
	[tilespmem:$0x1E800] =	vst v63  }
0x7a: {  	_ =	swait.ge [sflag:s14], $0x4000  }
0x7b: {  	s25 =	simm.s32 $0x100;
	s26 =	simm.s32 $0x800;
	[sflag:s14] =	ssyncset.done $0x0  }
.LBB2_4:
0x7c: {  	s28 =	sadd.s32 $0x80, s25  }
0x7d: {  	[sflag:s14] =	ssyncadd.s32 $0xFFFFC000;
	s29 =	smov.u32 s26;
	s30 =	sadd.s32 $0x400, s26  }
0x7e: {  	[tilespmem:s18], [sflag:$0x2] =	stream.indirect.gather [hbm4b:s4+s16], $0x80, s28, s16, $0xb8;
	[tilespmem:$0x1E800] =	vst v63  }
0x7f: {  	p0 =	sne.s32 s26, $0x4800;
	_ =	swait.ge [sflag:s19], $0x4000  }
0x80: {  	[sflag:s19] =	ssyncset.done $0x0  }
0x81: {  	s26 =	sadd.s32 $0x1400, s25;
	[sflag:s19] =	ssyncadd.s32 $0xFFFFC000  }
0x82: {  	[spmem:s1] =	stream.indirect.scatter.add.f32 [tilespmem:s17], [sflag:$0x3], $0x80, s26, s16, $0xb8;
	[tilespmem:$0x1E800] =	vst v63  }
0x83: {  	_ =	swait.ge [sflag:s14], $0x4000  }
0x84: {  	[sflag:s14] =	ssyncset.done $0x0  }
0x85: {  	s26 =	sadd.s32 $0x100, s25;
	[sflag:s14] =	ssyncadd.s32 $0xFFFFC000  }
0x86: {  	[tilespmem:s17], [sflag:$0x1] =	stream.indirect.gather [hbm4b:s4+s16], $0x80, s26, s16, $0xb8;
	[tilespmem:$0x1E800] =	vst v63  }
0x87: {  	_ =	swait.ge [sflag:s20], $0x4000  }
.Ltmp1:
0x88: {  	[sflag:s20] =	ssyncset.done $0x0;
	(pc) =	sbr.rel @p0 .LBB2_4-.Ltmp1, $4  }
0x89: {  	s25 =	sadd.s32 $0x1480, s25;
	[sflag:s20] =	ssyncadd.s32 $0xFFFFC000  }
0x8a: {  	[spmem:s1] =	stream.indirect.scatter.add.f32 [tilespmem:s18], [sflag:$0x3], $0x80, s25, s16, $0xb8;
	[tilespmem:$0x1E800] =	vst v63  }
0x8b: {  	_ =	swait.ge [sflag:s14], $0x4000  }
0x8c: {  	s26 =	smov.u32 s30;
	s25 =	sshra.s32 s29, $0x2;
	[sflag:s14] =	ssyncset.done $0x0  }
0x8d: {  	s26 =	sadd.s32 $0x80, s25;
	[sflag:s14] =	ssyncadd.s32 $0xFFFFC000  }
0x8e: {  	[tilespmem:s18], [sflag:$0x2] =	stream.indirect.gather [hbm4b:s4+s16], $0x80, s26, s16, $0xb8;
	[tilespmem:$0x1E800] =	vst v63  }
0x8f: {  	_ =	swait.ge [sflag:s19], $0x4000  }
0x90: {  	[sflag:s19] =	ssyncset.done $0x0  }
0x91: {  	s29 =	sadd.s32 $0x1400, s25;
	[sflag:s19] =	ssyncadd.s32 $0xFFFFC000  }
0x92: {  	[spmem:s1] =	stream.indirect.scatter.add.f32 [tilespmem:s17], [sflag:$0x3], $0x80, s29, s16, $0xb8;
	[tilespmem:$0x1E800] =	vst v63  }
0x93: {  	_ =	swait.ge [sflag:s14], $0x4000  }
0x94: {  	[sflag:s14] =	ssyncset.done $0x0  }
0x95: {  	s30 =	sadd.s32 $0x100, s25;
	[sflag:s14] =	ssyncadd.s32 $0xFFFFC000  }
0x96: {  	[tilespmem:s17], [sflag:$0x1] =	stream.indirect.gather [hbm4b:s4+s16], $0x80, s30, s16, $0xb8;
	[tilespmem:$0x1E800] =	vst v63  }
0x97: {  	_ =	swait.ge [sflag:s20], $0x4000  }
0x98: {  	[sflag:s20] =	ssyncset.done $0x0  }
0x99: {  	s31 =	sadd.s32 $0x1480, s25;
	[sflag:s20] =	ssyncadd.s32 $0xFFFFC000  }
0x9a: {  	[spmem:s1] =	stream.indirect.scatter.add.f32 [tilespmem:s18], [sflag:$0x3], $0x80, s31, s16, $0xb8;
	[tilespmem:$0x1E800] =	vst v63  }
0x9b: {  	_ =	swait.ge [sflag:s14], $0x4000  }
0x9c: {  	[sflag:s14] =	ssyncset.done $0x0  }
0x9d: {  	[sflag:s14] =	ssyncadd.s32 $0xFFFFC000  }
0x9e: {  	[tilespmem:s18], [sflag:$0x2] =	stream.indirect.gather [hbm4b:s4+s16], $0x80, s21, s16, $0xb8;
	[tilespmem:$0x1E800] =	vst v63  }
0x9f: {  	_ =	swait.ge [sflag:s19], $0x4000  }
0xa0: {  	[sflag:s19] =	ssyncset.done $0x0  }
0xa1: {  	[sflag:s19] =	ssyncadd.s32 $0xFFFFC000  }
0xa2: {  	[spmem:s1] =	stream.indirect.scatter.add.f32 [tilespmem:s17], [sflag:$0x3], $0x80, s22, s16, $0xb8;
	[tilespmem:$0x1E800] =	vst v63  }
0xa3: {  	_ =	swait.ge [sflag:s14], $0x4000  }
0xa4: {  	[sflag:s14] =	ssyncset.done $0x0  }
0xa5: {  	[sflag:s14] =	ssyncadd.s32 $0xFFFFC000  }
0xa6: {  	_ =	swait.ge [sflag:s20], $0x4000  }
0xa7: {  	[sflag:s20] =	ssyncset.done $0x0  }
0xa8: {  	[sflag:s20] =	ssyncadd.s32 $0xFFFFC000  }
0xa9: {  	[spmem:s1] =	stream.indirect.scatter.add.f32 [tilespmem:s18], [sflag:$0x3], $0x80, s23, s16, $0xb8;
	[tilespmem:$0x1E800] =	vst v63  }
0xaa: {  	_ =	swait.ge [sflag:s14], $0x4000  }
0xab: {  	s24 =	sadd.s32 $0x1, s24;
	[sflag:s14] =	ssyncset.done $0x0  }
0xac: {  	p0 =	sne.s32 s24, s12;
	[sflag:s14] =	ssyncadd.s32 $0xFFFFC000  }
.Ltmp2:
0xad: {  	[bflag:$0x0] =	sbarrier.arrive $0xFFFF;
	(pc) =	sbr.rel @p0 .LBB2_1-.Ltmp2, $4  }
0xae: {  	[hbm:s11], [sflag:s6] =	dma.local [spmem:s13], $0x2800  }
0xaf: {  	_ =	swait.ge [sflag:s14], $0x2800  }
0xb0: {  	[sflag:s14] =	ssyncset.done $0x0  }
0xb1: {  	[sflag:s14] =	ssyncadd.s32 $0xFFFFD800  }
0xb2: {  	_ =	sfence.sel $0x180000  }
0xb3: {  	[bflag:$0x0] =	sbarrier.arrive $0xFFFF  }
0xb4: {  	p0 =	sne.s32 s3, $0x0;
	_ =	strace $0x90000047  }
0xb5: {  	s0 =	sadd.s32 @!p0 $0x100000, s0;
	[bflag:$0x2] =	sbarrier.arrive $0xFFFF  }
0xb6: {  	[sflag:s0] =	ssyncadd.tile.s32 @!p0 $0x1;
	_ =	shalt  }
.Lfunc_end2:
_tile_overlayer_lowered:
.L_overlay_start_2:
0xb7: {  	(tag) =	ssettag $0x2  }
0xb8: {  	s0 =	rddreg [dreg:$0x0];
	s2 =	stileid.u32  }
0xb9: {  	s1 =	rddreg [dreg:$0x1];
	p0 =	sne.s32 s2, $0x0  }
0xba: {  	s3 =	rddreg [dreg:$0x2];
	[bflag:$0x3] =	sbarrier.arrive $0xFFFF;
	s2 =	simm.s32 @!p0 $0x1C03  }
0xbb: {  	[timem:s3], [sflag:s2] =	dma.local @!p0 [hbm:s0], s1  }
0xbc: {  	s0 =	simm.s32 @!p0 $0x3  }
0xbd: {  	_ =	swait.ge @!p0 [sflag:s0], s1  }
0xbe: {  	s1 =	ssub.s32 @!p0 $0x0, s1;
	[sflag:s0] =	ssyncset.done @!p0 $0x0  }
0xbf: {  	[sflag:s0] =	ssyncadd.s32 @!p0 s1  }
0xc0: {  	[bflag:$0x3] =	sbarrier.arrive $0xFFFF  }
0xc1: {  	_ =	shalt  }

// kernel: kernel.18.cloned.1.call-start
scs
__scs_entry_jumppad:
0x0: {  	(pc) =	sbr.rel $0x88, $3  }
0x1: {  	(tag) =	ssettag $0x0;
	lr =	simm.s32 $0x1  }
0x2: {  	[smem:$0x3F8E] =	sst lr;
	_ =	strace $0xD0000000  }
0x3: {  	_ = 	snop  }
0x4: {  	_ = 	snop  }
0x5: {  	_ = 	snop  }
0x6: {  	_ = 	snop  }
0x7: {  	_ = 	snop  }
__scs_overlays_trampoline_lowered:
0x8: {  	[smem:$0x3F9D] =	sst s0  }
0x9: {  	[smem:$0x3F9E] =	sst s1  }
0xa: {  	[smem:$0x3F9F] =	sst s2  }
0xb: {  	[smem:$0x3FA0] =	sst s3  }
0xc: {  	[smem:$0x3FA1] =	sst s4  }
0xd: {  	[smem:$0x3FA2] =	sst s5  }
0xe: {  	[smem:$0x3FA3] =	sst s6  }
0xf: {  	[smem:$0x3FA4] =	sst s7  }
0x10: {  	[smem:$0x3FA5] =	sst s8  }
0x11: {  	[smem:$0x3FA6] =	sst s9;
	s0 =	simm.s32 @!p0 $0x0  }
0x12: {  	s1 =	sld [smem:$0x3F8C];
	s0 =	simm.s32 @p0 $0x1  }
0x13: {  	[smem:$0x3FA7] =	sst s0;
	s0 =	simm.s32 @!p1 $0x0  }
0x14: {  	s2 =	sld [smem:$0x3F8B];
	s0 =	simm.s32 @p1 $0x1  }
0x15: {  	[smem:$0x3FA8] =	sst s0;
	s0 =	simm.s32 @!p2 $0x0  }
0x16: {  	s3 =	sld [smem:$0x3FDB];
	s0 =	simm.s32 @p2 $0x1  }
0x17: {  	s4 =	simm.s32 $0x1BF5;
	[smem:$0x3FAA] =	sst s0  }
0x18: {  	s0 =	sld [smem:$0x3F8D];
	_ =	swait.ge [sflag:s4], $0x0  }
0x19: {  	s7 =	sld [smem:$0x3F8E]  }
0x1a: {  	s8 =	sadd.s32 $0xFFFFE003, lr  }
0x1b: {  	s9 =	sadd.s32 $0xFFFFFEF7, lr;
	s5 =	simm.s32 $0xFFFFFFFF;
	p2 =	slt.u32 s8, $0xFFFFF086  }
0x1c: {  	p1 =	slt.u32 s9, $0xF7A;
	s5 =	simm.s32 @!p2 $0x0  }
0x1d: {  	s5 =	simm.s32 @p1 $0x1;
	p0 =	seq.s32 s7, s2  }
0x1e: {  	s7 =	smul.u32 @!p0 $0xF7A, s2;
	p2 =	seq.s32 @!p0 s5, $0x0  }
0x1f: {  	s9 =	smul.u32 $0xF7A, s1;
	s8 =	simm.s32 @!p0 $0x1BF5;
	p2 =	por !p2, p0  }
0x20: {  	[sflag:s8] =	ssyncset.s32 @!p0 $0xFFFFF086;
	s6 =	sadd.s32 @!p0 s3, s7;
	s7 =	simm.s32 @!p0 $0x108  }
0x21: {  	s3 =	sadd.s32 s3, s9;
	s6 =	sadd.s32 @!p0 $0x88, s6;
	s7 =	simm.s32 @p2 $0x1082  }
0x22: {  	[simem:s7], [sflag:s8] =	dma.local @!p0 [hbm:s6], $0xF7A  }
0x23: {  	s9 =	sor.u32 $0xD0000000, s2;
	s6 =	simm.s32 $0x108;
	_ =	swait.ge @!p0 [sflag:s8], $0x0  }
0x24: {  	s3 =	sadd.s32 $0x88, s3;
	s6 =	simm.s32 @!p1 $0x1082;
	[sflag:s4] =	ssyncset.s32 $0xFFFFF086  }
0x25: {  	[simem:s6], [sflag:s4] =	dma.local [hbm:s3], $0xF7A  }
0x26: {  	[smem:$0x3F8E] =	sst s1;
	(tag) =	ssettag s2;
	_ =	strace s9  }
0x27: {  	s1 =	sld [smem:$0x3F9E]  }
0x28: {  	s2 =	sld [smem:$0x3F9F]  }
0x29: {  	s4 =	sld [smem:$0x3FA1]  }
0x2a: {  	p0 =	seq.s32 s5, $0x0;
	s5 =	sld [smem:$0x3FA2]  }
0x2b: {  	s6 =	sld [smem:$0x3FA3]  }
0x2c: {  	s7 =	sld [smem:$0x3FA4]  }
0x2d: {  	s3 =	simm.s32 $0x108;
	s8 =	sld [smem:$0x3FA5]  }
0x2e: {  	s3 =	simm.s32 @!p0 $0x1082;
	s9 =	sld [smem:$0x3FA6]  }
0x2f: {  	lr =	sadd.s32 s0, s3;
	s0 =	sld [smem:$0x3F9D]  }
0x30: {  	s3 =	sld [smem:$0x3FA0]  }
0x31: {  	[smem:$0x3FA9] =	sst s10  }
0x32: {  	s10 =	sld [smem:$0x3FA7];
	_ =	sdelay $0x3  }
0x33: {  	p0 =	seq.s32 s10, $0x1;
	s10 =	sld [smem:$0x3FA9];
	_ =	sdelay $0x3  }
0x34: {  	[smem:$0x3FA9] =	sst s10  }
0x35: {  	s10 =	sld [smem:$0x3FA8];
	_ =	sdelay $0x3  }
0x36: {  	p1 =	seq.s32 s10, $0x1;
	s10 =	sld [smem:$0x3FA9];
	_ =	sdelay $0x3  }
0x37: {  	[smem:$0x3FA9] =	sst s10  }
0x38: {  	s10 =	sld [smem:$0x3FAA]  }
0x39: {  	_ = 	snop;
	(pc) =	sbr.ind lr, $3  }
0x3a: {  	_ = 	snop  }
0x3b: {  	_ = 	snop  }
0x3c: {  	p2 =	seq.s32 s10, $0x1;
	s10 =	sld [smem:$0x3FA9]  }
0x3d: {  	_ =	shalt  }
0x3e: {  	_ =	shalt  }
0x3f: {  	_ =	shalt  }
0x40: {  	_ =	shalt  }
0x41: {  	_ =	shalt  }
0x42: {  	_ =	shalt  }
0x43: {  	_ =	shalt  }
0x44: {  	_ =	shalt  }
0x45: {  	_ =	shalt  }
0x46: {  	_ =	shalt  }
0x47: {  	_ =	shalt  }
0x48: {  	_ =	shalt  }
0x49: {  	_ =	shalt  }
0x4a: {  	_ =	shalt  }
0x4b: {  	_ =	shalt  }
0x4c: {  	_ =	shalt  }
0x4d: {  	_ =	shalt  }
0x4e: {  	_ =	shalt  }
0x4f: {  	_ =	shalt  }
0x50: {  	_ =	shalt  }
0x51: {  	_ =	shalt  }
0x52: {  	_ =	shalt  }
0x53: {  	_ =	shalt  }
0x54: {  	_ =	shalt  }
0x55: {  	_ =	shalt  }
0x56: {  	_ =	shalt  }
0x57: {  	_ =	shalt  }
0x58: {  	_ =	shalt  }
0x59: {  	_ =	shalt  }
0x5a: {  	_ =	shalt  }
0x5b: {  	_ =	shalt  }
0x5c: {  	_ =	shalt  }
0x5d: {  	_ =	shalt  }
0x5e: {  	_ =	shalt  }
0x5f: {  	_ =	shalt  }
0x60: {  	_ =	shalt  }
0x61: {  	_ =	shalt  }
0x62: {  	_ =	shalt  }
0x63: {  	_ =	shalt  }
0x64: {  	_ =	shalt  }
0x65: {  	_ =	shalt  }
0x66: {  	_ =	shalt  }
0x67: {  	_ =	shalt  }
0x68: {  	_ =	shalt  }
0x69: {  	_ =	shalt  }
0x6a: {  	_ =	shalt  }
0x6b: {  	_ =	shalt  }
0x6c: {  	_ =	shalt  }
0x6d: {  	_ =	shalt  }
0x6e: {  	_ =	shalt  }
0x6f: {  	_ =	shalt  }
0x70: {  	_ =	shalt  }
0x71: {  	_ =	shalt  }
0x72: {  	_ =	shalt  }
0x73: {  	_ =	shalt  }
0x74: {  	_ =	shalt  }
0x75: {  	_ =	shalt  }
0x76: {  	_ =	shalt  }
0x77: {  	_ =	shalt  }
0x78: {  	_ =	shalt  }
0x79: {  	_ =	shalt  }
0x7a: {  	_ =	shalt  }
0x7b: {  	_ =	shalt  }
0x7c: {  	_ =	shalt  }
0x7d: {  	_ =	shalt  }
0x7e: {  	_ =	shalt  }
0x7f: {  	_ =	shalt  }
0x80: {  	_ =	shalt  }
0x81: {  	_ =	shalt  }
0x82: {  	_ =	shalt  }
0x83: {  	_ =	shalt  }
0x84: {  	_ =	shalt  }
0x85: {  	_ =	shalt  }
0x86: {  	_ =	shalt  }
0x87: {  	_ =	shalt  }
.Lfunc_end0:
.L_simem_size_0:
called_computation.1_lowered:
.L_overlay_start_0:
0x88: {  	s2 =	sld [smem:$0x3FD9]  }
0x89: {  	s3 =	sld [smem:$0x3FFE];
	_ =	sdelay $0x1  }
0x8a: {  	s1 =	srdreg.scid  }
0x8b: {  	s0 =	sand.u32 $0x1, s1  }
0x8c: {  	s14 =	sshll.u32 s0, $0xA;
	s2 =	sadd.s32 s3, s2  }
0x8d: {  	s2 =	sadd.s32 s2, s14  }
0x8e: {  	[smem:$0x3FB5] =	sst s2  }
0x8f: {  	_ = 	snop  }
0x90: {  	s2 =	sld [smem:$0x3FD0];
	_ =	sdelay $0x2  }
0x91: {  	s15 =	simm.s32 $0xA;
	s4 =	simm.s32 $0x10  }
0x92: {  	[smem:s4], [sflag:s15] =	dma.local [hbm:s2], $0x1  }
0x93: {  	_ =	swait.eq [sflag:s15], $0x1  }
0x94: {  	[sflag:s15] =	ssyncset.done $0x0  }
0x95: {  	[sflag:s15] =	ssyncadd.s32 $0xFFFFFFFF  }
0x96: {  	s16 =	sld [smem:$0x11];
	(tm) =	ssettm $0x1  }
0x97: {  	s17 =	sld [smem:$0x3FFB];
	_ =	sdelay $0x3  }
0x98: {  	_ =	strace s17  }
0x99: {  	s3 =	sld [smem:$0x3FFC];
	_ =	sdelay $0x3  }
0x9a: {  	_ =	strace s3  }
0x9b: {  	s3 =	sld [smem:$0x3FFD];
	_ =	sdelay $0x3  }
0x9c: {  	_ =	strace s3  }
0x9d: {  	_ =	strace $0x8FFFFFFF  }
0x9e: {  	s18 =	sld [smem:$0x3FDB];
	_ =	sdelay $0x1  }
0x9f: {  	s19 =	simm.s32 $_scs_section_size  }
0xa0: {  	s5 =	simm.s32 $_size__tile_overlayer_lowered;
	s6 =	simm.s32 $_tile_overlayer_lowered  }
0xa1: {  	s22 =	simm.s32 $0x1BFF;
	s21 =	sshll.u32 s6, $0x1;
	s3 =	sadd.s32 s19, s18  }
0xa2: {  	s7 =	simm.s32 $0x0;
	s20 =	sshll.u32 s5, $0x1;
	s5 =	sadd.s32 s21, s3  }
0xa3: {  	[timem:s7], [sflag:s22] =	dma.local [hbm:s5], s20  }
0xa4: {  	_ =	swait.ge [sflag:s22], s20  }
0xa5: {  	s4 =	ssub.s32 $0x0, s20;
	[sflag:s22] =	ssyncset.done $0x0  }
0xa6: {  	[sflag:s22] =	ssyncadd.s32 s4;
	_ =	sdelay $0x1  }
0xa7: {  	s23 =	simm.s32 $0x1B8B  }
0xa8: {  	_ =	swait.ge [sflag:s23], $0x1  }
0xa9: {  	[sflag:s23] =	ssyncset.done $0x0  }
0xaa: {  	s25 =	simm.s32 $0x1B8E;
	s24 =	sld [smem:$0x3FFE];
	[sflag:s23] =	ssyncadd.s32 $0xFFFFFFFF  }
0xab: {  	s26 =	simm.s32 $execute0_lowered;
	[smem:$0x3FD2] =	sst s25  }
0xac: {  	s5 =	sshll.u32 s26, $0x1;
	_ =	strace $0x80000049;
	[dreg:$0x1] =	wrdreg $0xFFFFFFFF  }
0xad: {  	s28 =	simm.s32 $_size_execute0_lowered;
	s3 =	sadd.s32 s3, s5;
	[dreg:$0x0] =	wrdreg $0x0  }
0xae: {  	s5 =	sshll.u32 s28, $0x1;
	[dreg:$0x2] =	wrdreg s3  }
0xaf: {  	[dreg:$0x3] =	wrdreg s5  }
0xb0: {  	[dreg:$0x4] =	wrdreg $0xC0  }
0xb1: {  	_ =	task [dreg:s7], $0x5FFFF  }
0xb2: {  	[dreg:$0x1] =	wrdreg $0xFFFFFFFF  }
0xb3: {  	[dreg:$0x0] =	wrdreg $0x60  }
0xb4: {  	[dreg:$0x2] =	wrdreg s24  }
0xb5: {  	[dreg:$0x3] =	wrdreg s16  }
0xb6: {  	[dreg:$0x4] =	wrdreg $0xA8000  }
0xb7: {  	[dreg:$0x5] =	wrdreg $0x9  }
0xb8: {  	_ =	task.clear_ibuf [dreg:s7], $0x6FFFF;
	_ =	strace $0x90000049  }
0xb9: {  	s29 =	simm.s32 $0x9;
	_ =	strace $0x8000004B  }
0xba: {  	_ =	swait.ge [sflag:s29], $0x1  }
0xbb: {  	[sflag:s29] =	ssyncadd.s32 $0xFFFFFFFF  }
0xbc: {  	_ =	strace $0x9000004B  }
0xbd: {  	_ =	sfence  }
0xbe: {  	s30 =	sld [smem:$0x0];
	_ =	sdelay $0x2  }
0xbf: {  	s31 =	sshll.u32 s1, $0xD;
	s1 =	sshrl.u32 s1, $0x2  }
0xc0: {  	s3 =	sand.u32 $0x4000, s31;
	s1 =	sadd.s32 s1, s30  }
0xc1: {  	s0 =	sor.u32 s3, s0;
	s1 =	sshll.u32 s1, $0x11  }
0xc2: {  	s0 =	sor.u32 s1, s0  }
0xc3: {  	s0 =	sadd.s32 $0x8F2B, s0  }
0xc4: {  	[sflag:s0] =	ssyncadd.remote.s32 $0x1  }
0xc5: {  	_ =	sfence.sel $0xFFFF  }
0xc6: {  	[dreg:$0x0] =	wrdreg $0xFFFFFFFF;
	(pc) =	sbr.abs _section_cstart, $3  }
0xc7: {  	[dreg:$0x1] =	wrdreg $0xFFFFFFFF  }
0xc8: {  	_ =	task.clear_ibuf [dreg:s7], $0x2FFFF;
	_ =	strace $0x9FFFFFFF  }
0xc9: {  	(tm) =	ssettm $0x7FFFFFFF  }
tec
execute0_lowered:
.L_overlay_start_1:
0x0: {  	(tag) =	ssettag $0x1  }
0x1: {  	s6 =	rddreg [dreg:$0x0]  }
0x2: {  	s9 =	rddreg [dreg:$0x1]  }
0x3: {  	s1 =	rddreg [dreg:$0x2]  }
0x4: {  	s0 =	rddreg [dreg:$0x3]  }
0x5: {  	s2 =	simm.s32 $0x0;
	s5 =	srdreg.scid;
	s3 =	stileid.u32  }
0x6: {  	s16 =	simm.s32 $0x80;
	s17 =	simm.s32 $0x2800;
	s18 =	simm.s32 $0x6800  }
0x7: {  	s19 =	simm.s32 $0x1;
	s20 =	simm.s32 $0x2;
	s21 =	simm.s32 $0x1380  }
0x8: {  	s22 =	simm.s32 $0x2700;
	[smem:$0x7FF] =	sst s2;
	s4 =	sadd.s32 $0x6000, s6  }
0x9: {  	s10 =	sadd.s32 $0xA2400, s6;
	s7 =	sand.u32 $0x1, s5;
	s8 =	smul.u32 $0x2800, s3  }
0xa: {  	s5 =	sadd.s32 $0xAC400, s6;
	s12 =	sshll.u32 s3, $0x1;
	s23 =	smul.u32 $0x50000, s3  }
0xb: {  	s11 =	smul.u32 $0x28000, s7;
	s13 =	ssub.s32 $0x2, s7;
	s7 =	sor.u32 s7, s12  }
0xc: {  	s26 =	sshll.u32 s3, $0x6;
	_ =	strace $0x8000004A;
	s14 =	smul.u32 $0x2800, s7  }
0xd: {  	s24 =	sshrl.u32 s13, $0x1;
	s25 =	sshrl.u32 s23, $0x2;
	s28 =	smul.u32 $0x500, s7  }
0xe: {  	s23 =	simm.s32 $0x2780;
	s8 =	sadd.s32 s8, s11;
	s13 =	ssub.s32 s13, s24  }
0xf: {  	s30 =	sadd.s32 s25, s1;
	s24 =	simm.s32 $0x0;
	s15 =	sadd.s32 s8, s6  }
0x10: {  	s29 =	sshrl.u32 s14, $0x3;
	s6 =	sor.u32 $0x1C03, s26;
	s7 =	sadd.s32 s9, s28  }
0x11: {  	s8 =	sadd.s32 s10, s28;
	s12 =	smax.u32 s13, $0x1;
	s13 =	sshrl.u32 s30, $0x3  }
0x12: {  	s14 =	simm.s32 $0x3;
	s31 =	sadd.s32 $0x280, s29;
	s11 =	sadd.s32 $0xAEC00, s15  }
0x13: {  	s15 =	simm.s32 $0x1400;
	s9 =	sadd.s32 s9, s31;
	s10 =	sadd.s32 s10, s31  }
.LBB2_1:
0x14: {  	[spmem:s13], [sflag:s6] =	dma.local [hbm:s5], $0x2800  }
0x15: {  	_ =	swait.ge [sflag:s14], $0x2800  }
0x16: {  	[sflag:s14] =	ssyncset.done $0x0  }
0x17: {  	[sflag:s14] =	ssyncadd.s32 $0xFFFFD800  }
0x18: {  	[bflag:$0x0] =	sbarrier.arrive $0xFFFF  }
0x19: {  	[tilespmem:s2], [sflag:$0x3] =	stream.linear.gather [hbm4b:s7+s2], $0x1400, $0x38;
	[tilespmem:$0x1E800] =	vst v63  }
0x1a: {  	_ =	swait.ge [sflag:s14], $0x1400  }
0x1b: {  	[sflag:s14] =	ssyncset.done $0x0  }
0x1c: {  	[sflag:s14] =	ssyncadd.s32 $0xFFFFEC00  }
0x1d: {  	[tilespmem:s15], [sflag:$0x3] =	stream.linear.gather [hbm4b:s8+s2], $0x1400, $0x38;
	[tilespmem:$0x1E800] =	vst v63  }
0x1e: {  	_ =	swait.ge [sflag:s14], $0x1400  }
0x1f: {  	[sflag:s14] =	ssyncset.done $0x0  }
0x20: {  	[sflag:s14] =	ssyncadd.s32 $0xFFFFEC00  }
0x21: {  	[tilespmem:s17], [sflag:$0x1] =	stream.indirect.gather [hbm4b:s4+s16], $0x80, s2, s16, $0xb8;
	[tilespmem:$0x1E800] =	vst v63  }
0x22: {  	s25 =	simm.s32 $0x80  }
0x23: {  	[tilespmem:s18], [sflag:$0x2] =	stream.indirect.gather [hbm4b:s4+s16], $0x80, s25, s16, $0xb8;
	[tilespmem:$0x1E800] =	vst v63  }
0x24: {  	_ =	swait.ge [sflag:s19], $0x4000  }
0x25: {  	[sflag:s19] =	ssyncset.done $0x0  }
0x26: {  	s29 =	simm.s32 $0x1400;
	[sflag:s19] =	ssyncadd.s32 $0xFFFFC000  }
0x27: {  	[spmem:s1] =	stream.indirect.scatter.add.f32 [tilespmem:s17], [sflag:$0x3], $0x80, s29, s16, $0xb8;
	[tilespmem:$0x1E800] =	vst v63  }
0x28: {  	_ =	swait.ge [sflag:s14], $0x4000  }
0x29: {  	[sflag:s14] =	ssyncset.done $0x0  }
0x2a: {  	s30 =	simm.s32 $0x100;
	[sflag:s14] =	ssyncadd.s32 $0xFFFFC000  }
0x2b: {  	[tilespmem:s17], [sflag:$0x1] =	stream.indirect.gather [hbm4b:s4+s16], $0x80, s30, s16, $0xb8;
	[tilespmem:$0x1E800] =	vst v63  }
0x2c: {  	_ =	swait.ge [sflag:s20], $0x4000  }
0x2d: {  	[sflag:s20] =	ssyncset.done $0x0  }
0x2e: {  	s31 =	simm.s32 $0x1480;
	[sflag:s20] =	ssyncadd.s32 $0xFFFFC000  }
0x2f: {  	[spmem:s1] =	stream.indirect.scatter.add.f32 [tilespmem:s18], [sflag:$0x3], $0x80, s31, s16, $0xb8;
	[tilespmem:$0x1E800] =	vst v63  }
0x30: {  	_ =	swait.ge [sflag:s14], $0x4000  }
0x31: {  	s26 =	simm.s32 $0x800;
	s25 =	simm.s32 $0x100;
	[sflag:s14] =	ssyncset.done $0x0  }
.LBB2_2:
0x32: {  	s28 =	sadd.s32 $0x80, s25  }
0x33: {  	[sflag:s14] =	ssyncadd.s32 $0xFFFFC000;
	s29 =	smov.u32 s26;
	s30 =	sadd.s32 $0x400, s26  }
0x34: {  	[tilespmem:s18], [sflag:$0x2] =	stream.indirect.gather [hbm4b:s4+s16], $0x80, s28, s16, $0xb8;
	[tilespmem:$0x1E800] =	vst v63  }
0x35: {  	p0 =	sne.s32 s26, $0x4800;
	_ =	swait.ge [sflag:s19], $0x4000  }
0x36: {  	[sflag:s19] =	ssyncset.done $0x0  }
0x37: {  	s26 =	sadd.s32 $0x1400, s25;
	[sflag:s19] =	ssyncadd.s32 $0xFFFFC000  }
0x38: {  	[spmem:s1] =	stream.indirect.scatter.add.f32 [tilespmem:s17], [sflag:$0x3], $0x80, s26, s16, $0xb8;
	[tilespmem:$0x1E800] =	vst v63  }
0x39: {  	_ =	swait.ge [sflag:s14], $0x4000  }
0x3a: {  	[sflag:s14] =	ssyncset.done $0x0  }
0x3b: {  	s26 =	sadd.s32 $0x100, s25;
	[sflag:s14] =	ssyncadd.s32 $0xFFFFC000  }
0x3c: {  	[tilespmem:s17], [sflag:$0x1] =	stream.indirect.gather [hbm4b:s4+s16], $0x80, s26, s16, $0xb8;
	[tilespmem:$0x1E800] =	vst v63  }
0x3d: {  	_ =	swait.ge [sflag:s20], $0x4000  }
.Ltmp0:
0x3e: {  	[sflag:s20] =	ssyncset.done $0x0;
	(pc) =	sbr.rel @p0 .LBB2_2-.Ltmp0, $4  }
0x3f: {  	s25 =	sadd.s32 $0x1480, s25;
	[sflag:s20] =	ssyncadd.s32 $0xFFFFC000  }
0x40: {  	[spmem:s1] =	stream.indirect.scatter.add.f32 [tilespmem:s18], [sflag:$0x3], $0x80, s25, s16, $0xb8;
	[tilespmem:$0x1E800] =	vst v63  }
0x41: {  	_ =	swait.ge [sflag:s14], $0x4000  }
0x42: {  	s26 =	smov.u32 s30;
	s25 =	sshra.s32 s29, $0x2;
	[sflag:s14] =	ssyncset.done $0x0  }
0x43: {  	s26 =	sadd.s32 $0x80, s25;
	[sflag:s14] =	ssyncadd.s32 $0xFFFFC000  }
0x44: {  	[tilespmem:s18], [sflag:$0x2] =	stream.indirect.gather [hbm4b:s4+s16], $0x80, s26, s16, $0xb8;
	[tilespmem:$0x1E800] =	vst v63  }
0x45: {  	_ =	swait.ge [sflag:s19], $0x4000  }
0x46: {  	[sflag:s19] =	ssyncset.done $0x0  }
0x47: {  	s29 =	sadd.s32 $0x1400, s25;
	[sflag:s19] =	ssyncadd.s32 $0xFFFFC000  }
0x48: {  	[spmem:s1] =	stream.indirect.scatter.add.f32 [tilespmem:s17], [sflag:$0x3], $0x80, s29, s16, $0xb8;
	[tilespmem:$0x1E800] =	vst v63  }
0x49: {  	_ =	swait.ge [sflag:s14], $0x4000  }
0x4a: {  	[sflag:s14] =	ssyncset.done $0x0  }
0x4b: {  	s30 =	sadd.s32 $0x100, s25;
	[sflag:s14] =	ssyncadd.s32 $0xFFFFC000  }
0x4c: {  	[tilespmem:s17], [sflag:$0x1] =	stream.indirect.gather [hbm4b:s4+s16], $0x80, s30, s16, $0xb8;
	[tilespmem:$0x1E800] =	vst v63  }
0x4d: {  	_ =	swait.ge [sflag:s20], $0x4000  }
0x4e: {  	[sflag:s20] =	ssyncset.done $0x0  }
0x4f: {  	s31 =	sadd.s32 $0x1480, s25;
	[sflag:s20] =	ssyncadd.s32 $0xFFFFC000  }
0x50: {  	[spmem:s1] =	stream.indirect.scatter.add.f32 [tilespmem:s18], [sflag:$0x3], $0x80, s31, s16, $0xb8;
	[tilespmem:$0x1E800] =	vst v63  }
0x51: {  	_ =	swait.ge [sflag:s14], $0x4000  }
0x52: {  	[sflag:s14] =	ssyncset.done $0x0  }
0x53: {  	[sflag:s14] =	ssyncadd.s32 $0xFFFFC000  }
0x54: {  	[tilespmem:s18], [sflag:$0x2] =	stream.indirect.gather [hbm4b:s4+s16], $0x80, s21, s16, $0xb8;
	[tilespmem:$0x1E800] =	vst v63  }
0x55: {  	_ =	swait.ge [sflag:s19], $0x4000  }
0x56: {  	[sflag:s19] =	ssyncset.done $0x0  }
0x57: {  	[sflag:s19] =	ssyncadd.s32 $0xFFFFC000  }
0x58: {  	[spmem:s1] =	stream.indirect.scatter.add.f32 [tilespmem:s17], [sflag:$0x3], $0x80, s22, s16, $0xb8;
	[tilespmem:$0x1E800] =	vst v63  }
0x59: {  	_ =	swait.ge [sflag:s14], $0x4000  }
0x5a: {  	[sflag:s14] =	ssyncset.done $0x0  }
0x5b: {  	[sflag:s14] =	ssyncadd.s32 $0xFFFFC000  }
0x5c: {  	_ =	swait.ge [sflag:s20], $0x4000  }
0x5d: {  	[sflag:s20] =	ssyncset.done $0x0  }
0x5e: {  	[sflag:s20] =	ssyncadd.s32 $0xFFFFC000  }
0x5f: {  	[spmem:s1] =	stream.indirect.scatter.add.f32 [tilespmem:s18], [sflag:$0x3], $0x80, s23, s16, $0xb8;
	[tilespmem:$0x1E800] =	vst v63  }
0x60: {  	_ =	swait.ge [sflag:s14], $0x4000  }
0x61: {  	[sflag:s14] =	ssyncset.done $0x0  }
0x62: {  	s26 =	simm.s32 $0x0;
	[sflag:s14] =	ssyncadd.s32 $0xFFFFC000  }
0x63: {  	[tilespmem:s26], [sflag:$0x3] =	stream.linear.gather [hbm4b:s9+s26], $0x1400, $0x38;
	[tilespmem:$0x1E800] =	vst v63  }
0x64: {  	_ =	swait.ge [sflag:s14], $0x1400  }
0x65: {  	[sflag:s14] =	ssyncset.done $0x0  }
0x66: {  	[sflag:s14] =	ssyncadd.s32 $0xFFFFEC00  }
0x67: {  	[tilespmem:s15], [sflag:$0x3] =	stream.linear.gather [hbm4b:s10+s26], $0x1400, $0x38;
	[tilespmem:$0x1E800] =	vst v63  }
0x68: {  	_ =	swait.ge [sflag:s14], $0x1400  }
0x69: {  	[sflag:s14] =	ssyncset.done $0x0  }
0x6a: {  	[sflag:s14] =	ssyncadd.s32 $0xFFFFEC00  }
0x6b: {  	[tilespmem:s17], [sflag:$0x1] =	stream.indirect.gather [hbm4b:s4+s16], $0x80, s26, s16, $0xb8;
	[tilespmem:$0x1E800] =	vst v63  }
0x6c: {  	s28 =	simm.s32 $0x80  }
0x6d: {  	[tilespmem:s18], [sflag:$0x2] =	stream.indirect.gather [hbm4b:s4+s16], $0x80, s28, s16, $0xb8;
	[tilespmem:$0x1E800] =	vst v63  }
0x6e: {  	_ =	swait.ge [sflag:s19], $0x4000  }
0x6f: {  	[sflag:s19] =	ssyncset.done $0x0  }
0x70: {  	s29 =	simm.s32 $0x1400;
	[sflag:s19] =	ssyncadd.s32 $0xFFFFC000  }
0x71: {  	[spmem:s1] =	stream.indirect.scatter.add.f32 [tilespmem:s17], [sflag:$0x3], $0x80, s29, s16, $0xb8;
	[tilespmem:$0x1E800] =	vst v63  }
0x72: {  	_ =	swait.ge [sflag:s14], $0x4000  }
0x73: {  	[sflag:s14] =	ssyncset.done $0x0  }
0x74: {  	s30 =	simm.s32 $0x100;
	[sflag:s14] =	ssyncadd.s32 $0xFFFFC000  }
0x75: {  	[tilespmem:s17], [sflag:$0x1] =	stream.indirect.gather [hbm4b:s4+s16], $0x80, s30, s16, $0xb8;
	[tilespmem:$0x1E800] =	vst v63  }
0x76: {  	_ =	swait.ge [sflag:s20], $0x4000  }
0x77: {  	[sflag:s20] =	ssyncset.done $0x0  }
0x78: {  	s31 =	simm.s32 $0x1480;
	[sflag:s20] =	ssyncadd.s32 $0xFFFFC000  }
0x79: {  	[spmem:s1] =	stream.indirect.scatter.add.f32 [tilespmem:s18], [sflag:$0x3], $0x80, s31, s16, $0xb8;
	[tilespmem:$0x1E800] =	vst v63  }
0x7a: {  	_ =	swait.ge [sflag:s14], $0x4000  }
0x7b: {  	s25 =	simm.s32 $0x100;
	s26 =	simm.s32 $0x800;
	[sflag:s14] =	ssyncset.done $0x0  }
.LBB2_4:
0x7c: {  	s28 =	sadd.s32 $0x80, s25  }
0x7d: {  	[sflag:s14] =	ssyncadd.s32 $0xFFFFC000;
	s29 =	smov.u32 s26;
	s30 =	sadd.s32 $0x400, s26  }
0x7e: {  	[tilespmem:s18], [sflag:$0x2] =	stream.indirect.gather [hbm4b:s4+s16], $0x80, s28, s16, $0xb8;
	[tilespmem:$0x1E800] =	vst v63  }
0x7f: {  	p0 =	sne.s32 s26, $0x4800;
	_ =	swait.ge [sflag:s19], $0x4000  }
0x80: {  	[sflag:s19] =	ssyncset.done $0x0  }
0x81: {  	s26 =	sadd.s32 $0x1400, s25;
	[sflag:s19] =	ssyncadd.s32 $0xFFFFC000  }
0x82: {  	[spmem:s1] =	stream.indirect.scatter.add.f32 [tilespmem:s17], [sflag:$0x3], $0x80, s26, s16, $0xb8;
	[tilespmem:$0x1E800] =	vst v63  }
0x83: {  	_ =	swait.ge [sflag:s14], $0x4000  }
0x84: {  	[sflag:s14] =	ssyncset.done $0x0  }
0x85: {  	s26 =	sadd.s32 $0x100, s25;
	[sflag:s14] =	ssyncadd.s32 $0xFFFFC000  }
0x86: {  	[tilespmem:s17], [sflag:$0x1] =	stream.indirect.gather [hbm4b:s4+s16], $0x80, s26, s16, $0xb8;
	[tilespmem:$0x1E800] =	vst v63  }
0x87: {  	_ =	swait.ge [sflag:s20], $0x4000  }
.Ltmp1:
0x88: {  	[sflag:s20] =	ssyncset.done $0x0;
	(pc) =	sbr.rel @p0 .LBB2_4-.Ltmp1, $4  }
0x89: {  	s25 =	sadd.s32 $0x1480, s25;
	[sflag:s20] =	ssyncadd.s32 $0xFFFFC000  }
0x8a: {  	[spmem:s1] =	stream.indirect.scatter.add.f32 [tilespmem:s18], [sflag:$0x3], $0x80, s25, s16, $0xb8;
	[tilespmem:$0x1E800] =	vst v63  }
0x8b: {  	_ =	swait.ge [sflag:s14], $0x4000  }
0x8c: {  	s26 =	smov.u32 s30;
	s25 =	sshra.s32 s29, $0x2;
	[sflag:s14] =	ssyncset.done $0x0  }
0x8d: {  	s26 =	sadd.s32 $0x80, s25;
	[sflag:s14] =	ssyncadd.s32 $0xFFFFC000  }
0x8e: {  	[tilespmem:s18], [sflag:$0x2] =	stream.indirect.gather [hbm4b:s4+s16], $0x80, s26, s16, $0xb8;
	[tilespmem:$0x1E800] =	vst v63  }
0x8f: {  	_ =	swait.ge [sflag:s19], $0x4000  }
0x90: {  	[sflag:s19] =	ssyncset.done $0x0  }
0x91: {  	s29 =	sadd.s32 $0x1400, s25;
	[sflag:s19] =	ssyncadd.s32 $0xFFFFC000  }
0x92: {  	[spmem:s1] =	stream.indirect.scatter.add.f32 [tilespmem:s17], [sflag:$0x3], $0x80, s29, s16, $0xb8;
	[tilespmem:$0x1E800] =	vst v63  }
0x93: {  	_ =	swait.ge [sflag:s14], $0x4000  }
0x94: {  	[sflag:s14] =	ssyncset.done $0x0  }
0x95: {  	s30 =	sadd.s32 $0x100, s25;
	[sflag:s14] =	ssyncadd.s32 $0xFFFFC000  }
0x96: {  	[tilespmem:s17], [sflag:$0x1] =	stream.indirect.gather [hbm4b:s4+s16], $0x80, s30, s16, $0xb8;
	[tilespmem:$0x1E800] =	vst v63  }
0x97: {  	_ =	swait.ge [sflag:s20], $0x4000  }
0x98: {  	[sflag:s20] =	ssyncset.done $0x0  }
0x99: {  	s31 =	sadd.s32 $0x1480, s25;
	[sflag:s20] =	ssyncadd.s32 $0xFFFFC000  }
0x9a: {  	[spmem:s1] =	stream.indirect.scatter.add.f32 [tilespmem:s18], [sflag:$0x3], $0x80, s31, s16, $0xb8;
	[tilespmem:$0x1E800] =	vst v63  }
0x9b: {  	_ =	swait.ge [sflag:s14], $0x4000  }
0x9c: {  	[sflag:s14] =	ssyncset.done $0x0  }
0x9d: {  	[sflag:s14] =	ssyncadd.s32 $0xFFFFC000  }
0x9e: {  	[tilespmem:s18], [sflag:$0x2] =	stream.indirect.gather [hbm4b:s4+s16], $0x80, s21, s16, $0xb8;
	[tilespmem:$0x1E800] =	vst v63  }
0x9f: {  	_ =	swait.ge [sflag:s19], $0x4000  }
0xa0: {  	[sflag:s19] =	ssyncset.done $0x0  }
0xa1: {  	[sflag:s19] =	ssyncadd.s32 $0xFFFFC000  }
0xa2: {  	[spmem:s1] =	stream.indirect.scatter.add.f32 [tilespmem:s17], [sflag:$0x3], $0x80, s22, s16, $0xb8;
	[tilespmem:$0x1E800] =	vst v63  }
0xa3: {  	_ =	swait.ge [sflag:s14], $0x4000  }
0xa4: {  	[sflag:s14] =	ssyncset.done $0x0  }
0xa5: {  	[sflag:s14] =	ssyncadd.s32 $0xFFFFC000  }
0xa6: {  	_ =	swait.ge [sflag:s20], $0x4000  }
0xa7: {  	[sflag:s20] =	ssyncset.done $0x0  }
0xa8: {  	[sflag:s20] =	ssyncadd.s32 $0xFFFFC000  }
0xa9: {  	[spmem:s1] =	stream.indirect.scatter.add.f32 [tilespmem:s18], [sflag:$0x3], $0x80, s23, s16, $0xb8;
	[tilespmem:$0x1E800] =	vst v63  }
0xaa: {  	_ =	swait.ge [sflag:s14], $0x4000  }
0xab: {  	s24 =	sadd.s32 $0x1, s24;
	[sflag:s14] =	ssyncset.done $0x0  }
0xac: {  	p0 =	sne.s32 s24, s12;
	[sflag:s14] =	ssyncadd.s32 $0xFFFFC000  }
.Ltmp2:
0xad: {  	[bflag:$0x0] =	sbarrier.arrive $0xFFFF;
	(pc) =	sbr.rel @p0 .LBB2_1-.Ltmp2, $4  }
0xae: {  	[hbm:s11], [sflag:s6] =	dma.local [spmem:s13], $0x2800  }
0xaf: {  	_ =	swait.ge [sflag:s14], $0x2800  }
0xb0: {  	[sflag:s14] =	ssyncset.done $0x0  }
0xb1: {  	[sflag:s14] =	ssyncadd.s32 $0xFFFFD800  }
0xb2: {  	_ =	sfence.sel $0x180000  }
0xb3: {  	[bflag:$0x0] =	sbarrier.arrive $0xFFFF  }
0xb4: {  	p0 =	sne.s32 s3, $0x0;
	_ =	strace $0x9000004A  }
0xb5: {  	s0 =	sadd.s32 @!p0 $0x100000, s0;
	[bflag:$0x2] =	sbarrier.arrive $0xFFFF  }
0xb6: {  	[sflag:s0] =	ssyncadd.tile.s32 @!p0 $0x1;
	_ =	shalt  }
.Lfunc_end2:
_tile_overlayer_lowered:
.L_overlay_start_2:
0xb7: {  	(tag) =	ssettag $0x2  }
0xb8: {  	s0 =	rddreg [dreg:$0x0];
	s2 =	stileid.u32  }
0xb9: {  	s1 =	rddreg [dreg:$0x1];
	p0 =	sne.s32 s2, $0x0  }
0xba: {  	s3 =	rddreg [dreg:$0x2];
	[bflag:$0x3] =	sbarrier.arrive $0xFFFF;
	s2 =	simm.s32 @!p0 $0x1C03  }
0xbb: {  	[timem:s3], [sflag:s2] =	dma.local @!p0 [hbm:s0], s1  }
0xbc: {  	s0 =	simm.s32 @!p0 $0x3  }
0xbd: {  	_ =	swait.ge @!p0 [sflag:s0], s1  }
0xbe: {  	s1 =	ssub.s32 @!p0 $0x0, s1;
	[sflag:s0] =	ssyncset.done @!p0 $0x0  }
0xbf: {  	[sflag:s0] =	ssyncadd.s32 @!p0 s1  }
0xc0: {  	[bflag:$0x3] =	sbarrier.arrive $0xFFFF  }
0xc1: {  	_ =	shalt  }

// kernel: kernel.21.cloned.1.call-start
scs
__scs_entry_jumppad:
0x0: {  	(pc) =	sbr.rel $0x88, $3  }
0x1: {  	(tag) =	ssettag $0x0;
	lr =	simm.s32 $0x1  }
0x2: {  	[smem:$0x3F8E] =	sst lr;
	_ =	strace $0xD0000000  }
0x3: {  	_ = 	snop  }
0x4: {  	_ = 	snop  }
0x5: {  	_ = 	snop  }
0x6: {  	_ = 	snop  }
0x7: {  	_ = 	snop  }
__scs_overlays_trampoline_lowered:
0x8: {  	[smem:$0x3F9D] =	sst s0  }
0x9: {  	[smem:$0x3F9E] =	sst s1  }
0xa: {  	[smem:$0x3F9F] =	sst s2  }
0xb: {  	[smem:$0x3FA0] =	sst s3  }
0xc: {  	[smem:$0x3FA1] =	sst s4  }
0xd: {  	[smem:$0x3FA2] =	sst s5  }
0xe: {  	[smem:$0x3FA3] =	sst s6  }
0xf: {  	[smem:$0x3FA4] =	sst s7  }
0x10: {  	[smem:$0x3FA5] =	sst s8  }
0x11: {  	[smem:$0x3FA6] =	sst s9;
	s0 =	simm.s32 @!p0 $0x0  }
0x12: {  	s1 =	sld [smem:$0x3F8C];
	s0 =	simm.s32 @p0 $0x1  }
0x13: {  	[smem:$0x3FA7] =	sst s0;
	s0 =	simm.s32 @!p1 $0x0  }
0x14: {  	s2 =	sld [smem:$0x3F8B];
	s0 =	simm.s32 @p1 $0x1  }
0x15: {  	[smem:$0x3FA8] =	sst s0;
	s0 =	simm.s32 @!p2 $0x0  }
0x16: {  	s3 =	sld [smem:$0x3FDB];
	s0 =	simm.s32 @p2 $0x1  }
0x17: {  	s4 =	simm.s32 $0x1BF5;
	[smem:$0x3FAA] =	sst s0  }
0x18: {  	s0 =	sld [smem:$0x3F8D];
	_ =	swait.ge [sflag:s4], $0x0  }
0x19: {  	s7 =	sld [smem:$0x3F8E]  }
0x1a: {  	s8 =	sadd.s32 $0xFFFFE003, lr  }
0x1b: {  	s9 =	sadd.s32 $0xFFFFFEF7, lr;
	s5 =	simm.s32 $0xFFFFFFFF;
	p2 =	slt.u32 s8, $0xFFFFF086  }
0x1c: {  	p1 =	slt.u32 s9, $0xF7A;
	s5 =	simm.s32 @!p2 $0x0  }
0x1d: {  	s5 =	simm.s32 @p1 $0x1;
	p0 =	seq.s32 s7, s2  }
0x1e: {  	s7 =	smul.u32 @!p0 $0xF7A, s2;
	p2 =	seq.s32 @!p0 s5, $0x0  }
0x1f: {  	s9 =	smul.u32 $0xF7A, s1;
	s8 =	simm.s32 @!p0 $0x1BF5;
	p2 =	por !p2, p0  }
0x20: {  	[sflag:s8] =	ssyncset.s32 @!p0 $0xFFFFF086;
	s6 =	sadd.s32 @!p0 s3, s7;
	s7 =	simm.s32 @!p0 $0x108  }
0x21: {  	s3 =	sadd.s32 s3, s9;
	s6 =	sadd.s32 @!p0 $0x88, s6;
	s7 =	simm.s32 @p2 $0x1082  }
0x22: {  	[simem:s7], [sflag:s8] =	dma.local @!p0 [hbm:s6], $0xF7A  }
0x23: {  	s9 =	sor.u32 $0xD0000000, s2;
	s6 =	simm.s32 $0x108;
	_ =	swait.ge @!p0 [sflag:s8], $0x0  }
0x24: {  	s3 =	sadd.s32 $0x88, s3;
	s6 =	simm.s32 @!p1 $0x1082;
	[sflag:s4] =	ssyncset.s32 $0xFFFFF086  }
0x25: {  	[simem:s6], [sflag:s4] =	dma.local [hbm:s3], $0xF7A  }
0x26: {  	[smem:$0x3F8E] =	sst s1;
	(tag) =	ssettag s2;
	_ =	strace s9  }
0x27: {  	s1 =	sld [smem:$0x3F9E]  }
0x28: {  	s2 =	sld [smem:$0x3F9F]  }
0x29: {  	s4 =	sld [smem:$0x3FA1]  }
0x2a: {  	p0 =	seq.s32 s5, $0x0;
	s5 =	sld [smem:$0x3FA2]  }
0x2b: {  	s6 =	sld [smem:$0x3FA3]  }
0x2c: {  	s7 =	sld [smem:$0x3FA4]  }
0x2d: {  	s3 =	simm.s32 $0x108;
	s8 =	sld [smem:$0x3FA5]  }
0x2e: {  	s3 =	simm.s32 @!p0 $0x1082;
	s9 =	sld [smem:$0x3FA6]  }
0x2f: {  	lr =	sadd.s32 s0, s3;
	s0 =	sld [smem:$0x3F9D]  }
0x30: {  	s3 =	sld [smem:$0x3FA0]  }
0x31: {  	[smem:$0x3FA9] =	sst s10  }
0x32: {  	s10 =	sld [smem:$0x3FA7];
	_ =	sdelay $0x3  }
0x33: {  	p0 =	seq.s32 s10, $0x1;
	s10 =	sld [smem:$0x3FA9];
	_ =	sdelay $0x3  }
0x34: {  	[smem:$0x3FA9] =	sst s10  }
0x35: {  	s10 =	sld [smem:$0x3FA8];
	_ =	sdelay $0x3  }
0x36: {  	p1 =	seq.s32 s10, $0x1;
	s10 =	sld [smem:$0x3FA9];
	_ =	sdelay $0x3  }
0x37: {  	[smem:$0x3FA9] =	sst s10  }
0x38: {  	s10 =	sld [smem:$0x3FAA]  }
0x39: {  	_ = 	snop;
	(pc) =	sbr.ind lr, $3  }
0x3a: {  	_ = 	snop  }
0x3b: {  	_ = 	snop  }
0x3c: {  	p2 =	seq.s32 s10, $0x1;
	s10 =	sld [smem:$0x3FA9]  }
0x3d: {  	_ =	shalt  }
0x3e: {  	_ =	shalt  }
0x3f: {  	_ =	shalt  }
0x40: {  	_ =	shalt  }
0x41: {  	_ =	shalt  }
0x42: {  	_ =	shalt  }
0x43: {  	_ =	shalt  }
0x44: {  	_ =	shalt  }
0x45: {  	_ =	shalt  }
0x46: {  	_ =	shalt  }
0x47: {  	_ =	shalt  }
0x48: {  	_ =	shalt  }
0x49: {  	_ =	shalt  }
0x4a: {  	_ =	shalt  }
0x4b: {  	_ =	shalt  }
0x4c: {  	_ =	shalt  }
0x4d: {  	_ =	shalt  }
0x4e: {  	_ =	shalt  }
0x4f: {  	_ =	shalt  }
0x50: {  	_ =	shalt  }
0x51: {  	_ =	shalt  }
0x52: {  	_ =	shalt  }
0x53: {  	_ =	shalt  }
0x54: {  	_ =	shalt  }
0x55: {  	_ =	shalt  }
0x56: {  	_ =	shalt  }
0x57: {  	_ =	shalt  }
0x58: {  	_ =	shalt  }
0x59: {  	_ =	shalt  }
0x5a: {  	_ =	shalt  }
0x5b: {  	_ =	shalt  }
0x5c: {  	_ =	shalt  }
0x5d: {  	_ =	shalt  }
0x5e: {  	_ =	shalt  }
0x5f: {  	_ =	shalt  }
0x60: {  	_ =	shalt  }
0x61: {  	_ =	shalt  }
0x62: {  	_ =	shalt  }
0x63: {  	_ =	shalt  }
0x64: {  	_ =	shalt  }
0x65: {  	_ =	shalt  }
0x66: {  	_ =	shalt  }
0x67: {  	_ =	shalt  }
0x68: {  	_ =	shalt  }
0x69: {  	_ =	shalt  }
0x6a: {  	_ =	shalt  }
0x6b: {  	_ =	shalt  }
0x6c: {  	_ =	shalt  }
0x6d: {  	_ =	shalt  }
0x6e: {  	_ =	shalt  }
0x6f: {  	_ =	shalt  }
0x70: {  	_ =	shalt  }
0x71: {  	_ =	shalt  }
0x72: {  	_ =	shalt  }
0x73: {  	_ =	shalt  }
0x74: {  	_ =	shalt  }
0x75: {  	_ =	shalt  }
0x76: {  	_ =	shalt  }
0x77: {  	_ =	shalt  }
0x78: {  	_ =	shalt  }
0x79: {  	_ =	shalt  }
0x7a: {  	_ =	shalt  }
0x7b: {  	_ =	shalt  }
0x7c: {  	_ =	shalt  }
0x7d: {  	_ =	shalt  }
0x7e: {  	_ =	shalt  }
0x7f: {  	_ =	shalt  }
0x80: {  	_ =	shalt  }
0x81: {  	_ =	shalt  }
0x82: {  	_ =	shalt  }
0x83: {  	_ =	shalt  }
0x84: {  	_ =	shalt  }
0x85: {  	_ =	shalt  }
0x86: {  	_ =	shalt  }
0x87: {  	_ =	shalt  }
.Lfunc_end0:
.L_simem_size_0:
called_computation.2_lowered:
.L_overlay_start_0:
0x88: {  	s2 =	sld [smem:$0x3FD9]  }
0x89: {  	s3 =	sld [smem:$0x3FFE];
	_ =	sdelay $0x1  }
0x8a: {  	s1 =	srdreg.scid  }
0x8b: {  	s0 =	sand.u32 $0x1, s1  }
0x8c: {  	s14 =	sshll.u32 s0, $0xA;
	s2 =	sadd.s32 s3, s2  }
0x8d: {  	s2 =	sadd.s32 s2, s14  }
0x8e: {  	[smem:$0x3FB5] =	sst s2  }
0x8f: {  	_ = 	snop  }
0x90: {  	s2 =	sld [smem:$0x3FD0];
	_ =	sdelay $0x2  }
0x91: {  	s15 =	simm.s32 $0xA;
	s4 =	simm.s32 $0x10  }
0x92: {  	[smem:s4], [sflag:s15] =	dma.local [hbm:s2], $0x1  }
0x93: {  	_ =	swait.eq [sflag:s15], $0x1  }
0x94: {  	[sflag:s15] =	ssyncset.done $0x0  }
0x95: {  	[sflag:s15] =	ssyncadd.s32 $0xFFFFFFFF  }
0x96: {  	s16 =	sld [smem:$0x11];
	(tm) =	ssettm $0x1  }
0x97: {  	s17 =	sld [smem:$0x3FFB];
	_ =	sdelay $0x3  }
0x98: {  	_ =	strace s17  }
0x99: {  	s3 =	sld [smem:$0x3FFC];
	_ =	sdelay $0x3  }
0x9a: {  	_ =	strace s3  }
0x9b: {  	s3 =	sld [smem:$0x3FFD];
	_ =	sdelay $0x3  }
0x9c: {  	_ =	strace s3  }
0x9d: {  	_ =	strace $0x8FFFFFFF  }
0x9e: {  	s18 =	sld [smem:$0x3FDB];
	_ =	sdelay $0x1  }
0x9f: {  	s19 =	simm.s32 $_scs_section_size  }
0xa0: {  	s5 =	simm.s32 $_size__tile_overlayer_lowered;
	s6 =	simm.s32 $_tile_overlayer_lowered  }
0xa1: {  	s22 =	simm.s32 $0x1BFF;
	s21 =	sshll.u32 s6, $0x1;
	s3 =	sadd.s32 s19, s18  }
0xa2: {  	s7 =	simm.s32 $0x0;
	s20 =	sshll.u32 s5, $0x1;
	s5 =	sadd.s32 s21, s3  }
0xa3: {  	[timem:s7], [sflag:s22] =	dma.local [hbm:s5], s20  }
0xa4: {  	_ =	swait.ge [sflag:s22], s20  }
0xa5: {  	s4 =	ssub.s32 $0x0, s20;
	[sflag:s22] =	ssyncset.done $0x0  }
0xa6: {  	[sflag:s22] =	ssyncadd.s32 s4;
	_ =	sdelay $0x1  }
0xa7: {  	s23 =	simm.s32 $0x1B8B  }
0xa8: {  	_ =	swait.ge [sflag:s23], $0x1  }
0xa9: {  	[sflag:s23] =	ssyncset.done $0x0  }
0xaa: {  	s25 =	simm.s32 $0x1B8E;
	s24 =	sld [smem:$0x3FFE];
	[sflag:s23] =	ssyncadd.s32 $0xFFFFFFFF  }
0xab: {  	s26 =	simm.s32 $execute0_lowered;
	[smem:$0x3FD2] =	sst s25  }
0xac: {  	s5 =	sshll.u32 s26, $0x1;
	_ =	strace $0x8000004C;
	[dreg:$0x1] =	wrdreg $0xFFFFFFFF  }
0xad: {  	s28 =	simm.s32 $_size_execute0_lowered;
	s3 =	sadd.s32 s3, s5;
	[dreg:$0x0] =	wrdreg $0x0  }
0xae: {  	s5 =	sshll.u32 s28, $0x1;
	[dreg:$0x2] =	wrdreg s3  }
0xaf: {  	[dreg:$0x3] =	wrdreg s5  }
0xb0: {  	[dreg:$0x4] =	wrdreg $0xC0  }
0xb1: {  	_ =	task [dreg:s7], $0x5FFFF  }
0xb2: {  	[dreg:$0x1] =	wrdreg $0xFFFFFFFF  }
0xb3: {  	[dreg:$0x0] =	wrdreg $0x60  }
0xb4: {  	[dreg:$0x2] =	wrdreg s24  }
0xb5: {  	[dreg:$0x3] =	wrdreg s16  }
0xb6: {  	[dreg:$0x4] =	wrdreg $0xA8000  }
0xb7: {  	[dreg:$0x5] =	wrdreg $0x9  }
0xb8: {  	_ =	task.clear_ibuf [dreg:s7], $0x6FFFF;
	_ =	strace $0x9000004C  }
0xb9: {  	s29 =	simm.s32 $0x9;
	_ =	strace $0x8000004E  }
0xba: {  	_ =	swait.ge [sflag:s29], $0x1  }
0xbb: {  	[sflag:s29] =	ssyncadd.s32 $0xFFFFFFFF  }
0xbc: {  	_ =	strace $0x9000004E  }
0xbd: {  	_ =	sfence  }
0xbe: {  	s30 =	sld [smem:$0x0];
	_ =	sdelay $0x2  }
0xbf: {  	s31 =	sshll.u32 s1, $0xD;
	s1 =	sshrl.u32 s1, $0x2  }
0xc0: {  	s3 =	sand.u32 $0x4000, s31;
	s1 =	sadd.s32 s1, s30  }
0xc1: {  	s0 =	sor.u32 s3, s0;
	s1 =	sshll.u32 s1, $0x11  }
0xc2: {  	s0 =	sor.u32 s1, s0  }
0xc3: {  	s0 =	sadd.s32 $0x8F2B, s0  }
0xc4: {  	[sflag:s0] =	ssyncadd.remote.s32 $0x1  }
0xc5: {  	_ =	sfence.sel $0xFFFF  }
0xc6: {  	[dreg:$0x0] =	wrdreg $0xFFFFFFFF;
	(pc) =	sbr.abs _section_cstart, $3  }
0xc7: {  	[dreg:$0x1] =	wrdreg $0xFFFFFFFF  }
0xc8: {  	_ =	task.clear_ibuf [dreg:s7], $0x2FFFF;
	_ =	strace $0x9FFFFFFF  }
0xc9: {  	(tm) =	ssettm $0x7FFFFFFF  }
tec
execute0_lowered:
.L_overlay_start_1:
0x0: {  	(tag) =	ssettag $0x1  }
0x1: {  	s6 =	rddreg [dreg:$0x0]  }
0x2: {  	s9 =	rddreg [dreg:$0x1]  }
0x3: {  	s1 =	rddreg [dreg:$0x2]  }
0x4: {  	s0 =	rddreg [dreg:$0x3]  }
0x5: {  	s2 =	simm.s32 $0x0;
	s5 =	srdreg.scid;
	s3 =	stileid.u32  }
0x6: {  	s16 =	simm.s32 $0x80;
	s17 =	simm.s32 $0x2800;
	s18 =	simm.s32 $0x6800  }
0x7: {  	s19 =	simm.s32 $0x1;
	s20 =	simm.s32 $0x2;
	s21 =	simm.s32 $0x1380  }
0x8: {  	s22 =	simm.s32 $0x2700;
	[smem:$0x7FF] =	sst s2;
	s4 =	sadd.s32 $0x6000, s6  }
0x9: {  	s10 =	sadd.s32 $0xA2400, s6;
	s7 =	sand.u32 $0x1, s5;
	s8 =	smul.u32 $0x2800, s3  }
0xa: {  	s5 =	sadd.s32 $0xAC400, s6;
	s12 =	sshll.u32 s3, $0x1;
	s23 =	smul.u32 $0x50000, s3  }
0xb: {  	s11 =	smul.u32 $0x28000, s7;
	s13 =	ssub.s32 $0x2, s7;
	s7 =	sor.u32 s7, s12  }
0xc: {  	s26 =	sshll.u32 s3, $0x6;
	_ =	strace $0x8000004D;
	s14 =	smul.u32 $0x2800, s7  }
0xd: {  	s24 =	sshrl.u32 s13, $0x1;
	s25 =	sshrl.u32 s23, $0x2;
	s28 =	smul.u32 $0x500, s7  }
0xe: {  	s23 =	simm.s32 $0x2780;
	s8 =	sadd.s32 s8, s11;
	s13 =	ssub.s32 s13, s24  }
0xf: {  	s30 =	sadd.s32 s25, s1;
	s24 =	simm.s32 $0x0;
	s15 =	sadd.s32 s8, s6  }
0x10: {  	s29 =	sshrl.u32 s14, $0x3;
	s6 =	sor.u32 $0x1C03, s26;
	s7 =	sadd.s32 s9, s28  }
0x11: {  	s8 =	sadd.s32 s10, s28;
	s12 =	smax.u32 s13, $0x1;
	s13 =	sshrl.u32 s30, $0x3  }
0x12: {  	s14 =	simm.s32 $0x3;
	s31 =	sadd.s32 $0x280, s29;
	s11 =	sadd.s32 $0xAEC00, s15  }
0x13: {  	s15 =	simm.s32 $0x1400;
	s9 =	sadd.s32 s9, s31;
	s10 =	sadd.s32 s10, s31  }
.LBB2_1:
0x14: {  	[spmem:s13], [sflag:s6] =	dma.local [hbm:s5], $0x2800  }
0x15: {  	_ =	swait.ge [sflag:s14], $0x2800  }
0x16: {  	[sflag:s14] =	ssyncset.done $0x0  }
0x17: {  	[sflag:s14] =	ssyncadd.s32 $0xFFFFD800  }
0x18: {  	[bflag:$0x0] =	sbarrier.arrive $0xFFFF  }
0x19: {  	[tilespmem:s2], [sflag:$0x3] =	stream.linear.gather [hbm4b:s7+s2], $0x1400, $0x38;
	[tilespmem:$0x1E800] =	vst v63  }
0x1a: {  	_ =	swait.ge [sflag:s14], $0x1400  }
0x1b: {  	[sflag:s14] =	ssyncset.done $0x0  }
0x1c: {  	[sflag:s14] =	ssyncadd.s32 $0xFFFFEC00  }
0x1d: {  	[tilespmem:s15], [sflag:$0x3] =	stream.linear.gather [hbm4b:s8+s2], $0x1400, $0x38;
	[tilespmem:$0x1E800] =	vst v63  }
0x1e: {  	_ =	swait.ge [sflag:s14], $0x1400  }
0x1f: {  	[sflag:s14] =	ssyncset.done $0x0  }
0x20: {  	[sflag:s14] =	ssyncadd.s32 $0xFFFFEC00  }
0x21: {  	[tilespmem:s17], [sflag:$0x1] =	stream.indirect.gather [hbm4b:s4+s16], $0x80, s2, s16, $0xb8;
	[tilespmem:$0x1E800] =	vst v63  }
0x22: {  	s25 =	simm.s32 $0x80  }
0x23: {  	[tilespmem:s18], [sflag:$0x2] =	stream.indirect.gather [hbm4b:s4+s16], $0x80, s25, s16, $0xb8;
	[tilespmem:$0x1E800] =	vst v63  }
0x24: {  	_ =	swait.ge [sflag:s19], $0x4000  }
0x25: {  	[sflag:s19] =	ssyncset.done $0x0  }
0x26: {  	s29 =	simm.s32 $0x1400;
	[sflag:s19] =	ssyncadd.s32 $0xFFFFC000  }
0x27: {  	[spmem:s1] =	stream.indirect.scatter.add.f32 [tilespmem:s17], [sflag:$0x3], $0x80, s29, s16, $0xb8;
	[tilespmem:$0x1E800] =	vst v63  }
0x28: {  	_ =	swait.ge [sflag:s14], $0x4000  }
0x29: {  	[sflag:s14] =	ssyncset.done $0x0  }
0x2a: {  	s30 =	simm.s32 $0x100;
	[sflag:s14] =	ssyncadd.s32 $0xFFFFC000  }
0x2b: {  	[tilespmem:s17], [sflag:$0x1] =	stream.indirect.gather [hbm4b:s4+s16], $0x80, s30, s16, $0xb8;
	[tilespmem:$0x1E800] =	vst v63  }
0x2c: {  	_ =	swait.ge [sflag:s20], $0x4000  }
0x2d: {  	[sflag:s20] =	ssyncset.done $0x0  }
0x2e: {  	s31 =	simm.s32 $0x1480;
	[sflag:s20] =	ssyncadd.s32 $0xFFFFC000  }
0x2f: {  	[spmem:s1] =	stream.indirect.scatter.add.f32 [tilespmem:s18], [sflag:$0x3], $0x80, s31, s16, $0xb8;
	[tilespmem:$0x1E800] =	vst v63  }
0x30: {  	_ =	swait.ge [sflag:s14], $0x4000  }
0x31: {  	s26 =	simm.s32 $0x800;
	s25 =	simm.s32 $0x100;
	[sflag:s14] =	ssyncset.done $0x0  }
.LBB2_2:
0x32: {  	s28 =	sadd.s32 $0x80, s25  }
0x33: {  	[sflag:s14] =	ssyncadd.s32 $0xFFFFC000;
	s29 =	smov.u32 s26;
	s30 =	sadd.s32 $0x400, s26  }
0x34: {  	[tilespmem:s18], [sflag:$0x2] =	stream.indirect.gather [hbm4b:s4+s16], $0x80, s28, s16, $0xb8;
	[tilespmem:$0x1E800] =	vst v63  }
0x35: {  	p0 =	sne.s32 s26, $0x4800;
	_ =	swait.ge [sflag:s19], $0x4000  }
0x36: {  	[sflag:s19] =	ssyncset.done $0x0  }
0x37: {  	s26 =	sadd.s32 $0x1400, s25;
	[sflag:s19] =	ssyncadd.s32 $0xFFFFC000  }
0x38: {  	[spmem:s1] =	stream.indirect.scatter.add.f32 [tilespmem:s17], [sflag:$0x3], $0x80, s26, s16, $0xb8;
	[tilespmem:$0x1E800] =	vst v63  }
0x39: {  	_ =	swait.ge [sflag:s14], $0x4000  }
0x3a: {  	[sflag:s14] =	ssyncset.done $0x0  }
0x3b: {  	s26 =	sadd.s32 $0x100, s25;
	[sflag:s14] =	ssyncadd.s32 $0xFFFFC000  }
0x3c: {  	[tilespmem:s17], [sflag:$0x1] =	stream.indirect.gather [hbm4b:s4+s16], $0x80, s26, s16, $0xb8;
	[tilespmem:$0x1E800] =	vst v63  }
0x3d: {  	_ =	swait.ge [sflag:s20], $0x4000  }
.Ltmp0:
0x3e: {  	[sflag:s20] =	ssyncset.done $0x0;
	(pc) =	sbr.rel @p0 .LBB2_2-.Ltmp0, $4  }
0x3f: {  	s25 =	sadd.s32 $0x1480, s25;
	[sflag:s20] =	ssyncadd.s32 $0xFFFFC000  }
0x40: {  	[spmem:s1] =	stream.indirect.scatter.add.f32 [tilespmem:s18], [sflag:$0x3], $0x80, s25, s16, $0xb8;
	[tilespmem:$0x1E800] =	vst v63  }
0x41: {  	_ =	swait.ge [sflag:s14], $0x4000  }
0x42: {  	s26 =	smov.u32 s30;
	s25 =	sshra.s32 s29, $0x2;
	[sflag:s14] =	ssyncset.done $0x0  }
0x43: {  	s26 =	sadd.s32 $0x80, s25;
	[sflag:s14] =	ssyncadd.s32 $0xFFFFC000  }
0x44: {  	[tilespmem:s18], [sflag:$0x2] =	stream.indirect.gather [hbm4b:s4+s16], $0x80, s26, s16, $0xb8;
	[tilespmem:$0x1E800] =	vst v63  }
0x45: {  	_ =	swait.ge [sflag:s19], $0x4000  }
0x46: {  	[sflag:s19] =	ssyncset.done $0x0  }
0x47: {  	s29 =	sadd.s32 $0x1400, s25;
	[sflag:s19] =	ssyncadd.s32 $0xFFFFC000  }
0x48: {  	[spmem:s1] =	stream.indirect.scatter.add.f32 [tilespmem:s17], [sflag:$0x3], $0x80, s29, s16, $0xb8;
	[tilespmem:$0x1E800] =	vst v63  }
0x49: {  	_ =	swait.ge [sflag:s14], $0x4000  }
0x4a: {  	[sflag:s14] =	ssyncset.done $0x0  }
0x4b: {  	s30 =	sadd.s32 $0x100, s25;
	[sflag:s14] =	ssyncadd.s32 $0xFFFFC000  }
0x4c: {  	[tilespmem:s17], [sflag:$0x1] =	stream.indirect.gather [hbm4b:s4+s16], $0x80, s30, s16, $0xb8;
	[tilespmem:$0x1E800] =	vst v63  }
0x4d: {  	_ =	swait.ge [sflag:s20], $0x4000  }
0x4e: {  	[sflag:s20] =	ssyncset.done $0x0  }
0x4f: {  	s31 =	sadd.s32 $0x1480, s25;
	[sflag:s20] =	ssyncadd.s32 $0xFFFFC000  }
0x50: {  	[spmem:s1] =	stream.indirect.scatter.add.f32 [tilespmem:s18], [sflag:$0x3], $0x80, s31, s16, $0xb8;
	[tilespmem:$0x1E800] =	vst v63  }
0x51: {  	_ =	swait.ge [sflag:s14], $0x4000  }
0x52: {  	[sflag:s14] =	ssyncset.done $0x0  }
0x53: {  	[sflag:s14] =	ssyncadd.s32 $0xFFFFC000  }
0x54: {  	[tilespmem:s18], [sflag:$0x2] =	stream.indirect.gather [hbm4b:s4+s16], $0x80, s21, s16, $0xb8;
	[tilespmem:$0x1E800] =	vst v63  }
0x55: {  	_ =	swait.ge [sflag:s19], $0x4000  }
0x56: {  	[sflag:s19] =	ssyncset.done $0x0  }
0x57: {  	[sflag:s19] =	ssyncadd.s32 $0xFFFFC000  }
0x58: {  	[spmem:s1] =	stream.indirect.scatter.add.f32 [tilespmem:s17], [sflag:$0x3], $0x80, s22, s16, $0xb8;
	[tilespmem:$0x1E800] =	vst v63  }
0x59: {  	_ =	swait.ge [sflag:s14], $0x4000  }
0x5a: {  	[sflag:s14] =	ssyncset.done $0x0  }
0x5b: {  	[sflag:s14] =	ssyncadd.s32 $0xFFFFC000  }
0x5c: {  	_ =	swait.ge [sflag:s20], $0x4000  }
0x5d: {  	[sflag:s20] =	ssyncset.done $0x0  }
0x5e: {  	[sflag:s20] =	ssyncadd.s32 $0xFFFFC000  }
0x5f: {  	[spmem:s1] =	stream.indirect.scatter.add.f32 [tilespmem:s18], [sflag:$0x3], $0x80, s23, s16, $0xb8;
	[tilespmem:$0x1E800] =	vst v63  }
0x60: {  	_ =	swait.ge [sflag:s14], $0x4000  }
0x61: {  	[sflag:s14] =	ssyncset.done $0x0  }
0x62: {  	s26 =	simm.s32 $0x0;
	[sflag:s14] =	ssyncadd.s32 $0xFFFFC000  }
0x63: {  	[tilespmem:s26], [sflag:$0x3] =	stream.linear.gather [hbm4b:s9+s26], $0x1400, $0x38;
	[tilespmem:$0x1E800] =	vst v63  }
0x64: {  	_ =	swait.ge [sflag:s14], $0x1400  }
0x65: {  	[sflag:s14] =	ssyncset.done $0x0  }
0x66: {  	[sflag:s14] =	ssyncadd.s32 $0xFFFFEC00  }
0x67: {  	[tilespmem:s15], [sflag:$0x3] =	stream.linear.gather [hbm4b:s10+s26], $0x1400, $0x38;
	[tilespmem:$0x1E800] =	vst v63  }
0x68: {  	_ =	swait.ge [sflag:s14], $0x1400  }
0x69: {  	[sflag:s14] =	ssyncset.done $0x0  }
0x6a: {  	[sflag:s14] =	ssyncadd.s32 $0xFFFFEC00  }
0x6b: {  	[tilespmem:s17], [sflag:$0x1] =	stream.indirect.gather [hbm4b:s4+s16], $0x80, s26, s16, $0xb8;
	[tilespmem:$0x1E800] =	vst v63  }
0x6c: {  	s28 =	simm.s32 $0x80  }
0x6d: {  	[tilespmem:s18], [sflag:$0x2] =	stream.indirect.gather [hbm4b:s4+s16], $0x80, s28, s16, $0xb8;
	[tilespmem:$0x1E800] =	vst v63  }
0x6e: {  	_ =	swait.ge [sflag:s19], $0x4000  }
0x6f: {  	[sflag:s19] =	ssyncset.done $0x0  }
0x70: {  	s29 =	simm.s32 $0x1400;
	[sflag:s19] =	ssyncadd.s32 $0xFFFFC000  }
0x71: {  	[spmem:s1] =	stream.indirect.scatter.add.f32 [tilespmem:s17], [sflag:$0x3], $0x80, s29, s16, $0xb8;
	[tilespmem:$0x1E800] =	vst v63  }
0x72: {  	_ =	swait.ge [sflag:s14], $0x4000  }
0x73: {  	[sflag:s14] =	ssyncset.done $0x0  }
0x74: {  	s30 =	simm.s32 $0x100;
	[sflag:s14] =	ssyncadd.s32 $0xFFFFC000  }
0x75: {  	[tilespmem:s17], [sflag:$0x1] =	stream.indirect.gather [hbm4b:s4+s16], $0x80, s30, s16, $0xb8;
	[tilespmem:$0x1E800] =	vst v63  }
0x76: {  	_ =	swait.ge [sflag:s20], $0x4000  }
0x77: {  	[sflag:s20] =	ssyncset.done $0x0  }
0x78: {  	s31 =	simm.s32 $0x1480;
	[sflag:s20] =	ssyncadd.s32 $0xFFFFC000  }
0x79: {  	[spmem:s1] =	stream.indirect.scatter.add.f32 [tilespmem:s18], [sflag:$0x3], $0x80, s31, s16, $0xb8;
	[tilespmem:$0x1E800] =	vst v63  }
0x7a: {  	_ =	swait.ge [sflag:s14], $0x4000  }
0x7b: {  	s25 =	simm.s32 $0x100;
	s26 =	simm.s32 $0x800;
	[sflag:s14] =	ssyncset.done $0x0  }
.LBB2_4:
0x7c: {  	s28 =	sadd.s32 $0x80, s25  }
0x7d: {  	[sflag:s14] =	ssyncadd.s32 $0xFFFFC000;
	s29 =	smov.u32 s26;
	s30 =	sadd.s32 $0x400, s26  }
0x7e: {  	[tilespmem:s18], [sflag:$0x2] =	stream.indirect.gather [hbm4b:s4+s16], $0x80, s28, s16, $0xb8;
	[tilespmem:$0x1E800] =	vst v63  }
0x7f: {  	p0 =	sne.s32 s26, $0x4800;
	_ =	swait.ge [sflag:s19], $0x4000  }
0x80: {  	[sflag:s19] =	ssyncset.done $0x0  }
0x81: {  	s26 =	sadd.s32 $0x1400, s25;
	[sflag:s19] =	ssyncadd.s32 $0xFFFFC000  }
0x82: {  	[spmem:s1] =	stream.indirect.scatter.add.f32 [tilespmem:s17], [sflag:$0x3], $0x80, s26, s16, $0xb8;
	[tilespmem:$0x1E800] =	vst v63  }
0x83: {  	_ =	swait.ge [sflag:s14], $0x4000  }
0x84: {  	[sflag:s14] =	ssyncset.done $0x0  }
0x85: {  	s26 =	sadd.s32 $0x100, s25;
	[sflag:s14] =	ssyncadd.s32 $0xFFFFC000  }
0x86: {  	[tilespmem:s17], [sflag:$0x1] =	stream.indirect.gather [hbm4b:s4+s16], $0x80, s26, s16, $0xb8;
	[tilespmem:$0x1E800] =	vst v63  }
0x87: {  	_ =	swait.ge [sflag:s20], $0x4000  }
.Ltmp1:
0x88: {  	[sflag:s20] =	ssyncset.done $0x0;
	(pc) =	sbr.rel @p0 .LBB2_4-.Ltmp1, $4  }
0x89: {  	s25 =	sadd.s32 $0x1480, s25;
	[sflag:s20] =	ssyncadd.s32 $0xFFFFC000  }
0x8a: {  	[spmem:s1] =	stream.indirect.scatter.add.f32 [tilespmem:s18], [sflag:$0x3], $0x80, s25, s16, $0xb8;
	[tilespmem:$0x1E800] =	vst v63  }
0x8b: {  	_ =	swait.ge [sflag:s14], $0x4000  }
0x8c: {  	s26 =	smov.u32 s30;
	s25 =	sshra.s32 s29, $0x2;
	[sflag:s14] =	ssyncset.done $0x0  }
0x8d: {  	s26 =	sadd.s32 $0x80, s25;
	[sflag:s14] =	ssyncadd.s32 $0xFFFFC000  }
0x8e: {  	[tilespmem:s18], [sflag:$0x2] =	stream.indirect.gather [hbm4b:s4+s16], $0x80, s26, s16, $0xb8;
	[tilespmem:$0x1E800] =	vst v63  }
0x8f: {  	_ =	swait.ge [sflag:s19], $0x4000  }
0x90: {  	[sflag:s19] =	ssyncset.done $0x0  }
0x91: {  	s29 =	sadd.s32 $0x1400, s25;
	[sflag:s19] =	ssyncadd.s32 $0xFFFFC000  }
0x92: {  	[spmem:s1] =	stream.indirect.scatter.add.f32 [tilespmem:s17], [sflag:$0x3], $0x80, s29, s16, $0xb8;
	[tilespmem:$0x1E800] =	vst v63  }
0x93: {  	_ =	swait.ge [sflag:s14], $0x4000  }
0x94: {  	[sflag:s14] =	ssyncset.done $0x0  }
0x95: {  	s30 =	sadd.s32 $0x100, s25;
	[sflag:s14] =	ssyncadd.s32 $0xFFFFC000  }
0x96: {  	[tilespmem:s17], [sflag:$0x1] =	stream.indirect.gather [hbm4b:s4+s16], $0x80, s30, s16, $0xb8;
	[tilespmem:$0x1E800] =	vst v63  }
0x97: {  	_ =	swait.ge [sflag:s20], $0x4000  }
0x98: {  	[sflag:s20] =	ssyncset.done $0x0  }
0x99: {  	s31 =	sadd.s32 $0x1480, s25;
	[sflag:s20] =	ssyncadd.s32 $0xFFFFC000  }
0x9a: {  	[spmem:s1] =	stream.indirect.scatter.add.f32 [tilespmem:s18], [sflag:$0x3], $0x80, s31, s16, $0xb8;
	[tilespmem:$0x1E800] =	vst v63  }
0x9b: {  	_ =	swait.ge [sflag:s14], $0x4000  }
0x9c: {  	[sflag:s14] =	ssyncset.done $0x0  }
0x9d: {  	[sflag:s14] =	ssyncadd.s32 $0xFFFFC000  }
0x9e: {  	[tilespmem:s18], [sflag:$0x2] =	stream.indirect.gather [hbm4b:s4+s16], $0x80, s21, s16, $0xb8;
	[tilespmem:$0x1E800] =	vst v63  }
0x9f: {  	_ =	swait.ge [sflag:s19], $0x4000  }
0xa0: {  	[sflag:s19] =	ssyncset.done $0x0  }
0xa1: {  	[sflag:s19] =	ssyncadd.s32 $0xFFFFC000  }
0xa2: {  	[spmem:s1] =	stream.indirect.scatter.add.f32 [tilespmem:s17], [sflag:$0x3], $0x80, s22, s16, $0xb8;
	[tilespmem:$0x1E800] =	vst v63  }
0xa3: {  	_ =	swait.ge [sflag:s14], $0x4000  }
0xa4: {  	[sflag:s14] =	ssyncset.done $0x0  }
0xa5: {  	[sflag:s14] =	ssyncadd.s32 $0xFFFFC000  }
0xa6: {  	_ =	swait.ge [sflag:s20], $0x4000  }
0xa7: {  	[sflag:s20] =	ssyncset.done $0x0  }
0xa8: {  	[sflag:s20] =	ssyncadd.s32 $0xFFFFC000  }
0xa9: {  	[spmem:s1] =	stream.indirect.scatter.add.f32 [tilespmem:s18], [sflag:$0x3], $0x80, s23, s16, $0xb8;
	[tilespmem:$0x1E800] =	vst v63  }
0xaa: {  	_ =	swait.ge [sflag:s14], $0x4000  }
0xab: {  	s24 =	sadd.s32 $0x1, s24;
	[sflag:s14] =	ssyncset.done $0x0  }
0xac: {  	p0 =	sne.s32 s24, s12;
	[sflag:s14] =	ssyncadd.s32 $0xFFFFC000  }
.Ltmp2:
0xad: {  	[bflag:$0x0] =	sbarrier.arrive $0xFFFF;
	(pc) =	sbr.rel @p0 .LBB2_1-.Ltmp2, $4  }
0xae: {  	[hbm:s11], [sflag:s6] =	dma.local [spmem:s13], $0x2800  }
0xaf: {  	_ =	swait.ge [sflag:s14], $0x2800  }
0xb0: {  	[sflag:s14] =	ssyncset.done $0x0  }
0xb1: {  	[sflag:s14] =	ssyncadd.s32 $0xFFFFD800  }
0xb2: {  	_ =	sfence.sel $0x180000  }
0xb3: {  	[bflag:$0x0] =	sbarrier.arrive $0xFFFF  }
0xb4: {  	p0 =	sne.s32 s3, $0x0;
	_ =	strace $0x9000004D  }
0xb5: {  	s0 =	sadd.s32 @!p0 $0x100000, s0;
	[bflag:$0x2] =	sbarrier.arrive $0xFFFF  }
0xb6: {  	[sflag:s0] =	ssyncadd.tile.s32 @!p0 $0x1;
	_ =	shalt  }
.Lfunc_end2:
_tile_overlayer_lowered:
.L_overlay_start_2:
0xb7: {  	(tag) =	ssettag $0x2  }
0xb8: {  	s0 =	rddreg [dreg:$0x0];
	s2 =	stileid.u32  }
0xb9: {  	s1 =	rddreg [dreg:$0x1];
	p0 =	sne.s32 s2, $0x0  }
0xba: {  	s3 =	rddreg [dreg:$0x2];
	[bflag:$0x3] =	sbarrier.arrive $0xFFFF;
	s2 =	simm.s32 @!p0 $0x1C03  }
0xbb: {  	[timem:s3], [sflag:s2] =	dma.local @!p0 [hbm:s0], s1  }
0xbc: {  	s0 =	simm.s32 @!p0 $0x3  }
0xbd: {  	_ =	swait.ge @!p0 [sflag:s0], s1  }
0xbe: {  	s1 =	ssub.s32 @!p0 $0x0, s1;
	[sflag:s0] =	ssyncset.done @!p0 $0x0  }
0xbf: {  	[sflag:s0] =	ssyncadd.s32 @!p0 s1  }
0xc0: {  	[bflag:$0x3] =	sbarrier.arrive $0xFFFF  }
0xc1: {  	_ =	shalt  }

// kernel: kernel.24.cloned.1.call-start
scs
__scs_entry_jumppad:
0x0: {  	(pc) =	sbr.rel $0x88, $3  }
0x1: {  	(tag) =	ssettag $0x0;
	lr =	simm.s32 $0x1  }
0x2: {  	[smem:$0x3F8E] =	sst lr;
	_ =	strace $0xD0000000  }
0x3: {  	_ = 	snop  }
0x4: {  	_ = 	snop  }
0x5: {  	_ = 	snop  }
0x6: {  	_ = 	snop  }
0x7: {  	_ = 	snop  }
__scs_overlays_trampoline_lowered:
0x8: {  	[smem:$0x3F9D] =	sst s0  }
0x9: {  	[smem:$0x3F9E] =	sst s1  }
0xa: {  	[smem:$0x3F9F] =	sst s2  }
0xb: {  	[smem:$0x3FA0] =	sst s3  }
0xc: {  	[smem:$0x3FA1] =	sst s4  }
0xd: {  	[smem:$0x3FA2] =	sst s5  }
0xe: {  	[smem:$0x3FA3] =	sst s6  }
0xf: {  	[smem:$0x3FA4] =	sst s7  }
0x10: {  	[smem:$0x3FA5] =	sst s8  }
0x11: {  	[smem:$0x3FA6] =	sst s9;
	s0 =	simm.s32 @!p0 $0x0  }
0x12: {  	s1 =	sld [smem:$0x3F8C];
	s0 =	simm.s32 @p0 $0x1  }
0x13: {  	[smem:$0x3FA7] =	sst s0;
	s0 =	simm.s32 @!p1 $0x0  }
0x14: {  	s2 =	sld [smem:$0x3F8B];
	s0 =	simm.s32 @p1 $0x1  }
0x15: {  	[smem:$0x3FA8] =	sst s0;
	s0 =	simm.s32 @!p2 $0x0  }
0x16: {  	s3 =	sld [smem:$0x3FDB];
	s0 =	simm.s32 @p2 $0x1  }
0x17: {  	s4 =	simm.s32 $0x1BF5;
	[smem:$0x3FAA] =	sst s0  }
0x18: {  	s0 =	sld [smem:$0x3F8D];
	_ =	swait.ge [sflag:s4], $0x0  }
0x19: {  	s7 =	sld [smem:$0x3F8E]  }
0x1a: {  	s8 =	sadd.s32 $0xFFFFE003, lr  }
0x1b: {  	s9 =	sadd.s32 $0xFFFFFEF7, lr;
	s5 =	simm.s32 $0xFFFFFFFF;
	p2 =	slt.u32 s8, $0xFFFFF086  }
0x1c: {  	p1 =	slt.u32 s9, $0xF7A;
	s5 =	simm.s32 @!p2 $0x0  }
0x1d: {  	s5 =	simm.s32 @p1 $0x1;
	p0 =	seq.s32 s7, s2  }
0x1e: {  	s7 =	smul.u32 @!p0 $0xF7A, s2;
	p2 =	seq.s32 @!p0 s5, $0x0  }
0x1f: {  	s9 =	smul.u32 $0xF7A, s1;
	s8 =	simm.s32 @!p0 $0x1BF5;
	p2 =	por !p2, p0  }
0x20: {  	[sflag:s8] =	ssyncset.s32 @!p0 $0xFFFFF086;
	s6 =	sadd.s32 @!p0 s3, s7;
	s7 =	simm.s32 @!p0 $0x108  }
0x21: {  	s3 =	sadd.s32 s3, s9;
	s6 =	sadd.s32 @!p0 $0x88, s6;
	s7 =	simm.s32 @p2 $0x1082  }
0x22: {  	[simem:s7], [sflag:s8] =	dma.local @!p0 [hbm:s6], $0xF7A  }
0x23: {  	s9 =	sor.u32 $0xD0000000, s2;
	s6 =	simm.s32 $0x108;
	_ =	swait.ge @!p0 [sflag:s8], $0x0  }
0x24: {  	s3 =	sadd.s32 $0x88, s3;
	s6 =	simm.s32 @!p1 $0x1082;
	[sflag:s4] =	ssyncset.s32 $0xFFFFF086  }
0x25: {  	[simem:s6], [sflag:s4] =	dma.local [hbm:s3], $0xF7A  }
0x26: {  	[smem:$0x3F8E] =	sst s1;
	(tag) =	ssettag s2;
	_ =	strace s9  }
0x27: {  	s1 =	sld [smem:$0x3F9E]  }
0x28: {  	s2 =	sld [smem:$0x3F9F]  }
0x29: {  	s4 =	sld [smem:$0x3FA1]  }
0x2a: {  	p0 =	seq.s32 s5, $0x0;
	s5 =	sld [smem:$0x3FA2]  }
0x2b: {  	s6 =	sld [smem:$0x3FA3]  }
0x2c: {  	s7 =	sld [smem:$0x3FA4]  }
0x2d: {  	s3 =	simm.s32 $0x108;
	s8 =	sld [smem:$0x3FA5]  }
0x2e: {  	s3 =	simm.s32 @!p0 $0x1082;
	s9 =	sld [smem:$0x3FA6]  }
0x2f: {  	lr =	sadd.s32 s0, s3;
	s0 =	sld [smem:$0x3F9D]  }
0x30: {  	s3 =	sld [smem:$0x3FA0]  }
0x31: {  	[smem:$0x3FA9] =	sst s10  }
0x32: {  	s10 =	sld [smem:$0x3FA7];
	_ =	sdelay $0x3  }
0x33: {  	p0 =	seq.s32 s10, $0x1;
	s10 =	sld [smem:$0x3FA9];
	_ =	sdelay $0x3  }
0x34: {  	[smem:$0x3FA9] =	sst s10  }
0x35: {  	s10 =	sld [smem:$0x3FA8];
	_ =	sdelay $0x3  }
0x36: {  	p1 =	seq.s32 s10, $0x1;
	s10 =	sld [smem:$0x3FA9];
	_ =	sdelay $0x3  }
0x37: {  	[smem:$0x3FA9] =	sst s10  }
0x38: {  	s10 =	sld [smem:$0x3FAA]  }
0x39: {  	_ = 	snop;
	(pc) =	sbr.ind lr, $3  }
0x3a: {  	_ = 	snop  }
0x3b: {  	_ = 	snop  }
0x3c: {  	p2 =	seq.s32 s10, $0x1;
	s10 =	sld [smem:$0x3FA9]  }
0x3d: {  	_ =	shalt  }
0x3e: {  	_ =	shalt  }
0x3f: {  	_ =	shalt  }
0x40: {  	_ =	shalt  }
0x41: {  	_ =	shalt  }
0x42: {  	_ =	shalt  }
0x43: {  	_ =	shalt  }
0x44: {  	_ =	shalt  }
0x45: {  	_ =	shalt  }
0x46: {  	_ =	shalt  }
0x47: {  	_ =	shalt  }
0x48: {  	_ =	shalt  }
0x49: {  	_ =	shalt  }
0x4a: {  	_ =	shalt  }
0x4b: {  	_ =	shalt  }
0x4c: {  	_ =	shalt  }
0x4d: {  	_ =	shalt  }
0x4e: {  	_ =	shalt  }
0x4f: {  	_ =	shalt  }
0x50: {  	_ =	shalt  }
0x51: {  	_ =	shalt  }
0x52: {  	_ =	shalt  }
0x53: {  	_ =	shalt  }
0x54: {  	_ =	shalt  }
0x55: {  	_ =	shalt  }
0x56: {  	_ =	shalt  }
0x57: {  	_ =	shalt  }
0x58: {  	_ =	shalt  }
0x59: {  	_ =	shalt  }
0x5a: {  	_ =	shalt  }
0x5b: {  	_ =	shalt  }
0x5c: {  	_ =	shalt  }
0x5d: {  	_ =	shalt  }
0x5e: {  	_ =	shalt  }
0x5f: {  	_ =	shalt  }
0x60: {  	_ =	shalt  }
0x61: {  	_ =	shalt  }
0x62: {  	_ =	shalt  }
0x63: {  	_ =	shalt  }
0x64: {  	_ =	shalt  }
0x65: {  	_ =	shalt  }
0x66: {  	_ =	shalt  }
0x67: {  	_ =	shalt  }
0x68: {  	_ =	shalt  }
0x69: {  	_ =	shalt  }
0x6a: {  	_ =	shalt  }
0x6b: {  	_ =	shalt  }
0x6c: {  	_ =	shalt  }
0x6d: {  	_ =	shalt  }
0x6e: {  	_ =	shalt  }
0x6f: {  	_ =	shalt  }
0x70: {  	_ =	shalt  }
0x71: {  	_ =	shalt  }
0x72: {  	_ =	shalt  }
0x73: {  	_ =	shalt  }
0x74: {  	_ =	shalt  }
0x75: {  	_ =	shalt  }
0x76: {  	_ =	shalt  }
0x77: {  	_ =	shalt  }
0x78: {  	_ =	shalt  }
0x79: {  	_ =	shalt  }
0x7a: {  	_ =	shalt  }
0x7b: {  	_ =	shalt  }
0x7c: {  	_ =	shalt  }
0x7d: {  	_ =	shalt  }
0x7e: {  	_ =	shalt  }
0x7f: {  	_ =	shalt  }
0x80: {  	_ =	shalt  }
0x81: {  	_ =	shalt  }
0x82: {  	_ =	shalt  }
0x83: {  	_ =	shalt  }
0x84: {  	_ =	shalt  }
0x85: {  	_ =	shalt  }
0x86: {  	_ =	shalt  }
0x87: {  	_ =	shalt  }
.Lfunc_end0:
.L_simem_size_0:
called_computation.3_lowered:
.L_overlay_start_0:
0x88: {  	s2 =	sld [smem:$0x3FD9]  }
0x89: {  	s3 =	sld [smem:$0x3FFE];
	_ =	sdelay $0x1  }
0x8a: {  	s1 =	srdreg.scid  }
0x8b: {  	s0 =	sand.u32 $0x1, s1  }
0x8c: {  	s14 =	sshll.u32 s0, $0xA;
	s2 =	sadd.s32 s3, s2  }
0x8d: {  	s2 =	sadd.s32 s2, s14  }
0x8e: {  	[smem:$0x3FB5] =	sst s2  }
0x8f: {  	_ = 	snop  }
0x90: {  	s2 =	sld [smem:$0x3FD0];
	_ =	sdelay $0x2  }
0x91: {  	s15 =	simm.s32 $0xA;
	s4 =	simm.s32 $0x10  }
0x92: {  	[smem:s4], [sflag:s15] =	dma.local [hbm:s2], $0x1  }
0x93: {  	_ =	swait.eq [sflag:s15], $0x1  }
0x94: {  	[sflag:s15] =	ssyncset.done $0x0  }
0x95: {  	[sflag:s15] =	ssyncadd.s32 $0xFFFFFFFF  }
0x96: {  	s16 =	sld [smem:$0x11];
	(tm) =	ssettm $0x1  }
0x97: {  	s17 =	sld [smem:$0x3FFB];
	_ =	sdelay $0x3  }
0x98: {  	_ =	strace s17  }
0x99: {  	s3 =	sld [smem:$0x3FFC];
	_ =	sdelay $0x3  }
0x9a: {  	_ =	strace s3  }
0x9b: {  	s3 =	sld [smem:$0x3FFD];
	_ =	sdelay $0x3  }
0x9c: {  	_ =	strace s3  }
0x9d: {  	_ =	strace $0x8FFFFFFF  }
0x9e: {  	s18 =	sld [smem:$0x3FDB];
	_ =	sdelay $0x1  }
0x9f: {  	s19 =	simm.s32 $_scs_section_size  }
0xa0: {  	s5 =	simm.s32 $_size__tile_overlayer_lowered;
	s6 =	simm.s32 $_tile_overlayer_lowered  }
0xa1: {  	s22 =	simm.s32 $0x1BFF;
	s21 =	sshll.u32 s6, $0x1;
	s3 =	sadd.s32 s19, s18  }
0xa2: {  	s7 =	simm.s32 $0x0;
	s20 =	sshll.u32 s5, $0x1;
	s5 =	sadd.s32 s21, s3  }
0xa3: {  	[timem:s7], [sflag:s22] =	dma.local [hbm:s5], s20  }
0xa4: {  	_ =	swait.ge [sflag:s22], s20  }
0xa5: {  	s4 =	ssub.s32 $0x0, s20;
	[sflag:s22] =	ssyncset.done $0x0  }
0xa6: {  	[sflag:s22] =	ssyncadd.s32 s4;
	_ =	sdelay $0x1  }
0xa7: {  	s23 =	simm.s32 $0x1B8B  }
0xa8: {  	_ =	swait.ge [sflag:s23], $0x1  }
0xa9: {  	[sflag:s23] =	ssyncset.done $0x0  }
0xaa: {  	s25 =	simm.s32 $0x1B8E;
	s24 =	sld [smem:$0x3FFE];
	[sflag:s23] =	ssyncadd.s32 $0xFFFFFFFF  }
0xab: {  	s26 =	simm.s32 $execute0_lowered;
	[smem:$0x3FD2] =	sst s25  }
0xac: {  	s5 =	sshll.u32 s26, $0x1;
	_ =	strace $0x8000004F;
	[dreg:$0x1] =	wrdreg $0xFFFFFFFF  }
0xad: {  	s28 =	simm.s32 $_size_execute0_lowered;
	s3 =	sadd.s32 s3, s5;
	[dreg:$0x0] =	wrdreg $0x0  }
0xae: {  	s5 =	sshll.u32 s28, $0x1;
	[dreg:$0x2] =	wrdreg s3  }
0xaf: {  	[dreg:$0x3] =	wrdreg s5  }
0xb0: {  	[dreg:$0x4] =	wrdreg $0xC0  }
0xb1: {  	_ =	task [dreg:s7], $0x5FFFF  }
0xb2: {  	[dreg:$0x1] =	wrdreg $0xFFFFFFFF  }
0xb3: {  	[dreg:$0x0] =	wrdreg $0x60  }
0xb4: {  	[dreg:$0x2] =	wrdreg s24  }
0xb5: {  	[dreg:$0x3] =	wrdreg s16  }
0xb6: {  	[dreg:$0x4] =	wrdreg $0xA8000  }
0xb7: {  	[dreg:$0x5] =	wrdreg $0x9  }
0xb8: {  	_ =	task.clear_ibuf [dreg:s7], $0x6FFFF;
	_ =	strace $0x9000004F  }
0xb9: {  	s29 =	simm.s32 $0x9;
	_ =	strace $0x80000051  }
0xba: {  	_ =	swait.ge [sflag:s29], $0x1  }
0xbb: {  	[sflag:s29] =	ssyncadd.s32 $0xFFFFFFFF  }
0xbc: {  	_ =	strace $0x90000051  }
0xbd: {  	_ =	sfence  }
0xbe: {  	s30 =	sld [smem:$0x0];
	_ =	sdelay $0x2  }
0xbf: {  	s31 =	sshll.u32 s1, $0xD;
	s1 =	sshrl.u32 s1, $0x2  }
0xc0: {  	s3 =	sand.u32 $0x4000, s31;
	s1 =	sadd.s32 s1, s30  }
0xc1: {  	s0 =	sor.u32 s3, s0;
	s1 =	sshll.u32 s1, $0x11  }
0xc2: {  	s0 =	sor.u32 s1, s0  }
0xc3: {  	s0 =	sadd.s32 $0x8F2B, s0  }
0xc4: {  	[sflag:s0] =	ssyncadd.remote.s32 $0x1  }
0xc5: {  	_ =	sfence.sel $0xFFFF  }
0xc6: {  	[dreg:$0x0] =	wrdreg $0xFFFFFFFF;
	(pc) =	sbr.abs _section_cstart, $3  }
0xc7: {  	[dreg:$0x1] =	wrdreg $0xFFFFFFFF  }
0xc8: {  	_ =	task.clear_ibuf [dreg:s7], $0x2FFFF;
	_ =	strace $0x9FFFFFFF  }
0xc9: {  	(tm) =	ssettm $0x7FFFFFFF  }
tec
execute0_lowered:
.L_overlay_start_1:
0x0: {  	(tag) =	ssettag $0x1  }
0x1: {  	s6 =	rddreg [dreg:$0x0]  }
0x2: {  	s9 =	rddreg [dreg:$0x1]  }
0x3: {  	s1 =	rddreg [dreg:$0x2]  }
0x4: {  	s0 =	rddreg [dreg:$0x3]  }
0x5: {  	s2 =	simm.s32 $0x0;
	s5 =	srdreg.scid;
	s3 =	stileid.u32  }
0x6: {  	s16 =	simm.s32 $0x80;
	s17 =	simm.s32 $0x2800;
	s18 =	simm.s32 $0x6800  }
0x7: {  	s19 =	simm.s32 $0x1;
	s20 =	simm.s32 $0x2;
	s21 =	simm.s32 $0x1380  }
0x8: {  	s22 =	simm.s32 $0x2700;
	[smem:$0x7FF] =	sst s2;
	s4 =	sadd.s32 $0x6000, s6  }
0x9: {  	s10 =	sadd.s32 $0xA2400, s6;
	s7 =	sand.u32 $0x1, s5;
	s8 =	smul.u32 $0x2800, s3  }
0xa: {  	s5 =	sadd.s32 $0xAC400, s6;
	s12 =	sshll.u32 s3, $0x1;
	s23 =	smul.u32 $0x50000, s3  }
0xb: {  	s11 =	smul.u32 $0x28000, s7;
	s13 =	ssub.s32 $0x2, s7;
	s7 =	sor.u32 s7, s12  }
0xc: {  	s26 =	sshll.u32 s3, $0x6;
	_ =	strace $0x80000050;
	s14 =	smul.u32 $0x2800, s7  }
0xd: {  	s24 =	sshrl.u32 s13, $0x1;
	s25 =	sshrl.u32 s23, $0x2;
	s28 =	smul.u32 $0x500, s7  }
0xe: {  	s23 =	simm.s32 $0x2780;
	s8 =	sadd.s32 s8, s11;
	s13 =	ssub.s32 s13, s24  }
0xf: {  	s30 =	sadd.s32 s25, s1;
	s24 =	simm.s32 $0x0;
	s15 =	sadd.s32 s8, s6  }
0x10: {  	s29 =	sshrl.u32 s14, $0x3;
	s6 =	sor.u32 $0x1C03, s26;
	s7 =	sadd.s32 s9, s28  }
0x11: {  	s8 =	sadd.s32 s10, s28;
	s12 =	smax.u32 s13, $0x1;
	s13 =	sshrl.u32 s30, $0x3  }
0x12: {  	s14 =	simm.s32 $0x3;
	s31 =	sadd.s32 $0x280, s29;
	s11 =	sadd.s32 $0xAEC00, s15  }
0x13: {  	s15 =	simm.s32 $0x1400;
	s9 =	sadd.s32 s9, s31;
	s10 =	sadd.s32 s10, s31  }
.LBB2_1:
0x14: {  	[spmem:s13], [sflag:s6] =	dma.local [hbm:s5], $0x2800  }
0x15: {  	_ =	swait.ge [sflag:s14], $0x2800  }
0x16: {  	[sflag:s14] =	ssyncset.done $0x0  }
0x17: {  	[sflag:s14] =	ssyncadd.s32 $0xFFFFD800  }
0x18: {  	[bflag:$0x0] =	sbarrier.arrive $0xFFFF  }
0x19: {  	[tilespmem:s2], [sflag:$0x3] =	stream.linear.gather [hbm4b:s7+s2], $0x1400, $0x38;
	[tilespmem:$0x1E800] =	vst v63  }
0x1a: {  	_ =	swait.ge [sflag:s14], $0x1400  }
0x1b: {  	[sflag:s14] =	ssyncset.done $0x0  }
0x1c: {  	[sflag:s14] =	ssyncadd.s32 $0xFFFFEC00  }
0x1d: {  	[tilespmem:s15], [sflag:$0x3] =	stream.linear.gather [hbm4b:s8+s2], $0x1400, $0x38;
	[tilespmem:$0x1E800] =	vst v63  }
0x1e: {  	_ =	swait.ge [sflag:s14], $0x1400  }
0x1f: {  	[sflag:s14] =	ssyncset.done $0x0  }
0x20: {  	[sflag:s14] =	ssyncadd.s32 $0xFFFFEC00  }
0x21: {  	[tilespmem:s17], [sflag:$0x1] =	stream.indirect.gather [hbm4b:s4+s16], $0x80, s2, s16, $0xb8;
	[tilespmem:$0x1E800] =	vst v63  }
0x22: {  	s25 =	simm.s32 $0x80  }
0x23: {  	[tilespmem:s18], [sflag:$0x2] =	stream.indirect.gather [hbm4b:s4+s16], $0x80, s25, s16, $0xb8;
	[tilespmem:$0x1E800] =	vst v63  }
0x24: {  	_ =	swait.ge [sflag:s19], $0x4000  }
0x25: {  	[sflag:s19] =	ssyncset.done $0x0  }
0x26: {  	s29 =	simm.s32 $0x1400;
	[sflag:s19] =	ssyncadd.s32 $0xFFFFC000  }
0x27: {  	[spmem:s1] =	stream.indirect.scatter.add.f32 [tilespmem:s17], [sflag:$0x3], $0x80, s29, s16, $0xb8;
	[tilespmem:$0x1E800] =	vst v63  }
0x28: {  	_ =	swait.ge [sflag:s14], $0x4000  }
0x29: {  	[sflag:s14] =	ssyncset.done $0x0  }
0x2a: {  	s30 =	simm.s32 $0x100;
	[sflag:s14] =	ssyncadd.s32 $0xFFFFC000  }
0x2b: {  	[tilespmem:s17], [sflag:$0x1] =	stream.indirect.gather [hbm4b:s4+s16], $0x80, s30, s16, $0xb8;
	[tilespmem:$0x1E800] =	vst v63  }
0x2c: {  	_ =	swait.ge [sflag:s20], $0x4000  }
0x2d: {  	[sflag:s20] =	ssyncset.done $0x0  }
0x2e: {  	s31 =	simm.s32 $0x1480;
	[sflag:s20] =	ssyncadd.s32 $0xFFFFC000  }
0x2f: {  	[spmem:s1] =	stream.indirect.scatter.add.f32 [tilespmem:s18], [sflag:$0x3], $0x80, s31, s16, $0xb8;
	[tilespmem:$0x1E800] =	vst v63  }
0x30: {  	_ =	swait.ge [sflag:s14], $0x4000  }
0x31: {  	s26 =	simm.s32 $0x800;
	s25 =	simm.s32 $0x100;
	[sflag:s14] =	ssyncset.done $0x0  }
.LBB2_2:
0x32: {  	s28 =	sadd.s32 $0x80, s25  }
0x33: {  	[sflag:s14] =	ssyncadd.s32 $0xFFFFC000;
	s29 =	smov.u32 s26;
	s30 =	sadd.s32 $0x400, s26  }
0x34: {  	[tilespmem:s18], [sflag:$0x2] =	stream.indirect.gather [hbm4b:s4+s16], $0x80, s28, s16, $0xb8;
	[tilespmem:$0x1E800] =	vst v63  }
0x35: {  	p0 =	sne.s32 s26, $0x4800;
	_ =	swait.ge [sflag:s19], $0x4000  }
0x36: {  	[sflag:s19] =	ssyncset.done $0x0  }
0x37: {  	s26 =	sadd.s32 $0x1400, s25;
	[sflag:s19] =	ssyncadd.s32 $0xFFFFC000  }
0x38: {  	[spmem:s1] =	stream.indirect.scatter.add.f32 [tilespmem:s17], [sflag:$0x3], $0x80, s26, s16, $0xb8;
	[tilespmem:$0x1E800] =	vst v63  }
0x39: {  	_ =	swait.ge [sflag:s14], $0x4000  }
0x3a: {  	[sflag:s14] =	ssyncset.done $0x0  }
0x3b: {  	s26 =	sadd.s32 $0x100, s25;
	[sflag:s14] =	ssyncadd.s32 $0xFFFFC000  }
0x3c: {  	[tilespmem:s17], [sflag:$0x1] =	stream.indirect.gather [hbm4b:s4+s16], $0x80, s26, s16, $0xb8;
	[tilespmem:$0x1E800] =	vst v63  }
0x3d: {  	_ =	swait.ge [sflag:s20], $0x4000  }
.Ltmp0:
0x3e: {  	[sflag:s20] =	ssyncset.done $0x0;
	(pc) =	sbr.rel @p0 .LBB2_2-.Ltmp0, $4  }
0x3f: {  	s25 =	sadd.s32 $0x1480, s25;
	[sflag:s20] =	ssyncadd.s32 $0xFFFFC000  }
0x40: {  	[spmem:s1] =	stream.indirect.scatter.add.f32 [tilespmem:s18], [sflag:$0x3], $0x80, s25, s16, $0xb8;
	[tilespmem:$0x1E800] =	vst v63  }
0x41: {  	_ =	swait.ge [sflag:s14], $0x4000  }
0x42: {  	s26 =	smov.u32 s30;
	s25 =	sshra.s32 s29, $0x2;
	[sflag:s14] =	ssyncset.done $0x0  }
0x43: {  	s26 =	sadd.s32 $0x80, s25;
	[sflag:s14] =	ssyncadd.s32 $0xFFFFC000  }
0x44: {  	[tilespmem:s18], [sflag:$0x2] =	stream.indirect.gather [hbm4b:s4+s16], $0x80, s26, s16, $0xb8;
	[tilespmem:$0x1E800] =	vst v63  }
0x45: {  	_ =	swait.ge [sflag:s19], $0x4000  }
0x46: {  	[sflag:s19] =	ssyncset.done $0x0  }
0x47: {  	s29 =	sadd.s32 $0x1400, s25;
	[sflag:s19] =	ssyncadd.s32 $0xFFFFC000  }
0x48: {  	[spmem:s1] =	stream.indirect.scatter.add.f32 [tilespmem:s17], [sflag:$0x3], $0x80, s29, s16, $0xb8;
	[tilespmem:$0x1E800] =	vst v63  }
0x49: {  	_ =	swait.ge [sflag:s14], $0x4000  }
0x4a: {  	[sflag:s14] =	ssyncset.done $0x0  }
0x4b: {  	s30 =	sadd.s32 $0x100, s25;
	[sflag:s14] =	ssyncadd.s32 $0xFFFFC000  }
0x4c: {  	[tilespmem:s17], [sflag:$0x1] =	stream.indirect.gather [hbm4b:s4+s16], $0x80, s30, s16, $0xb8;
	[tilespmem:$0x1E800] =	vst v63  }
0x4d: {  	_ =	swait.ge [sflag:s20], $0x4000  }
0x4e: {  	[sflag:s20] =	ssyncset.done $0x0  }
0x4f: {  	s31 =	sadd.s32 $0x1480, s25;
	[sflag:s20] =	ssyncadd.s32 $0xFFFFC000  }
0x50: {  	[spmem:s1] =	stream.indirect.scatter.add.f32 [tilespmem:s18], [sflag:$0x3], $0x80, s31, s16, $0xb8;
	[tilespmem:$0x1E800] =	vst v63  }
0x51: {  	_ =	swait.ge [sflag:s14], $0x4000  }
0x52: {  	[sflag:s14] =	ssyncset.done $0x0  }
0x53: {  	[sflag:s14] =	ssyncadd.s32 $0xFFFFC000  }
0x54: {  	[tilespmem:s18], [sflag:$0x2] =	stream.indirect.gather [hbm4b:s4+s16], $0x80, s21, s16, $0xb8;
	[tilespmem:$0x1E800] =	vst v63  }
0x55: {  	_ =	swait.ge [sflag:s19], $0x4000  }
0x56: {  	[sflag:s19] =	ssyncset.done $0x0  }
0x57: {  	[sflag:s19] =	ssyncadd.s32 $0xFFFFC000  }
0x58: {  	[spmem:s1] =	stream.indirect.scatter.add.f32 [tilespmem:s17], [sflag:$0x3], $0x80, s22, s16, $0xb8;
	[tilespmem:$0x1E800] =	vst v63  }
0x59: {  	_ =	swait.ge [sflag:s14], $0x4000  }
0x5a: {  	[sflag:s14] =	ssyncset.done $0x0  }
0x5b: {  	[sflag:s14] =	ssyncadd.s32 $0xFFFFC000  }
0x5c: {  	_ =	swait.ge [sflag:s20], $0x4000  }
0x5d: {  	[sflag:s20] =	ssyncset.done $0x0  }
0x5e: {  	[sflag:s20] =	ssyncadd.s32 $0xFFFFC000  }
0x5f: {  	[spmem:s1] =	stream.indirect.scatter.add.f32 [tilespmem:s18], [sflag:$0x3], $0x80, s23, s16, $0xb8;
	[tilespmem:$0x1E800] =	vst v63  }
0x60: {  	_ =	swait.ge [sflag:s14], $0x4000  }
0x61: {  	[sflag:s14] =	ssyncset.done $0x0  }
0x62: {  	s26 =	simm.s32 $0x0;
	[sflag:s14] =	ssyncadd.s32 $0xFFFFC000  }
0x63: {  	[tilespmem:s26], [sflag:$0x3] =	stream.linear.gather [hbm4b:s9+s26], $0x1400, $0x38;
	[tilespmem:$0x1E800] =	vst v63  }
0x64: {  	_ =	swait.ge [sflag:s14], $0x1400  }
0x65: {  	[sflag:s14] =	ssyncset.done $0x0  }
0x66: {  	[sflag:s14] =	ssyncadd.s32 $0xFFFFEC00  }
0x67: {  	[tilespmem:s15], [sflag:$0x3] =	stream.linear.gather [hbm4b:s10+s26], $0x1400, $0x38;
	[tilespmem:$0x1E800] =	vst v63  }
0x68: {  	_ =	swait.ge [sflag:s14], $0x1400  }
0x69: {  	[sflag:s14] =	ssyncset.done $0x0  }
0x6a: {  	[sflag:s14] =	ssyncadd.s32 $0xFFFFEC00  }
0x6b: {  	[tilespmem:s17], [sflag:$0x1] =	stream.indirect.gather [hbm4b:s4+s16], $0x80, s26, s16, $0xb8;
	[tilespmem:$0x1E800] =	vst v63  }
0x6c: {  	s28 =	simm.s32 $0x80  }
0x6d: {  	[tilespmem:s18], [sflag:$0x2] =	stream.indirect.gather [hbm4b:s4+s16], $0x80, s28, s16, $0xb8;
	[tilespmem:$0x1E800] =	vst v63  }
0x6e: {  	_ =	swait.ge [sflag:s19], $0x4000  }
0x6f: {  	[sflag:s19] =	ssyncset.done $0x0  }
0x70: {  	s29 =	simm.s32 $0x1400;
	[sflag:s19] =	ssyncadd.s32 $0xFFFFC000  }
0x71: {  	[spmem:s1] =	stream.indirect.scatter.add.f32 [tilespmem:s17], [sflag:$0x3], $0x80, s29, s16, $0xb8;
	[tilespmem:$0x1E800] =	vst v63  }
0x72: {  	_ =	swait.ge [sflag:s14], $0x4000  }
0x73: {  	[sflag:s14] =	ssyncset.done $0x0  }
0x74: {  	s30 =	simm.s32 $0x100;
	[sflag:s14] =	ssyncadd.s32 $0xFFFFC000  }
0x75: {  	[tilespmem:s17], [sflag:$0x1] =	stream.indirect.gather [hbm4b:s4+s16], $0x80, s30, s16, $0xb8;
	[tilespmem:$0x1E800] =	vst v63  }
0x76: {  	_ =	swait.ge [sflag:s20], $0x4000  }
0x77: {  	[sflag:s20] =	ssyncset.done $0x0  }
0x78: {  	s31 =	simm.s32 $0x1480;
	[sflag:s20] =	ssyncadd.s32 $0xFFFFC000  }
0x79: {  	[spmem:s1] =	stream.indirect.scatter.add.f32 [tilespmem:s18], [sflag:$0x3], $0x80, s31, s16, $0xb8;
	[tilespmem:$0x1E800] =	vst v63  }
0x7a: {  	_ =	swait.ge [sflag:s14], $0x4000  }
0x7b: {  	s25 =	simm.s32 $0x100;
	s26 =	simm.s32 $0x800;
	[sflag:s14] =	ssyncset.done $0x0  }
.LBB2_4:
0x7c: {  	s28 =	sadd.s32 $0x80, s25  }
0x7d: {  	[sflag:s14] =	ssyncadd.s32 $0xFFFFC000;
	s29 =	smov.u32 s26;
	s30 =	sadd.s32 $0x400, s26  }
0x7e: {  	[tilespmem:s18], [sflag:$0x2] =	stream.indirect.gather [hbm4b:s4+s16], $0x80, s28, s16, $0xb8;
	[tilespmem:$0x1E800] =	vst v63  }
0x7f: {  	p0 =	sne.s32 s26, $0x4800;
	_ =	swait.ge [sflag:s19], $0x4000  }
0x80: {  	[sflag:s19] =	ssyncset.done $0x0  }
0x81: {  	s26 =	sadd.s32 $0x1400, s25;
	[sflag:s19] =	ssyncadd.s32 $0xFFFFC000  }
0x82: {  	[spmem:s1] =	stream.indirect.scatter.add.f32 [tilespmem:s17], [sflag:$0x3], $0x80, s26, s16, $0xb8;
	[tilespmem:$0x1E800] =	vst v63  }
0x83: {  	_ =	swait.ge [sflag:s14], $0x4000  }
0x84: {  	[sflag:s14] =	ssyncset.done $0x0  }
0x85: {  	s26 =	sadd.s32 $0x100, s25;
	[sflag:s14] =	ssyncadd.s32 $0xFFFFC000  }
0x86: {  	[tilespmem:s17], [sflag:$0x1] =	stream.indirect.gather [hbm4b:s4+s16], $0x80, s26, s16, $0xb8;
	[tilespmem:$0x1E800] =	vst v63  }
0x87: {  	_ =	swait.ge [sflag:s20], $0x4000  }
.Ltmp1:
0x88: {  	[sflag:s20] =	ssyncset.done $0x0;
	(pc) =	sbr.rel @p0 .LBB2_4-.Ltmp1, $4  }
0x89: {  	s25 =	sadd.s32 $0x1480, s25;
	[sflag:s20] =	ssyncadd.s32 $0xFFFFC000  }
0x8a: {  	[spmem:s1] =	stream.indirect.scatter.add.f32 [tilespmem:s18], [sflag:$0x3], $0x80, s25, s16, $0xb8;
	[tilespmem:$0x1E800] =	vst v63  }
0x8b: {  	_ =	swait.ge [sflag:s14], $0x4000  }
0x8c: {  	s26 =	smov.u32 s30;
	s25 =	sshra.s32 s29, $0x2;
	[sflag:s14] =	ssyncset.done $0x0  }
0x8d: {  	s26 =	sadd.s32 $0x80, s25;
	[sflag:s14] =	ssyncadd.s32 $0xFFFFC000  }
0x8e: {  	[tilespmem:s18], [sflag:$0x2] =	stream.indirect.gather [hbm4b:s4+s16], $0x80, s26, s16, $0xb8;
	[tilespmem:$0x1E800] =	vst v63  }
0x8f: {  	_ =	swait.ge [sflag:s19], $0x4000  }
0x90: {  	[sflag:s19] =	ssyncset.done $0x0  }
0x91: {  	s29 =	sadd.s32 $0x1400, s25;
	[sflag:s19] =	ssyncadd.s32 $0xFFFFC000  }
0x92: {  	[spmem:s1] =	stream.indirect.scatter.add.f32 [tilespmem:s17], [sflag:$0x3], $0x80, s29, s16, $0xb8;
	[tilespmem:$0x1E800] =	vst v63  }
0x93: {  	_ =	swait.ge [sflag:s14], $0x4000  }
0x94: {  	[sflag:s14] =	ssyncset.done $0x0  }
0x95: {  	s30 =	sadd.s32 $0x100, s25;
	[sflag:s14] =	ssyncadd.s32 $0xFFFFC000  }
0x96: {  	[tilespmem:s17], [sflag:$0x1] =	stream.indirect.gather [hbm4b:s4+s16], $0x80, s30, s16, $0xb8;
	[tilespmem:$0x1E800] =	vst v63  }
0x97: {  	_ =	swait.ge [sflag:s20], $0x4000  }
0x98: {  	[sflag:s20] =	ssyncset.done $0x0  }
0x99: {  	s31 =	sadd.s32 $0x1480, s25;
	[sflag:s20] =	ssyncadd.s32 $0xFFFFC000  }
0x9a: {  	[spmem:s1] =	stream.indirect.scatter.add.f32 [tilespmem:s18], [sflag:$0x3], $0x80, s31, s16, $0xb8;
	[tilespmem:$0x1E800] =	vst v63  }
0x9b: {  	_ =	swait.ge [sflag:s14], $0x4000  }
0x9c: {  	[sflag:s14] =	ssyncset.done $0x0  }
0x9d: {  	[sflag:s14] =	ssyncadd.s32 $0xFFFFC000  }
0x9e: {  	[tilespmem:s18], [sflag:$0x2] =	stream.indirect.gather [hbm4b:s4+s16], $0x80, s21, s16, $0xb8;
	[tilespmem:$0x1E800] =	vst v63  }
0x9f: {  	_ =	swait.ge [sflag:s19], $0x4000  }
0xa0: {  	[sflag:s19] =	ssyncset.done $0x0  }
0xa1: {  	[sflag:s19] =	ssyncadd.s32 $0xFFFFC000  }
0xa2: {  	[spmem:s1] =	stream.indirect.scatter.add.f32 [tilespmem:s17], [sflag:$0x3], $0x80, s22, s16, $0xb8;
	[tilespmem:$0x1E800] =	vst v63  }
0xa3: {  	_ =	swait.ge [sflag:s14], $0x4000  }
0xa4: {  	[sflag:s14] =	ssyncset.done $0x0  }
0xa5: {  	[sflag:s14] =	ssyncadd.s32 $0xFFFFC000  }
0xa6: {  	_ =	swait.ge [sflag:s20], $0x4000  }
0xa7: {  	[sflag:s20] =	ssyncset.done $0x0  }
0xa8: {  	[sflag:s20] =	ssyncadd.s32 $0xFFFFC000  }
0xa9: {  	[spmem:s1] =	stream.indirect.scatter.add.f32 [tilespmem:s18], [sflag:$0x3], $0x80, s23, s16, $0xb8;
	[tilespmem:$0x1E800] =	vst v63  }
0xaa: {  	_ =	swait.ge [sflag:s14], $0x4000  }
0xab: {  	s24 =	sadd.s32 $0x1, s24;
	[sflag:s14] =	ssyncset.done $0x0  }
0xac: {  	p0 =	sne.s32 s24, s12;
	[sflag:s14] =	ssyncadd.s32 $0xFFFFC000  }
.Ltmp2:
0xad: {  	[bflag:$0x0] =	sbarrier.arrive $0xFFFF;
	(pc) =	sbr.rel @p0 .LBB2_1-.Ltmp2, $4  }
0xae: {  	[hbm:s11], [sflag:s6] =	dma.local [spmem:s13], $0x2800  }
0xaf: {  	_ =	swait.ge [sflag:s14], $0x2800  }
0xb0: {  	[sflag:s14] =	ssyncset.done $0x0  }
0xb1: {  	[sflag:s14] =	ssyncadd.s32 $0xFFFFD800  }
0xb2: {  	_ =	sfence.sel $0x180000  }
0xb3: {  	[bflag:$0x0] =	sbarrier.arrive $0xFFFF  }
0xb4: {  	p0 =	sne.s32 s3, $0x0;
	_ =	strace $0x90000050  }
0xb5: {  	s0 =	sadd.s32 @!p0 $0x100000, s0;
	[bflag:$0x2] =	sbarrier.arrive $0xFFFF  }
0xb6: {  	[sflag:s0] =	ssyncadd.tile.s32 @!p0 $0x1;
	_ =	shalt  }
.Lfunc_end2:
_tile_overlayer_lowered:
.L_overlay_start_2:
0xb7: {  	(tag) =	ssettag $0x2  }
0xb8: {  	s0 =	rddreg [dreg:$0x0];
	s2 =	stileid.u32  }
0xb9: {  	s1 =	rddreg [dreg:$0x1];
	p0 =	sne.s32 s2, $0x0  }
0xba: {  	s3 =	rddreg [dreg:$0x2];
	[bflag:$0x3] =	sbarrier.arrive $0xFFFF;
	s2 =	simm.s32 @!p0 $0x1C03  }
0xbb: {  	[timem:s3], [sflag:s2] =	dma.local @!p0 [hbm:s0], s1  }
0xbc: {  	s0 =	simm.s32 @!p0 $0x3  }
0xbd: {  	_ =	swait.ge @!p0 [sflag:s0], s1  }
0xbe: {  	s1 =	ssub.s32 @!p0 $0x0, s1;
	[sflag:s0] =	ssyncset.done @!p0 $0x0  }
0xbf: {  	[sflag:s0] =	ssyncadd.s32 @!p0 s1  }
0xc0: {  	[bflag:$0x3] =	sbarrier.arrive $0xFFFF  }
0xc1: {  	_ =	shalt  }

// kernel: kernel.27.cloned.1.call-start
scs
__scs_entry_jumppad:
0x0: {  	(pc) =	sbr.rel $0x88, $3  }
0x1: {  	(tag) =	ssettag $0x0;
	lr =	simm.s32 $0x1  }
0x2: {  	[smem:$0x3F8E] =	sst lr;
	_ =	strace $0xD0000000  }
0x3: {  	_ = 	snop  }
0x4: {  	_ = 	snop  }
0x5: {  	_ = 	snop  }
0x6: {  	_ = 	snop  }
0x7: {  	_ = 	snop  }
__scs_overlays_trampoline_lowered:
0x8: {  	[smem:$0x3F9D] =	sst s0  }
0x9: {  	[smem:$0x3F9E] =	sst s1  }
0xa: {  	[smem:$0x3F9F] =	sst s2  }
0xb: {  	[smem:$0x3FA0] =	sst s3  }
0xc: {  	[smem:$0x3FA1] =	sst s4  }
0xd: {  	[smem:$0x3FA2] =	sst s5  }
0xe: {  	[smem:$0x3FA3] =	sst s6  }
0xf: {  	[smem:$0x3FA4] =	sst s7  }
0x10: {  	[smem:$0x3FA5] =	sst s8  }
0x11: {  	[smem:$0x3FA6] =	sst s9;
	s0 =	simm.s32 @!p0 $0x0  }
0x12: {  	s1 =	sld [smem:$0x3F8C];
	s0 =	simm.s32 @p0 $0x1  }
0x13: {  	[smem:$0x3FA7] =	sst s0;
	s0 =	simm.s32 @!p1 $0x0  }
0x14: {  	s2 =	sld [smem:$0x3F8B];
	s0 =	simm.s32 @p1 $0x1  }
0x15: {  	[smem:$0x3FA8] =	sst s0;
	s0 =	simm.s32 @!p2 $0x0  }
0x16: {  	s3 =	sld [smem:$0x3FDB];
	s0 =	simm.s32 @p2 $0x1  }
0x17: {  	s4 =	simm.s32 $0x1BF5;
	[smem:$0x3FAA] =	sst s0  }
0x18: {  	s0 =	sld [smem:$0x3F8D];
	_ =	swait.ge [sflag:s4], $0x0  }
0x19: {  	s7 =	sld [smem:$0x3F8E]  }
0x1a: {  	s8 =	sadd.s32 $0xFFFFE003, lr  }
0x1b: {  	s9 =	sadd.s32 $0xFFFFFEF7, lr;
	s5 =	simm.s32 $0xFFFFFFFF;
	p2 =	slt.u32 s8, $0xFFFFF086  }
0x1c: {  	p1 =	slt.u32 s9, $0xF7A;
	s5 =	simm.s32 @!p2 $0x0  }
0x1d: {  	s5 =	simm.s32 @p1 $0x1;
	p0 =	seq.s32 s7, s2  }
0x1e: {  	s7 =	smul.u32 @!p0 $0xF7A, s2;
	p2 =	seq.s32 @!p0 s5, $0x0  }
0x1f: {  	s9 =	smul.u32 $0xF7A, s1;
	s8 =	simm.s32 @!p0 $0x1BF5;
	p2 =	por !p2, p0  }
0x20: {  	[sflag:s8] =	ssyncset.s32 @!p0 $0xFFFFF086;
	s6 =	sadd.s32 @!p0 s3, s7;
	s7 =	simm.s32 @!p0 $0x108  }
0x21: {  	s3 =	sadd.s32 s3, s9;
	s6 =	sadd.s32 @!p0 $0x88, s6;
	s7 =	simm.s32 @p2 $0x1082  }
0x22: {  	[simem:s7], [sflag:s8] =	dma.local @!p0 [hbm:s6], $0xF7A  }
0x23: {  	s9 =	sor.u32 $0xD0000000, s2;
	s6 =	simm.s32 $0x108;
	_ =	swait.ge @!p0 [sflag:s8], $0x0  }
0x24: {  	s3 =	sadd.s32 $0x88, s3;
	s6 =	simm.s32 @!p1 $0x1082;
	[sflag:s4] =	ssyncset.s32 $0xFFFFF086  }
0x25: {  	[simem:s6], [sflag:s4] =	dma.local [hbm:s3], $0xF7A  }
0x26: {  	[smem:$0x3F8E] =	sst s1;
	(tag) =	ssettag s2;
	_ =	strace s9  }
0x27: {  	s1 =	sld [smem:$0x3F9E]  }
0x28: {  	s2 =	sld [smem:$0x3F9F]  }
0x29: {  	s4 =	sld [smem:$0x3FA1]  }
0x2a: {  	p0 =	seq.s32 s5, $0x0;
	s5 =	sld [smem:$0x3FA2]  }
0x2b: {  	s6 =	sld [smem:$0x3FA3]  }
0x2c: {  	s7 =	sld [smem:$0x3FA4]  }
0x2d: {  	s3 =	simm.s32 $0x108;
	s8 =	sld [smem:$0x3FA5]  }
0x2e: {  	s3 =	simm.s32 @!p0 $0x1082;
	s9 =	sld [smem:$0x3FA6]  }
0x2f: {  	lr =	sadd.s32 s0, s3;
	s0 =	sld [smem:$0x3F9D]  }
0x30: {  	s3 =	sld [smem:$0x3FA0]  }
0x31: {  	[smem:$0x3FA9] =	sst s10  }
0x32: {  	s10 =	sld [smem:$0x3FA7];
	_ =	sdelay $0x3  }
0x33: {  	p0 =	seq.s32 s10, $0x1;
	s10 =	sld [smem:$0x3FA9];
	_ =	sdelay $0x3  }
0x34: {  	[smem:$0x3FA9] =	sst s10  }
0x35: {  	s10 =	sld [smem:$0x3FA8];
	_ =	sdelay $0x3  }
0x36: {  	p1 =	seq.s32 s10, $0x1;
	s10 =	sld [smem:$0x3FA9];
	_ =	sdelay $0x3  }
0x37: {  	[smem:$0x3FA9] =	sst s10  }
0x38: {  	s10 =	sld [smem:$0x3FAA]  }
0x39: {  	_ = 	snop;
	(pc) =	sbr.ind lr, $3  }
0x3a: {  	_ = 	snop  }
0x3b: {  	_ = 	snop  }
0x3c: {  	p2 =	seq.s32 s10, $0x1;
	s10 =	sld [smem:$0x3FA9]  }
0x3d: {  	_ =	shalt  }
0x3e: {  	_ =	shalt  }
0x3f: {  	_ =	shalt  }
0x40: {  	_ =	shalt  }
0x41: {  	_ =	shalt  }
0x42: {  	_ =	shalt  }
0x43: {  	_ =	shalt  }
0x44: {  	_ =	shalt  }
0x45: {  	_ =	shalt  }
0x46: {  	_ =	shalt  }
0x47: {  	_ =	shalt  }
0x48: {  	_ =	shalt  }
0x49: {  	_ =	shalt  }
0x4a: {  	_ =	shalt  }
0x4b: {  	_ =	shalt  }
0x4c: {  	_ =	shalt  }
0x4d: {  	_ =	shalt  }
0x4e: {  	_ =	shalt  }
0x4f: {  	_ =	shalt  }
0x50: {  	_ =	shalt  }
0x51: {  	_ =	shalt  }
0x52: {  	_ =	shalt  }
0x53: {  	_ =	shalt  }
0x54: {  	_ =	shalt  }
0x55: {  	_ =	shalt  }
0x56: {  	_ =	shalt  }
0x57: {  	_ =	shalt  }
0x58: {  	_ =	shalt  }
0x59: {  	_ =	shalt  }
0x5a: {  	_ =	shalt  }
0x5b: {  	_ =	shalt  }
0x5c: {  	_ =	shalt  }
0x5d: {  	_ =	shalt  }
0x5e: {  	_ =	shalt  }
0x5f: {  	_ =	shalt  }
0x60: {  	_ =	shalt  }
0x61: {  	_ =	shalt  }
0x62: {  	_ =	shalt  }
0x63: {  	_ =	shalt  }
0x64: {  	_ =	shalt  }
0x65: {  	_ =	shalt  }
0x66: {  	_ =	shalt  }
0x67: {  	_ =	shalt  }
0x68: {  	_ =	shalt  }
0x69: {  	_ =	shalt  }
0x6a: {  	_ =	shalt  }
0x6b: {  	_ =	shalt  }
0x6c: {  	_ =	shalt  }
0x6d: {  	_ =	shalt  }
0x6e: {  	_ =	shalt  }
0x6f: {  	_ =	shalt  }
0x70: {  	_ =	shalt  }
0x71: {  	_ =	shalt  }
0x72: {  	_ =	shalt  }
0x73: {  	_ =	shalt  }
0x74: {  	_ =	shalt  }
0x75: {  	_ =	shalt  }
0x76: {  	_ =	shalt  }
0x77: {  	_ =	shalt  }
0x78: {  	_ =	shalt  }
0x79: {  	_ =	shalt  }
0x7a: {  	_ =	shalt  }
0x7b: {  	_ =	shalt  }
0x7c: {  	_ =	shalt  }
0x7d: {  	_ =	shalt  }
0x7e: {  	_ =	shalt  }
0x7f: {  	_ =	shalt  }
0x80: {  	_ =	shalt  }
0x81: {  	_ =	shalt  }
0x82: {  	_ =	shalt  }
0x83: {  	_ =	shalt  }
0x84: {  	_ =	shalt  }
0x85: {  	_ =	shalt  }
0x86: {  	_ =	shalt  }
0x87: {  	_ =	shalt  }
.Lfunc_end0:
.L_simem_size_0:
called_computation.4_lowered:
.L_overlay_start_0:
0x88: {  	s2 =	sld [smem:$0x3FD9]  }
0x89: {  	s3 =	sld [smem:$0x3FFE];
	_ =	sdelay $0x1  }
0x8a: {  	s1 =	srdreg.scid  }
0x8b: {  	s0 =	sand.u32 $0x1, s1  }
0x8c: {  	s14 =	sshll.u32 s0, $0xA;
	s2 =	sadd.s32 s3, s2  }
0x8d: {  	s2 =	sadd.s32 s2, s14  }
0x8e: {  	[smem:$0x3FB5] =	sst s2  }
0x8f: {  	_ = 	snop  }
0x90: {  	s2 =	sld [smem:$0x3FD0];
	_ =	sdelay $0x2  }
0x91: {  	s15 =	simm.s32 $0xA;
	s4 =	simm.s32 $0x10  }
0x92: {  	[smem:s4], [sflag:s15] =	dma.local [hbm:s2], $0x1  }
0x93: {  	_ =	swait.eq [sflag:s15], $0x1  }
0x94: {  	[sflag:s15] =	ssyncset.done $0x0  }
0x95: {  	[sflag:s15] =	ssyncadd.s32 $0xFFFFFFFF  }
0x96: {  	s16 =	sld [smem:$0x11];
	(tm) =	ssettm $0x1  }
0x97: {  	s17 =	sld [smem:$0x3FFB];
	_ =	sdelay $0x3  }
0x98: {  	_ =	strace s17  }
0x99: {  	s3 =	sld [smem:$0x3FFC];
	_ =	sdelay $0x3  }
0x9a: {  	_ =	strace s3  }
0x9b: {  	s3 =	sld [smem:$0x3FFD];
	_ =	sdelay $0x3  }
0x9c: {  	_ =	strace s3  }
0x9d: {  	_ =	strace $0x8FFFFFFF  }
0x9e: {  	s18 =	sld [smem:$0x3FDB];
	_ =	sdelay $0x1  }
0x9f: {  	s19 =	simm.s32 $_scs_section_size  }
0xa0: {  	s5 =	simm.s32 $_size__tile_overlayer_lowered;
	s6 =	simm.s32 $_tile_overlayer_lowered  }
0xa1: {  	s22 =	simm.s32 $0x1BFF;
	s21 =	sshll.u32 s6, $0x1;
	s3 =	sadd.s32 s19, s18  }
0xa2: {  	s7 =	simm.s32 $0x0;
	s20 =	sshll.u32 s5, $0x1;
	s5 =	sadd.s32 s21, s3  }
0xa3: {  	[timem:s7], [sflag:s22] =	dma.local [hbm:s5], s20  }
0xa4: {  	_ =	swait.ge [sflag:s22], s20  }
0xa5: {  	s4 =	ssub.s32 $0x0, s20;
	[sflag:s22] =	ssyncset.done $0x0  }
0xa6: {  	[sflag:s22] =	ssyncadd.s32 s4;
	_ =	sdelay $0x1  }
0xa7: {  	s23 =	simm.s32 $0x1B8B  }
0xa8: {  	_ =	swait.ge [sflag:s23], $0x1  }
0xa9: {  	[sflag:s23] =	ssyncset.done $0x0  }
0xaa: {  	s25 =	simm.s32 $0x1B8E;
	s24 =	sld [smem:$0x3FFE];
	[sflag:s23] =	ssyncadd.s32 $0xFFFFFFFF  }
0xab: {  	s26 =	simm.s32 $execute0_lowered;
	[smem:$0x3FD2] =	sst s25  }
0xac: {  	s5 =	sshll.u32 s26, $0x1;
	_ =	strace $0x80000052;
	[dreg:$0x1] =	wrdreg $0xFFFFFFFF  }
0xad: {  	s28 =	simm.s32 $_size_execute0_lowered;
	s3 =	sadd.s32 s3, s5;
	[dreg:$0x0] =	wrdreg $0x0  }
0xae: {  	s5 =	sshll.u32 s28, $0x1;
	[dreg:$0x2] =	wrdreg s3  }
0xaf: {  	[dreg:$0x3] =	wrdreg s5  }
0xb0: {  	[dreg:$0x4] =	wrdreg $0xC0  }
0xb1: {  	_ =	task [dreg:s7], $0x5FFFF  }
0xb2: {  	[dreg:$0x1] =	wrdreg $0xFFFFFFFF  }
0xb3: {  	[dreg:$0x0] =	wrdreg $0x60  }
0xb4: {  	[dreg:$0x2] =	wrdreg s24  }
0xb5: {  	[dreg:$0x3] =	wrdreg s16  }
0xb6: {  	[dreg:$0x4] =	wrdreg $0xA8000  }
0xb7: {  	[dreg:$0x5] =	wrdreg $0x9  }
0xb8: {  	_ =	task.clear_ibuf [dreg:s7], $0x6FFFF;
	_ =	strace $0x90000052  }
0xb9: {  	s29 =	simm.s32 $0x9;
	_ =	strace $0x80000054  }
0xba: {  	_ =	swait.ge [sflag:s29], $0x1  }
0xbb: {  	[sflag:s29] =	ssyncadd.s32 $0xFFFFFFFF  }
0xbc: {  	_ =	strace $0x90000054  }
0xbd: {  	_ =	sfence  }
0xbe: {  	s30 =	sld [smem:$0x0];
	_ =	sdelay $0x2  }
0xbf: {  	s31 =	sshll.u32 s1, $0xD;
	s1 =	sshrl.u32 s1, $0x2  }
0xc0: {  	s3 =	sand.u32 $0x4000, s31;
	s1 =	sadd.s32 s1, s30  }
0xc1: {  	s0 =	sor.u32 s3, s0;
	s1 =	sshll.u32 s1, $0x11  }
0xc2: {  	s0 =	sor.u32 s1, s0  }
0xc3: {  	s0 =	sadd.s32 $0x8F2B, s0  }
0xc4: {  	[sflag:s0] =	ssyncadd.remote.s32 $0x1  }
0xc5: {  	_ =	sfence.sel $0xFFFF  }
0xc6: {  	[dreg:$0x0] =	wrdreg $0xFFFFFFFF;
	(pc) =	sbr.abs _section_cstart, $3  }
0xc7: {  	[dreg:$0x1] =	wrdreg $0xFFFFFFFF  }
0xc8: {  	_ =	task.clear_ibuf [dreg:s7], $0x2FFFF;
	_ =	strace $0x9FFFFFFF  }
0xc9: {  	(tm) =	ssettm $0x7FFFFFFF  }
tec
execute0_lowered:
.L_overlay_start_1:
0x0: {  	(tag) =	ssettag $0x1  }
0x1: {  	s6 =	rddreg [dreg:$0x0]  }
0x2: {  	s9 =	rddreg [dreg:$0x1]  }
0x3: {  	s1 =	rddreg [dreg:$0x2]  }
0x4: {  	s0 =	rddreg [dreg:$0x3]  }
0x5: {  	s2 =	simm.s32 $0x0;
	s5 =	srdreg.scid;
	s3 =	stileid.u32  }
0x6: {  	s16 =	simm.s32 $0x80;
	s17 =	simm.s32 $0x2800;
	s18 =	simm.s32 $0x6800  }
0x7: {  	s19 =	simm.s32 $0x1;
	s20 =	simm.s32 $0x2;
	s21 =	simm.s32 $0x1380  }
0x8: {  	s22 =	simm.s32 $0x2700;
	[smem:$0x7FF] =	sst s2;
	s4 =	sadd.s32 $0x6000, s6  }
0x9: {  	s10 =	sadd.s32 $0xA2400, s6;
	s7 =	sand.u32 $0x1, s5;
	s8 =	smul.u32 $0x2800, s3  }
0xa: {  	s5 =	sadd.s32 $0xAC400, s6;
	s12 =	sshll.u32 s3, $0x1;
	s23 =	smul.u32 $0x50000, s3  }
0xb: {  	s11 =	smul.u32 $0x28000, s7;
	s13 =	ssub.s32 $0x2, s7;
	s7 =	sor.u32 s7, s12  }
0xc: {  	s26 =	sshll.u32 s3, $0x6;
	_ =	strace $0x80000053;
	s14 =	smul.u32 $0x2800, s7  }
0xd: {  	s24 =	sshrl.u32 s13, $0x1;
	s25 =	sshrl.u32 s23, $0x2;
	s28 =	smul.u32 $0x500, s7  }
0xe: {  	s23 =	simm.s32 $0x2780;
	s8 =	sadd.s32 s8, s11;
	s13 =	ssub.s32 s13, s24  }
0xf: {  	s30 =	sadd.s32 s25, s1;
	s24 =	simm.s32 $0x0;
	s15 =	sadd.s32 s8, s6  }
0x10: {  	s29 =	sshrl.u32 s14, $0x3;
	s6 =	sor.u32 $0x1C03, s26;
	s7 =	sadd.s32 s9, s28  }
0x11: {  	s8 =	sadd.s32 s10, s28;
	s12 =	smax.u32 s13, $0x1;
	s13 =	sshrl.u32 s30, $0x3  }
0x12: {  	s14 =	simm.s32 $0x3;
	s31 =	sadd.s32 $0x280, s29;
	s11 =	sadd.s32 $0xAEC00, s15  }
0x13: {  	s15 =	simm.s32 $0x1400;
	s9 =	sadd.s32 s9, s31;
	s10 =	sadd.s32 s10, s31  }
.LBB2_1:
0x14: {  	[spmem:s13], [sflag:s6] =	dma.local [hbm:s5], $0x2800  }
0x15: {  	_ =	swait.ge [sflag:s14], $0x2800  }
0x16: {  	[sflag:s14] =	ssyncset.done $0x0  }
0x17: {  	[sflag:s14] =	ssyncadd.s32 $0xFFFFD800  }
0x18: {  	[bflag:$0x0] =	sbarrier.arrive $0xFFFF  }
0x19: {  	[tilespmem:s2], [sflag:$0x3] =	stream.linear.gather [hbm4b:s7+s2], $0x1400, $0x38;
	[tilespmem:$0x1E800] =	vst v63  }
0x1a: {  	_ =	swait.ge [sflag:s14], $0x1400  }
0x1b: {  	[sflag:s14] =	ssyncset.done $0x0  }
0x1c: {  	[sflag:s14] =	ssyncadd.s32 $0xFFFFEC00  }
0x1d: {  	[tilespmem:s15], [sflag:$0x3] =	stream.linear.gather [hbm4b:s8+s2], $0x1400, $0x38;
	[tilespmem:$0x1E800] =	vst v63  }
0x1e: {  	_ =	swait.ge [sflag:s14], $0x1400  }
0x1f: {  	[sflag:s14] =	ssyncset.done $0x0  }
0x20: {  	[sflag:s14] =	ssyncadd.s32 $0xFFFFEC00  }
0x21: {  	[tilespmem:s17], [sflag:$0x1] =	stream.indirect.gather [hbm4b:s4+s16], $0x80, s2, s16, $0xb8;
	[tilespmem:$0x1E800] =	vst v63  }
0x22: {  	s25 =	simm.s32 $0x80  }
0x23: {  	[tilespmem:s18], [sflag:$0x2] =	stream.indirect.gather [hbm4b:s4+s16], $0x80, s25, s16, $0xb8;
	[tilespmem:$0x1E800] =	vst v63  }
0x24: {  	_ =	swait.ge [sflag:s19], $0x4000  }
0x25: {  	[sflag:s19] =	ssyncset.done $0x0  }
0x26: {  	s29 =	simm.s32 $0x1400;
	[sflag:s19] =	ssyncadd.s32 $0xFFFFC000  }
0x27: {  	[spmem:s1] =	stream.indirect.scatter.add.f32 [tilespmem:s17], [sflag:$0x3], $0x80, s29, s16, $0xb8;
	[tilespmem:$0x1E800] =	vst v63  }
0x28: {  	_ =	swait.ge [sflag:s14], $0x4000  }
0x29: {  	[sflag:s14] =	ssyncset.done $0x0  }
0x2a: {  	s30 =	simm.s32 $0x100;
	[sflag:s14] =	ssyncadd.s32 $0xFFFFC000  }
0x2b: {  	[tilespmem:s17], [sflag:$0x1] =	stream.indirect.gather [hbm4b:s4+s16], $0x80, s30, s16, $0xb8;
	[tilespmem:$0x1E800] =	vst v63  }
0x2c: {  	_ =	swait.ge [sflag:s20], $0x4000  }
0x2d: {  	[sflag:s20] =	ssyncset.done $0x0  }
0x2e: {  	s31 =	simm.s32 $0x1480;
	[sflag:s20] =	ssyncadd.s32 $0xFFFFC000  }
0x2f: {  	[spmem:s1] =	stream.indirect.scatter.add.f32 [tilespmem:s18], [sflag:$0x3], $0x80, s31, s16, $0xb8;
	[tilespmem:$0x1E800] =	vst v63  }
0x30: {  	_ =	swait.ge [sflag:s14], $0x4000  }
0x31: {  	s26 =	simm.s32 $0x800;
	s25 =	simm.s32 $0x100;
	[sflag:s14] =	ssyncset.done $0x0  }
.LBB2_2:
0x32: {  	s28 =	sadd.s32 $0x80, s25  }
0x33: {  	[sflag:s14] =	ssyncadd.s32 $0xFFFFC000;
	s29 =	smov.u32 s26;
	s30 =	sadd.s32 $0x400, s26  }
0x34: {  	[tilespmem:s18], [sflag:$0x2] =	stream.indirect.gather [hbm4b:s4+s16], $0x80, s28, s16, $0xb8;
	[tilespmem:$0x1E800] =	vst v63  }
0x35: {  	p0 =	sne.s32 s26, $0x4800;
	_ =	swait.ge [sflag:s19], $0x4000  }
0x36: {  	[sflag:s19] =	ssyncset.done $0x0  }
0x37: {  	s26 =	sadd.s32 $0x1400, s25;
	[sflag:s19] =	ssyncadd.s32 $0xFFFFC000  }
0x38: {  	[spmem:s1] =	stream.indirect.scatter.add.f32 [tilespmem:s17], [sflag:$0x3], $0x80, s26, s16, $0xb8;
	[tilespmem:$0x1E800] =	vst v63  }
0x39: {  	_ =	swait.ge [sflag:s14], $0x4000  }
0x3a: {  	[sflag:s14] =	ssyncset.done $0x0  }
0x3b: {  	s26 =	sadd.s32 $0x100, s25;
	[sflag:s14] =	ssyncadd.s32 $0xFFFFC000  }
0x3c: {  	[tilespmem:s17], [sflag:$0x1] =	stream.indirect.gather [hbm4b:s4+s16], $0x80, s26, s16, $0xb8;
	[tilespmem:$0x1E800] =	vst v63  }
0x3d: {  	_ =	swait.ge [sflag:s20], $0x4000  }
.Ltmp0:
0x3e: {  	[sflag:s20] =	ssyncset.done $0x0;
	(pc) =	sbr.rel @p0 .LBB2_2-.Ltmp0, $4  }
0x3f: {  	s25 =	sadd.s32 $0x1480, s25;
	[sflag:s20] =	ssyncadd.s32 $0xFFFFC000  }
0x40: {  	[spmem:s1] =	stream.indirect.scatter.add.f32 [tilespmem:s18], [sflag:$0x3], $0x80, s25, s16, $0xb8;
	[tilespmem:$0x1E800] =	vst v63  }
0x41: {  	_ =	swait.ge [sflag:s14], $0x4000  }
0x42: {  	s26 =	smov.u32 s30;
	s25 =	sshra.s32 s29, $0x2;
	[sflag:s14] =	ssyncset.done $0x0  }
0x43: {  	s26 =	sadd.s32 $0x80, s25;
	[sflag:s14] =	ssyncadd.s32 $0xFFFFC000  }
0x44: {  	[tilespmem:s18], [sflag:$0x2] =	stream.indirect.gather [hbm4b:s4+s16], $0x80, s26, s16, $0xb8;
	[tilespmem:$0x1E800] =	vst v63  }
0x45: {  	_ =	swait.ge [sflag:s19], $0x4000  }
0x46: {  	[sflag:s19] =	ssyncset.done $0x0  }
0x47: {  	s29 =	sadd.s32 $0x1400, s25;
	[sflag:s19] =	ssyncadd.s32 $0xFFFFC000  }
0x48: {  	[spmem:s1] =	stream.indirect.scatter.add.f32 [tilespmem:s17], [sflag:$0x3], $0x80, s29, s16, $0xb8;
	[tilespmem:$0x1E800] =	vst v63  }
0x49: {  	_ =	swait.ge [sflag:s14], $0x4000  }
0x4a: {  	[sflag:s14] =	ssyncset.done $0x0  }
0x4b: {  	s30 =	sadd.s32 $0x100, s25;
	[sflag:s14] =	ssyncadd.s32 $0xFFFFC000  }
0x4c: {  	[tilespmem:s17], [sflag:$0x1] =	stream.indirect.gather [hbm4b:s4+s16], $0x80, s30, s16, $0xb8;
	[tilespmem:$0x1E800] =	vst v63  }
0x4d: {  	_ =	swait.ge [sflag:s20], $0x4000  }
0x4e: {  	[sflag:s20] =	ssyncset.done $0x0  }
0x4f: {  	s31 =	sadd.s32 $0x1480, s25;
	[sflag:s20] =	ssyncadd.s32 $0xFFFFC000  }
0x50: {  	[spmem:s1] =	stream.indirect.scatter.add.f32 [tilespmem:s18], [sflag:$0x3], $0x80, s31, s16, $0xb8;
	[tilespmem:$0x1E800] =	vst v63  }
0x51: {  	_ =	swait.ge [sflag:s14], $0x4000  }
0x52: {  	[sflag:s14] =	ssyncset.done $0x0  }
0x53: {  	[sflag:s14] =	ssyncadd.s32 $0xFFFFC000  }
0x54: {  	[tilespmem:s18], [sflag:$0x2] =	stream.indirect.gather [hbm4b:s4+s16], $0x80, s21, s16, $0xb8;
	[tilespmem:$0x1E800] =	vst v63  }
0x55: {  	_ =	swait.ge [sflag:s19], $0x4000  }
0x56: {  	[sflag:s19] =	ssyncset.done $0x0  }
0x57: {  	[sflag:s19] =	ssyncadd.s32 $0xFFFFC000  }
0x58: {  	[spmem:s1] =	stream.indirect.scatter.add.f32 [tilespmem:s17], [sflag:$0x3], $0x80, s22, s16, $0xb8;
	[tilespmem:$0x1E800] =	vst v63  }
0x59: {  	_ =	swait.ge [sflag:s14], $0x4000  }
0x5a: {  	[sflag:s14] =	ssyncset.done $0x0  }
0x5b: {  	[sflag:s14] =	ssyncadd.s32 $0xFFFFC000  }
0x5c: {  	_ =	swait.ge [sflag:s20], $0x4000  }
0x5d: {  	[sflag:s20] =	ssyncset.done $0x0  }
0x5e: {  	[sflag:s20] =	ssyncadd.s32 $0xFFFFC000  }
0x5f: {  	[spmem:s1] =	stream.indirect.scatter.add.f32 [tilespmem:s18], [sflag:$0x3], $0x80, s23, s16, $0xb8;
	[tilespmem:$0x1E800] =	vst v63  }
0x60: {  	_ =	swait.ge [sflag:s14], $0x4000  }
0x61: {  	[sflag:s14] =	ssyncset.done $0x0  }
0x62: {  	s26 =	simm.s32 $0x0;
	[sflag:s14] =	ssyncadd.s32 $0xFFFFC000  }
0x63: {  	[tilespmem:s26], [sflag:$0x3] =	stream.linear.gather [hbm4b:s9+s26], $0x1400, $0x38;
	[tilespmem:$0x1E800] =	vst v63  }
0x64: {  	_ =	swait.ge [sflag:s14], $0x1400  }
0x65: {  	[sflag:s14] =	ssyncset.done $0x0  }
0x66: {  	[sflag:s14] =	ssyncadd.s32 $0xFFFFEC00  }
0x67: {  	[tilespmem:s15], [sflag:$0x3] =	stream.linear.gather [hbm4b:s10+s26], $0x1400, $0x38;
	[tilespmem:$0x1E800] =	vst v63  }
0x68: {  	_ =	swait.ge [sflag:s14], $0x1400  }
0x69: {  	[sflag:s14] =	ssyncset.done $0x0  }
0x6a: {  	[sflag:s14] =	ssyncadd.s32 $0xFFFFEC00  }
0x6b: {  	[tilespmem:s17], [sflag:$0x1] =	stream.indirect.gather [hbm4b:s4+s16], $0x80, s26, s16, $0xb8;
	[tilespmem:$0x1E800] =	vst v63  }
0x6c: {  	s28 =	simm.s32 $0x80  }
0x6d: {  	[tilespmem:s18], [sflag:$0x2] =	stream.indirect.gather [hbm4b:s4+s16], $0x80, s28, s16, $0xb8;
	[tilespmem:$0x1E800] =	vst v63  }
0x6e: {  	_ =	swait.ge [sflag:s19], $0x4000  }
0x6f: {  	[sflag:s19] =	ssyncset.done $0x0  }
0x70: {  	s29 =	simm.s32 $0x1400;
	[sflag:s19] =	ssyncadd.s32 $0xFFFFC000  }
0x71: {  	[spmem:s1] =	stream.indirect.scatter.add.f32 [tilespmem:s17], [sflag:$0x3], $0x80, s29, s16, $0xb8;
	[tilespmem:$0x1E800] =	vst v63  }
0x72: {  	_ =	swait.ge [sflag:s14], $0x4000  }
0x73: {  	[sflag:s14] =	ssyncset.done $0x0  }
0x74: {  	s30 =	simm.s32 $0x100;
	[sflag:s14] =	ssyncadd.s32 $0xFFFFC000  }
0x75: {  	[tilespmem:s17], [sflag:$0x1] =	stream.indirect.gather [hbm4b:s4+s16], $0x80, s30, s16, $0xb8;
	[tilespmem:$0x1E800] =	vst v63  }
0x76: {  	_ =	swait.ge [sflag:s20], $0x4000  }
0x77: {  	[sflag:s20] =	ssyncset.done $0x0  }
0x78: {  	s31 =	simm.s32 $0x1480;
	[sflag:s20] =	ssyncadd.s32 $0xFFFFC000  }
0x79: {  	[spmem:s1] =	stream.indirect.scatter.add.f32 [tilespmem:s18], [sflag:$0x3], $0x80, s31, s16, $0xb8;
	[tilespmem:$0x1E800] =	vst v63  }
0x7a: {  	_ =	swait.ge [sflag:s14], $0x4000  }
0x7b: {  	s25 =	simm.s32 $0x100;
	s26 =	simm.s32 $0x800;
	[sflag:s14] =	ssyncset.done $0x0  }
.LBB2_4:
0x7c: {  	s28 =	sadd.s32 $0x80, s25  }
0x7d: {  	[sflag:s14] =	ssyncadd.s32 $0xFFFFC000;
	s29 =	smov.u32 s26;
	s30 =	sadd.s32 $0x400, s26  }
0x7e: {  	[tilespmem:s18], [sflag:$0x2] =	stream.indirect.gather [hbm4b:s4+s16], $0x80, s28, s16, $0xb8;
	[tilespmem:$0x1E800] =	vst v63  }
0x7f: {  	p0 =	sne.s32 s26, $0x4800;
	_ =	swait.ge [sflag:s19], $0x4000  }
0x80: {  	[sflag:s19] =	ssyncset.done $0x0  }
0x81: {  	s26 =	sadd.s32 $0x1400, s25;
	[sflag:s19] =	ssyncadd.s32 $0xFFFFC000  }
0x82: {  	[spmem:s1] =	stream.indirect.scatter.add.f32 [tilespmem:s17], [sflag:$0x3], $0x80, s26, s16, $0xb8;
	[tilespmem:$0x1E800] =	vst v63  }
0x83: {  	_ =	swait.ge [sflag:s14], $0x4000  }
0x84: {  	[sflag:s14] =	ssyncset.done $0x0  }
0x85: {  	s26 =	sadd.s32 $0x100, s25;
	[sflag:s14] =	ssyncadd.s32 $0xFFFFC000  }
0x86: {  	[tilespmem:s17], [sflag:$0x1] =	stream.indirect.gather [hbm4b:s4+s16], $0x80, s26, s16, $0xb8;
	[tilespmem:$0x1E800] =	vst v63  }
0x87: {  	_ =	swait.ge [sflag:s20], $0x4000  }
.Ltmp1:
0x88: {  	[sflag:s20] =	ssyncset.done $0x0;
	(pc) =	sbr.rel @p0 .LBB2_4-.Ltmp1, $4  }
0x89: {  	s25 =	sadd.s32 $0x1480, s25;
	[sflag:s20] =	ssyncadd.s32 $0xFFFFC000  }
0x8a: {  	[spmem:s1] =	stream.indirect.scatter.add.f32 [tilespmem:s18], [sflag:$0x3], $0x80, s25, s16, $0xb8;
	[tilespmem:$0x1E800] =	vst v63  }
0x8b: {  	_ =	swait.ge [sflag:s14], $0x4000  }
0x8c: {  	s26 =	smov.u32 s30;
	s25 =	sshra.s32 s29, $0x2;
	[sflag:s14] =	ssyncset.done $0x0  }
0x8d: {  	s26 =	sadd.s32 $0x80, s25;
	[sflag:s14] =	ssyncadd.s32 $0xFFFFC000  }
0x8e: {  	[tilespmem:s18], [sflag:$0x2] =	stream.indirect.gather [hbm4b:s4+s16], $0x80, s26, s16, $0xb8;
	[tilespmem:$0x1E800] =	vst v63  }
0x8f: {  	_ =	swait.ge [sflag:s19], $0x4000  }
0x90: {  	[sflag:s19] =	ssyncset.done $0x0  }
0x91: {  	s29 =	sadd.s32 $0x1400, s25;
	[sflag:s19] =	ssyncadd.s32 $0xFFFFC000  }
0x92: {  	[spmem:s1] =	stream.indirect.scatter.add.f32 [tilespmem:s17], [sflag:$0x3], $0x80, s29, s16, $0xb8;
	[tilespmem:$0x1E800] =	vst v63  }
0x93: {  	_ =	swait.ge [sflag:s14], $0x4000  }
0x94: {  	[sflag:s14] =	ssyncset.done $0x0  }
0x95: {  	s30 =	sadd.s32 $0x100, s25;
	[sflag:s14] =	ssyncadd.s32 $0xFFFFC000  }
0x96: {  	[tilespmem:s17], [sflag:$0x1] =	stream.indirect.gather [hbm4b:s4+s16], $0x80, s30, s16, $0xb8;
	[tilespmem:$0x1E800] =	vst v63  }
0x97: {  	_ =	swait.ge [sflag:s20], $0x4000  }
0x98: {  	[sflag:s20] =	ssyncset.done $0x0  }
0x99: {  	s31 =	sadd.s32 $0x1480, s25;
	[sflag:s20] =	ssyncadd.s32 $0xFFFFC000  }
0x9a: {  	[spmem:s1] =	stream.indirect.scatter.add.f32 [tilespmem:s18], [sflag:$0x3], $0x80, s31, s16, $0xb8;
	[tilespmem:$0x1E800] =	vst v63  }
0x9b: {  	_ =	swait.ge [sflag:s14], $0x4000  }
0x9c: {  	[sflag:s14] =	ssyncset.done $0x0  }
0x9d: {  	[sflag:s14] =	ssyncadd.s32 $0xFFFFC000  }
0x9e: {  	[tilespmem:s18], [sflag:$0x2] =	stream.indirect.gather [hbm4b:s4+s16], $0x80, s21, s16, $0xb8;
	[tilespmem:$0x1E800] =	vst v63  }
0x9f: {  	_ =	swait.ge [sflag:s19], $0x4000  }
0xa0: {  	[sflag:s19] =	ssyncset.done $0x0  }
0xa1: {  	[sflag:s19] =	ssyncadd.s32 $0xFFFFC000  }
0xa2: {  	[spmem:s1] =	stream.indirect.scatter.add.f32 [tilespmem:s17], [sflag:$0x3], $0x80, s22, s16, $0xb8;
	[tilespmem:$0x1E800] =	vst v63  }
0xa3: {  	_ =	swait.ge [sflag:s14], $0x4000  }
0xa4: {  	[sflag:s14] =	ssyncset.done $0x0  }
0xa5: {  	[sflag:s14] =	ssyncadd.s32 $0xFFFFC000  }
0xa6: {  	_ =	swait.ge [sflag:s20], $0x4000  }
0xa7: {  	[sflag:s20] =	ssyncset.done $0x0  }
0xa8: {  	[sflag:s20] =	ssyncadd.s32 $0xFFFFC000  }
0xa9: {  	[spmem:s1] =	stream.indirect.scatter.add.f32 [tilespmem:s18], [sflag:$0x3], $0x80, s23, s16, $0xb8;
	[tilespmem:$0x1E800] =	vst v63  }
0xaa: {  	_ =	swait.ge [sflag:s14], $0x4000  }
0xab: {  	s24 =	sadd.s32 $0x1, s24;
	[sflag:s14] =	ssyncset.done $0x0  }
0xac: {  	p0 =	sne.s32 s24, s12;
	[sflag:s14] =	ssyncadd.s32 $0xFFFFC000  }
.Ltmp2:
0xad: {  	[bflag:$0x0] =	sbarrier.arrive $0xFFFF;
	(pc) =	sbr.rel @p0 .LBB2_1-.Ltmp2, $4  }
0xae: {  	[hbm:s11], [sflag:s6] =	dma.local [spmem:s13], $0x2800  }
0xaf: {  	_ =	swait.ge [sflag:s14], $0x2800  }
0xb0: {  	[sflag:s14] =	ssyncset.done $0x0  }
0xb1: {  	[sflag:s14] =	ssyncadd.s32 $0xFFFFD800  }
0xb2: {  	_ =	sfence.sel $0x180000  }
0xb3: {  	[bflag:$0x0] =	sbarrier.arrive $0xFFFF  }
0xb4: {  	p0 =	sne.s32 s3, $0x0;
	_ =	strace $0x90000053  }
0xb5: {  	s0 =	sadd.s32 @!p0 $0x100000, s0;
	[bflag:$0x2] =	sbarrier.arrive $0xFFFF  }
0xb6: {  	[sflag:s0] =	ssyncadd.tile.s32 @!p0 $0x1;
	_ =	shalt  }
.Lfunc_end2:
_tile_overlayer_lowered:
.L_overlay_start_2:
0xb7: {  	(tag) =	ssettag $0x2  }
0xb8: {  	s0 =	rddreg [dreg:$0x0];
	s2 =	stileid.u32  }
0xb9: {  	s1 =	rddreg [dreg:$0x1];
	p0 =	sne.s32 s2, $0x0  }
0xba: {  	s3 =	rddreg [dreg:$0x2];
	[bflag:$0x3] =	sbarrier.arrive $0xFFFF;
	s2 =	simm.s32 @!p0 $0x1C03  }
0xbb: {  	[timem:s3], [sflag:s2] =	dma.local @!p0 [hbm:s0], s1  }
0xbc: {  	s0 =	simm.s32 @!p0 $0x3  }
0xbd: {  	_ =	swait.ge @!p0 [sflag:s0], s1  }
0xbe: {  	s1 =	ssub.s32 @!p0 $0x0, s1;
	[sflag:s0] =	ssyncset.done @!p0 $0x0  }
0xbf: {  	[sflag:s0] =	ssyncadd.s32 @!p0 s1  }
0xc0: {  	[bflag:$0x3] =	sbarrier.arrive $0xFFFF  }
0xc1: {  	_ =	shalt  }

// kernel: kernel.30.cloned.1.call-start
scs
__scs_entry_jumppad:
0x0: {  	(pc) =	sbr.rel $0x88, $3  }
0x1: {  	(tag) =	ssettag $0x0;
	lr =	simm.s32 $0x1  }
0x2: {  	[smem:$0x3F8E] =	sst lr;
	_ =	strace $0xD0000000  }
0x3: {  	_ = 	snop  }
0x4: {  	_ = 	snop  }
0x5: {  	_ = 	snop  }
0x6: {  	_ = 	snop  }
0x7: {  	_ = 	snop  }
__scs_overlays_trampoline_lowered:
0x8: {  	[smem:$0x3F9D] =	sst s0  }
0x9: {  	[smem:$0x3F9E] =	sst s1  }
0xa: {  	[smem:$0x3F9F] =	sst s2  }
0xb: {  	[smem:$0x3FA0] =	sst s3  }
0xc: {  	[smem:$0x3FA1] =	sst s4  }
0xd: {  	[smem:$0x3FA2] =	sst s5  }
0xe: {  	[smem:$0x3FA3] =	sst s6  }
0xf: {  	[smem:$0x3FA4] =	sst s7  }
0x10: {  	[smem:$0x3FA5] =	sst s8  }
0x11: {  	[smem:$0x3FA6] =	sst s9;
	s0 =	simm.s32 @!p0 $0x0  }
0x12: {  	s1 =	sld [smem:$0x3F8C];
	s0 =	simm.s32 @p0 $0x1  }
0x13: {  	[smem:$0x3FA7] =	sst s0;
	s0 =	simm.s32 @!p1 $0x0  }
0x14: {  	s2 =	sld [smem:$0x3F8B];
	s0 =	simm.s32 @p1 $0x1  }
0x15: {  	[smem:$0x3FA8] =	sst s0;
	s0 =	simm.s32 @!p2 $0x0  }
0x16: {  	s3 =	sld [smem:$0x3FDB];
	s0 =	simm.s32 @p2 $0x1  }
0x17: {  	s4 =	simm.s32 $0x1BF5;
	[smem:$0x3FAA] =	sst s0  }
0x18: {  	s0 =	sld [smem:$0x3F8D];
	_ =	swait.ge [sflag:s4], $0x0  }
0x19: {  	s7 =	sld [smem:$0x3F8E]  }
0x1a: {  	s8 =	sadd.s32 $0xFFFFE003, lr  }
0x1b: {  	s9 =	sadd.s32 $0xFFFFFEF7, lr;
	s5 =	simm.s32 $0xFFFFFFFF;
	p2 =	slt.u32 s8, $0xFFFFF086  }
0x1c: {  	p1 =	slt.u32 s9, $0xF7A;
	s5 =	simm.s32 @!p2 $0x0  }
0x1d: {  	s5 =	simm.s32 @p1 $0x1;
	p0 =	seq.s32 s7, s2  }
0x1e: {  	s7 =	smul.u32 @!p0 $0xF7A, s2;
	p2 =	seq.s32 @!p0 s5, $0x0  }
0x1f: {  	s9 =	smul.u32 $0xF7A, s1;
	s8 =	simm.s32 @!p0 $0x1BF5;
	p2 =	por !p2, p0  }
0x20: {  	[sflag:s8] =	ssyncset.s32 @!p0 $0xFFFFF086;
	s6 =	sadd.s32 @!p0 s3, s7;
	s7 =	simm.s32 @!p0 $0x108  }
0x21: {  	s3 =	sadd.s32 s3, s9;
	s6 =	sadd.s32 @!p0 $0x88, s6;
	s7 =	simm.s32 @p2 $0x1082  }
0x22: {  	[simem:s7], [sflag:s8] =	dma.local @!p0 [hbm:s6], $0xF7A  }
0x23: {  	s9 =	sor.u32 $0xD0000000, s2;
	s6 =	simm.s32 $0x108;
	_ =	swait.ge @!p0 [sflag:s8], $0x0  }
0x24: {  	s3 =	sadd.s32 $0x88, s3;
	s6 =	simm.s32 @!p1 $0x1082;
	[sflag:s4] =	ssyncset.s32 $0xFFFFF086  }
0x25: {  	[simem:s6], [sflag:s4] =	dma.local [hbm:s3], $0xF7A  }
0x26: {  	[smem:$0x3F8E] =	sst s1;
	(tag) =	ssettag s2;
	_ =	strace s9  }
0x27: {  	s1 =	sld [smem:$0x3F9E]  }
0x28: {  	s2 =	sld [smem:$0x3F9F]  }
0x29: {  	s4 =	sld [smem:$0x3FA1]  }
0x2a: {  	p0 =	seq.s32 s5, $0x0;
	s5 =	sld [smem:$0x3FA2]  }
0x2b: {  	s6 =	sld [smem:$0x3FA3]  }
0x2c: {  	s7 =	sld [smem:$0x3FA4]  }
0x2d: {  	s3 =	simm.s32 $0x108;
	s8 =	sld [smem:$0x3FA5]  }
0x2e: {  	s3 =	simm.s32 @!p0 $0x1082;
	s9 =	sld [smem:$0x3FA6]  }
0x2f: {  	lr =	sadd.s32 s0, s3;
	s0 =	sld [smem:$0x3F9D]  }
0x30: {  	s3 =	sld [smem:$0x3FA0]  }
0x31: {  	[smem:$0x3FA9] =	sst s10  }
0x32: {  	s10 =	sld [smem:$0x3FA7];
	_ =	sdelay $0x3  }
0x33: {  	p0 =	seq.s32 s10, $0x1;
	s10 =	sld [smem:$0x3FA9];
	_ =	sdelay $0x3  }
0x34: {  	[smem:$0x3FA9] =	sst s10  }
0x35: {  	s10 =	sld [smem:$0x3FA8];
	_ =	sdelay $0x3  }
0x36: {  	p1 =	seq.s32 s10, $0x1;
	s10 =	sld [smem:$0x3FA9];
	_ =	sdelay $0x3  }
0x37: {  	[smem:$0x3FA9] =	sst s10  }
0x38: {  	s10 =	sld [smem:$0x3FAA]  }
0x39: {  	_ = 	snop;
	(pc) =	sbr.ind lr, $3  }
0x3a: {  	_ = 	snop  }
0x3b: {  	_ = 	snop  }
0x3c: {  	p2 =	seq.s32 s10, $0x1;
	s10 =	sld [smem:$0x3FA9]  }
0x3d: {  	_ =	shalt  }
0x3e: {  	_ =	shalt  }
0x3f: {  	_ =	shalt  }
0x40: {  	_ =	shalt  }
0x41: {  	_ =	shalt  }
0x42: {  	_ =	shalt  }
0x43: {  	_ =	shalt  }
0x44: {  	_ =	shalt  }
0x45: {  	_ =	shalt  }
0x46: {  	_ =	shalt  }
0x47: {  	_ =	shalt  }
0x48: {  	_ =	shalt  }
0x49: {  	_ =	shalt  }
0x4a: {  	_ =	shalt  }
0x4b: {  	_ =	shalt  }
0x4c: {  	_ =	shalt  }
0x4d: {  	_ =	shalt  }
0x4e: {  	_ =	shalt  }
0x4f: {  	_ =	shalt  }
0x50: {  	_ =	shalt  }
0x51: {  	_ =	shalt  }
0x52: {  	_ =	shalt  }
0x53: {  	_ =	shalt  }
0x54: {  	_ =	shalt  }
0x55: {  	_ =	shalt  }
0x56: {  	_ =	shalt  }
0x57: {  	_ =	shalt  }
0x58: {  	_ =	shalt  }
0x59: {  	_ =	shalt  }
0x5a: {  	_ =	shalt  }
0x5b: {  	_ =	shalt  }
0x5c: {  	_ =	shalt  }
0x5d: {  	_ =	shalt  }
0x5e: {  	_ =	shalt  }
0x5f: {  	_ =	shalt  }
0x60: {  	_ =	shalt  }
0x61: {  	_ =	shalt  }
0x62: {  	_ =	shalt  }
0x63: {  	_ =	shalt  }
0x64: {  	_ =	shalt  }
0x65: {  	_ =	shalt  }
0x66: {  	_ =	shalt  }
0x67: {  	_ =	shalt  }
0x68: {  	_ =	shalt  }
0x69: {  	_ =	shalt  }
0x6a: {  	_ =	shalt  }
0x6b: {  	_ =	shalt  }
0x6c: {  	_ =	shalt  }
0x6d: {  	_ =	shalt  }
0x6e: {  	_ =	shalt  }
0x6f: {  	_ =	shalt  }
0x70: {  	_ =	shalt  }
0x71: {  	_ =	shalt  }
0x72: {  	_ =	shalt  }
0x73: {  	_ =	shalt  }
0x74: {  	_ =	shalt  }
0x75: {  	_ =	shalt  }
0x76: {  	_ =	shalt  }
0x77: {  	_ =	shalt  }
0x78: {  	_ =	shalt  }
0x79: {  	_ =	shalt  }
0x7a: {  	_ =	shalt  }
0x7b: {  	_ =	shalt  }
0x7c: {  	_ =	shalt  }
0x7d: {  	_ =	shalt  }
0x7e: {  	_ =	shalt  }
0x7f: {  	_ =	shalt  }
0x80: {  	_ =	shalt  }
0x81: {  	_ =	shalt  }
0x82: {  	_ =	shalt  }
0x83: {  	_ =	shalt  }
0x84: {  	_ =	shalt  }
0x85: {  	_ =	shalt  }
0x86: {  	_ =	shalt  }
0x87: {  	_ =	shalt  }
.Lfunc_end0:
.L_simem_size_0:
called_computation.5_lowered:
.L_overlay_start_0:
0x88: {  	s2 =	sld [smem:$0x3FD9]  }
0x89: {  	s3 =	sld [smem:$0x3FFE];
	_ =	sdelay $0x1  }
0x8a: {  	s1 =	srdreg.scid  }
0x8b: {  	s0 =	sand.u32 $0x1, s1  }
0x8c: {  	s14 =	sshll.u32 s0, $0xA;
	s2 =	sadd.s32 s3, s2  }
0x8d: {  	s2 =	sadd.s32 s2, s14  }
0x8e: {  	[smem:$0x3FB5] =	sst s2  }
0x8f: {  	_ = 	snop  }
0x90: {  	s2 =	sld [smem:$0x3FD0];
	_ =	sdelay $0x2  }
0x91: {  	s15 =	simm.s32 $0xA;
	s4 =	simm.s32 $0x10  }
0x92: {  	[smem:s4], [sflag:s15] =	dma.local [hbm:s2], $0x1  }
0x93: {  	_ =	swait.eq [sflag:s15], $0x1  }
0x94: {  	[sflag:s15] =	ssyncset.done $0x0  }
0x95: {  	[sflag:s15] =	ssyncadd.s32 $0xFFFFFFFF  }
0x96: {  	s16 =	sld [smem:$0x11];
	(tm) =	ssettm $0x1  }
0x97: {  	s17 =	sld [smem:$0x3FFB];
	_ =	sdelay $0x3  }
0x98: {  	_ =	strace s17  }
0x99: {  	s3 =	sld [smem:$0x3FFC];
	_ =	sdelay $0x3  }
0x9a: {  	_ =	strace s3  }
0x9b: {  	s3 =	sld [smem:$0x3FFD];
	_ =	sdelay $0x3  }
0x9c: {  	_ =	strace s3  }
0x9d: {  	_ =	strace $0x8FFFFFFF  }
0x9e: {  	s18 =	sld [smem:$0x3FDB];
	_ =	sdelay $0x1  }
0x9f: {  	s19 =	simm.s32 $_scs_section_size  }
0xa0: {  	s5 =	simm.s32 $_size__tile_overlayer_lowered;
	s6 =	simm.s32 $_tile_overlayer_lowered  }
0xa1: {  	s22 =	simm.s32 $0x1BFF;
	s21 =	sshll.u32 s6, $0x1;
	s3 =	sadd.s32 s19, s18  }
0xa2: {  	s7 =	simm.s32 $0x0;
	s20 =	sshll.u32 s5, $0x1;
	s5 =	sadd.s32 s21, s3  }
0xa3: {  	[timem:s7], [sflag:s22] =	dma.local [hbm:s5], s20  }
0xa4: {  	_ =	swait.ge [sflag:s22], s20  }
0xa5: {  	s4 =	ssub.s32 $0x0, s20;
	[sflag:s22] =	ssyncset.done $0x0  }
0xa6: {  	[sflag:s22] =	ssyncadd.s32 s4;
	_ =	sdelay $0x1  }
0xa7: {  	s23 =	simm.s32 $0x1B8B  }
0xa8: {  	_ =	swait.ge [sflag:s23], $0x1  }
0xa9: {  	[sflag:s23] =	ssyncset.done $0x0  }
0xaa: {  	s25 =	simm.s32 $0x1B8E;
	s24 =	sld [smem:$0x3FFE];
	[sflag:s23] =	ssyncadd.s32 $0xFFFFFFFF  }
0xab: {  	s26 =	simm.s32 $execute0_lowered;
	[smem:$0x3FD2] =	sst s25  }
0xac: {  	s5 =	sshll.u32 s26, $0x1;
	_ =	strace $0x80000055;
	[dreg:$0x1] =	wrdreg $0xFFFFFFFF  }
0xad: {  	s28 =	simm.s32 $_size_execute0_lowered;
	s3 =	sadd.s32 s3, s5;
	[dreg:$0x0] =	wrdreg $0x0  }
0xae: {  	s5 =	sshll.u32 s28, $0x1;
	[dreg:$0x2] =	wrdreg s3  }
0xaf: {  	[dreg:$0x3] =	wrdreg s5  }
0xb0: {  	[dreg:$0x4] =	wrdreg $0xC0  }
0xb1: {  	_ =	task [dreg:s7], $0x5FFFF  }
0xb2: {  	[dreg:$0x1] =	wrdreg $0xFFFFFFFF  }
0xb3: {  	[dreg:$0x0] =	wrdreg $0x60  }
0xb4: {  	[dreg:$0x2] =	wrdreg s24  }
0xb5: {  	[dreg:$0x3] =	wrdreg s16  }
0xb6: {  	[dreg:$0x4] =	wrdreg $0xA8000  }
0xb7: {  	[dreg:$0x5] =	wrdreg $0x9  }
0xb8: {  	_ =	task.clear_ibuf [dreg:s7], $0x6FFFF;
	_ =	strace $0x90000055  }
0xb9: {  	s29 =	simm.s32 $0x9;
	_ =	strace $0x80000057  }
0xba: {  	_ =	swait.ge [sflag:s29], $0x1  }
0xbb: {  	[sflag:s29] =	ssyncadd.s32 $0xFFFFFFFF  }
0xbc: {  	_ =	strace $0x90000057  }
0xbd: {  	_ =	sfence  }
0xbe: {  	s30 =	sld [smem:$0x0];
	_ =	sdelay $0x2  }
0xbf: {  	s31 =	sshll.u32 s1, $0xD;
	s1 =	sshrl.u32 s1, $0x2  }
0xc0: {  	s3 =	sand.u32 $0x4000, s31;
	s1 =	sadd.s32 s1, s30  }
0xc1: {  	s0 =	sor.u32 s3, s0;
	s1 =	sshll.u32 s1, $0x11  }
0xc2: {  	s0 =	sor.u32 s1, s0  }
0xc3: {  	s0 =	sadd.s32 $0x8F2B, s0  }
0xc4: {  	[sflag:s0] =	ssyncadd.remote.s32 $0x1  }
0xc5: {  	_ =	sfence.sel $0xFFFF  }
0xc6: {  	[dreg:$0x0] =	wrdreg $0xFFFFFFFF;
	(pc) =	sbr.abs _section_cstart, $3  }
0xc7: {  	[dreg:$0x1] =	wrdreg $0xFFFFFFFF  }
0xc8: {  	_ =	task.clear_ibuf [dreg:s7], $0x2FFFF;
	_ =	strace $0x9FFFFFFF  }
0xc9: {  	(tm) =	ssettm $0x7FFFFFFF  }
tec
execute0_lowered:
.L_overlay_start_1:
0x0: {  	(tag) =	ssettag $0x1  }
0x1: {  	s6 =	rddreg [dreg:$0x0]  }
0x2: {  	s9 =	rddreg [dreg:$0x1]  }
0x3: {  	s1 =	rddreg [dreg:$0x2]  }
0x4: {  	s0 =	rddreg [dreg:$0x3]  }
0x5: {  	s2 =	simm.s32 $0x0;
	s5 =	srdreg.scid;
	s3 =	stileid.u32  }
0x6: {  	s16 =	simm.s32 $0x80;
	s17 =	simm.s32 $0x2800;
	s18 =	simm.s32 $0x6800  }
0x7: {  	s19 =	simm.s32 $0x1;
	s20 =	simm.s32 $0x2;
	s21 =	simm.s32 $0x1380  }
0x8: {  	s22 =	simm.s32 $0x2700;
	[smem:$0x7FF] =	sst s2;
	s4 =	sadd.s32 $0x6000, s6  }
0x9: {  	s10 =	sadd.s32 $0xA2400, s6;
	s7 =	sand.u32 $0x1, s5;
	s8 =	smul.u32 $0x2800, s3  }
0xa: {  	s5 =	sadd.s32 $0xAC400, s6;
	s12 =	sshll.u32 s3, $0x1;
	s23 =	smul.u32 $0x50000, s3  }
0xb: {  	s11 =	smul.u32 $0x28000, s7;
	s13 =	ssub.s32 $0x2, s7;
	s7 =	sor.u32 s7, s12  }
0xc: {  	s26 =	sshll.u32 s3, $0x6;
	_ =	strace $0x80000056;
	s14 =	smul.u32 $0x2800, s7  }
0xd: {  	s24 =	sshrl.u32 s13, $0x1;
	s25 =	sshrl.u32 s23, $0x2;
	s28 =	smul.u32 $0x500, s7  }
0xe: {  	s23 =	simm.s32 $0x2780;
	s8 =	sadd.s32 s8, s11;
	s13 =	ssub.s32 s13, s24  }
0xf: {  	s30 =	sadd.s32 s25, s1;
	s24 =	simm.s32 $0x0;
	s15 =	sadd.s32 s8, s6  }
0x10: {  	s29 =	sshrl.u32 s14, $0x3;
	s6 =	sor.u32 $0x1C03, s26;
	s7 =	sadd.s32 s9, s28  }
0x11: {  	s8 =	sadd.s32 s10, s28;
	s12 =	smax.u32 s13, $0x1;
	s13 =	sshrl.u32 s30, $0x3  }
0x12: {  	s14 =	simm.s32 $0x3;
	s31 =	sadd.s32 $0x280, s29;
	s11 =	sadd.s32 $0xAEC00, s15  }
0x13: {  	s15 =	simm.s32 $0x1400;
	s9 =	sadd.s32 s9, s31;
	s10 =	sadd.s32 s10, s31  }
.LBB2_1:
0x14: {  	[spmem:s13], [sflag:s6] =	dma.local [hbm:s5], $0x2800  }
0x15: {  	_ =	swait.ge [sflag:s14], $0x2800  }
0x16: {  	[sflag:s14] =	ssyncset.done $0x0  }
0x17: {  	[sflag:s14] =	ssyncadd.s32 $0xFFFFD800  }
0x18: {  	[bflag:$0x0] =	sbarrier.arrive $0xFFFF  }
0x19: {  	[tilespmem:s2], [sflag:$0x3] =	stream.linear.gather [hbm4b:s7+s2], $0x1400, $0x38;
	[tilespmem:$0x1E800] =	vst v63  }
0x1a: {  	_ =	swait.ge [sflag:s14], $0x1400  }
0x1b: {  	[sflag:s14] =	ssyncset.done $0x0  }
0x1c: {  	[sflag:s14] =	ssyncadd.s32 $0xFFFFEC00  }
0x1d: {  	[tilespmem:s15], [sflag:$0x3] =	stream.linear.gather [hbm4b:s8+s2], $0x1400, $0x38;
	[tilespmem:$0x1E800] =	vst v63  }
0x1e: {  	_ =	swait.ge [sflag:s14], $0x1400  }
0x1f: {  	[sflag:s14] =	ssyncset.done $0x0  }
0x20: {  	[sflag:s14] =	ssyncadd.s32 $0xFFFFEC00  }
0x21: {  	[tilespmem:s17], [sflag:$0x1] =	stream.indirect.gather [hbm4b:s4+s16], $0x80, s2, s16, $0xb8;
	[tilespmem:$0x1E800] =	vst v63  }
0x22: {  	s25 =	simm.s32 $0x80  }
0x23: {  	[tilespmem:s18], [sflag:$0x2] =	stream.indirect.gather [hbm4b:s4+s16], $0x80, s25, s16, $0xb8;
	[tilespmem:$0x1E800] =	vst v63  }
0x24: {  	_ =	swait.ge [sflag:s19], $0x4000  }
0x25: {  	[sflag:s19] =	ssyncset.done $0x0  }
0x26: {  	s29 =	simm.s32 $0x1400;
	[sflag:s19] =	ssyncadd.s32 $0xFFFFC000  }
0x27: {  	[spmem:s1] =	stream.indirect.scatter.add.f32 [tilespmem:s17], [sflag:$0x3], $0x80, s29, s16, $0xb8;
	[tilespmem:$0x1E800] =	vst v63  }
0x28: {  	_ =	swait.ge [sflag:s14], $0x4000  }
0x29: {  	[sflag:s14] =	ssyncset.done $0x0  }
0x2a: {  	s30 =	simm.s32 $0x100;
	[sflag:s14] =	ssyncadd.s32 $0xFFFFC000  }
0x2b: {  	[tilespmem:s17], [sflag:$0x1] =	stream.indirect.gather [hbm4b:s4+s16], $0x80, s30, s16, $0xb8;
	[tilespmem:$0x1E800] =	vst v63  }
0x2c: {  	_ =	swait.ge [sflag:s20], $0x4000  }
0x2d: {  	[sflag:s20] =	ssyncset.done $0x0  }
0x2e: {  	s31 =	simm.s32 $0x1480;
	[sflag:s20] =	ssyncadd.s32 $0xFFFFC000  }
0x2f: {  	[spmem:s1] =	stream.indirect.scatter.add.f32 [tilespmem:s18], [sflag:$0x3], $0x80, s31, s16, $0xb8;
	[tilespmem:$0x1E800] =	vst v63  }
0x30: {  	_ =	swait.ge [sflag:s14], $0x4000  }
0x31: {  	s26 =	simm.s32 $0x800;
	s25 =	simm.s32 $0x100;
	[sflag:s14] =	ssyncset.done $0x0  }
.LBB2_2:
0x32: {  	s28 =	sadd.s32 $0x80, s25  }
0x33: {  	[sflag:s14] =	ssyncadd.s32 $0xFFFFC000;
	s29 =	smov.u32 s26;
	s30 =	sadd.s32 $0x400, s26  }
0x34: {  	[tilespmem:s18], [sflag:$0x2] =	stream.indirect.gather [hbm4b:s4+s16], $0x80, s28, s16, $0xb8;
	[tilespmem:$0x1E800] =	vst v63  }
0x35: {  	p0 =	sne.s32 s26, $0x4800;
	_ =	swait.ge [sflag:s19], $0x4000  }
0x36: {  	[sflag:s19] =	ssyncset.done $0x0  }
0x37: {  	s26 =	sadd.s32 $0x1400, s25;
	[sflag:s19] =	ssyncadd.s32 $0xFFFFC000  }
0x38: {  	[spmem:s1] =	stream.indirect.scatter.add.f32 [tilespmem:s17], [sflag:$0x3], $0x80, s26, s16, $0xb8;
	[tilespmem:$0x1E800] =	vst v63  }
0x39: {  	_ =	swait.ge [sflag:s14], $0x4000  }
0x3a: {  	[sflag:s14] =	ssyncset.done $0x0  }
0x3b: {  	s26 =	sadd.s32 $0x100, s25;
	[sflag:s14] =	ssyncadd.s32 $0xFFFFC000  }
0x3c: {  	[tilespmem:s17], [sflag:$0x1] =	stream.indirect.gather [hbm4b:s4+s16], $0x80, s26, s16, $0xb8;
	[tilespmem:$0x1E800] =	vst v63  }
0x3d: {  	_ =	swait.ge [sflag:s20], $0x4000  }
.Ltmp0:
0x3e: {  	[sflag:s20] =	ssyncset.done $0x0;
	(pc) =	sbr.rel @p0 .LBB2_2-.Ltmp0, $4  }
0x3f: {  	s25 =	sadd.s32 $0x1480, s25;
	[sflag:s20] =	ssyncadd.s32 $0xFFFFC000  }
0x40: {  	[spmem:s1] =	stream.indirect.scatter.add.f32 [tilespmem:s18], [sflag:$0x3], $0x80, s25, s16, $0xb8;
	[tilespmem:$0x1E800] =	vst v63  }
0x41: {  	_ =	swait.ge [sflag:s14], $0x4000  }
0x42: {  	s26 =	smov.u32 s30;
	s25 =	sshra.s32 s29, $0x2;
	[sflag:s14] =	ssyncset.done $0x0  }
0x43: {  	s26 =	sadd.s32 $0x80, s25;
	[sflag:s14] =	ssyncadd.s32 $0xFFFFC000  }
0x44: {  	[tilespmem:s18], [sflag:$0x2] =	stream.indirect.gather [hbm4b:s4+s16], $0x80, s26, s16, $0xb8;
	[tilespmem:$0x1E800] =	vst v63  }
0x45: {  	_ =	swait.ge [sflag:s19], $0x4000  }
0x46: {  	[sflag:s19] =	ssyncset.done $0x0  }
0x47: {  	s29 =	sadd.s32 $0x1400, s25;
	[sflag:s19] =	ssyncadd.s32 $0xFFFFC000  }
0x48: {  	[spmem:s1] =	stream.indirect.scatter.add.f32 [tilespmem:s17], [sflag:$0x3], $0x80, s29, s16, $0xb8;
	[tilespmem:$0x1E800] =	vst v63  }
0x49: {  	_ =	swait.ge [sflag:s14], $0x4000  }
0x4a: {  	[sflag:s14] =	ssyncset.done $0x0  }
0x4b: {  	s30 =	sadd.s32 $0x100, s25;
	[sflag:s14] =	ssyncadd.s32 $0xFFFFC000  }
0x4c: {  	[tilespmem:s17], [sflag:$0x1] =	stream.indirect.gather [hbm4b:s4+s16], $0x80, s30, s16, $0xb8;
	[tilespmem:$0x1E800] =	vst v63  }
0x4d: {  	_ =	swait.ge [sflag:s20], $0x4000  }
0x4e: {  	[sflag:s20] =	ssyncset.done $0x0  }
0x4f: {  	s31 =	sadd.s32 $0x1480, s25;
	[sflag:s20] =	ssyncadd.s32 $0xFFFFC000  }
0x50: {  	[spmem:s1] =	stream.indirect.scatter.add.f32 [tilespmem:s18], [sflag:$0x3], $0x80, s31, s16, $0xb8;
	[tilespmem:$0x1E800] =	vst v63  }
0x51: {  	_ =	swait.ge [sflag:s14], $0x4000  }
0x52: {  	[sflag:s14] =	ssyncset.done $0x0  }
0x53: {  	[sflag:s14] =	ssyncadd.s32 $0xFFFFC000  }
0x54: {  	[tilespmem:s18], [sflag:$0x2] =	stream.indirect.gather [hbm4b:s4+s16], $0x80, s21, s16, $0xb8;
	[tilespmem:$0x1E800] =	vst v63  }
0x55: {  	_ =	swait.ge [sflag:s19], $0x4000  }
0x56: {  	[sflag:s19] =	ssyncset.done $0x0  }
0x57: {  	[sflag:s19] =	ssyncadd.s32 $0xFFFFC000  }
0x58: {  	[spmem:s1] =	stream.indirect.scatter.add.f32 [tilespmem:s17], [sflag:$0x3], $0x80, s22, s16, $0xb8;
	[tilespmem:$0x1E800] =	vst v63  }
0x59: {  	_ =	swait.ge [sflag:s14], $0x4000  }
0x5a: {  	[sflag:s14] =	ssyncset.done $0x0  }
0x5b: {  	[sflag:s14] =	ssyncadd.s32 $0xFFFFC000  }
0x5c: {  	_ =	swait.ge [sflag:s20], $0x4000  }
0x5d: {  	[sflag:s20] =	ssyncset.done $0x0  }
0x5e: {  	[sflag:s20] =	ssyncadd.s32 $0xFFFFC000  }
0x5f: {  	[spmem:s1] =	stream.indirect.scatter.add.f32 [tilespmem:s18], [sflag:$0x3], $0x80, s23, s16, $0xb8;
	[tilespmem:$0x1E800] =	vst v63  }
0x60: {  	_ =	swait.ge [sflag:s14], $0x4000  }
0x61: {  	[sflag:s14] =	ssyncset.done $0x0  }
0x62: {  	s26 =	simm.s32 $0x0;
	[sflag:s14] =	ssyncadd.s32 $0xFFFFC000  }
0x63: {  	[tilespmem:s26], [sflag:$0x3] =	stream.linear.gather [hbm4b:s9+s26], $0x1400, $0x38;
	[tilespmem:$0x1E800] =	vst v63  }
0x64: {  	_ =	swait.ge [sflag:s14], $0x1400  }
0x65: {  	[sflag:s14] =	ssyncset.done $0x0  }
0x66: {  	[sflag:s14] =	ssyncadd.s32 $0xFFFFEC00  }
0x67: {  	[tilespmem:s15], [sflag:$0x3] =	stream.linear.gather [hbm4b:s10+s26], $0x1400, $0x38;
	[tilespmem:$0x1E800] =	vst v63  }
0x68: {  	_ =	swait.ge [sflag:s14], $0x1400  }
0x69: {  	[sflag:s14] =	ssyncset.done $0x0  }
0x6a: {  	[sflag:s14] =	ssyncadd.s32 $0xFFFFEC00  }
0x6b: {  	[tilespmem:s17], [sflag:$0x1] =	stream.indirect.gather [hbm4b:s4+s16], $0x80, s26, s16, $0xb8;
	[tilespmem:$0x1E800] =	vst v63  }
0x6c: {  	s28 =	simm.s32 $0x80  }
0x6d: {  	[tilespmem:s18], [sflag:$0x2] =	stream.indirect.gather [hbm4b:s4+s16], $0x80, s28, s16, $0xb8;
	[tilespmem:$0x1E800] =	vst v63  }
0x6e: {  	_ =	swait.ge [sflag:s19], $0x4000  }
0x6f: {  	[sflag:s19] =	ssyncset.done $0x0  }
0x70: {  	s29 =	simm.s32 $0x1400;
	[sflag:s19] =	ssyncadd.s32 $0xFFFFC000  }
0x71: {  	[spmem:s1] =	stream.indirect.scatter.add.f32 [tilespmem:s17], [sflag:$0x3], $0x80, s29, s16, $0xb8;
	[tilespmem:$0x1E800] =	vst v63  }
0x72: {  	_ =	swait.ge [sflag:s14], $0x4000  }
0x73: {  	[sflag:s14] =	ssyncset.done $0x0  }
0x74: {  	s30 =	simm.s32 $0x100;
	[sflag:s14] =	ssyncadd.s32 $0xFFFFC000  }
0x75: {  	[tilespmem:s17], [sflag:$0x1] =	stream.indirect.gather [hbm4b:s4+s16], $0x80, s30, s16, $0xb8;
	[tilespmem:$0x1E800] =	vst v63  }
0x76: {  	_ =	swait.ge [sflag:s20], $0x4000  }
0x77: {  	[sflag:s20] =	ssyncset.done $0x0  }
0x78: {  	s31 =	simm.s32 $0x1480;
	[sflag:s20] =	ssyncadd.s32 $0xFFFFC000  }
0x79: {  	[spmem:s1] =	stream.indirect.scatter.add.f32 [tilespmem:s18], [sflag:$0x3], $0x80, s31, s16, $0xb8;
	[tilespmem:$0x1E800] =	vst v63  }
0x7a: {  	_ =	swait.ge [sflag:s14], $0x4000  }
0x7b: {  	s25 =	simm.s32 $0x100;
	s26 =	simm.s32 $0x800;
	[sflag:s14] =	ssyncset.done $0x0  }
.LBB2_4:
0x7c: {  	s28 =	sadd.s32 $0x80, s25  }
0x7d: {  	[sflag:s14] =	ssyncadd.s32 $0xFFFFC000;
	s29 =	smov.u32 s26;
	s30 =	sadd.s32 $0x400, s26  }
0x7e: {  	[tilespmem:s18], [sflag:$0x2] =	stream.indirect.gather [hbm4b:s4+s16], $0x80, s28, s16, $0xb8;
	[tilespmem:$0x1E800] =	vst v63  }
0x7f: {  	p0 =	sne.s32 s26, $0x4800;
	_ =	swait.ge [sflag:s19], $0x4000  }
0x80: {  	[sflag:s19] =	ssyncset.done $0x0  }
0x81: {  	s26 =	sadd.s32 $0x1400, s25;
	[sflag:s19] =	ssyncadd.s32 $0xFFFFC000  }
0x82: {  	[spmem:s1] =	stream.indirect.scatter.add.f32 [tilespmem:s17], [sflag:$0x3], $0x80, s26, s16, $0xb8;
	[tilespmem:$0x1E800] =	vst v63  }
0x83: {  	_ =	swait.ge [sflag:s14], $0x4000  }
0x84: {  	[sflag:s14] =	ssyncset.done $0x0  }
0x85: {  	s26 =	sadd.s32 $0x100, s25;
	[sflag:s14] =	ssyncadd.s32 $0xFFFFC000  }
0x86: {  	[tilespmem:s17], [sflag:$0x1] =	stream.indirect.gather [hbm4b:s4+s16], $0x80, s26, s16, $0xb8;
	[tilespmem:$0x1E800] =	vst v63  }
0x87: {  	_ =	swait.ge [sflag:s20], $0x4000  }
.Ltmp1:
0x88: {  	[sflag:s20] =	ssyncset.done $0x0;
	(pc) =	sbr.rel @p0 .LBB2_4-.Ltmp1, $4  }
0x89: {  	s25 =	sadd.s32 $0x1480, s25;
	[sflag:s20] =	ssyncadd.s32 $0xFFFFC000  }
0x8a: {  	[spmem:s1] =	stream.indirect.scatter.add.f32 [tilespmem:s18], [sflag:$0x3], $0x80, s25, s16, $0xb8;
	[tilespmem:$0x1E800] =	vst v63  }
0x8b: {  	_ =	swait.ge [sflag:s14], $0x4000  }
0x8c: {  	s26 =	smov.u32 s30;
	s25 =	sshra.s32 s29, $0x2;
	[sflag:s14] =	ssyncset.done $0x0  }
0x8d: {  	s26 =	sadd.s32 $0x80, s25;
	[sflag:s14] =	ssyncadd.s32 $0xFFFFC000  }
0x8e: {  	[tilespmem:s18], [sflag:$0x2] =	stream.indirect.gather [hbm4b:s4+s16], $0x80, s26, s16, $0xb8;
	[tilespmem:$0x1E800] =	vst v63  }
0x8f: {  	_ =	swait.ge [sflag:s19], $0x4000  }
0x90: {  	[sflag:s19] =	ssyncset.done $0x0  }
0x91: {  	s29 =	sadd.s32 $0x1400, s25;
	[sflag:s19] =	ssyncadd.s32 $0xFFFFC000  }
0x92: {  	[spmem:s1] =	stream.indirect.scatter.add.f32 [tilespmem:s17], [sflag:$0x3], $0x80, s29, s16, $0xb8;
	[tilespmem:$0x1E800] =	vst v63  }
0x93: {  	_ =	swait.ge [sflag:s14], $0x4000  }
0x94: {  	[sflag:s14] =	ssyncset.done $0x0  }
0x95: {  	s30 =	sadd.s32 $0x100, s25;
	[sflag:s14] =	ssyncadd.s32 $0xFFFFC000  }
0x96: {  	[tilespmem:s17], [sflag:$0x1] =	stream.indirect.gather [hbm4b:s4+s16], $0x80, s30, s16, $0xb8;
	[tilespmem:$0x1E800] =	vst v63  }
0x97: {  	_ =	swait.ge [sflag:s20], $0x4000  }
0x98: {  	[sflag:s20] =	ssyncset.done $0x0  }
0x99: {  	s31 =	sadd.s32 $0x1480, s25;
	[sflag:s20] =	ssyncadd.s32 $0xFFFFC000  }
0x9a: {  	[spmem:s1] =	stream.indirect.scatter.add.f32 [tilespmem:s18], [sflag:$0x3], $0x80, s31, s16, $0xb8;
	[tilespmem:$0x1E800] =	vst v63  }
0x9b: {  	_ =	swait.ge [sflag:s14], $0x4000  }
0x9c: {  	[sflag:s14] =	ssyncset.done $0x0  }
0x9d: {  	[sflag:s14] =	ssyncadd.s32 $0xFFFFC000  }
0x9e: {  	[tilespmem:s18], [sflag:$0x2] =	stream.indirect.gather [hbm4b:s4+s16], $0x80, s21, s16, $0xb8;
	[tilespmem:$0x1E800] =	vst v63  }
0x9f: {  	_ =	swait.ge [sflag:s19], $0x4000  }
0xa0: {  	[sflag:s19] =	ssyncset.done $0x0  }
0xa1: {  	[sflag:s19] =	ssyncadd.s32 $0xFFFFC000  }
0xa2: {  	[spmem:s1] =	stream.indirect.scatter.add.f32 [tilespmem:s17], [sflag:$0x3], $0x80, s22, s16, $0xb8;
	[tilespmem:$0x1E800] =	vst v63  }
0xa3: {  	_ =	swait.ge [sflag:s14], $0x4000  }
0xa4: {  	[sflag:s14] =	ssyncset.done $0x0  }
0xa5: {  	[sflag:s14] =	ssyncadd.s32 $0xFFFFC000  }
0xa6: {  	_ =	swait.ge [sflag:s20], $0x4000  }
0xa7: {  	[sflag:s20] =	ssyncset.done $0x0  }
0xa8: {  	[sflag:s20] =	ssyncadd.s32 $0xFFFFC000  }
0xa9: {  	[spmem:s1] =	stream.indirect.scatter.add.f32 [tilespmem:s18], [sflag:$0x3], $0x80, s23, s16, $0xb8;
	[tilespmem:$0x1E800] =	vst v63  }
0xaa: {  	_ =	swait.ge [sflag:s14], $0x4000  }
0xab: {  	s24 =	sadd.s32 $0x1, s24;
	[sflag:s14] =	ssyncset.done $0x0  }
0xac: {  	p0 =	sne.s32 s24, s12;
	[sflag:s14] =	ssyncadd.s32 $0xFFFFC000  }
.Ltmp2:
0xad: {  	[bflag:$0x0] =	sbarrier.arrive $0xFFFF;
	(pc) =	sbr.rel @p0 .LBB2_1-.Ltmp2, $4  }
0xae: {  	[hbm:s11], [sflag:s6] =	dma.local [spmem:s13], $0x2800  }
0xaf: {  	_ =	swait.ge [sflag:s14], $0x2800  }
0xb0: {  	[sflag:s14] =	ssyncset.done $0x0  }
0xb1: {  	[sflag:s14] =	ssyncadd.s32 $0xFFFFD800  }
0xb2: {  	_ =	sfence.sel $0x180000  }
0xb3: {  	[bflag:$0x0] =	sbarrier.arrive $0xFFFF  }
0xb4: {  	p0 =	sne.s32 s3, $0x0;
	_ =	strace $0x90000056  }
0xb5: {  	s0 =	sadd.s32 @!p0 $0x100000, s0;
	[bflag:$0x2] =	sbarrier.arrive $0xFFFF  }
0xb6: {  	[sflag:s0] =	ssyncadd.tile.s32 @!p0 $0x1;
	_ =	shalt  }
.Lfunc_end2:
_tile_overlayer_lowered:
.L_overlay_start_2:
0xb7: {  	(tag) =	ssettag $0x2  }
0xb8: {  	s0 =	rddreg [dreg:$0x0];
	s2 =	stileid.u32  }
0xb9: {  	s1 =	rddreg [dreg:$0x1];
	p0 =	sne.s32 s2, $0x0  }
0xba: {  	s3 =	rddreg [dreg:$0x2];
	[bflag:$0x3] =	sbarrier.arrive $0xFFFF;
	s2 =	simm.s32 @!p0 $0x1C03  }
0xbb: {  	[timem:s3], [sflag:s2] =	dma.local @!p0 [hbm:s0], s1  }
0xbc: {  	s0 =	simm.s32 @!p0 $0x3  }
0xbd: {  	_ =	swait.ge @!p0 [sflag:s0], s1  }
0xbe: {  	s1 =	ssub.s32 @!p0 $0x0, s1;
	[sflag:s0] =	ssyncset.done @!p0 $0x0  }
0xbf: {  	[sflag:s0] =	ssyncadd.s32 @!p0 s1  }
0xc0: {  	[bflag:$0x3] =	sbarrier.arrive $0xFFFF  }
0xc1: {  	_ =	shalt  }

</sc_bundles>
